<compile_context>
chip_gen: v7x
topology: tpu7x:2x2x1
jax: 0.10.2.dev20260603
libtpu: 0.0.44.dev20260713+nightly
codegen_flags: <defaults>
</compile_context>

<pallas_src>
import functools

import jax
import jax.numpy as jnp
from jax import lax
from jax.experimental import pallas as pl
from jax.experimental.pallas import tpu as pltpu
from jax.experimental.pallas import tpu_sc as plsc

_D = 32
_W = 16
_RS = 17
_NW = 32
_TROWS = 1564
_OFF_BLACK = 768 * _RS
_OFF_SMALL = (1536 * _RS, 1540 * _RS, 1544 * _RS, 1552 * _RS, 1560 * _RS,
              1562 * _RS)
_DBW = 8

_SC_B = 4096
_TB = 1024
_K = 1568


def _sc_kernel(wpi_hbm, bpi_hbm, sm_hbm, table_hbm, out_hbm,
               table_v, wpi_v, bpi_v, sm_v, out_v):
    B = out_hbm.shape[0] // _D
    chunk = B // _NW
    wid = lax.axis_index("s") * 2 + lax.axis_index("c")
    it16 = jnp.arange(16, dtype=jnp.int32)

    pltpu.sync_copy(table_hbm, table_v)

    def do_group(g, carry):
        lanes = g * 16 + it16

        def gather_row(wordv, w0, accs):
            out = []
            for i in range(_DBW):
                word = plsc.load_gather(table_v, [wordv + (w0 + i)])
                lo, hi = plsc.unpack(plsc.bitcast(word, jnp.bfloat16),
                                     format=plsc.PackFormat.INTERLEAVED)
                out.append(accs[2 * i] + lo)
                out.append(accs[2 * i + 1] + hi)
            return tuple(out)

        def make_body(idx_ref, off, w0):
            def body(s, accs):
                idxv = idx_ref[s, pl.ds(g * 16, 16)]
                wordv = idxv * _RS + (s * (12 * _RS) + off)
                return gather_row(wordv, w0, accs)
            return body

        for w0 in range(0, _W, _DBW):
            accs = tuple(jnp.zeros((16,), jnp.float32)
                         for _ in range(2 * _DBW))
            accs = lax.fori_loop(0, 64, make_body(wpi_v, 0, w0), accs,
                                 unroll=4)
            accs = lax.fori_loop(0, 64, make_body(bpi_v, _OFF_BLACK, w0),
                                 accs, unroll=4)
            for s, off in enumerate(_OFF_SMALL):
                idxv = sm_v[s, pl.ds(g * 16, 16)]
                accs = gather_row(idxv * _RS + off, w0, accs)
            for i, acc in enumerate(accs):
                d = 2 * w0 + i
                plsc.store_scatter(out_v, [lanes * _D + d], acc)
        return carry

    base = wid * chunk
    pltpu.sync_copy(wpi_hbm.at[:, pl.ds(base, chunk)], wpi_v)
    pltpu.sync_copy(bpi_hbm.at[:, pl.ds(base, chunk)], bpi_v)
    pltpu.sync_copy(sm_hbm.at[:, pl.ds(base, chunk)], sm_v)
    lax.fori_loop(0, chunk // 16, do_group, 0)
    pltpu.sync_copy(out_v, out_hbm.at[pl.ds(base * _D, chunk * _D)])


def _tc_body(wpi_ref, bpi_ref, sm_ref, w_ref, out_ref):
    tb = wpi_ref.shape[0]
    wpi2 = jnp.concatenate([wpi_ref[...], wpi_ref[...]], axis=1)
    bpi2 = jnp.concatenate([bpi_ref[...], bpi_ref[...]], axis=1)
    hi = jax.lax.broadcasted_iota(jnp.int32, (tb, 128), 1) // 64
    pieces = []
    for pp in range(6):
        pieces.append((wpi2 == (2 * pp + hi)).astype(jnp.bfloat16))
    for pp in range(6):
        pieces.append((bpi2 == (2 * pp + hi)).astype(jnp.bfloat16))
    c = jax.lax.broadcasted_iota(jnp.int32, (tb, 32), 1)
    segbase = jnp.where(
        c < 4, 0, jnp.where(c < 8, 4, jnp.where(c < 16, 8, jnp.where(
            c < 24, 16, jnp.where(c < 26, 24, jnp.where(c < 28, 26, 100))))))
    pieces.append((sm_ref[...] == (c - segbase)).astype(jnp.bfloat16))
    masks = jnp.concatenate(pieces, axis=1)
    out_ref[...] = jnp.dot(masks, w_ref[...],
                           preferred_element_type=jnp.float32)


def kernel(white_piece_idx, black_piece_idx, white_castle_idx,
           black_castle_idx, white_ep_idx, black_ep_idx, white_fifty_idx,
           black_fifty_idx, W_white_piece, W_black_piece, W_white_castle,
           W_black_castle, W_white_ep, W_black_ep, W_white_fifty,
           W_black_fifty):
    B = white_piece_idx.shape[0]
    wpi = white_piece_idx.astype(jnp.int32)
    bpi = black_piece_idx.astype(jnp.int32)

    table = jnp.concatenate(
        [W_white_piece.reshape(768, _D), W_black_piece.reshape(768, _D),
         W_white_castle, W_black_castle, W_white_ep, W_black_ep,
         W_white_fifty, W_black_fifty], axis=0)
    tw = jax.lax.bitcast_convert_type(
        table.astype(jnp.bfloat16).reshape(_TROWS, _W, 2), jnp.int32)
    tw = jnp.pad(tw, ((0, 0), (0, _RS - _W))).reshape(-1)

    sm6 = jnp.stack(
        [white_castle_idx, black_castle_idx, white_ep_idx, black_ep_idx,
         white_fifty_idx, black_fifty_idx], axis=0).astype(jnp.int32)

    sc_chunk = _SC_B // _NW
    mesh = plsc.VectorSubcoreMesh(core_axis_name="c", subcore_axis_name="s")
    run_sc = functools.partial(
        pl.kernel, mesh=mesh,
        compiler_params=pltpu.CompilerParams(needs_layout_passes=False),
        out_type=jax.ShapeDtypeStruct((_SC_B * _D,), jnp.float32),
        scratch_types=[
            pltpu.VMEM((_TROWS * _RS,), jnp.int32),
            pltpu.VMEM((64, sc_chunk), jnp.int32),
            pltpu.VMEM((64, sc_chunk), jnp.int32),
            pltpu.VMEM((6, sc_chunk), jnp.int32),
            pltpu.VMEM((sc_chunk * _D,), jnp.float32),
        ],
    )(_sc_kernel)

    Ww = jnp.transpose(W_white_piece, (1, 0, 2)).reshape(768, _D)
    Wb = jnp.transpose(W_black_piece, (1, 0, 2)).reshape(768, _D)
    Wcat = jnp.concatenate(
        [Ww, Wb, W_white_castle, W_black_castle, W_white_ep, W_black_ep,
         W_white_fifty, W_black_fifty,
         jnp.zeros((4, _D), W_white_piece.dtype)],
        axis=0).astype(jnp.bfloat16)

    def rep(x, n):
        return jnp.broadcast_to(x[_SC_B:, None], (B - _SC_B, n))

    sm32 = jnp.concatenate(
        [rep(white_castle_idx, 4), rep(black_castle_idx, 4),
         rep(white_ep_idx, 8), rep(black_ep_idx, 8),
         rep(white_fifty_idx, 2), rep(black_fifty_idx, 2),
         rep(white_fifty_idx, 4)], axis=1).astype(jnp.int32)

    tc_out = pl.pallas_call(
        _tc_body,
        grid=((B - _SC_B) // _TB,),
        in_specs=[
            pl.BlockSpec((_TB, 64), lambda i: (i, 0)),
            pl.BlockSpec((_TB, 64), lambda i: (i, 0)),
            pl.BlockSpec((_TB, 32), lambda i: (i, 0)),
            pl.BlockSpec((_K, _D), lambda i: (0, 0)),
        ],
        out_specs=pl.BlockSpec((_TB, _D), lambda i: (i, 0)),
        out_shape=jax.ShapeDtypeStruct((B - _SC_B, _D), jnp.float32),
        compiler_params=pltpu.CompilerParams(
            dimension_semantics=("arbitrary",)),
    )(wpi[_SC_B:], bpi[_SC_B:], sm32, Wcat)

    sc_out = run_sc(wpi[:_SC_B].T, bpi[:_SC_B].T, sm6[:, :_SC_B], tw)
    return jnp.concatenate([sc_out.reshape(_SC_B, _D), tc_out], axis=0)

# --- scband reference (transcript-rebuilt; emitter-appended) ---
"""Pipeline reference for scband-bucket-embedding-11596411699433 (READ-ONLY COPY).

The authoritative reference and input builder live on the scoring server;
editing this copy changes nothing except your own understanding.
"""

import jax, jax.numpy as jnp
import numpy as np

B = 16384
D = 32

def setup_inputs(seed: int = 0) -> dict:
    key = jax.random.key(seed)
    ks = jax.random.split(key, 16)
    inp = {}
    inp["white_piece_idx"] = jax.random.randint(ks[0], (B, 64), 0, 12)
    inp["black_piece_idx"] = jax.random.randint(ks[1], (B, 64), 0, 12)
    inp["white_castle_idx"] = jax.random.randint(ks[2], (B,), 0, 4)
    inp["black_castle_idx"] = jax.random.randint(ks[3], (B,), 0, 4)
    inp["white_ep_idx"] = jax.random.randint(ks[4], (B,), 0, 8)
    inp["black_ep_idx"] = jax.random.randint(ks[5], (B,), 0, 8)
    inp["white_fifty_idx"] = jax.random.randint(ks[6], (B,), 0, 2)
    inp["black_fifty_idx"] = jax.random.randint(ks[7], (B,), 0, 2)
    # learned parameters (xavier-like init)
    inp["W_white_piece"] = jax.random.normal(ks[8], (64, 12, D), dtype=jnp.float32) * 0.05
    inp["W_black_piece"] = jax.random.normal(ks[9], (64, 12, D), dtype=jnp.float32) * 0.05
    inp["W_white_castle"] = jax.random.normal(ks[10], (4, D), dtype=jnp.float32) * 0.05
    inp["W_black_castle"] = jax.random.normal(ks[11], (4, D), dtype=jnp.float32) * 0.05
    inp["W_white_ep"] = jax.random.normal(ks[12], (8, D), dtype=jnp.float32) * 0.05
    inp["W_black_ep"] = jax.random.normal(ks[13], (8, D), dtype=jnp.float32) * 0.05
    inp["W_white_fifty"] = jax.random.normal(ks[14], (2, D), dtype=jnp.float32) * 0.05
    inp["W_black_fifty"] = jax.random.normal(ks[15], (2, D), dtype=jnp.float32) * 0.05
    return inp

def reference(white_piece_idx, black_piece_idx, white_castle_idx, black_castle_idx,
              white_ep_idx, black_ep_idx, white_fifty_idx, black_fifty_idx,
              W_white_piece, W_black_piece, W_white_castle, W_black_castle,
              W_white_ep, W_black_ep, W_white_fifty, W_black_fifty):
    # Per-square piece embedding lookup: table[square, piece_id] -> [B, 64, D], summed over squares.
    sq = jnp.arange(64)[None, :]  # [1, 64]
    w_pc = W_white_piece[sq, white_piece_idx].sum(axis=1)  # [B, D]
    b_pc = W_black_piece[sq, black_piece_idx].sum(axis=1)  # [B, D]
    out = (w_pc + b_pc
           + jnp.take(W_white_castle, white_castle_idx, axis=0)
           + jnp.take(W_black_castle, black_castle_idx, axis=0)
           + jnp.take(W_white_ep, white_ep_idx, axis=0)
           + jnp.take(W_black_ep, black_ep_idx, axis=0)
           + jnp.take(W_white_fifty, white_fifty_idx, axis=0)
           + jnp.take(W_black_fifty, black_fifty_idx, axis=0))
    return out

if __name__ == "__main__":
    import jax
    _d = setup_inputs()
    print(jax.jit(kernel)(*tuple(_d.values())))

</pallas_src>

<mosaic_0001>
#map = affine_map<(d0, d1) -> (0, 0)>
#map1 = affine_map<(d0, d1) -> (0)>
module attributes {stable_mosaic.version = 14 : i64} {
  func.func @_sc_kernel(%arg0: i32, %arg1: i32, %arg2: memref<64x4096xi32, #tpu.memory_space<hbm>>, %arg3: memref<64x4096xi32, #tpu.memory_space<hbm>>, %arg4: memref<6x4096xi32, #tpu.memory_space<hbm>>, %arg5: memref<26588xi32, #tpu.memory_space<hbm>>, %arg6: memref<131072xf32, #tpu.memory_space<hbm>>, %arg7: memref<26588xi32, #tpu.memory_space<vmem>>, %arg8: memref<64x128xi32, #tpu.memory_space<vmem>>, %arg9: memref<64x128xi32, #tpu.memory_space<vmem>>, %arg10: memref<6x128xi32, #tpu.memory_space<vmem>>, %arg11: memref<4096xf32, #tpu.memory_space<vmem>>) attributes {dimension_semantics = [#tpu.dimension_semantics<core_parallel>, #tpu.dimension_semantics<subcore_parallel>], iteration_bounds = array<i64: 2, 16>, scalar_prefetch = 0 : i64, scratch_operands = 5 : i64, tpu.core_type = #tpu.core_type<sc_vector_subcore>, window_params = [{transform_indices = #map}, {transform_indices = #map}, {transform_indices = #map}, {transform_indices = #map1}, {transform_indices = #map1}]} {
    %mul3A = arith.constant 2 : i32
    %mul3A_0 = arith.muli %arg1, %mul3A : i32
    %add3A = arith.addi %mul3A_0, %arg0 : i32
    %iota3A = tpu.iota {dimensions = array<i32: 0>} : vector<16xi32>
    "tpu.region"() ({
      %run_scoped3A = tpu.sem_alloc : memref<!tpu.dma_semaphore, #tpu.memory_space<semaphore_mem>>
      tpu.enqueue_dma source(%arg5 : memref<26588xi32, #tpu.memory_space<hbm>>) target(%arg7 : memref<26588xi32, #tpu.memory_space<vmem>>) target_semaphore(%run_scoped3A : memref<!tpu.dma_semaphore, #tpu.memory_space<semaphore_mem>>)
      tpu.wait_dma2 semaphore(%run_scoped3A : memref<!tpu.dma_semaphore, #tpu.memory_space<semaphore_mem>>) src(%arg5 : memref<26588xi32, #tpu.memory_space<hbm>>) dst(%arg7 : memref<26588xi32, #tpu.memory_space<vmem>>)
      tpu.yield
    }) : () -> ()
    %mul3A_1 = arith.constant 128 : i32
    %mul3A_2 = arith.muli %add3A, %mul3A_1 : i32
    "tpu.region"() ({
      %run_scoped3A = tpu.sem_alloc : memref<!tpu.dma_semaphore, #tpu.memory_space<semaphore_mem>>
      %dma_start3A = arith.constant 0 : i32
      %dma_start3A_10 = tpu.memref_slice %arg2[%dma_start3A, %mul3A_2] : memref<64x4096xi32, #tpu.memory_space<hbm>> -> memref<64x128xi32, #tpu.memory_space<hbm>>
      %dma_start3A_11 = arith.constant 0 : i32
      %dma_start3A_12 = tpu.memref_slice %arg2[%dma_start3A_11, %mul3A_2] : memref<64x4096xi32, #tpu.memory_space<hbm>> -> memref<64x128xi32, #tpu.memory_space<hbm>>
      tpu.enqueue_dma source(%dma_start3A_12 : memref<64x128xi32, #tpu.memory_space<hbm>>) target(%arg8 : memref<64x128xi32, #tpu.memory_space<vmem>>) target_semaphore(%run_scoped3A : memref<!tpu.dma_semaphore, #tpu.memory_space<semaphore_mem>>)
      %dma_wait3A = arith.constant 0 : i32
      %dma_wait3A_13 = tpu.memref_slice %arg2[%dma_wait3A, %mul3A_2] : memref<64x4096xi32, #tpu.memory_space<hbm>> -> memref<64x128xi32, #tpu.memory_space<hbm>>
      %dma_wait3A_14 = arith.constant 0 : i32
      %dma_wait3A_15 = tpu.memref_slice %arg2[%dma_wait3A_14, %mul3A_2] : memref<64x4096xi32, #tpu.memory_space<hbm>> -> memref<64x128xi32, #tpu.memory_space<hbm>>
      tpu.wait_dma2 semaphore(%run_scoped3A : memref<!tpu.dma_semaphore, #tpu.memory_space<semaphore_mem>>) src(%dma_wait3A_15 : memref<64x128xi32, #tpu.memory_space<hbm>>) dst(%arg8 : memref<64x128xi32, #tpu.memory_space<vmem>>)
      tpu.yield
    }) : () -> ()
    "tpu.region"() ({
      %run_scoped3A = tpu.sem_alloc : memref<!tpu.dma_semaphore, #tpu.memory_space<semaphore_mem>>
      %dma_start3A = arith.constant 0 : i32
      %dma_start3A_10 = tpu.memref_slice %arg3[%dma_start3A, %mul3A_2] : memref<64x4096xi32, #tpu.memory_space<hbm>> -> memref<64x128xi32, #tpu.memory_space<hbm>>
      %dma_start3A_11 = arith.constant 0 : i32
      %dma_start3A_12 = tpu.memref_slice %arg3[%dma_start3A_11, %mul3A_2] : memref<64x4096xi32, #tpu.memory_space<hbm>> -> memref<64x128xi32, #tpu.memory_space<hbm>>
      tpu.enqueue_dma source(%dma_start3A_12 : memref<64x128xi32, #tpu.memory_space<hbm>>) target(%arg9 : memref<64x128xi32, #tpu.memory_space<vmem>>) target_semaphore(%run_scoped3A : memref<!tpu.dma_semaphore, #tpu.memory_space<semaphore_mem>>)
      %dma_wait3A = arith.constant 0 : i32
      %dma_wait3A_13 = tpu.memref_slice %arg3[%dma_wait3A, %mul3A_2] : memref<64x4096xi32, #tpu.memory_space<hbm>> -> memref<64x128xi32, #tpu.memory_space<hbm>>
      %dma_wait3A_14 = arith.constant 0 : i32
      %dma_wait3A_15 = tpu.memref_slice %arg3[%dma_wait3A_14, %mul3A_2] : memref<64x4096xi32, #tpu.memory_space<hbm>> -> memref<64x128xi32, #tpu.memory_space<hbm>>
      tpu.wait_dma2 semaphore(%run_scoped3A : memref<!tpu.dma_semaphore, #tpu.memory_space<semaphore_mem>>) src(%dma_wait3A_15 : memref<64x128xi32, #tpu.memory_space<hbm>>) dst(%arg9 : memref<64x128xi32, #tpu.memory_space<vmem>>)
      tpu.yield
    }) : () -> ()
    "tpu.region"() ({
      %run_scoped3A = tpu.sem_alloc : memref<!tpu.dma_semaphore, #tpu.memory_space<semaphore_mem>>
      %dma_start3A = arith.constant 0 : i32
      %dma_start3A_10 = tpu.memref_slice %arg4[%dma_start3A, %mul3A_2] : memref<6x4096xi32, #tpu.memory_space<hbm>> -> memref<6x128xi32, #tpu.memory_space<hbm>>
      %dma_start3A_11 = arith.constant 0 : i32
      %dma_start3A_12 = tpu.memref_slice %arg4[%dma_start3A_11, %mul3A_2] : memref<6x4096xi32, #tpu.memory_space<hbm>> -> memref<6x128xi32, #tpu.memory_space<hbm>>
      tpu.enqueue_dma source(%dma_start3A_12 : memref<6x128xi32, #tpu.memory_space<hbm>>) target(%arg10 : memref<6x128xi32, #tpu.memory_space<vmem>>) target_semaphore(%run_scoped3A : memref<!tpu.dma_semaphore, #tpu.memory_space<semaphore_mem>>)
      %dma_wait3A = arith.constant 0 : i32
      %dma_wait3A_13 = tpu.memref_slice %arg4[%dma_wait3A, %mul3A_2] : memref<6x4096xi32, #tpu.memory_space<hbm>> -> memref<6x128xi32, #tpu.memory_space<hbm>>
      %dma_wait3A_14 = arith.constant 0 : i32
      %dma_wait3A_15 = tpu.memref_slice %arg4[%dma_wait3A_14, %mul3A_2] : memref<6x4096xi32, #tpu.memory_space<hbm>> -> memref<6x128xi32, #tpu.memory_space<hbm>>
      tpu.wait_dma2 semaphore(%run_scoped3A : memref<!tpu.dma_semaphore, #tpu.memory_space<semaphore_mem>>) src(%dma_wait3A_15 : memref<6x128xi32, #tpu.memory_space<hbm>>) dst(%arg10 : memref<6x128xi32, #tpu.memory_space<vmem>>)
      tpu.yield
    }) : () -> ()
    %scan3A = arith.constant 0 : i32
    %scan3A_3 = arith.constant 0 : i32
    %scan3A_4 = arith.constant 8 : i32
    %scan3A_5 = arith.addi %scan3A_3, %scan3A_4 : i32
    %scan3A_6 = arith.constant 1 : i32
    scf.for %scan3A_10 = %scan3A_3 to %scan3A_5 step %scan3A_6  : i32 {
      %mul3A_11 = arith.constant 16 : i32
      %mul3A_12 = arith.muli %scan3A_10, %mul3A_11 : i32
      %add3A_13 = vector.broadcast %mul3A_12 : i32 to vector<16xi32>
      %add3A_14 = arith.addi %add3A_13, %iota3A : vector<16xi32>
      %broadcast_in_dim3A = arith.constant 0.000000e+00 : f32
      %broadcast_in_dim3A_15 = vector.broadcast %broadcast_in_dim3A : f32 to vector<16xf32>
      %broadcast_in_dim3A_16 = arith.constant 0.000000e+00 : f32
      %broadcast_in_dim3A_17 = vector.broadcast %broadcast_in_dim3A_16 : f32 to vector<16xf32>
      %broadcast_in_dim3A_18 = arith.constant 0.000000e+00 : f32
      %broadcast_in_dim3A_19 = vector.broadcast %broadcast_in_dim3A_18 : f32 to vector<16xf32>
      %broadcast_in_dim3A_20 = arith.constant 0.000000e+00 : f32
      %broadcast_in_dim3A_21 = vector.broadcast %broadcast_in_dim3A_20 : f32 to vector<16xf32>
      %broadcast_in_dim3A_22 = arith.constant 0.000000e+00 : f32
      %broadcast_in_dim3A_23 = vector.broadcast %broadcast_in_dim3A_22 : f32 to vector<16xf32>
      %broadcast_in_dim3A_24 = arith.constant 0.000000e+00 : f32
      %broadcast_in_dim3A_25 = vector.broadcast %broadcast_in_dim3A_24 : f32 to vector<16xf32>
      %broadcast_in_dim3A_26 = arith.constant 0.000000e+00 : f32
      %broadcast_in_dim3A_27 = vector.broadcast %broadcast_in_dim3A_26 : f32 to vector<16xf32>
      %broadcast_in_dim3A_28 = arith.constant 0.000000e+00 : f32
      %broadcast_in_dim3A_29 = vector.broadcast %broadcast_in_dim3A_28 : f32 to vector<16xf32>
      %broadcast_in_dim3A_30 = arith.constant 0.000000e+00 : f32
      %broadcast_in_dim3A_31 = vector.broadcast %broadcast_in_dim3A_30 : f32 to vector<16xf32>
      %broadcast_in_dim3A_32 = arith.constant 0.000000e+00 : f32
      %broadcast_in_dim3A_33 = vector.broadcast %broadcast_in_dim3A_32 : f32 to vector<16xf32>
      %broadcast_in_dim3A_34 = arith.constant 0.000000e+00 : f32
      %broadcast_in_dim3A_35 = vector.broadcast %broadcast_in_dim3A_34 : f32 to vector<16xf32>
      %broadcast_in_dim3A_36 = arith.constant 0.000000e+00 : f32
      %broadcast_in_dim3A_37 = vector.broadcast %broadcast_in_dim3A_36 : f32 to vector<16xf32>
      %broadcast_in_dim3A_38 = arith.constant 0.000000e+00 : f32
      %broadcast_in_dim3A_39 = vector.broadcast %broadcast_in_dim3A_38 : f32 to vector<16xf32>
      %broadcast_in_dim3A_40 = arith.constant 0.000000e+00 : f32
      %broadcast_in_dim3A_41 = vector.broadcast %broadcast_in_dim3A_40 : f32 to vector<16xf32>
      %broadcast_in_dim3A_42 = arith.constant 0.000000e+00 : f32
      %broadcast_in_dim3A_43 = vector.broadcast %broadcast_in_dim3A_42 : f32 to vector<16xf32>
      %broadcast_in_dim3A_44 = arith.constant 0.000000e+00 : f32
      %broadcast_in_dim3A_45 = vector.broadcast %broadcast_in_dim3A_44 : f32 to vector<16xf32>
      %scan3A_46 = arith.constant 0 : i32
      %scan3A_47 = arith.constant 64 : i32
      %scan3A_48 = arith.addi %scan3A_46, %scan3A_47 : i32
      %scan3A_49 = arith.constant 4 : i32
      %scan3A_50:16 = scf.for %scan3A_1298 = %scan3A_46 to %scan3A_48 step %scan3A_49 iter_args(%scan3A_1299 = %broadcast_in_dim3A_15, %scan3A_1300 = %broadcast_in_dim3A_17, %scan3A_1301 = %broadcast_in_dim3A_19, %scan3A_1302 = %broadcast_in_dim3A_21, %scan3A_1303 = %broadcast_in_dim3A_23, %scan3A_1304 = %broadcast_in_dim3A_25, %scan3A_1305 = %broadcast_in_dim3A_27, %scan3A_1306 = %broadcast_in_dim3A_29, %scan3A_1307 = %broadcast_in_dim3A_31, %scan3A_1308 = %broadcast_in_dim3A_33, %scan3A_1309 = %broadcast_in_dim3A_35, %scan3A_1310 = %broadcast_in_dim3A_37, %scan3A_1311 = %broadcast_in_dim3A_39, %scan3A_1312 = %broadcast_in_dim3A_41, %scan3A_1313 = %broadcast_in_dim3A_43, %scan3A_1314 = %broadcast_in_dim3A_45) -> (vector<16xf32>, vector<16xf32>, vector<16xf32>, vector<16xf32>, vector<16xf32>, vector<16xf32>, vector<16xf32>, vector<16xf32>, vector<16xf32>, vector<16xf32>, vector<16xf32>, vector<16xf32>, vector<16xf32>, vector<16xf32>, vector<16xf32>, vector<16xf32>)  : i32 {
        %mul3A_1315 = arith.constant 16 : i32
        %mul3A_1316 = arith.muli %scan3A_10, %mul3A_1315 : i32
        %get3A_1317 = arith.index_cast %scan3A_1298 : i32 to index
        %get3A_1318 = arith.index_cast %mul3A_1316 : i32 to index
        %get3A_1319 = tpu.vector_load %arg8[%get3A_1317, %get3A_1318] {strides = array<i32>} : memref<64x128xi32, #tpu.memory_space<vmem>>, vector<16xi32>,
        %mul3A_1320 = arith.constant 17 : i32
        %mul3A_1321 = vector.broadcast %mul3A_1320 : i32 to vector<16xi32>
        %mul3A_1322 = arith.muli %get3A_1319, %mul3A_1321 : vector<16xi32>
        %mul3A_1323 = arith.constant 204 : i32
        %mul3A_1324 = arith.muli %scan3A_1298, %mul3A_1323 : i32
        %add3A_1325 = arith.constant 0 : i32
        %add3A_1326 = arith.addi %mul3A_1324, %add3A_1325 : i32
        %add3A_1327 = vector.broadcast %add3A_1326 : i32 to vector<16xi32>
        %add3A_1328 = arith.addi %mul3A_1322, %add3A_1327 : vector<16xi32>
        %add3A_1329 = arith.constant 0 : i32
        %add3A_1330 = vector.broadcast %add3A_1329 : i32 to vector<16xi32>
        %add3A_1331 = arith.addi %add3A_1328, %add3A_1330 : vector<16xi32>
        %gather3A_1332 = tpu.vector_load_idx %arg7[%add3A_1331] : memref<26588xi32, #tpu.memory_space<vmem>>[vector<16xi32>], vector<16xi32>,
        %bitcast3A_1333 = vector.bitcast %gather3A_1332 : vector<16xi32> to vector<32xbf16>
        %unpack3A_1334 = tpu.unpack_subelements %bitcast3A_1333, 0 {pack_format = #tpu.pack_format<interleaved>} : vector<32xbf16> -> vector<16xf32>
        %unpack3A_1335 = tpu.unpack_subelements %bitcast3A_1333, 1 {pack_format = #tpu.pack_format<interleaved>} : vector<32xbf16> -> vector<16xf32>
        %add3A_1336 = arith.addf %scan3A_1299, %unpack3A_1334 : vector<16xf32>
        %add3A_1337 = arith.addf %scan3A_1300, %unpack3A_1335 : vector<16xf32>
        %add3A_1338 = arith.constant 1 : i32
        %add3A_1339 = vector.broadcast %add3A_1338 : i32 to vector<16xi32>
        %add3A_1340 = arith.addi %add3A_1328, %add3A_1339 : vector<16xi32>
        %gather3A_1341 = tpu.vector_load_idx %arg7[%add3A_1340] : memref<26588xi32, #tpu.memory_space<vmem>>[vector<16xi32>], vector<16xi32>,
        %bitcast3A_1342 = vector.bitcast %gather3A_1341 : vector<16xi32> to vector<32xbf16>
        %unpack3A_1343 = tpu.unpack_subelements %bitcast3A_1342, 0 {pack_format = #tpu.pack_format<interleaved>} : vector<32xbf16> -> vector<16xf32>
        %unpack3A_1344 = tpu.unpack_subelements %bitcast3A_1342, 1 {pack_format = #tpu.pack_format<interleaved>} : vector<32xbf16> -> vector<16xf32>
        %add3A_1345 = arith.addf %scan3A_1301, %unpack3A_1343 : vector<16xf32>
        %add3A_1346 = arith.addf %scan3A_1302, %unpack3A_1344 : vector<16xf32>
        %add3A_1347 = arith.constant 2 : i32
        %add3A_1348 = vector.broadcast %add3A_1347 : i32 to vector<16xi32>
        %add3A_1349 = arith.addi %add3A_1328, %add3A_1348 : vector<16xi32>
        %gather3A_1350 = tpu.vector_load_idx %arg7[%add3A_1349] : memref<26588xi32, #tpu.memory_space<vmem>>[vector<16xi32>], vector<16xi32>,
        %bitcast3A_1351 = vector.bitcast %gather3A_1350 : vector<16xi32> to vector<32xbf16>
        %unpack3A_1352 = tpu.unpack_subelements %bitcast3A_1351, 0 {pack_format = #tpu.pack_format<interleaved>} : vector<32xbf16> -> vector<16xf32>
        %unpack3A_1353 = tpu.unpack_subelements %bitcast3A_1351, 1 {pack_format = #tpu.pack_format<interleaved>} : vector<32xbf16> -> vector<16xf32>
        %add3A_1354 = arith.addf %scan3A_1303, %unpack3A_1352 : vector<16xf32>
        %add3A_1355 = arith.addf %scan3A_1304, %unpack3A_1353 : vector<16xf32>
        %add3A_1356 = arith.constant 3 : i32
        %add3A_1357 = vector.broadcast %add3A_1356 : i32 to vector<16xi32>
        %add3A_1358 = arith.addi %add3A_1328, %add3A_1357 : vector<16xi32>
        %gather3A_1359 = tpu.vector_load_idx %arg7[%add3A_1358] : memref<26588xi32, #tpu.memory_space<vmem>>[vector<16xi32>], vector<16xi32>,
        %bitcast3A_1360 = vector.bitcast %gather3A_1359 : vector<16xi32> to vector<32xbf16>
        %unpack3A_1361 = tpu.unpack_subelements %bitcast3A_1360, 0 {pack_format = #tpu.pack_format<interleaved>} : vector<32xbf16> -> vector<16xf32>
        %unpack3A_1362 = tpu.unpack_subelements %bitcast3A_1360, 1 {pack_format = #tpu.pack_format<interleaved>} : vector<32xbf16> -> vector<16xf32>
        %add3A_1363 = arith.addf %scan3A_1305, %unpack3A_1361 : vector<16xf32>
        %add3A_1364 = arith.addf %scan3A_1306, %unpack3A_1362 : vector<16xf32>
        %add3A_1365 = arith.constant 4 : i32
        %add3A_1366 = vector.broadcast %add3A_1365 : i32 to vector<16xi32>
        %add3A_1367 = arith.addi %add3A_1328, %add3A_1366 : vector<16xi32>
        %gather3A_1368 = tpu.vector_load_idx %arg7[%add3A_1367] : memref<26588xi32, #tpu.memory_space<vmem>>[vector<16xi32>], vector<16xi32>,
        %bitcast3A_1369 = vector.bitcast %gather3A_1368 : vector<16xi32> to vector<32xbf16>
        %unpack3A_1370 = tpu.unpack_subelements %bitcast3A_1369, 0 {pack_format = #tpu.pack_format<interleaved>} : vector<32xbf16> -> vector<16xf32>
        %unpack3A_1371 = tpu.unpack_subelements %bitcast3A_1369, 1 {pack_format = #tpu.pack_format<interleaved>} : vector<32xbf16> -> vector<16xf32>
        %add3A_1372 = arith.addf %scan3A_1307, %unpack3A_1370 : vector<16xf32>
        %add3A_1373 = arith.addf %scan3A_1308, %unpack3A_1371 : vector<16xf32>
        %add3A_1374 = arith.constant 5 : i32
        %add3A_1375 = vector.broadcast %add3A_1374 : i32 to vector<16xi32>
        %add3A_1376 = arith.addi %add3A_1328, %add3A_1375 : vector<16xi32>
        %gather3A_1377 = tpu.vector_load_idx %arg7[%add3A_1376] : memref<26588xi32, #tpu.memory_space<vmem>>[vector<16xi32>], vector<16xi32>,
        %bitcast3A_1378 = vector.bitcast %gather3A_1377 : vector<16xi32> to vector<32xbf16>
        %unpack3A_1379 = tpu.unpack_subelements %bitcast3A_1378, 0 {pack_format = #tpu.pack_format<interleaved>} : vector<32xbf16> -> vector<16xf32>
        %unpack3A_1380 = tpu.unpack_subelements %bitcast3A_1378, 1 {pack_format = #tpu.pack_format<interleaved>} : vector<32xbf16> -> vector<16xf32>
        %add3A_1381 = arith.addf %scan3A_1309, %unpack3A_1379 : vector<16xf32>
        %add3A_1382 = arith.addf %scan3A_1310, %unpack3A_1380 : vector<16xf32>
        %add3A_1383 = arith.constant 6 : i32
        %add3A_1384 = vector.broadcast %add3A_1383 : i32 to vector<16xi32>
        %add3A_1385 = arith.addi %add3A_1328, %add3A_1384 : vector<16xi32>
        %gather3A_1386 = tpu.vector_load_idx %arg7[%add3A_1385] : memref<26588xi32, #tpu.memory_space<vmem>>[vector<16xi32>], vector<16xi32>,
        %bitcast3A_1387 = vector.bitcast %gather3A_1386 : vector<16xi32> to vector<32xbf16>
        %unpack3A_1388 = tpu.unpack_subelements %bitcast3A_1387, 0 {pack_format = #tpu.pack_format<interleaved>} : vector<32xbf16> -> vector<16xf32>
        %unpack3A_1389 = tpu.unpack_subelements %bitcast3A_1387, 1 {pack_format = #tpu.pack_format<interleaved>} : vector<32xbf16> -> vector<16xf32>
        %add3A_1390 = arith.addf %scan3A_1311, %unpack3A_1388 : vector<16xf32>
        %add3A_1391 = arith.addf %scan3A_1312, %unpack3A_1389 : vector<16xf32>
        %add3A_1392 = arith.constant 7 : i32
        %add3A_1393 = vector.broadcast %add3A_1392 : i32 to vector<16xi32>
        %add3A_1394 = arith.addi %add3A_1328, %add3A_1393 : vector<16xi32>
        %gather3A_1395 = tpu.vector_load_idx %arg7[%add3A_1394] : memref<26588xi32, #tpu.memory_space<vmem>>[vector<16xi32>], vector<16xi32>,
        %bitcast3A_1396 = vector.bitcast %gather3A_1395 : vector<16xi32> to vector<32xbf16>
        %unpack3A_1397 = tpu.unpack_subelements %bitcast3A_1396, 0 {pack_format = #tpu.pack_format<interleaved>} : vector<32xbf16> -> vector<16xf32>
        %unpack3A_1398 = tpu.unpack_subelements %bitcast3A_1396, 1 {pack_format = #tpu.pack_format<interleaved>} : vector<32xbf16> -> vector<16xf32>
        %add3A_1399 = arith.addf %scan3A_1313, %unpack3A_1397 : vector<16xf32>
        %add3A_1400 = arith.addf %scan3A_1314, %unpack3A_1398 : vector<16xf32>
        %scan3A_1401 = arith.constant 1 : i32
        %scan3A_1402 = arith.addi %scan3A_1298, %scan3A_1401 : i32
        %mul3A_1403 = arith.constant 16 : i32
        %mul3A_1404 = arith.muli %scan3A_10, %mul3A_1403 : i32
        %get3A_1405 = arith.index_cast %scan3A_1402 : i32 to index
        %get3A_1406 = arith.index_cast %mul3A_1404 : i32 to index
        %get3A_1407 = tpu.vector_load %arg8[%get3A_1405, %get3A_1406] {strides = array<i32>} : memref<64x128xi32, #tpu.memory_space<vmem>>, vector<16xi32>,
        %mul3A_1408 = arith.constant 17 : i32
        %mul3A_1409 = vector.broadcast %mul3A_1408 : i32 to vector<16xi32>
        %mul3A_1410 = arith.muli %get3A_1407, %mul3A_1409 : vector<16xi32>
        %mul3A_1411 = arith.constant 204 : i32
        %mul3A_1412 = arith.muli %scan3A_1402, %mul3A_1411 : i32
        %add3A_1413 = arith.constant 0 : i32
        %add3A_1414 = arith.addi %mul3A_1412, %add3A_1413 : i32
        %add3A_1415 = vector.broadcast %add3A_1414 : i32 to vector<16xi32>
        %add3A_1416 = arith.addi %mul3A_1410, %add3A_1415 : vector<16xi32>
        %add3A_1417 = arith.constant 0 : i32
        %add3A_1418 = vector.broadcast %add3A_1417 : i32 to vector<16xi32>
        %add3A_1419 = arith.addi %add3A_1416, %add3A_1418 : vector<16xi32>
        %gather3A_1420 = tpu.vector_load_idx %arg7[%add3A_1419] : memref<26588xi32, #tpu.memory_space<vmem>>[vector<16xi32>], vector<16xi32>,
        %bitcast3A_1421 = vector.bitcast %gather3A_1420 : vector<16xi32> to vector<32xbf16>
        %unpack3A_1422 = tpu.unpack_subelements %bitcast3A_1421, 0 {pack_format = #tpu.pack_format<interleaved>} : vector<32xbf16> -> vector<16xf32>
        %unpack3A_1423 = tpu.unpack_subelements %bitcast3A_1421, 1 {pack_format = #tpu.pack_format<interleaved>} : vector<32xbf16> -> vector<16xf32>
        %add3A_1424 = arith.addf %add3A_1336, %unpack3A_1422 : vector<16xf32>
        %add3A_1425 = arith.addf %add3A_1337, %unpack3A_1423 : vector<16xf32>
        %add3A_1426 = arith.constant 1 : i32
        %add3A_1427 = vector.broadcast %add3A_1426 : i32 to vector<16xi32>
        %add3A_1428 = arith.addi %add3A_1416, %add3A_1427 : vector<16xi32>
        %gather3A_1429 = tpu.vector_load_idx %arg7[%add3A_1428] : memref<26588xi32, #tpu.memory_space<vmem>>[vector<16xi32>], vector<16xi32>,
        %bitcast3A_1430 = vector.bitcast %gather3A_1429 : vector<16xi32> to vector<32xbf16>
        %unpack3A_1431 = tpu.unpack_subelements %bitcast3A_1430, 0 {pack_format = #tpu.pack_format<interleaved>} : vector<32xbf16> -> vector<16xf32>
        %unpack3A_1432 = tpu.unpack_subelements %bitcast3A_1430, 1 {pack_format = #tpu.pack_format<interleaved>} : vector<32xbf16> -> vector<16xf32>
        %add3A_1433 = arith.addf %add3A_1345, %unpack3A_1431 : vector<16xf32>
        %add3A_1434 = arith.addf %add3A_1346, %unpack3A_1432 : vector<16xf32>
        %add3A_1435 = arith.constant 2 : i32
        %add3A_1436 = vector.broadcast %add3A_1435 : i32 to vector<16xi32>
        %add3A_1437 = arith.addi %add3A_1416, %add3A_1436 : vector<16xi32>
        %gather3A_1438 = tpu.vector_load_idx %arg7[%add3A_1437] : memref<26588xi32, #tpu.memory_space<vmem>>[vector<16xi32>], vector<16xi32>,
        %bitcast3A_1439 = vector.bitcast %gather3A_1438 : vector<16xi32> to vector<32xbf16>
        %unpack3A_1440 = tpu.unpack_subelements %bitcast3A_1439, 0 {pack_format = #tpu.pack_format<interleaved>} : vector<32xbf16> -> vector<16xf32>
        %unpack3A_1441 = tpu.unpack_subelements %bitcast3A_1439, 1 {pack_format = #tpu.pack_format<interleaved>} : vector<32xbf16> -> vector<16xf32>
        %add3A_1442 = arith.addf %add3A_1354, %unpack3A_1440 : vector<16xf32>
        %add3A_1443 = arith.addf %add3A_1355, %unpack3A_1441 : vector<16xf32>
        %add3A_1444 = arith.constant 3 : i32
        %add3A_1445 = vector.broadcast %add3A_1444 : i32 to vector<16xi32>
        %add3A_1446 = arith.addi %add3A_1416, %add3A_1445 : vector<16xi32>
        %gather3A_1447 = tpu.vector_load_idx %arg7[%add3A_1446] : memref<26588xi32, #tpu.memory_space<vmem>>[vector<16xi32>], vector<16xi32>,
        %bitcast3A_1448 = vector.bitcast %gather3A_1447 : vector<16xi32> to vector<32xbf16>
        %unpack3A_1449 = tpu.unpack_subelements %bitcast3A_1448, 0 {pack_format = #tpu.pack_format<interleaved>} : vector<32xbf16> -> vector<16xf32>
        %unpack3A_1450 = tpu.unpack_subelements %bitcast3A_1448, 1 {pack_format = #tpu.pack_format<interleaved>} : vector<32xbf16> -> vector<16xf32>
        %add3A_1451 = arith.addf %add3A_1363, %unpack3A_1449 : vector<16xf32>
        %add3A_1452 = arith.addf %add3A_1364, %unpack3A_1450 : vector<16xf32>
        %add3A_1453 = arith.constant 4 : i32
        %add3A_1454 = vector.broadcast %add3A_1453 : i32 to vector<16xi32>
        %add3A_1455 = arith.addi %add3A_1416, %add3A_1454 : vector<16xi32>
        %gather3A_1456 = tpu.vector_load_idx %arg7[%add3A_1455] : memref<26588xi32, #tpu.memory_space<vmem>>[vector<16xi32>], vector<16xi32>,
        %bitcast3A_1457 = vector.bitcast %gather3A_1456 : vector<16xi32> to vector<32xbf16>
        %unpack3A_1458 = tpu.unpack_subelements %bitcast3A_1457, 0 {pack_format = #tpu.pack_format<interleaved>} : vector<32xbf16> -> vector<16xf32>
        %unpack3A_1459 = tpu.unpack_subelements %bitcast3A_1457, 1 {pack_format = #tpu.pack_format<interleaved>} : vector<32xbf16> -> vector<16xf32>
        %add3A_1460 = arith.addf %add3A_1372, %unpack3A_1458 : vector<16xf32>
        %add3A_1461 = arith.addf %add3A_1373, %unpack3A_1459 : vector<16xf32>
        %add3A_1462 = arith.constant 5 : i32
        %add3A_1463 = vector.broadcast %add3A_1462 : i32 to vector<16xi32>
        %add3A_1464 = arith.addi %add3A_1416, %add3A_1463 : vector<16xi32>
        %gather3A_1465 = tpu.vector_load_idx %arg7[%add3A_1464] : memref<26588xi32, #tpu.memory_space<vmem>>[vector<16xi32>], vector<16xi32>,
        %bitcast3A_1466 = vector.bitcast %gather3A_1465 : vector<16xi32> to vector<32xbf16>
        %unpack3A_1467 = tpu.unpack_subelements %bitcast3A_1466, 0 {pack_format = #tpu.pack_format<interleaved>} : vector<32xbf16> -> vector<16xf32>
        %unpack3A_1468 = tpu.unpack_subelements %bitcast3A_1466, 1 {pack_format = #tpu.pack_format<interleaved>} : vector<32xbf16> -> vector<16xf32>
        %add3A_1469 = arith.addf %add3A_1381, %unpack3A_1467 : vector<16xf32>
        %add3A_1470 = arith.addf %add3A_1382, %unpack3A_1468 : vector<16xf32>
        %add3A_1471 = arith.constant 6 : i32
        %add3A_1472 = vector.broadcast %add3A_1471 : i32 to vector<16xi32>
        %add3A_1473 = arith.addi %add3A_1416, %add3A_1472 : vector<16xi32>
        %gather3A_1474 = tpu.vector_load_idx %arg7[%add3A_1473] : memref<26588xi32, #tpu.memory_space<vmem>>[vector<16xi32>], vector<16xi32>,
        %bitcast3A_1475 = vector.bitcast %gather3A_1474 : vector<16xi32> to vector<32xbf16>
        %unpack3A_1476 = tpu.unpack_subelements %bitcast3A_1475, 0 {pack_format = #tpu.pack_format<interleaved>} : vector<32xbf16> -> vector<16xf32>
        %unpack3A_1477 = tpu.unpack_subelements %bitcast3A_1475, 1 {pack_format = #tpu.pack_format<interleaved>} : vector<32xbf16> -> vector<16xf32>
        %add3A_1478 = arith.addf %add3A_1390, %unpack3A_1476 : vector<16xf32>
        %add3A_1479 = arith.addf %add3A_1391, %unpack3A_1477 : vector<16xf32>
        %add3A_1480 = arith.constant 7 : i32
        %add3A_1481 = vector.broadcast %add3A_1480 : i32 to vector<16xi32>
        %add3A_1482 = arith.addi %add3A_1416, %add3A_1481 : vector<16xi32>
        %gather3A_1483 = tpu.vector_load_idx %arg7[%add3A_1482] : memref<26588xi32, #tpu.memory_space<vmem>>[vector<16xi32>], vector<16xi32>,
        %bitcast3A_1484 = vector.bitcast %gather3A_1483 : vector<16xi32> to vector<32xbf16>
        %unpack3A_1485 = tpu.unpack_subelements %bitcast3A_1484, 0 {pack_format = #tpu.pack_format<interleaved>} : vector<32xbf16> -> vector<16xf32>
        %unpack3A_1486 = tpu.unpack_subelements %bitcast3A_1484, 1 {pack_format = #tpu.pack_format<interleaved>} : vector<32xbf16> -> vector<16xf32>
        %add3A_1487 = arith.addf %add3A_1399, %unpack3A_1485 : vector<16xf32>
        %add3A_1488 = arith.addf %add3A_1400, %unpack3A_1486 : vector<16xf32>
        %scan3A_1489 = arith.constant 2 : i32
        %scan3A_1490 = arith.addi %scan3A_1298, %scan3A_1489 : i32
        %mul3A_1491 = arith.constant 16 : i32
        %mul3A_1492 = arith.muli %scan3A_10, %mul3A_1491 : i32
        %get3A_1493 = arith.index_cast %scan3A_1490 : i32 to index
        %get3A_1494 = arith.index_cast %mul3A_1492 : i32 to index
        %get3A_1495 = tpu.vector_load %arg8[%get3A_1493, %get3A_1494] {strides = array<i32>} : memref<64x128xi32, #tpu.memory_space<vmem>>, vector<16xi32>,
        %mul3A_1496 = arith.constant 17 : i32
        %mul3A_1497 = vector.broadcast %mul3A_1496 : i32 to vector<16xi32>
        %mul3A_1498 = arith.muli %get3A_1495, %mul3A_1497 : vector<16xi32>
        %mul3A_1499 = arith.constant 204 : i32
        %mul3A_1500 = arith.muli %scan3A_1490, %mul3A_1499 : i32
        %add3A_1501 = arith.constant 0 : i32
        %add3A_1502 = arith.addi %mul3A_1500, %add3A_1501 : i32
        %add3A_1503 = vector.broadcast %add3A_1502 : i32 to vector<16xi32>
        %add3A_1504 = arith.addi %mul3A_1498, %add3A_1503 : vector<16xi32>
        %add3A_1505 = arith.constant 0 : i32
        %add3A_1506 = vector.broadcast %add3A_1505 : i32 to vector<16xi32>
        %add3A_1507 = arith.addi %add3A_1504, %add3A_1506 : vector<16xi32>
        %gather3A_1508 = tpu.vector_load_idx %arg7[%add3A_1507] : memref<26588xi32, #tpu.memory_space<vmem>>[vector<16xi32>], vector<16xi32>,
        %bitcast3A_1509 = vector.bitcast %gather3A_1508 : vector<16xi32> to vector<32xbf16>
        %unpack3A_1510 = tpu.unpack_subelements %bitcast3A_1509, 0 {pack_format = #tpu.pack_format<interleaved>} : vector<32xbf16> -> vector<16xf32>
        %unpack3A_1511 = tpu.unpack_subelements %bitcast3A_1509, 1 {pack_format = #tpu.pack_format<interleaved>} : vector<32xbf16> -> vector<16xf32>
        %add3A_1512 = arith.addf %add3A_1424, %unpack3A_1510 : vector<16xf32>
        %add3A_1513 = arith.addf %add3A_1425, %unpack3A_1511 : vector<16xf32>
        %add3A_1514 = arith.constant 1 : i32
        %add3A_1515 = vector.broadcast %add3A_1514 : i32 to vector<16xi32>
        %add3A_1516 = arith.addi %add3A_1504, %add3A_1515 : vector<16xi32>
        %gather3A_1517 = tpu.vector_load_idx %arg7[%add3A_1516] : memref<26588xi32, #tpu.memory_space<vmem>>[vector<16xi32>], vector<16xi32>,
        %bitcast3A_1518 = vector.bitcast %gather3A_1517 : vector<16xi32> to vector<32xbf16>
        %unpack3A_1519 = tpu.unpack_subelements %bitcast3A_1518, 0 {pack_format = #tpu.pack_format<interleaved>} : vector<32xbf16> -> vector<16xf32>
        %unpack3A_1520 = tpu.unpack_subelements %bitcast3A_1518, 1 {pack_format = #tpu.pack_format<interleaved>} : vector<32xbf16> -> vector<16xf32>
        %add3A_1521 = arith.addf %add3A_1433, %unpack3A_1519 : vector<16xf32>
        %add3A_1522 = arith.addf %add3A_1434, %unpack3A_1520 : vector<16xf32>
        %add3A_1523 = arith.constant 2 : i32
        %add3A_1524 = vector.broadcast %add3A_1523 : i32 to vector<16xi32>
        %add3A_1525 = arith.addi %add3A_1504, %add3A_1524 : vector<16xi32>
        %gather3A_1526 = tpu.vector_load_idx %arg7[%add3A_1525] : memref<26588xi32, #tpu.memory_space<vmem>>[vector<16xi32>], vector<16xi32>,
        %bitcast3A_1527 = vector.bitcast %gather3A_1526 : vector<16xi32> to vector<32xbf16>
        %unpack3A_1528 = tpu.unpack_subelements %bitcast3A_1527, 0 {pack_format = #tpu.pack_format<interleaved>} : vector<32xbf16> -> vector<16xf32>
        %unpack3A_1529 = tpu.unpack_subelements %bitcast3A_1527, 1 {pack_format = #tpu.pack_format<interleaved>} : vector<32xbf16> -> vector<16xf32>
        %add3A_1530 = arith.addf %add3A_1442, %unpack3A_1528 : vector<16xf32>
        %add3A_1531 = arith.addf %add3A_1443, %unpack3A_1529 : vector<16xf32>
        %add3A_1532 = arith.constant 3 : i32
        %add3A_1533 = vector.broadcast %add3A_1532 : i32 to vector<16xi32>
        %add3A_1534 = arith.addi %add3A_1504, %add3A_1533 : vector<16xi32>
        %gather3A_1535 = tpu.vector_load_idx %arg7[%add3A_1534] : memref<26588xi32, #tpu.memory_space<vmem>>[vector<16xi32>], vector<16xi32>,
        %bitcast3A_1536 = vector.bitcast %gather3A_1535 : vector<16xi32> to vector<32xbf16>
        %unpack3A_1537 = tpu.unpack_subelements %bitcast3A_1536, 0 {pack_format = #tpu.pack_format<interleaved>} : vector<32xbf16> -> vector<16xf32>
        %unpack3A_1538 = tpu.unpack_subelements %bitcast3A_1536, 1 {pack_format = #tpu.pack_format<interleaved>} : vector<32xbf16> -> vector<16xf32>
        %add3A_1539 = arith.addf %add3A_1451, %unpack3A_1537 : vector<16xf32>
        %add3A_1540 = arith.addf %add3A_1452, %unpack3A_1538 : vector<16xf32>
        %add3A_1541 = arith.constant 4 : i32
        %add3A_1542 = vector.broadcast %add3A_1541 : i32 to vector<16xi32>
        %add3A_1543 = arith.addi %add3A_1504, %add3A_1542 : vector<16xi32>
        %gather3A_1544 = tpu.vector_load_idx %arg7[%add3A_1543] : memref<26588xi32, #tpu.memory_space<vmem>>[vector<16xi32>], vector<16xi32>,
        %bitcast3A_1545 = vector.bitcast %gather3A_1544 : vector<16xi32> to vector<32xbf16>
        %unpack3A_1546 = tpu.unpack_subelements %bitcast3A_1545, 0 {pack_format = #tpu.pack_format<interleaved>} : vector<32xbf16> -> vector<16xf32>
        %unpack3A_1547 = tpu.unpack_subelements %bitcast3A_1545, 1 {pack_format = #tpu.pack_format<interleaved>} : vector<32xbf16> -> vector<16xf32>
        %add3A_1548 = arith.addf %add3A_1460, %unpack3A_1546 : vector<16xf32>
        %add3A_1549 = arith.addf %add3A_1461, %unpack3A_1547 : vector<16xf32>
        %add3A_1550 = arith.constant 5 : i32
        %add3A_1551 = vector.broadcast %add3A_1550 : i32 to vector<16xi32>
        %add3A_1552 = arith.addi %add3A_1504, %add3A_1551 : vector<16xi32>
        %gather3A_1553 = tpu.vector_load_idx %arg7[%add3A_1552] : memref<26588xi32, #tpu.memory_space<vmem>>[vector<16xi32>], vector<16xi32>,
        %bitcast3A_1554 = vector.bitcast %gather3A_1553 : vector<16xi32> to vector<32xbf16>
        %unpack3A_1555 = tpu.unpack_subelements %bitcast3A_1554, 0 {pack_format = #tpu.pack_format<interleaved>} : vector<32xbf16> -> vector<16xf32>
        %unpack3A_1556 = tpu.unpack_subelements %bitcast3A_1554, 1 {pack_format = #tpu.pack_format<interleaved>} : vector<32xbf16> -> vector<16xf32>
        %add3A_1557 = arith.addf %add3A_1469, %unpack3A_1555 : vector<16xf32>
        %add3A_1558 = arith.addf %add3A_1470, %unpack3A_1556 : vector<16xf32>
        %add3A_1559 = arith.constant 6 : i32
        %add3A_1560 = vector.broadcast %add3A_1559 : i32 to vector<16xi32>
        %add3A_1561 = arith.addi %add3A_1504, %add3A_1560 : vector<16xi32>
        %gather3A_1562 = tpu.vector_load_idx %arg7[%add3A_1561] : memref<26588xi32, #tpu.memory_space<vmem>>[vector<16xi32>], vector<16xi32>,
        %bitcast3A_1563 = vector.bitcast %gather3A_1562 : vector<16xi32> to vector<32xbf16>
        %unpack3A_1564 = tpu.unpack_subelements %bitcast3A_1563, 0 {pack_format = #tpu.pack_format<interleaved>} : vector<32xbf16> -> vector<16xf32>
        %unpack3A_1565 = tpu.unpack_subelements %bitcast3A_1563, 1 {pack_format = #tpu.pack_format<interleaved>} : vector<32xbf16> -> vector<16xf32>
        %add3A_1566 = arith.addf %add3A_1478, %unpack3A_1564 : vector<16xf32>
        %add3A_1567 = arith.addf %add3A_1479, %unpack3A_1565 : vector<16xf32>
        %add3A_1568 = arith.constant 7 : i32
        %add3A_1569 = vector.broadcast %add3A_1568 : i32 to vector<16xi32>
        %add3A_1570 = arith.addi %add3A_1504, %add3A_1569 : vector<16xi32>
        %gather3A_1571 = tpu.vector_load_idx %arg7[%add3A_1570] : memref<26588xi32, #tpu.memory_space<vmem>>[vector<16xi32>], vector<16xi32>,
        %bitcast3A_1572 = vector.bitcast %gather3A_1571 : vector<16xi32> to vector<32xbf16>
        %unpack3A_1573 = tpu.unpack_subelements %bitcast3A_1572, 0 {pack_format = #tpu.pack_format<interleaved>} : vector<32xbf16> -> vector<16xf32>
        %unpack3A_1574 = tpu.unpack_subelements %bitcast3A_1572, 1 {pack_format = #tpu.pack_format<interleaved>} : vector<32xbf16> -> vector<16xf32>
        %add3A_1575 = arith.addf %add3A_1487, %unpack3A_1573 : vector<16xf32>
        %add3A_1576 = arith.addf %add3A_1488, %unpack3A_1574 : vector<16xf32>
        %scan3A_1577 = arith.constant 3 : i32
        %scan3A_1578 = arith.addi %scan3A_1298, %scan3A_1577 : i32
        %mul3A_1579 = arith.constant 16 : i32
        %mul3A_1580 = arith.muli %scan3A_10, %mul3A_1579 : i32
        %get3A_1581 = arith.index_cast %scan3A_1578 : i32 to index
        %get3A_1582 = arith.index_cast %mul3A_1580 : i32 to index
        %get3A_1583 = tpu.vector_load %arg8[%get3A_1581, %get3A_1582] {strides = array<i32>} : memref<64x128xi32, #tpu.memory_space<vmem>>, vector<16xi32>,
        %mul3A_1584 = arith.constant 17 : i32
        %mul3A_1585 = vector.broadcast %mul3A_1584 : i32 to vector<16xi32>
        %mul3A_1586 = arith.muli %get3A_1583, %mul3A_1585 : vector<16xi32>
        %mul3A_1587 = arith.constant 204 : i32
        %mul3A_1588 = arith.muli %scan3A_1578, %mul3A_1587 : i32
        %add3A_1589 = arith.constant 0 : i32
        %add3A_1590 = arith.addi %mul3A_1588, %add3A_1589 : i32
        %add3A_1591 = vector.broadcast %add3A_1590 : i32 to vector<16xi32>
        %add3A_1592 = arith.addi %mul3A_1586, %add3A_1591 : vector<16xi32>
        %add3A_1593 = arith.constant 0 : i32
        %add3A_1594 = vector.broadcast %add3A_1593 : i32 to vector<16xi32>
        %add3A_1595 = arith.addi %add3A_1592, %add3A_1594 : vector<16xi32>
        %gather3A_1596 = tpu.vector_load_idx %arg7[%add3A_1595] : memref<26588xi32, #tpu.memory_space<vmem>>[vector<16xi32>], vector<16xi32>,
        %bitcast3A_1597 = vector.bitcast %gather3A_1596 : vector<16xi32> to vector<32xbf16>
        %unpack3A_1598 = tpu.unpack_subelements %bitcast3A_1597, 0 {pack_format = #tpu.pack_format<interleaved>} : vector<32xbf16> -> vector<16xf32>
        %unpack3A_1599 = tpu.unpack_subelements %bitcast3A_1597, 1 {pack_format = #tpu.pack_format<interleaved>} : vector<32xbf16> -> vector<16xf32>
        %add3A_1600 = arith.addf %add3A_1512, %unpack3A_1598 : vector<16xf32>
        %add3A_1601 = arith.addf %add3A_1513, %unpack3A_1599 : vector<16xf32>
        %add3A_1602 = arith.constant 1 : i32
        %add3A_1603 = vector.broadcast %add3A_1602 : i32 to vector<16xi32>
        %add3A_1604 = arith.addi %add3A_1592, %add3A_1603 : vector<16xi32>
        %gather3A_1605 = tpu.vector_load_idx %arg7[%add3A_1604] : memref<26588xi32, #tpu.memory_space<vmem>>[vector<16xi32>], vector<16xi32>,
        %bitcast3A_1606 = vector.bitcast %gather3A_1605 : vector<16xi32> to vector<32xbf16>
        %unpack3A_1607 = tpu.unpack_subelements %bitcast3A_1606, 0 {pack_format = #tpu.pack_format<interleaved>} : vector<32xbf16> -> vector<16xf32>
        %unpack3A_1608 = tpu.unpack_subelements %bitcast3A_1606, 1 {pack_format = #tpu.pack_format<interleaved>} : vector<32xbf16> -> vector<16xf32>
        %add3A_1609 = arith.addf %add3A_1521, %unpack3A_1607 : vector<16xf32>
        %add3A_1610 = arith.addf %add3A_1522, %unpack3A_1608 : vector<16xf32>
        %add3A_1611 = arith.constant 2 : i32
        %add3A_1612 = vector.broadcast %add3A_1611 : i32 to vector<16xi32>
        %add3A_1613 = arith.addi %add3A_1592, %add3A_1612 : vector<16xi32>
        %gather3A_1614 = tpu.vector_load_idx %arg7[%add3A_1613] : memref<26588xi32, #tpu.memory_space<vmem>>[vector<16xi32>], vector<16xi32>,
        %bitcast3A_1615 = vector.bitcast %gather3A_1614 : vector<16xi32> to vector<32xbf16>
        %unpack3A_1616 = tpu.unpack_subelements %bitcast3A_1615, 0 {pack_format = #tpu.pack_format<interleaved>} : vector<32xbf16> -> vector<16xf32>
        %unpack3A_1617 = tpu.unpack_subelements %bitcast3A_1615, 1 {pack_format = #tpu.pack_format<interleaved>} : vector<32xbf16> -> vector<16xf32>
        %add3A_1618 = arith.addf %add3A_1530, %unpack3A_1616 : vector<16xf32>
        %add3A_1619 = arith.addf %add3A_1531, %unpack3A_1617 : vector<16xf32>
        %add3A_1620 = arith.constant 3 : i32
        %add3A_1621 = vector.broadcast %add3A_1620 : i32 to vector<16xi32>
        %add3A_1622 = arith.addi %add3A_1592, %add3A_1621 : vector<16xi32>
        %gather3A_1623 = tpu.vector_load_idx %arg7[%add3A_1622] : memref<26588xi32, #tpu.memory_space<vmem>>[vector<16xi32>], vector<16xi32>,
        %bitcast3A_1624 = vector.bitcast %gather3A_1623 : vector<16xi32> to vector<32xbf16>
        %unpack3A_1625 = tpu.unpack_subelements %bitcast3A_1624, 0 {pack_format = #tpu.pack_format<interleaved>} : vector<32xbf16> -> vector<16xf32>
        %unpack3A_1626 = tpu.unpack_subelements %bitcast3A_1624, 1 {pack_format = #tpu.pack_format<interleaved>} : vector<32xbf16> -> vector<16xf32>
        %add3A_1627 = arith.addf %add3A_1539, %unpack3A_1625 : vector<16xf32>
        %add3A_1628 = arith.addf %add3A_1540, %unpack3A_1626 : vector<16xf32>
        %add3A_1629 = arith.constant 4 : i32
        %add3A_1630 = vector.broadcast %add3A_1629 : i32 to vector<16xi32>
        %add3A_1631 = arith.addi %add3A_1592, %add3A_1630 : vector<16xi32>
        %gather3A_1632 = tpu.vector_load_idx %arg7[%add3A_1631] : memref<26588xi32, #tpu.memory_space<vmem>>[vector<16xi32>], vector<16xi32>,
        %bitcast3A_1633 = vector.bitcast %gather3A_1632 : vector<16xi32> to vector<32xbf16>
        %unpack3A_1634 = tpu.unpack_subelements %bitcast3A_1633, 0 {pack_format = #tpu.pack_format<interleaved>} : vector<32xbf16> -> vector<16xf32>
        %unpack3A_1635 = tpu.unpack_subelements %bitcast3A_1633, 1 {pack_format = #tpu.pack_format<interleaved>} : vector<32xbf16> -> vector<16xf32>
        %add3A_1636 = arith.addf %add3A_1548, %unpack3A_1634 : vector<16xf32>
        %add3A_1637 = arith.addf %add3A_1549, %unpack3A_1635 : vector<16xf32>
        %add3A_1638 = arith.constant 5 : i32
        %add3A_1639 = vector.broadcast %add3A_1638 : i32 to vector<16xi32>
        %add3A_1640 = arith.addi %add3A_1592, %add3A_1639 : vector<16xi32>
        %gather3A_1641 = tpu.vector_load_idx %arg7[%add3A_1640] : memref<26588xi32, #tpu.memory_space<vmem>>[vector<16xi32>], vector<16xi32>,
        %bitcast3A_1642 = vector.bitcast %gather3A_1641 : vector<16xi32> to vector<32xbf16>
        %unpack3A_1643 = tpu.unpack_subelements %bitcast3A_1642, 0 {pack_format = #tpu.pack_format<interleaved>} : vector<32xbf16> -> vector<16xf32>
        %unpack3A_1644 = tpu.unpack_subelements %bitcast3A_1642, 1 {pack_format = #tpu.pack_format<interleaved>} : vector<32xbf16> -> vector<16xf32>
        %add3A_1645 = arith.addf %add3A_1557, %unpack3A_1643 : vector<16xf32>
        %add3A_1646 = arith.addf %add3A_1558, %unpack3A_1644 : vector<16xf32>
        %add3A_1647 = arith.constant 6 : i32
        %add3A_1648 = vector.broadcast %add3A_1647 : i32 to vector<16xi32>
        %add3A_1649 = arith.addi %add3A_1592, %add3A_1648 : vector<16xi32>
        %gather3A_1650 = tpu.vector_load_idx %arg7[%add3A_1649] : memref<26588xi32, #tpu.memory_space<vmem>>[vector<16xi32>], vector<16xi32>,
        %bitcast3A_1651 = vector.bitcast %gather3A_1650 : vector<16xi32> to vector<32xbf16>
        %unpack3A_1652 = tpu.unpack_subelements %bitcast3A_1651, 0 {pack_format = #tpu.pack_format<interleaved>} : vector<32xbf16> -> vector<16xf32>
        %unpack3A_1653 = tpu.unpack_subelements %bitcast3A_1651, 1 {pack_format = #tpu.pack_format<interleaved>} : vector<32xbf16> -> vector<16xf32>
        %add3A_1654 = arith.addf %add3A_1566, %unpack3A_1652 : vector<16xf32>
        %add3A_1655 = arith.addf %add3A_1567, %unpack3A_1653 : vector<16xf32>
        %add3A_1656 = arith.constant 7 : i32
        %add3A_1657 = vector.broadcast %add3A_1656 : i32 to vector<16xi32>
        %add3A_1658 = arith.addi %add3A_1592, %add3A_1657 : vector<16xi32>
        %gather3A_1659 = tpu.vector_load_idx %arg7[%add3A_1658] : memref<26588xi32, #tpu.memory_space<vmem>>[vector<16xi32>], vector<16xi32>,
        %bitcast3A_1660 = vector.bitcast %gather3A_1659 : vector<16xi32> to vector<32xbf16>
        %unpack3A_1661 = tpu.unpack_subelements %bitcast3A_1660, 0 {pack_format = #tpu.pack_format<interleaved>} : vector<32xbf16> -> vector<16xf32>
        %unpack3A_1662 = tpu.unpack_subelements %bitcast3A_1660, 1 {pack_format = #tpu.pack_format<interleaved>} : vector<32xbf16> -> vector<16xf32>
        %add3A_1663 = arith.addf %add3A_1575, %unpack3A_1661 : vector<16xf32>
        %add3A_1664 = arith.addf %add3A_1576, %unpack3A_1662 : vector<16xf32>
        scf.yield %add3A_1600, %add3A_1601, %add3A_1609, %add3A_1610, %add3A_1618, %add3A_1619, %add3A_1627, %add3A_1628, %add3A_1636, %add3A_1637, %add3A_1645, %add3A_1646, %add3A_1654, %add3A_1655, %add3A_1663, %add3A_1664 : vector<16xf32>, vector<16xf32>, vector<16xf32>, vector<16xf32>, vector<16xf32>, vector<16xf32>, vector<16xf32>, vector<16xf32>, vector<16xf32>, vector<16xf32>, vector<16xf32>, vector<16xf32>, vector<16xf32>, vector<16xf32>, vector<16xf32>, vector<16xf32>
      }
      %scan3A_51 = arith.constant 64 : i32
      %scan3A_52 = arith.constant 0 : i32
      %scan3A_53 = arith.constant 64 : i32
      %scan3A_54 = arith.addi %scan3A_52, %scan3A_53 : i32
      %scan3A_55 = arith.constant 4 : i32
      %scan3A_56:16 = scf.for %scan3A_1298 = %scan3A_52 to %scan3A_54 step %scan3A_55 iter_args(%scan3A_1299 = %scan3A_50#0, %scan3A_1300 = %scan3A_50#1, %scan3A_1301 = %scan3A_50#2, %scan3A_1302 = %scan3A_50#3, %scan3A_1303 = %scan3A_50#4, %scan3A_1304 = %scan3A_50#5, %scan3A_1305 = %scan3A_50#6, %scan3A_1306 = %scan3A_50#7, %scan3A_1307 = %scan3A_50#8, %scan3A_1308 = %scan3A_50#9, %scan3A_1309 = %scan3A_50#10, %scan3A_1310 = %scan3A_50#11, %scan3A_1311 = %scan3A_50#12, %scan3A_1312 = %scan3A_50#13, %scan3A_1313 = %scan3A_50#14, %scan3A_1314 = %scan3A_50#15) -> (vector<16xf32>, vector<16xf32>, vector<16xf32>, vector<16xf32>, vector<16xf32>, vector<16xf32>, vector<16xf32>, vector<16xf32>, vector<16xf32>, vector<16xf32>, vector<16xf32>, vector<16xf32>, vector<16xf32>, vector<16xf32>, vector<16xf32>, vector<16xf32>)  : i32 {
        %mul3A_1315 = arith.constant 16 : i32
        %mul3A_1316 = arith.muli %scan3A_10, %mul3A_1315 : i32
        %get3A_1317 = arith.index_cast %scan3A_1298 : i32 to index
        %get3A_1318 = arith.index_cast %mul3A_1316 : i32 to index
        %get3A_1319 = tpu.vector_load %arg9[%get3A_1317, %get3A_1318] {strides = array<i32>} : memref<64x128xi32, #tpu.memory_space<vmem>>, vector<16xi32>,
        %mul3A_1320 = arith.constant 17 : i32
        %mul3A_1321 = vector.broadcast %mul3A_1320 : i32 to vector<16xi32>
        %mul3A_1322 = arith.muli %get3A_1319, %mul3A_1321 : vector<16xi32>
        %mul3A_1323 = arith.constant 204 : i32
        %mul3A_1324 = arith.muli %scan3A_1298, %mul3A_1323 : i32
        %add3A_1325 = arith.constant 13056 : i32
        %add3A_1326 = arith.addi %mul3A_1324, %add3A_1325 : i32
        %add3A_1327 = vector.broadcast %add3A_1326 : i32 to vector<16xi32>
        %add3A_1328 = arith.addi %mul3A_1322, %add3A_1327 : vector<16xi32>
        %add3A_1329 = arith.constant 0 : i32
        %add3A_1330 = vector.broadcast %add3A_1329 : i32 to vector<16xi32>
        %add3A_1331 = arith.addi %add3A_1328, %add3A_1330 : vector<16xi32>
        %gather3A_1332 = tpu.vector_load_idx %arg7[%add3A_1331] : memref<26588xi32, #tpu.memory_space<vmem>>[vector<16xi32>], vector<16xi32>,
        %bitcast3A_1333 = vector.bitcast %gather3A_1332 : vector<16xi32> to vector<32xbf16>
        %unpack3A_1334 = tpu.unpack_subelements %bitcast3A_1333, 0 {pack_format = #tpu.pack_format<interleaved>} : vector<32xbf16> -> vector<16xf32>
        %unpack3A_1335 = tpu.unpack_subelements %bitcast3A_1333, 1 {pack_format = #tpu.pack_format<interleaved>} : vector<32xbf16> -> vector<16xf32>
        %add3A_1336 = arith.addf %scan3A_1299, %unpack3A_1334 : vector<16xf32>
        %add3A_1337 = arith.addf %scan3A_1300, %unpack3A_1335 : vector<16xf32>
        %add3A_1338 = arith.constant 1 : i32
        %add3A_1339 = vector.broadcast %add3A_1338 : i32 to vector<16xi32>
        %add3A_1340 = arith.addi %add3A_1328, %add3A_1339 : vector<16xi32>
        %gather3A_1341 = tpu.vector_load_idx %arg7[%add3A_1340] : memref<26588xi32, #tpu.memory_space<vmem>>[vector<16xi32>], vector<16xi32>,
        %bitcast3A_1342 = vector.bitcast %gather3A_1341 : vector<16xi32> to vector<32xbf16>
        %unpack3A_1343 = tpu.unpack_subelements %bitcast3A_1342, 0 {pack_format = #tpu.pack_format<interleaved>} : vector<32xbf16> -> vector<16xf32>
        %unpack3A_1344 = tpu.unpack_subelements %bitcast3A_1342, 1 {pack_format = #tpu.pack_format<interleaved>} : vector<32xbf16> -> vector<16xf32>
        %add3A_1345 = arith.addf %scan3A_1301, %unpack3A_1343 : vector<16xf32>
        %add3A_1346 = arith.addf %scan3A_1302, %unpack3A_1344 : vector<16xf32>
        %add3A_1347 = arith.constant 2 : i32
        %add3A_1348 = vector.broadcast %add3A_1347 : i32 to vector<16xi32>
        %add3A_1349 = arith.addi %add3A_1328, %add3A_1348 : vector<16xi32>
        %gather3A_1350 = tpu.vector_load_idx %arg7[%add3A_1349] : memref<26588xi32, #tpu.memory_space<vmem>>[vector<16xi32>], vector<16xi32>,
        %bitcast3A_1351 = vector.bitcast %gather3A_1350 : vector<16xi32> to vector<32xbf16>
        %unpack3A_1352 = tpu.unpack_subelements %bitcast3A_1351, 0 {pack_format = #tpu.pack_format<interleaved>} : vector<32xbf16> -> vector<16xf32>
        %unpack3A_1353 = tpu.unpack_subelements %bitcast3A_1351, 1 {pack_format = #tpu.pack_format<interleaved>} : vector<32xbf16> -> vector<16xf32>
        %add3A_1354 = arith.addf %scan3A_1303, %unpack3A_1352 : vector<16xf32>
        %add3A_1355 = arith.addf %scan3A_1304, %unpack3A_1353 : vector<16xf32>
        %add3A_1356 = arith.constant 3 : i32
        %add3A_1357 = vector.broadcast %add3A_1356 : i32 to vector<16xi32>
        %add3A_1358 = arith.addi %add3A_1328, %add3A_1357 : vector<16xi32>
        %gather3A_1359 = tpu.vector_load_idx %arg7[%add3A_1358] : memref<26588xi32, #tpu.memory_space<vmem>>[vector<16xi32>], vector<16xi32>,
        %bitcast3A_1360 = vector.bitcast %gather3A_1359 : vector<16xi32> to vector<32xbf16>
        %unpack3A_1361 = tpu.unpack_subelements %bitcast3A_1360, 0 {pack_format = #tpu.pack_format<interleaved>} : vector<32xbf16> -> vector<16xf32>
        %unpack3A_1362 = tpu.unpack_subelements %bitcast3A_1360, 1 {pack_format = #tpu.pack_format<interleaved>} : vector<32xbf16> -> vector<16xf32>
        %add3A_1363 = arith.addf %scan3A_1305, %unpack3A_1361 : vector<16xf32>
        %add3A_1364 = arith.addf %scan3A_1306, %unpack3A_1362 : vector<16xf32>
        %add3A_1365 = arith.constant 4 : i32
        %add3A_1366 = vector.broadcast %add3A_1365 : i32 to vector<16xi32>
        %add3A_1367 = arith.addi %add3A_1328, %add3A_1366 : vector<16xi32>
        %gather3A_1368 = tpu.vector_load_idx %arg7[%add3A_1367] : memref<26588xi32, #tpu.memory_space<vmem>>[vector<16xi32>], vector<16xi32>,
        %bitcast3A_1369 = vector.bitcast %gather3A_1368 : vector<16xi32> to vector<32xbf16>
        %unpack3A_1370 = tpu.unpack_subelements %bitcast3A_1369, 0 {pack_format = #tpu.pack_format<interleaved>} : vector<32xbf16> -> vector<16xf32>
        %unpack3A_1371 = tpu.unpack_subelements %bitcast3A_1369, 1 {pack_format = #tpu.pack_format<interleaved>} : vector<32xbf16> -> vector<16xf32>
        %add3A_1372 = arith.addf %scan3A_1307, %unpack3A_1370 : vector<16xf32>
        %add3A_1373 = arith.addf %scan3A_1308, %unpack3A_1371 : vector<16xf32>
        %add3A_1374 = arith.constant 5 : i32
        %add3A_1375 = vector.broadcast %add3A_1374 : i32 to vector<16xi32>
        %add3A_1376 = arith.addi %add3A_1328, %add3A_1375 : vector<16xi32>
        %gather3A_1377 = tpu.vector_load_idx %arg7[%add3A_1376] : memref<26588xi32, #tpu.memory_space<vmem>>[vector<16xi32>], vector<16xi32>,
        %bitcast3A_1378 = vector.bitcast %gather3A_1377 : vector<16xi32> to vector<32xbf16>
        %unpack3A_1379 = tpu.unpack_subelements %bitcast3A_1378, 0 {pack_format = #tpu.pack_format<interleaved>} : vector<32xbf16> -> vector<16xf32>
        %unpack3A_1380 = tpu.unpack_subelements %bitcast3A_1378, 1 {pack_format = #tpu.pack_format<interleaved>} : vector<32xbf16> -> vector<16xf32>
        %add3A_1381 = arith.addf %scan3A_1309, %unpack3A_1379 : vector<16xf32>
        %add3A_1382 = arith.addf %scan3A_1310, %unpack3A_1380 : vector<16xf32>
        %add3A_1383 = arith.constant 6 : i32
        %add3A_1384 = vector.broadcast %add3A_1383 : i32 to vector<16xi32>
        %add3A_1385 = arith.addi %add3A_1328, %add3A_1384 : vector<16xi32>
        %gather3A_1386 = tpu.vector_load_idx %arg7[%add3A_1385] : memref<26588xi32, #tpu.memory_space<vmem>>[vector<16xi32>], vector<16xi32>,
        %bitcast3A_1387 = vector.bitcast %gather3A_1386 : vector<16xi32> to vector<32xbf16>
        %unpack3A_1388 = tpu.unpack_subelements %bitcast3A_1387, 0 {pack_format = #tpu.pack_format<interleaved>} : vector<32xbf16> -> vector<16xf32>
        %unpack3A_1389 = tpu.unpack_subelements %bitcast3A_1387, 1 {pack_format = #tpu.pack_format<interleaved>} : vector<32xbf16> -> vector<16xf32>
        %add3A_1390 = arith.addf %scan3A_1311, %unpack3A_1388 : vector<16xf32>
        %add3A_1391 = arith.addf %scan3A_1312, %unpack3A_1389 : vector<16xf32>
        %add3A_1392 = arith.constant 7 : i32
        %add3A_1393 = vector.broadcast %add3A_1392 : i32 to vector<16xi32>
        %add3A_1394 = arith.addi %add3A_1328, %add3A_1393 : vector<16xi32>
        %gather3A_1395 = tpu.vector_load_idx %arg7[%add3A_1394] : memref<26588xi32, #tpu.memory_space<vmem>>[vector<16xi32>], vector<16xi32>,
        %bitcast3A_1396 = vector.bitcast %gather3A_1395 : vector<16xi32> to vector<32xbf16>
        %unpack3A_1397 = tpu.unpack_subelements %bitcast3A_1396, 0 {pack_format = #tpu.pack_format<interleaved>} : vector<32xbf16> -> vector<16xf32>
        %unpack3A_1398 = tpu.unpack_subelements %bitcast3A_1396, 1 {pack_format = #tpu.pack_format<interleaved>} : vector<32xbf16> -> vector<16xf32>
        %add3A_1399 = arith.addf %scan3A_1313, %unpack3A_1397 : vector<16xf32>
        %add3A_1400 = arith.addf %scan3A_1314, %unpack3A_1398 : vector<16xf32>
        %scan3A_1401 = arith.constant 1 : i32
        %scan3A_1402 = arith.addi %scan3A_1298, %scan3A_1401 : i32
        %mul3A_1403 = arith.constant 16 : i32
        %mul3A_1404 = arith.muli %scan3A_10, %mul3A_1403 : i32
        %get3A_1405 = arith.index_cast %scan3A_1402 : i32 to index
        %get3A_1406 = arith.index_cast %mul3A_1404 : i32 to index
        %get3A_1407 = tpu.vector_load %arg9[%get3A_1405, %get3A_1406] {strides = array<i32>} : memref<64x128xi32, #tpu.memory_space<vmem>>, vector<16xi32>,
        %mul3A_1408 = arith.constant 17 : i32
        %mul3A_1409 = vector.broadcast %mul3A_1408 : i32 to vector<16xi32>
        %mul3A_1410 = arith.muli %get3A_1407, %mul3A_1409 : vector<16xi32>
        %mul3A_1411 = arith.constant 204 : i32
        %mul3A_1412 = arith.muli %scan3A_1402, %mul3A_1411 : i32
        %add3A_1413 = arith.constant 13056 : i32
        %add3A_1414 = arith.addi %mul3A_1412, %add3A_1413 : i32
        %add3A_1415 = vector.broadcast %add3A_1414 : i32 to vector<16xi32>
        %add3A_1416 = arith.addi %mul3A_1410, %add3A_1415 : vector<16xi32>
        %add3A_1417 = arith.constant 0 : i32
        %add3A_1418 = vector.broadcast %add3A_1417 : i32 to vector<16xi32>
        %add3A_1419 = arith.addi %add3A_1416, %add3A_1418 : vector<16xi32>
        %gather3A_1420 = tpu.vector_load_idx %arg7[%add3A_1419] : memref<26588xi32, #tpu.memory_space<vmem>>[vector<16xi32>], vector<16xi32>,
        %bitcast3A_1421 = vector.bitcast %gather3A_1420 : vector<16xi32> to vector<32xbf16>
        %unpack3A_1422 = tpu.unpack_subelements %bitcast3A_1421, 0 {pack_format = #tpu.pack_format<interleaved>} : vector<32xbf16> -> vector<16xf32>
        %unpack3A_1423 = tpu.unpack_subelements %bitcast3A_1421, 1 {pack_format = #tpu.pack_format<interleaved>} : vector<32xbf16> -> vector<16xf32>
        %add3A_1424 = arith.addf %add3A_1336, %unpack3A_1422 : vector<16xf32>
        %add3A_1425 = arith.addf %add3A_1337, %unpack3A_1423 : vector<16xf32>
        %add3A_1426 = arith.constant 1 : i32
        %add3A_1427 = vector.broadcast %add3A_1426 : i32 to vector<16xi32>
        %add3A_1428 = arith.addi %add3A_1416, %add3A_1427 : vector<16xi32>
        %gather3A_1429 = tpu.vector_load_idx %arg7[%add3A_1428] : memref<26588xi32, #tpu.memory_space<vmem>>[vector<16xi32>], vector<16xi32>,
        %bitcast3A_1430 = vector.bitcast %gather3A_1429 : vector<16xi32> to vector<32xbf16>
        %unpack3A_1431 = tpu.unpack_subelements %bitcast3A_1430, 0 {pack_format = #tpu.pack_format<interleaved>} : vector<32xbf16> -> vector<16xf32>
        %unpack3A_1432 = tpu.unpack_subelements %bitcast3A_1430, 1 {pack_format = #tpu.pack_format<interleaved>} : vector<32xbf16> -> vector<16xf32>
        %add3A_1433 = arith.addf %add3A_1345, %unpack3A_1431 : vector<16xf32>
        %add3A_1434 = arith.addf %add3A_1346, %unpack3A_1432 : vector<16xf32>
        %add3A_1435 = arith.constant 2 : i32
        %add3A_1436 = vector.broadcast %add3A_1435 : i32 to vector<16xi32>
        %add3A_1437 = arith.addi %add3A_1416, %add3A_1436 : vector<16xi32>
        %gather3A_1438 = tpu.vector_load_idx %arg7[%add3A_1437] : memref<26588xi32, #tpu.memory_space<vmem>>[vector<16xi32>], vector<16xi32>,
        %bitcast3A_1439 = vector.bitcast %gather3A_1438 : vector<16xi32> to vector<32xbf16>
        %unpack3A_1440 = tpu.unpack_subelements %bitcast3A_1439, 0 {pack_format = #tpu.pack_format<interleaved>} : vector<32xbf16> -> vector<16xf32>
        %unpack3A_1441 = tpu.unpack_subelements %bitcast3A_1439, 1 {pack_format = #tpu.pack_format<interleaved>} : vector<32xbf16> -> vector<16xf32>
        %add3A_1442 = arith.addf %add3A_1354, %unpack3A_1440 : vector<16xf32>
        %add3A_1443 = arith.addf %add3A_1355, %unpack3A_1441 : vector<16xf32>
        %add3A_1444 = arith.constant 3 : i32
        %add3A_1445 = vector.broadcast %add3A_1444 : i32 to vector<16xi32>
        %add3A_1446 = arith.addi %add3A_1416, %add3A_1445 : vector<16xi32>
        %gather3A_1447 = tpu.vector_load_idx %arg7[%add3A_1446] : memref<26588xi32, #tpu.memory_space<vmem>>[vector<16xi32>], vector<16xi32>,
        %bitcast3A_1448 = vector.bitcast %gather3A_1447 : vector<16xi32> to vector<32xbf16>
        %unpack3A_1449 = tpu.unpack_subelements %bitcast3A_1448, 0 {pack_format = #tpu.pack_format<interleaved>} : vector<32xbf16> -> vector<16xf32>
        %unpack3A_1450 = tpu.unpack_subelements %bitcast3A_1448, 1 {pack_format = #tpu.pack_format<interleaved>} : vector<32xbf16> -> vector<16xf32>
        %add3A_1451 = arith.addf %add3A_1363, %unpack3A_1449 : vector<16xf32>
        %add3A_1452 = arith.addf %add3A_1364, %unpack3A_1450 : vector<16xf32>
        %add3A_1453 = arith.constant 4 : i32
        %add3A_1454 = vector.broadcast %add3A_1453 : i32 to vector<16xi32>
        %add3A_1455 = arith.addi %add3A_1416, %add3A_1454 : vector<16xi32>
        %gather3A_1456 = tpu.vector_load_idx %arg7[%add3A_1455] : memref<26588xi32, #tpu.memory_space<vmem>>[vector<16xi32>], vector<16xi32>,
        %bitcast3A_1457 = vector.bitcast %gather3A_1456 : vector<16xi32> to vector<32xbf16>
        %unpack3A_1458 = tpu.unpack_subelements %bitcast3A_1457, 0 {pack_format = #tpu.pack_format<interleaved>} : vector<32xbf16> -> vector<16xf32>
        %unpack3A_1459 = tpu.unpack_subelements %bitcast3A_1457, 1 {pack_format = #tpu.pack_format<interleaved>} : vector<32xbf16> -> vector<16xf32>
        %add3A_1460 = arith.addf %add3A_1372, %unpack3A_1458 : vector<16xf32>
        %add3A_1461 = arith.addf %add3A_1373, %unpack3A_1459 : vector<16xf32>
        %add3A_1462 = arith.constant 5 : i32
        %add3A_1463 = vector.broadcast %add3A_1462 : i32 to vector<16xi32>
        %add3A_1464 = arith.addi %add3A_1416, %add3A_1463 : vector<16xi32>
        %gather3A_1465 = tpu.vector_load_idx %arg7[%add3A_1464] : memref<26588xi32, #tpu.memory_space<vmem>>[vector<16xi32>], vector<16xi32>,
        %bitcast3A_1466 = vector.bitcast %gather3A_1465 : vector<16xi32> to vector<32xbf16>
        %unpack3A_1467 = tpu.unpack_subelements %bitcast3A_1466, 0 {pack_format = #tpu.pack_format<interleaved>} : vector<32xbf16> -> vector<16xf32>
        %unpack3A_1468 = tpu.unpack_subelements %bitcast3A_1466, 1 {pack_format = #tpu.pack_format<interleaved>} : vector<32xbf16> -> vector<16xf32>
        %add3A_1469 = arith.addf %add3A_1381, %unpack3A_1467 : vector<16xf32>
        %add3A_1470 = arith.addf %add3A_1382, %unpack3A_1468 : vector<16xf32>
        %add3A_1471 = arith.constant 6 : i32
        %add3A_1472 = vector.broadcast %add3A_1471 : i32 to vector<16xi32>
        %add3A_1473 = arith.addi %add3A_1416, %add3A_1472 : vector<16xi32>
        %gather3A_1474 = tpu.vector_load_idx %arg7[%add3A_1473] : memref<26588xi32, #tpu.memory_space<vmem>>[vector<16xi32>], vector<16xi32>,
        %bitcast3A_1475 = vector.bitcast %gather3A_1474 : vector<16xi32> to vector<32xbf16>
        %unpack3A_1476 = tpu.unpack_subelements %bitcast3A_1475, 0 {pack_format = #tpu.pack_format<interleaved>} : vector<32xbf16> -> vector<16xf32>
        %unpack3A_1477 = tpu.unpack_subelements %bitcast3A_1475, 1 {pack_format = #tpu.pack_format<interleaved>} : vector<32xbf16> -> vector<16xf32>
        %add3A_1478 = arith.addf %add3A_1390, %unpack3A_1476 : vector<16xf32>
        %add3A_1479 = arith.addf %add3A_1391, %unpack3A_1477 : vector<16xf32>
        %add3A_1480 = arith.constant 7 : i32
        %add3A_1481 = vector.broadcast %add3A_1480 : i32 to vector<16xi32>
        %add3A_1482 = arith.addi %add3A_1416, %add3A_1481 : vector<16xi32>
        %gather3A_1483 = tpu.vector_load_idx %arg7[%add3A_1482] : memref<26588xi32, #tpu.memory_space<vmem>>[vector<16xi32>], vector<16xi32>,
        %bitcast3A_1484 = vector.bitcast %gather3A_1483 : vector<16xi32> to vector<32xbf16>
        %unpack3A_1485 = tpu.unpack_subelements %bitcast3A_1484, 0 {pack_format = #tpu.pack_format<interleaved>} : vector<32xbf16> -> vector<16xf32>
        %unpack3A_1486 = tpu.unpack_subelements %bitcast3A_1484, 1 {pack_format = #tpu.pack_format<interleaved>} : vector<32xbf16> -> vector<16xf32>
        %add3A_1487 = arith.addf %add3A_1399, %unpack3A_1485 : vector<16xf32>
        %add3A_1488 = arith.addf %add3A_1400, %unpack3A_1486 : vector<16xf32>
        %scan3A_1489 = arith.constant 2 : i32
        %scan3A_1490 = arith.addi %scan3A_1298, %scan3A_1489 : i32
        %mul3A_1491 = arith.constant 16 : i32
        %mul3A_1492 = arith.muli %scan3A_10, %mul3A_1491 : i32
        %get3A_1493 = arith.index_cast %scan3A_1490 : i32 to index
        %get3A_1494 = arith.index_cast %mul3A_1492 : i32 to index
        %get3A_1495 = tpu.vector_load %arg9[%get3A_1493, %get3A_1494] {strides = array<i32>} : memref<64x128xi32, #tpu.memory_space<vmem>>, vector<16xi32>,
        %mul3A_1496 = arith.constant 17 : i32
        %mul3A_1497 = vector.broadcast %mul3A_1496 : i32 to vector<16xi32>
        %mul3A_1498 = arith.muli %get3A_1495, %mul3A_1497 : vector<16xi32>
        %mul3A_1499 = arith.constant 204 : i32
        %mul3A_1500 = arith.muli %scan3A_1490, %mul3A_1499 : i32
        %add3A_1501 = arith.constant 13056 : i32
        %add3A_1502 = arith.addi %mul3A_1500, %add3A_1501 : i32
        %add3A_1503 = vector.broadcast %add3A_1502 : i32 to vector<16xi32>
        %add3A_1504 = arith.addi %mul3A_1498, %add3A_1503 : vector<16xi32>
        %add3A_1505 = arith.constant 0 : i32
        %add3A_1506 = vector.broadcast %add3A_1505 : i32 to vector<16xi32>
        %add3A_1507 = arith.addi %add3A_1504, %add3A_1506 : vector<16xi32>
        %gather3A_1508 = tpu.vector_load_idx %arg7[%add3A_1507] : memref<26588xi32, #tpu.memory_space<vmem>>[vector<16xi32>], vector<16xi32>,
        %bitcast3A_1509 = vector.bitcast %gather3A_1508 : vector<16xi32> to vector<32xbf16>
        %unpack3A_1510 = tpu.unpack_subelements %bitcast3A_1509, 0 {pack_format = #tpu.pack_format<interleaved>} : vector<32xbf16> -> vector<16xf32>
        %unpack3A_1511 = tpu.unpack_subelements %bitcast3A_1509, 1 {pack_format = #tpu.pack_format<interleaved>} : vector<32xbf16> -> vector<16xf32>
        %add3A_1512 = arith.addf %add3A_1424, %unpack3A_1510 : vector<16xf32>
        %add3A_1513 = arith.addf %add3A_1425, %unpack3A_1511 : vector<16xf32>
        %add3A_1514 = arith.constant 1 : i32
        %add3A_1515 = vector.broadcast %add3A_1514 : i32 to vector<16xi32>
        %add3A_1516 = arith.addi %add3A_1504, %add3A_1515 : vector<16xi32>
        %gather3A_1517 = tpu.vector_load_idx %arg7[%add3A_1516] : memref<26588xi32, #tpu.memory_space<vmem>>[vector<16xi32>], vector<16xi32>,
        %bitcast3A_1518 = vector.bitcast %gather3A_1517 : vector<16xi32> to vector<32xbf16>
        %unpack3A_1519 = tpu.unpack_subelements %bitcast3A_1518, 0 {pack_format = #tpu.pack_format<interleaved>} : vector<32xbf16> -> vector<16xf32>
        %unpack3A_1520 = tpu.unpack_subelements %bitcast3A_1518, 1 {pack_format = #tpu.pack_format<interleaved>} : vector<32xbf16> -> vector<16xf32>
        %add3A_1521 = arith.addf %add3A_1433, %unpack3A_1519 : vector<16xf32>
        %add3A_1522 = arith.addf %add3A_1434, %unpack3A_1520 : vector<16xf32>
        %add3A_1523 = arith.constant 2 : i32
        %add3A_1524 = vector.broadcast %add3A_1523 : i32 to vector<16xi32>
        %add3A_1525 = arith.addi %add3A_1504, %add3A_1524 : vector<16xi32>
        %gather3A_1526 = tpu.vector_load_idx %arg7[%add3A_1525] : memref<26588xi32, #tpu.memory_space<vmem>>[vector<16xi32>], vector<16xi32>,
        %bitcast3A_1527 = vector.bitcast %gather3A_1526 : vector<16xi32> to vector<32xbf16>
        %unpack3A_1528 = tpu.unpack_subelements %bitcast3A_1527, 0 {pack_format = #tpu.pack_format<interleaved>} : vector<32xbf16> -> vector<16xf32>
        %unpack3A_1529 = tpu.unpack_subelements %bitcast3A_1527, 1 {pack_format = #tpu.pack_format<interleaved>} : vector<32xbf16> -> vector<16xf32>
        %add3A_1530 = arith.addf %add3A_1442, %unpack3A_1528 : vector<16xf32>
        %add3A_1531 = arith.addf %add3A_1443, %unpack3A_1529 : vector<16xf32>
        %add3A_1532 = arith.constant 3 : i32
        %add3A_1533 = vector.broadcast %add3A_1532 : i32 to vector<16xi32>
        %add3A_1534 = arith.addi %add3A_1504, %add3A_1533 : vector<16xi32>
        %gather3A_1535 = tpu.vector_load_idx %arg7[%add3A_1534] : memref<26588xi32, #tpu.memory_space<vmem>>[vector<16xi32>], vector<16xi32>,
        %bitcast3A_1536 = vector.bitcast %gather3A_1535 : vector<16xi32> to vector<32xbf16>
        %unpack3A_1537 = tpu.unpack_subelements %bitcast3A_1536, 0 {pack_format = #tpu.pack_format<interleaved>} : vector<32xbf16> -> vector<16xf32>
        %unpack3A_1538 = tpu.unpack_subelements %bitcast3A_1536, 1 {pack_format = #tpu.pack_format<interleaved>} : vector<32xbf16> -> vector<16xf32>
        %add3A_1539 = arith.addf %add3A_1451, %unpack3A_1537 : vector<16xf32>
        %add3A_1540 = arith.addf %add3A_1452, %unpack3A_1538 : vector<16xf32>
        %add3A_1541 = arith.constant 4 : i32
        %add3A_1542 = vector.broadcast %add3A_1541 : i32 to vector<16xi32>
        %add3A_1543 = arith.addi %add3A_1504, %add3A_1542 : vector<16xi32>
        %gather3A_1544 = tpu.vector_load_idx %arg7[%add3A_1543] : memref<26588xi32, #tpu.memory_space<vmem>>[vector<16xi32>], vector<16xi32>,
        %bitcast3A_1545 = vector.bitcast %gather3A_1544 : vector<16xi32> to vector<32xbf16>
        %unpack3A_1546 = tpu.unpack_subelements %bitcast3A_1545, 0 {pack_format = #tpu.pack_format<interleaved>} : vector<32xbf16> -> vector<16xf32>
        %unpack3A_1547 = tpu.unpack_subelements %bitcast3A_1545, 1 {pack_format = #tpu.pack_format<interleaved>} : vector<32xbf16> -> vector<16xf32>
        %add3A_1548 = arith.addf %add3A_1460, %unpack3A_1546 : vector<16xf32>
        %add3A_1549 = arith.addf %add3A_1461, %unpack3A_1547 : vector<16xf32>
        %add3A_1550 = arith.constant 5 : i32
        %add3A_1551 = vector.broadcast %add3A_1550 : i32 to vector<16xi32>
        %add3A_1552 = arith.addi %add3A_1504, %add3A_1551 : vector<16xi32>
        %gather3A_1553 = tpu.vector_load_idx %arg7[%add3A_1552] : memref<26588xi32, #tpu.memory_space<vmem>>[vector<16xi32>], vector<16xi32>,
        %bitcast3A_1554 = vector.bitcast %gather3A_1553 : vector<16xi32> to vector<32xbf16>
        %unpack3A_1555 = tpu.unpack_subelements %bitcast3A_1554, 0 {pack_format = #tpu.pack_format<interleaved>} : vector<32xbf16> -> vector<16xf32>
        %unpack3A_1556 = tpu.unpack_subelements %bitcast3A_1554, 1 {pack_format = #tpu.pack_format<interleaved>} : vector<32xbf16> -> vector<16xf32>
        %add3A_1557 = arith.addf %add3A_1469, %unpack3A_1555 : vector<16xf32>
        %add3A_1558 = arith.addf %add3A_1470, %unpack3A_1556 : vector<16xf32>
        %add3A_1559 = arith.constant 6 : i32
        %add3A_1560 = vector.broadcast %add3A_1559 : i32 to vector<16xi32>
        %add3A_1561 = arith.addi %add3A_1504, %add3A_1560 : vector<16xi32>
        %gather3A_1562 = tpu.vector_load_idx %arg7[%add3A_1561] : memref<26588xi32, #tpu.memory_space<vmem>>[vector<16xi32>], vector<16xi32>,
        %bitcast3A_1563 = vector.bitcast %gather3A_1562 : vector<16xi32> to vector<32xbf16>
        %unpack3A_1564 = tpu.unpack_subelements %bitcast3A_1563, 0 {pack_format = #tpu.pack_format<interleaved>} : vector<32xbf16> -> vector<16xf32>
        %unpack3A_1565 = tpu.unpack_subelements %bitcast3A_1563, 1 {pack_format = #tpu.pack_format<interleaved>} : vector<32xbf16> -> vector<16xf32>
        %add3A_1566 = arith.addf %add3A_1478, %unpack3A_1564 : vector<16xf32>
        %add3A_1567 = arith.addf %add3A_1479, %unpack3A_1565 : vector<16xf32>
        %add3A_1568 = arith.constant 7 : i32
        %add3A_1569 = vector.broadcast %add3A_1568 : i32 to vector<16xi32>
        %add3A_1570 = arith.addi %add3A_1504, %add3A_1569 : vector<16xi32>
        %gather3A_1571 = tpu.vector_load_idx %arg7[%add3A_1570] : memref<26588xi32, #tpu.memory_space<vmem>>[vector<16xi32>], vector<16xi32>,
        %bitcast3A_1572 = vector.bitcast %gather3A_1571 : vector<16xi32> to vector<32xbf16>
        %unpack3A_1573 = tpu.unpack_subelements %bitcast3A_1572, 0 {pack_format = #tpu.pack_format<interleaved>} : vector<32xbf16> -> vector<16xf32>
        %unpack3A_1574 = tpu.unpack_subelements %bitcast3A_1572, 1 {pack_format = #tpu.pack_format<interleaved>} : vector<32xbf16> -> vector<16xf32>
        %add3A_1575 = arith.addf %add3A_1487, %unpack3A_1573 : vector<16xf32>
        %add3A_1576 = arith.addf %add3A_1488, %unpack3A_1574 : vector<16xf32>
        %scan3A_1577 = arith.constant 3 : i32
        %scan3A_1578 = arith.addi %scan3A_1298, %scan3A_1577 : i32
        %mul3A_1579 = arith.constant 16 : i32
        %mul3A_1580 = arith.muli %scan3A_10, %mul3A_1579 : i32
        %get3A_1581 = arith.index_cast %scan3A_1578 : i32 to index
        %get3A_1582 = arith.index_cast %mul3A_1580 : i32 to index
        %get3A_1583 = tpu.vector_load %arg9[%get3A_1581, %get3A_1582] {strides = array<i32>} : memref<64x128xi32, #tpu.memory_space<vmem>>, vector<16xi32>,
        %mul3A_1584 = arith.constant 17 : i32
        %mul3A_1585 = vector.broadcast %mul3A_1584 : i32 to vector<16xi32>
        %mul3A_1586 = arith.muli %get3A_1583, %mul3A_1585 : vector<16xi32>
        %mul3A_1587 = arith.constant 204 : i32
        %mul3A_1588 = arith.muli %scan3A_1578, %mul3A_1587 : i32
        %add3A_1589 = arith.constant 13056 : i32
        %add3A_1590 = arith.addi %mul3A_1588, %add3A_1589 : i32
        %add3A_1591 = vector.broadcast %add3A_1590 : i32 to vector<16xi32>
        %add3A_1592 = arith.addi %mul3A_1586, %add3A_1591 : vector<16xi32>
        %add3A_1593 = arith.constant 0 : i32
        %add3A_1594 = vector.broadcast %add3A_1593 : i32 to vector<16xi32>
        %add3A_1595 = arith.addi %add3A_1592, %add3A_1594 : vector<16xi32>
        %gather3A_1596 = tpu.vector_load_idx %arg7[%add3A_1595] : memref<26588xi32, #tpu.memory_space<vmem>>[vector<16xi32>], vector<16xi32>,
        %bitcast3A_1597 = vector.bitcast %gather3A_1596 : vector<16xi32> to vector<32xbf16>
        %unpack3A_1598 = tpu.unpack_subelements %bitcast3A_1597, 0 {pack_format = #tpu.pack_format<interleaved>} : vector<32xbf16> -> vector<16xf32>
        %unpack3A_1599 = tpu.unpack_subelements %bitcast3A_1597, 1 {pack_format = #tpu.pack_format<interleaved>} : vector<32xbf16> -> vector<16xf32>
        %add3A_1600 = arith.addf %add3A_1512, %unpack3A_1598 : vector<16xf32>
        %add3A_1601 = arith.addf %add3A_1513, %unpack3A_1599 : vector<16xf32>
        %add3A_1602 = arith.constant 1 : i32
        %add3A_1603 = vector.broadcast %add3A_1602 : i32 to vector<16xi32>
        %add3A_1604 = arith.addi %add3A_1592, %add3A_1603 : vector<16xi32>
        %gather3A_1605 = tpu.vector_load_idx %arg7[%add3A_1604] : memref<26588xi32, #tpu.memory_space<vmem>>[vector<16xi32>], vector<16xi32>,
        %bitcast3A_1606 = vector.bitcast %gather3A_1605 : vector<16xi32> to vector<32xbf16>
        %unpack3A_1607 = tpu.unpack_subelements %bitcast3A_1606, 0 {pack_format = #tpu.pack_format<interleaved>} : vector<32xbf16> -> vector<16xf32>
        %unpack3A_1608 = tpu.unpack_subelements %bitcast3A_1606, 1 {pack_format = #tpu.pack_format<interleaved>} : vector<32xbf16> -> vector<16xf32>
        %add3A_1609 = arith.addf %add3A_1521, %unpack3A_1607 : vector<16xf32>
        %add3A_1610 = arith.addf %add3A_1522, %unpack3A_1608 : vector<16xf32>
        %add3A_1611 = arith.constant 2 : i32
        %add3A_1612 = vector.broadcast %add3A_1611 : i32 to vector<16xi32>
        %add3A_1613 = arith.addi %add3A_1592, %add3A_1612 : vector<16xi32>
        %gather3A_1614 = tpu.vector_load_idx %arg7[%add3A_1613] : memref<26588xi32, #tpu.memory_space<vmem>>[vector<16xi32>], vector<16xi32>,
        %bitcast3A_1615 = vector.bitcast %gather3A_1614 : vector<16xi32> to vector<32xbf16>
        %unpack3A_1616 = tpu.unpack_subelements %bitcast3A_1615, 0 {pack_format = #tpu.pack_format<interleaved>} : vector<32xbf16> -> vector<16xf32>
        %unpack3A_1617 = tpu.unpack_subelements %bitcast3A_1615, 1 {pack_format = #tpu.pack_format<interleaved>} : vector<32xbf16> -> vector<16xf32>
        %add3A_1618 = arith.addf %add3A_1530, %unpack3A_1616 : vector<16xf32>
        %add3A_1619 = arith.addf %add3A_1531, %unpack3A_1617 : vector<16xf32>
        %add3A_1620 = arith.constant 3 : i32
        %add3A_1621 = vector.broadcast %add3A_1620 : i32 to vector<16xi32>
        %add3A_1622 = arith.addi %add3A_1592, %add3A_1621 : vector<16xi32>
        %gather3A_1623 = tpu.vector_load_idx %arg7[%add3A_1622] : memref<26588xi32, #tpu.memory_space<vmem>>[vector<16xi32>], vector<16xi32>,
        %bitcast3A_1624 = vector.bitcast %gather3A_1623 : vector<16xi32> to vector<32xbf16>
        %unpack3A_1625 = tpu.unpack_subelements %bitcast3A_1624, 0 {pack_format = #tpu.pack_format<interleaved>} : vector<32xbf16> -> vector<16xf32>
        %unpack3A_1626 = tpu.unpack_subelements %bitcast3A_1624, 1 {pack_format = #tpu.pack_format<interleaved>} : vector<32xbf16> -> vector<16xf32>
        %add3A_1627 = arith.addf %add3A_1539, %unpack3A_1625 : vector<16xf32>
        %add3A_1628 = arith.addf %add3A_1540, %unpack3A_1626 : vector<16xf32>
        %add3A_1629 = arith.constant 4 : i32
        %add3A_1630 = vector.broadcast %add3A_1629 : i32 to vector<16xi32>
        %add3A_1631 = arith.addi %add3A_1592, %add3A_1630 : vector<16xi32>
        %gather3A_1632 = tpu.vector_load_idx %arg7[%add3A_1631] : memref<26588xi32, #tpu.memory_space<vmem>>[vector<16xi32>], vector<16xi32>,
        %bitcast3A_1633 = vector.bitcast %gather3A_1632 : vector<16xi32> to vector<32xbf16>
        %unpack3A_1634 = tpu.unpack_subelements %bitcast3A_1633, 0 {pack_format = #tpu.pack_format<interleaved>} : vector<32xbf16> -> vector<16xf32>
        %unpack3A_1635 = tpu.unpack_subelements %bitcast3A_1633, 1 {pack_format = #tpu.pack_format<interleaved>} : vector<32xbf16> -> vector<16xf32>
        %add3A_1636 = arith.addf %add3A_1548, %unpack3A_1634 : vector<16xf32>
        %add3A_1637 = arith.addf %add3A_1549, %unpack3A_1635 : vector<16xf32>
        %add3A_1638 = arith.constant 5 : i32
        %add3A_1639 = vector.broadcast %add3A_1638 : i32 to vector<16xi32>
        %add3A_1640 = arith.addi %add3A_1592, %add3A_1639 : vector<16xi32>
        %gather3A_1641 = tpu.vector_load_idx %arg7[%add3A_1640] : memref<26588xi32, #tpu.memory_space<vmem>>[vector<16xi32>], vector<16xi32>,
        %bitcast3A_1642 = vector.bitcast %gather3A_1641 : vector<16xi32> to vector<32xbf16>
        %unpack3A_1643 = tpu.unpack_subelements %bitcast3A_1642, 0 {pack_format = #tpu.pack_format<interleaved>} : vector<32xbf16> -> vector<16xf32>
        %unpack3A_1644 = tpu.unpack_subelements %bitcast3A_1642, 1 {pack_format = #tpu.pack_format<interleaved>} : vector<32xbf16> -> vector<16xf32>
        %add3A_1645 = arith.addf %add3A_1557, %unpack3A_1643 : vector<16xf32>
        %add3A_1646 = arith.addf %add3A_1558, %unpack3A_1644 : vector<16xf32>
        %add3A_1647 = arith.constant 6 : i32
        %add3A_1648 = vector.broadcast %add3A_1647 : i32 to vector<16xi32>
        %add3A_1649 = arith.addi %add3A_1592, %add3A_1648 : vector<16xi32>
        %gather3A_1650 = tpu.vector_load_idx %arg7[%add3A_1649] : memref<26588xi32, #tpu.memory_space<vmem>>[vector<16xi32>], vector<16xi32>,
        %bitcast3A_1651 = vector.bitcast %gather3A_1650 : vector<16xi32> to vector<32xbf16>
        %unpack3A_1652 = tpu.unpack_subelements %bitcast3A_1651, 0 {pack_format = #tpu.pack_format<interleaved>} : vector<32xbf16> -> vector<16xf32>
        %unpack3A_1653 = tpu.unpack_subelements %bitcast3A_1651, 1 {pack_format = #tpu.pack_format<interleaved>} : vector<32xbf16> -> vector<16xf32>
        %add3A_1654 = arith.addf %add3A_1566, %unpack3A_1652 : vector<16xf32>
        %add3A_1655 = arith.addf %add3A_1567, %unpack3A_1653 : vector<16xf32>
        %add3A_1656 = arith.constant 7 : i32
        %add3A_1657 = vector.broadcast %add3A_1656 : i32 to vector<16xi32>
        %add3A_1658 = arith.addi %add3A_1592, %add3A_1657 : vector<16xi32>
        %gather3A_1659 = tpu.vector_load_idx %arg7[%add3A_1658] : memref<26588xi32, #tpu.memory_space<vmem>>[vector<16xi32>], vector<16xi32>,
        %bitcast3A_1660 = vector.bitcast %gather3A_1659 : vector<16xi32> to vector<32xbf16>
        %unpack3A_1661 = tpu.unpack_subelements %bitcast3A_1660, 0 {pack_format = #tpu.pack_format<interleaved>} : vector<32xbf16> -> vector<16xf32>
        %unpack3A_1662 = tpu.unpack_subelements %bitcast3A_1660, 1 {pack_format = #tpu.pack_format<interleaved>} : vector<32xbf16> -> vector<16xf32>
        %add3A_1663 = arith.addf %add3A_1575, %unpack3A_1661 : vector<16xf32>
        %add3A_1664 = arith.addf %add3A_1576, %unpack3A_1662 : vector<16xf32>
        scf.yield %add3A_1600, %add3A_1601, %add3A_1609, %add3A_1610, %add3A_1618, %add3A_1619, %add3A_1627, %add3A_1628, %add3A_1636, %add3A_1637, %add3A_1645, %add3A_1646, %add3A_1654, %add3A_1655, %add3A_1663, %add3A_1664 : vector<16xf32>, vector<16xf32>, vector<16xf32>, vector<16xf32>, vector<16xf32>, vector<16xf32>, vector<16xf32>, vector<16xf32>, vector<16xf32>, vector<16xf32>, vector<16xf32>, vector<16xf32>, vector<16xf32>, vector<16xf32>, vector<16xf32>, vector<16xf32>
      }
      %scan3A_57 = arith.constant 64 : i32
      %mul3A_58 = arith.constant 16 : i32
      %mul3A_59 = arith.muli %scan3A_10, %mul3A_58 : i32
      %get3A = arith.constant 0 : i32
      %get3A_60 = arith.index_cast %get3A : i32 to index
      %get3A_61 = arith.index_cast %mul3A_59 : i32 to index
      %get3A_62 = tpu.vector_load %arg10[%get3A_60, %get3A_61] {strides = array<i32>} : memref<6x128xi32, #tpu.memory_space<vmem>>, vector<16xi32>,
      %mul3A_63 = arith.constant 17 : i32
      %mul3A_64 = vector.broadcast %mul3A_63 : i32 to vector<16xi32>
      %mul3A_65 = arith.muli %get3A_62, %mul3A_64 : vector<16xi32>
      %add3A_66 = arith.constant 26112 : i32
      %add3A_67 = vector.broadcast %add3A_66 : i32 to vector<16xi32>
      %add3A_68 = arith.addi %mul3A_65, %add3A_67 : vector<16xi32>
      %add3A_69 = arith.constant 0 : i32
      %add3A_70 = vector.broadcast %add3A_69 : i32 to vector<16xi32>
      %add3A_71 = arith.addi %add3A_68, %add3A_70 : vector<16xi32>
      %gather3A = tpu.vector_load_idx %arg7[%add3A_71] : memref<26588xi32, #tpu.memory_space<vmem>>[vector<16xi32>], vector<16xi32>,
      %bitcast3A = vector.bitcast %gather3A : vector<16xi32> to vector<32xbf16>
      %unpack3A = tpu.unpack_subelements %bitcast3A, 0 {pack_format = #tpu.pack_format<interleaved>} : vector<32xbf16> -> vector<16xf32>
      %unpack3A_72 = tpu.unpack_subelements %bitcast3A, 1 {pack_format = #tpu.pack_format<interleaved>} : vector<32xbf16> -> vector<16xf32>
      %add3A_73 = arith.addf %scan3A_56#0, %unpack3A : vector<16xf32>
      %add3A_74 = arith.addf %scan3A_56#1, %unpack3A_72 : vector<16xf32>
      %add3A_75 = arith.constant 1 : i32
      %add3A_76 = vector.broadcast %add3A_75 : i32 to vector<16xi32>
      %add3A_77 = arith.addi %add3A_68, %add3A_76 : vector<16xi32>
      %gather3A_78 = tpu.vector_load_idx %arg7[%add3A_77] : memref<26588xi32, #tpu.memory_space<vmem>>[vector<16xi32>], vector<16xi32>,
      %bitcast3A_79 = vector.bitcast %gather3A_78 : vector<16xi32> to vector<32xbf16>
      %unpack3A_80 = tpu.unpack_subelements %bitcast3A_79, 0 {pack_format = #tpu.pack_format<interleaved>} : vector<32xbf16> -> vector<16xf32>
      %unpack3A_81 = tpu.unpack_subelements %bitcast3A_79, 1 {pack_format = #tpu.pack_format<interleaved>} : vector<32xbf16> -> vector<16xf32>
      %add3A_82 = arith.addf %scan3A_56#2, %unpack3A_80 : vector<16xf32>
      %add3A_83 = arith.addf %scan3A_56#3, %unpack3A_81 : vector<16xf32>
      %add3A_84 = arith.constant 2 : i32
      %add3A_85 = vector.broadcast %add3A_84 : i32 to vector<16xi32>
      %add3A_86 = arith.addi %add3A_68, %add3A_85 : vector<16xi32>
      %gather3A_87 = tpu.vector_load_idx %arg7[%add3A_86] : memref<26588xi32, #tpu.memory_space<vmem>>[vector<16xi32>], vector<16xi32>,
      %bitcast3A_88 = vector.bitcast %gather3A_87 : vector<16xi32> to vector<32xbf16>
      %unpack3A_89 = tpu.unpack_subelements %bitcast3A_88, 0 {pack_format = #tpu.pack_format<interleaved>} : vector<32xbf16> -> vector<16xf32>
      %unpack3A_90 = tpu.unpack_subelements %bitcast3A_88, 1 {pack_format = #tpu.pack_format<interleaved>} : vector<32xbf16> -> vector<16xf32>
      %add3A_91 = arith.addf %scan3A_56#4, %unpack3A_89 : vector<16xf32>
      %add3A_92 = arith.addf %scan3A_56#5, %unpack3A_90 : vector<16xf32>
      %add3A_93 = arith.constant 3 : i32
      %add3A_94 = vector.broadcast %add3A_93 : i32 to vector<16xi32>
      %add3A_95 = arith.addi %add3A_68, %add3A_94 : vector<16xi32>
      %gather3A_96 = tpu.vector_load_idx %arg7[%add3A_95] : memref<26588xi32, #tpu.memory_space<vmem>>[vector<16xi32>], vector<16xi32>,
      %bitcast3A_97 = vector.bitcast %gather3A_96 : vector<16xi32> to vector<32xbf16>
      %unpack3A_98 = tpu.unpack_subelements %bitcast3A_97, 0 {pack_format = #tpu.pack_format<interleaved>} : vector<32xbf16> -> vector<16xf32>
      %unpack3A_99 = tpu.unpack_subelements %bitcast3A_97, 1 {pack_format = #tpu.pack_format<interleaved>} : vector<32xbf16> -> vector<16xf32>
      %add3A_100 = arith.addf %scan3A_56#6, %unpack3A_98 : vector<16xf32>
      %add3A_101 = arith.addf %scan3A_56#7, %unpack3A_99 : vector<16xf32>
      %add3A_102 = arith.constant 4 : i32
      %add3A_103 = vector.broadcast %add3A_102 : i32 to vector<16xi32>
      %add3A_104 = arith.addi %add3A_68, %add3A_103 : vector<16xi32>
      %gather3A_105 = tpu.vector_load_idx %arg7[%add3A_104] : memref<26588xi32, #tpu.memory_space<vmem>>[vector<16xi32>], vector<16xi32>,
      %bitcast3A_106 = vector.bitcast %gather3A_105 : vector<16xi32> to vector<32xbf16>
      %unpack3A_107 = tpu.unpack_subelements %bitcast3A_106, 0 {pack_format = #tpu.pack_format<interleaved>} : vector<32xbf16> -> vector<16xf32>
      %unpack3A_108 = tpu.unpack_subelements %bitcast3A_106, 1 {pack_format = #tpu.pack_format<interleaved>} : vector<32xbf16> -> vector<16xf32>
      %add3A_109 = arith.addf %scan3A_56#8, %unpack3A_107 : vector<16xf32>
      %add3A_110 = arith.addf %scan3A_56#9, %unpack3A_108 : vector<16xf32>
      %add3A_111 = arith.constant 5 : i32
      %add3A_112 = vector.broadcast %add3A_111 : i32 to vector<16xi32>
      %add3A_113 = arith.addi %add3A_68, %add3A_112 : vector<16xi32>
      %gather3A_114 = tpu.vector_load_idx %arg7[%add3A_113] : memref<26588xi32, #tpu.memory_space<vmem>>[vector<16xi32>], vector<16xi32>,
      %bitcast3A_115 = vector.bitcast %gather3A_114 : vector<16xi32> to vector<32xbf16>
      %unpack3A_116 = tpu.unpack_subelements %bitcast3A_115, 0 {pack_format = #tpu.pack_format<interleaved>} : vector<32xbf16> -> vector<16xf32>
      %unpack3A_117 = tpu.unpack_subelements %bitcast3A_115, 1 {pack_format = #tpu.pack_format<interleaved>} : vector<32xbf16> -> vector<16xf32>
      %add3A_118 = arith.addf %scan3A_56#10, %unpack3A_116 : vector<16xf32>
      %add3A_119 = arith.addf %scan3A_56#11, %unpack3A_117 : vector<16xf32>
      %add3A_120 = arith.constant 6 : i32
      %add3A_121 = vector.broadcast %add3A_120 : i32 to vector<16xi32>
      %add3A_122 = arith.addi %add3A_68, %add3A_121 : vector<16xi32>
      %gather3A_123 = tpu.vector_load_idx %arg7[%add3A_122] : memref<26588xi32, #tpu.memory_space<vmem>>[vector<16xi32>], vector<16xi32>,
      %bitcast3A_124 = vector.bitcast %gather3A_123 : vector<16xi32> to vector<32xbf16>
      %unpack3A_125 = tpu.unpack_subelements %bitcast3A_124, 0 {pack_format = #tpu.pack_format<interleaved>} : vector<32xbf16> -> vector<16xf32>
      %unpack3A_126 = tpu.unpack_subelements %bitcast3A_124, 1 {pack_format = #tpu.pack_format<interleaved>} : vector<32xbf16> -> vector<16xf32>
      %add3A_127 = arith.addf %scan3A_56#12, %unpack3A_125 : vector<16xf32>
      %add3A_128 = arith.addf %scan3A_56#13, %unpack3A_126 : vector<16xf32>
      %add3A_129 = arith.constant 7 : i32
      %add3A_130 = vector.broadcast %add3A_129 : i32 to vector<16xi32>
      %add3A_131 = arith.addi %add3A_68, %add3A_130 : vector<16xi32>
      %gather3A_132 = tpu.vector_load_idx %arg7[%add3A_131] : memref<26588xi32, #tpu.memory_space<vmem>>[vector<16xi32>], vector<16xi32>,
      %bitcast3A_133 = vector.bitcast %gather3A_132 : vector<16xi32> to vector<32xbf16>
      %unpack3A_134 = tpu.unpack_subelements %bitcast3A_133, 0 {pack_format = #tpu.pack_format<interleaved>} : vector<32xbf16> -> vector<16xf32>
      %unpack3A_135 = tpu.unpack_subelements %bitcast3A_133, 1 {pack_format = #tpu.pack_format<interleaved>} : vector<32xbf16> -> vector<16xf32>
      %add3A_136 = arith.addf %scan3A_56#14, %unpack3A_134 : vector<16xf32>
      %add3A_137 = arith.addf %scan3A_56#15, %unpack3A_135 : vector<16xf32>
      %mul3A_138 = arith.constant 16 : i32
      %mul3A_139 = arith.muli %scan3A_10, %mul3A_138 : i32
      %get3A_140 = arith.constant 1 : i32
      %get3A_141 = arith.index_cast %get3A_140 : i32 to index
      %get3A_142 = arith.index_cast %mul3A_139 : i32 to index
      %get3A_143 = tpu.vector_load %arg10[%get3A_141, %get3A_142] {strides = array<i32>} : memref<6x128xi32, #tpu.memory_space<vmem>>, vector<16xi32>,
      %mul3A_144 = arith.constant 17 : i32
      %mul3A_145 = vector.broadcast %mul3A_144 : i32 to vector<16xi32>
      %mul3A_146 = arith.muli %get3A_143, %mul3A_145 : vector<16xi32>
      %add3A_147 = arith.constant 26180 : i32
      %add3A_148 = vector.broadcast %add3A_147 : i32 to vector<16xi32>
      %add3A_149 = arith.addi %mul3A_146, %add3A_148 : vector<16xi32>
      %add3A_150 = arith.constant 0 : i32
      %add3A_151 = vector.broadcast %add3A_150 : i32 to vector<16xi32>
      %add3A_152 = arith.addi %add3A_149, %add3A_151 : vector<16xi32>
      %gather3A_153 = tpu.vector_load_idx %arg7[%add3A_152] : memref<26588xi32, #tpu.memory_space<vmem>>[vector<16xi32>], vector<16xi32>,
      %bitcast3A_154 = vector.bitcast %gather3A_153 : vector<16xi32> to vector<32xbf16>
      %unpack3A_155 = tpu.unpack_subelements %bitcast3A_154, 0 {pack_format = #tpu.pack_format<interleaved>} : vector<32xbf16> -> vector<16xf32>
      %unpack3A_156 = tpu.unpack_subelements %bitcast3A_154, 1 {pack_format = #tpu.pack_format<interleaved>} : vector<32xbf16> -> vector<16xf32>
      %add3A_157 = arith.addf %add3A_73, %unpack3A_155 : vector<16xf32>
      %add3A_158 = arith.addf %add3A_74, %unpack3A_156 : vector<16xf32>
      %add3A_159 = arith.constant 1 : i32
      %add3A_160 = vector.broadcast %add3A_159 : i32 to vector<16xi32>
      %add3A_161 = arith.addi %add3A_149, %add3A_160 : vector<16xi32>
      %gather3A_162 = tpu.vector_load_idx %arg7[%add3A_161] : memref<26588xi32, #tpu.memory_space<vmem>>[vector<16xi32>], vector<16xi32>,
      %bitcast3A_163 = vector.bitcast %gather3A_162 : vector<16xi32> to vector<32xbf16>
      %unpack3A_164 = tpu.unpack_subelements %bitcast3A_163, 0 {pack_format = #tpu.pack_format<interleaved>} : vector<32xbf16> -> vector<16xf32>
      %unpack3A_165 = tpu.unpack_subelements %bitcast3A_163, 1 {pack_format = #tpu.pack_format<interleaved>} : vector<32xbf16> -> vector<16xf32>
      %add3A_166 = arith.addf %add3A_82, %unpack3A_164 : vector<16xf32>
      %add3A_167 = arith.addf %add3A_83, %unpack3A_165 : vector<16xf32>
      %add3A_168 = arith.constant 2 : i32
      %add3A_169 = vector.broadcast %add3A_168 : i32 to vector<16xi32>
      %add3A_170 = arith.addi %add3A_149, %add3A_169 : vector<16xi32>
      %gather3A_171 = tpu.vector_load_idx %arg7[%add3A_170] : memref<26588xi32, #tpu.memory_space<vmem>>[vector<16xi32>], vector<16xi32>,
      %bitcast3A_172 = vector.bitcast %gather3A_171 : vector<16xi32> to vector<32xbf16>
      %unpack3A_173 = tpu.unpack_subelements %bitcast3A_172, 0 {pack_format = #tpu.pack_format<interleaved>} : vector<32xbf16> -> vector<16xf32>
      %unpack3A_174 = tpu.unpack_subelements %bitcast3A_172, 1 {pack_format = #tpu.pack_format<interleaved>} : vector<32xbf16> -> vector<16xf32>
      %add3A_175 = arith.addf %add3A_91, %unpack3A_173 : vector<16xf32>
      %add3A_176 = arith.addf %add3A_92, %unpack3A_174 : vector<16xf32>
      %add3A_177 = arith.constant 3 : i32
      %add3A_178 = vector.broadcast %add3A_177 : i32 to vector<16xi32>
      %add3A_179 = arith.addi %add3A_149, %add3A_178 : vector<16xi32>
      %gather3A_180 = tpu.vector_load_idx %arg7[%add3A_179] : memref<26588xi32, #tpu.memory_space<vmem>>[vector<16xi32>], vector<16xi32>,
      %bitcast3A_181 = vector.bitcast %gather3A_180 : vector<16xi32> to vector<32xbf16>
      %unpack3A_182 = tpu.unpack_subelements %bitcast3A_181, 0 {pack_format = #tpu.pack_format<interleaved>} : vector<32xbf16> -> vector<16xf32>
      %unpack3A_183 = tpu.unpack_subelements %bitcast3A_181, 1 {pack_format = #tpu.pack_format<interleaved>} : vector<32xbf16> -> vector<16xf32>
      %add3A_184 = arith.addf %add3A_100, %unpack3A_182 : vector<16xf32>
      %add3A_185 = arith.addf %add3A_101, %unpack3A_183 : vector<16xf32>
      %add3A_186 = arith.constant 4 : i32
      %add3A_187 = vector.broadcast %add3A_186 : i32 to vector<16xi32>
      %add3A_188 = arith.addi %add3A_149, %add3A_187 : vector<16xi32>
      %gather3A_189 = tpu.vector_load_idx %arg7[%add3A_188] : memref<26588xi32, #tpu.memory_space<vmem>>[vector<16xi32>], vector<16xi32>,
      %bitcast3A_190 = vector.bitcast %gather3A_189 : vector<16xi32> to vector<32xbf16>
      %unpack3A_191 = tpu.unpack_subelements %bitcast3A_190, 0 {pack_format = #tpu.pack_format<interleaved>} : vector<32xbf16> -> vector<16xf32>
      %unpack3A_192 = tpu.unpack_subelements %bitcast3A_190, 1 {pack_format = #tpu.pack_format<interleaved>} : vector<32xbf16> -> vector<16xf32>
      %add3A_193 = arith.addf %add3A_109, %unpack3A_191 : vector<16xf32>
      %add3A_194 = arith.addf %add3A_110, %unpack3A_192 : vector<16xf32>
      %add3A_195 = arith.constant 5 : i32
      %add3A_196 = vector.broadcast %add3A_195 : i32 to vector<16xi32>
      %add3A_197 = arith.addi %add3A_149, %add3A_196 : vector<16xi32>
      %gather3A_198 = tpu.vector_load_idx %arg7[%add3A_197] : memref<26588xi32, #tpu.memory_space<vmem>>[vector<16xi32>], vector<16xi32>,
      %bitcast3A_199 = vector.bitcast %gather3A_198 : vector<16xi32> to vector<32xbf16>
      %unpack3A_200 = tpu.unpack_subelements %bitcast3A_199, 0 {pack_format = #tpu.pack_format<interleaved>} : vector<32xbf16> -> vector<16xf32>
      %unpack3A_201 = tpu.unpack_subelements %bitcast3A_199, 1 {pack_format = #tpu.pack_format<interleaved>} : vector<32xbf16> -> vector<16xf32>
      %add3A_202 = arith.addf %add3A_118, %unpack3A_200 : vector<16xf32>
      %add3A_203 = arith.addf %add3A_119, %unpack3A_201 : vector<16xf32>
      %add3A_204 = arith.constant 6 : i32
      %add3A_205 = vector.broadcast %add3A_204 : i32 to vector<16xi32>
      %add3A_206 = arith.addi %add3A_149, %add3A_205 : vector<16xi32>
      %gather3A_207 = tpu.vector_load_idx %arg7[%add3A_206] : memref<26588xi32, #tpu.memory_space<vmem>>[vector<16xi32>], vector<16xi32>,
      %bitcast3A_208 = vector.bitcast %gather3A_207 : vector<16xi32> to vector<32xbf16>
      %unpack3A_209 = tpu.unpack_subelements %bitcast3A_208, 0 {pack_format = #tpu.pack_format<interleaved>} : vector<32xbf16> -> vector<16xf32>
      %unpack3A_210 = tpu.unpack_subelements %bitcast3A_208, 1 {pack_format = #tpu.pack_format<interleaved>} : vector<32xbf16> -> vector<16xf32>
      %add3A_211 = arith.addf %add3A_127, %unpack3A_209 : vector<16xf32>
      %add3A_212 = arith.addf %add3A_128, %unpack3A_210 : vector<16xf32>
      %add3A_213 = arith.constant 7 : i32
      %add3A_214 = vector.broadcast %add3A_213 : i32 to vector<16xi32>
      %add3A_215 = arith.addi %add3A_149, %add3A_214 : vector<16xi32>
      %gather3A_216 = tpu.vector_load_idx %arg7[%add3A_215] : memref<26588xi32, #tpu.memory_space<vmem>>[vector<16xi32>], vector<16xi32>,
      %bitcast3A_217 = vector.bitcast %gather3A_216 : vector<16xi32> to vector<32xbf16>
      %unpack3A_218 = tpu.unpack_subelements %bitcast3A_217, 0 {pack_format = #tpu.pack_format<interleaved>} : vector<32xbf16> -> vector<16xf32>
      %unpack3A_219 = tpu.unpack_subelements %bitcast3A_217, 1 {pack_format = #tpu.pack_format<interleaved>} : vector<32xbf16> -> vector<16xf32>
      %add3A_220 = arith.addf %add3A_136, %unpack3A_218 : vector<16xf32>
      %add3A_221 = arith.addf %add3A_137, %unpack3A_219 : vector<16xf32>
      %mul3A_222 = arith.constant 16 : i32
      %mul3A_223 = arith.muli %scan3A_10, %mul3A_222 : i32
      %get3A_224 = arith.constant 2 : i32
      %get3A_225 = arith.index_cast %get3A_224 : i32 to index
      %get3A_226 = arith.index_cast %mul3A_223 : i32 to index
      %get3A_227 = tpu.vector_load %arg10[%get3A_225, %get3A_226] {strides = array<i32>} : memref<6x128xi32, #tpu.memory_space<vmem>>, vector<16xi32>,
      %mul3A_228 = arith.constant 17 : i32
      %mul3A_229 = vector.broadcast %mul3A_228 : i32 to vector<16xi32>
      %mul3A_230 = arith.muli %get3A_227, %mul3A_229 : vector<16xi32>
      %add3A_231 = arith.constant 26248 : i32
      %add3A_232 = vector.broadcast %add3A_231 : i32 to vector<16xi32>
      %add3A_233 = arith.addi %mul3A_230, %add3A_232 : vector<16xi32>
      %add3A_234 = arith.constant 0 : i32
      %add3A_235 = vector.broadcast %add3A_234 : i32 to vector<16xi32>
      %add3A_236 = arith.addi %add3A_233, %add3A_235 : vector<16xi32>
      %gather3A_237 = tpu.vector_load_idx %arg7[%add3A_236] : memref<26588xi32, #tpu.memory_space<vmem>>[vector<16xi32>], vector<16xi32>,
      %bitcast3A_238 = vector.bitcast %gather3A_237 : vector<16xi32> to vector<32xbf16>
      %unpack3A_239 = tpu.unpack_subelements %bitcast3A_238, 0 {pack_format = #tpu.pack_format<interleaved>} : vector<32xbf16> -> vector<16xf32>
      %unpack3A_240 = tpu.unpack_subelements %bitcast3A_238, 1 {pack_format = #tpu.pack_format<interleaved>} : vector<32xbf16> -> vector<16xf32>
      %add3A_241 = arith.addf %add3A_157, %unpack3A_239 : vector<16xf32>
      %add3A_242 = arith.addf %add3A_158, %unpack3A_240 : vector<16xf32>
      %add3A_243 = arith.constant 1 : i32
      %add3A_244 = vector.broadcast %add3A_243 : i32 to vector<16xi32>
      %add3A_245 = arith.addi %add3A_233, %add3A_244 : vector<16xi32>
      %gather3A_246 = tpu.vector_load_idx %arg7[%add3A_245] : memref<26588xi32, #tpu.memory_space<vmem>>[vector<16xi32>], vector<16xi32>,
      %bitcast3A_247 = vector.bitcast %gather3A_246 : vector<16xi32> to vector<32xbf16>
      %unpack3A_248 = tpu.unpack_subelements %bitcast3A_247, 0 {pack_format = #tpu.pack_format<interleaved>} : vector<32xbf16> -> vector<16xf32>
      %unpack3A_249 = tpu.unpack_subelements %bitcast3A_247, 1 {pack_format = #tpu.pack_format<interleaved>} : vector<32xbf16> -> vector<16xf32>
      %add3A_250 = arith.addf %add3A_166, %unpack3A_248 : vector<16xf32>
      %add3A_251 = arith.addf %add3A_167, %unpack3A_249 : vector<16xf32>
      %add3A_252 = arith.constant 2 : i32
      %add3A_253 = vector.broadcast %add3A_252 : i32 to vector<16xi32>
      %add3A_254 = arith.addi %add3A_233, %add3A_253 : vector<16xi32>
      %gather3A_255 = tpu.vector_load_idx %arg7[%add3A_254] : memref<26588xi32, #tpu.memory_space<vmem>>[vector<16xi32>], vector<16xi32>,
      %bitcast3A_256 = vector.bitcast %gather3A_255 : vector<16xi32> to vector<32xbf16>
      %unpack3A_257 = tpu.unpack_subelements %bitcast3A_256, 0 {pack_format = #tpu.pack_format<interleaved>} : vector<32xbf16> -> vector<16xf32>
      %unpack3A_258 = tpu.unpack_subelements %bitcast3A_256, 1 {pack_format = #tpu.pack_format<interleaved>} : vector<32xbf16> -> vector<16xf32>
      %add3A_259 = arith.addf %add3A_175, %unpack3A_257 : vector<16xf32>
      %add3A_260 = arith.addf %add3A_176, %unpack3A_258 : vector<16xf32>
      %add3A_261 = arith.constant 3 : i32
      %add3A_262 = vector.broadcast %add3A_261 : i32 to vector<16xi32>
      %add3A_263 = arith.addi %add3A_233, %add3A_262 : vector<16xi32>
      %gather3A_264 = tpu.vector_load_idx %arg7[%add3A_263] : memref<26588xi32, #tpu.memory_space<vmem>>[vector<16xi32>], vector<16xi32>,
      %bitcast3A_265 = vector.bitcast %gather3A_264 : vector<16xi32> to vector<32xbf16>
      %unpack3A_266 = tpu.unpack_subelements %bitcast3A_265, 0 {pack_format = #tpu.pack_format<interleaved>} : vector<32xbf16> -> vector<16xf32>
      %unpack3A_267 = tpu.unpack_subelements %bitcast3A_265, 1 {pack_format = #tpu.pack_format<interleaved>} : vector<32xbf16> -> vector<16xf32>
      %add3A_268 = arith.addf %add3A_184, %unpack3A_266 : vector<16xf32>
      %add3A_269 = arith.addf %add3A_185, %unpack3A_267 : vector<16xf32>
      %add3A_270 = arith.constant 4 : i32
      %add3A_271 = vector.broadcast %add3A_270 : i32 to vector<16xi32>
      %add3A_272 = arith.addi %add3A_233, %add3A_271 : vector<16xi32>
      %gather3A_273 = tpu.vector_load_idx %arg7[%add3A_272] : memref<26588xi32, #tpu.memory_space<vmem>>[vector<16xi32>], vector<16xi32>,
      %bitcast3A_274 = vector.bitcast %gather3A_273 : vector<16xi32> to vector<32xbf16>
      %unpack3A_275 = tpu.unpack_subelements %bitcast3A_274, 0 {pack_format = #tpu.pack_format<interleaved>} : vector<32xbf16> -> vector<16xf32>
      %unpack3A_276 = tpu.unpack_subelements %bitcast3A_274, 1 {pack_format = #tpu.pack_format<interleaved>} : vector<32xbf16> -> vector<16xf32>
      %add3A_277 = arith.addf %add3A_193, %unpack3A_275 : vector<16xf32>
      %add3A_278 = arith.addf %add3A_194, %unpack3A_276 : vector<16xf32>
      %add3A_279 = arith.constant 5 : i32
      %add3A_280 = vector.broadcast %add3A_279 : i32 to vector<16xi32>
      %add3A_281 = arith.addi %add3A_233, %add3A_280 : vector<16xi32>
      %gather3A_282 = tpu.vector_load_idx %arg7[%add3A_281] : memref<26588xi32, #tpu.memory_space<vmem>>[vector<16xi32>], vector<16xi32>,
      %bitcast3A_283 = vector.bitcast %gather3A_282 : vector<16xi32> to vector<32xbf16>
      %unpack3A_284 = tpu.unpack_subelements %bitcast3A_283, 0 {pack_format = #tpu.pack_format<interleaved>} : vector<32xbf16> -> vector<16xf32>
      %unpack3A_285 = tpu.unpack_subelements %bitcast3A_283, 1 {pack_format = #tpu.pack_format<interleaved>} : vector<32xbf16> -> vector<16xf32>
      %add3A_286 = arith.addf %add3A_202, %unpack3A_284 : vector<16xf32>
      %add3A_287 = arith.addf %add3A_203, %unpack3A_285 : vector<16xf32>
      %add3A_288 = arith.constant 6 : i32
      %add3A_289 = vector.broadcast %add3A_288 : i32 to vector<16xi32>
      %add3A_290 = arith.addi %add3A_233, %add3A_289 : vector<16xi32>
      %gather3A_291 = tpu.vector_load_idx %arg7[%add3A_290] : memref<26588xi32, #tpu.memory_space<vmem>>[vector<16xi32>], vector<16xi32>,
      %bitcast3A_292 = vector.bitcast %gather3A_291 : vector<16xi32> to vector<32xbf16>
      %unpack3A_293 = tpu.unpack_subelements %bitcast3A_292, 0 {pack_format = #tpu.pack_format<interleaved>} : vector<32xbf16> -> vector<16xf32>
      %unpack3A_294 = tpu.unpack_subelements %bitcast3A_292, 1 {pack_format = #tpu.pack_format<interleaved>} : vector<32xbf16> -> vector<16xf32>
      %add3A_295 = arith.addf %add3A_211, %unpack3A_293 : vector<16xf32>
      %add3A_296 = arith.addf %add3A_212, %unpack3A_294 : vector<16xf32>
      %add3A_297 = arith.constant 7 : i32
      %add3A_298 = vector.broadcast %add3A_297 : i32 to vector<16xi32>
      %add3A_299 = arith.addi %add3A_233, %add3A_298 : vector<16xi32>
      %gather3A_300 = tpu.vector_load_idx %arg7[%add3A_299] : memref<26588xi32, #tpu.memory_space<vmem>>[vector<16xi32>], vector<16xi32>,
      %bitcast3A_301 = vector.bitcast %gather3A_300 : vector<16xi32> to vector<32xbf16>
      %unpack3A_302 = tpu.unpack_subelements %bitcast3A_301, 0 {pack_format = #tpu.pack_format<interleaved>} : vector<32xbf16> -> vector<16xf32>
      %unpack3A_303 = tpu.unpack_subelements %bitcast3A_301, 1 {pack_format = #tpu.pack_format<interleaved>} : vector<32xbf16> -> vector<16xf32>
      %add3A_304 = arith.addf %add3A_220, %unpack3A_302 : vector<16xf32>
      %add3A_305 = arith.addf %add3A_221, %unpack3A_303 : vector<16xf32>
      %mul3A_306 = arith.constant 16 : i32
      %mul3A_307 = arith.muli %scan3A_10, %mul3A_306 : i32
      %get3A_308 = arith.constant 3 : i32
      %get3A_309 = arith.index_cast %get3A_308 : i32 to index
      %get3A_310 = arith.index_cast %mul3A_307 : i32 to index
      %get3A_311 = tpu.vector_load %arg10[%get3A_309, %get3A_310] {strides = array<i32>} : memref<6x128xi32, #tpu.memory_space<vmem>>, vector<16xi32>,
      %mul3A_312 = arith.constant 17 : i32
      %mul3A_313 = vector.broadcast %mul3A_312 : i32 to vector<16xi32>
      %mul3A_314 = arith.muli %get3A_311, %mul3A_313 : vector<16xi32>
      %add3A_315 = arith.constant 26384 : i32
      %add3A_316 = vector.broadcast %add3A_315 : i32 to vector<16xi32>
      %add3A_317 = arith.addi %mul3A_314, %add3A_316 : vector<16xi32>
      %add3A_318 = arith.constant 0 : i32
      %add3A_319 = vector.broadcast %add3A_318 : i32 to vector<16xi32>
      %add3A_320 = arith.addi %add3A_317, %add3A_319 : vector<16xi32>
      %gather3A_321 = tpu.vector_load_idx %arg7[%add3A_320] : memref<26588xi32, #tpu.memory_space<vmem>>[vector<16xi32>], vector<16xi32>,
      %bitcast3A_322 = vector.bitcast %gather3A_321 : vector<16xi32> to vector<32xbf16>
      %unpack3A_323 = tpu.unpack_subelements %bitcast3A_322, 0 {pack_format = #tpu.pack_format<interleaved>} : vector<32xbf16> -> vector<16xf32>
      %unpack3A_324 = tpu.unpack_subelements %bitcast3A_322, 1 {pack_format = #tpu.pack_format<interleaved>} : vector<32xbf16> -> vector<16xf32>
      %add3A_325 = arith.addf %add3A_241, %unpack3A_323 : vector<16xf32>
      %add3A_326 = arith.addf %add3A_242, %unpack3A_324 : vector<16xf32>
      %add3A_327 = arith.constant 1 : i32
      %add3A_328 = vector.broadcast %add3A_327 : i32 to vector<16xi32>
      %add3A_329 = arith.addi %add3A_317, %add3A_328 : vector<16xi32>
      %gather3A_330 = tpu.vector_load_idx %arg7[%add3A_329] : memref<26588xi32, #tpu.memory_space<vmem>>[vector<16xi32>], vector<16xi32>,
      %bitcast3A_331 = vector.bitcast %gather3A_330 : vector<16xi32> to vector<32xbf16>
      %unpack3A_332 = tpu.unpack_subelements %bitcast3A_331, 0 {pack_format = #tpu.pack_format<interleaved>} : vector<32xbf16> -> vector<16xf32>
      %unpack3A_333 = tpu.unpack_subelements %bitcast3A_331, 1 {pack_format = #tpu.pack_format<interleaved>} : vector<32xbf16> -> vector<16xf32>
      %add3A_334 = arith.addf %add3A_250, %unpack3A_332 : vector<16xf32>
      %add3A_335 = arith.addf %add3A_251, %unpack3A_333 : vector<16xf32>
      %add3A_336 = arith.constant 2 : i32
      %add3A_337 = vector.broadcast %add3A_336 : i32 to vector<16xi32>
      %add3A_338 = arith.addi %add3A_317, %add3A_337 : vector<16xi32>
      %gather3A_339 = tpu.vector_load_idx %arg7[%add3A_338] : memref<26588xi32, #tpu.memory_space<vmem>>[vector<16xi32>], vector<16xi32>,
      %bitcast3A_340 = vector.bitcast %gather3A_339 : vector<16xi32> to vector<32xbf16>
      %unpack3A_341 = tpu.unpack_subelements %bitcast3A_340, 0 {pack_format = #tpu.pack_format<interleaved>} : vector<32xbf16> -> vector<16xf32>
      %unpack3A_342 = tpu.unpack_subelements %bitcast3A_340, 1 {pack_format = #tpu.pack_format<interleaved>} : vector<32xbf16> -> vector<16xf32>
      %add3A_343 = arith.addf %add3A_259, %unpack3A_341 : vector<16xf32>
      %add3A_344 = arith.addf %add3A_260, %unpack3A_342 : vector<16xf32>
      %add3A_345 = arith.constant 3 : i32
      %add3A_346 = vector.broadcast %add3A_345 : i32 to vector<16xi32>
      %add3A_347 = arith.addi %add3A_317, %add3A_346 : vector<16xi32>
      %gather3A_348 = tpu.vector_load_idx %arg7[%add3A_347] : memref<26588xi32, #tpu.memory_space<vmem>>[vector<16xi32>], vector<16xi32>,
      %bitcast3A_349 = vector.bitcast %gather3A_348 : vector<16xi32> to vector<32xbf16>
      %unpack3A_350 = tpu.unpack_subelements %bitcast3A_349, 0 {pack_format = #tpu.pack_format<interleaved>} : vector<32xbf16> -> vector<16xf32>
      %unpack3A_351 = tpu.unpack_subelements %bitcast3A_349, 1 {pack_format = #tpu.pack_format<interleaved>} : vector<32xbf16> -> vector<16xf32>
      %add3A_352 = arith.addf %add3A_268, %unpack3A_350 : vector<16xf32>
      %add3A_353 = arith.addf %add3A_269, %unpack3A_351 : vector<16xf32>
      %add3A_354 = arith.constant 4 : i32
      %add3A_355 = vector.broadcast %add3A_354 : i32 to vector<16xi32>
      %add3A_356 = arith.addi %add3A_317, %add3A_355 : vector<16xi32>
      %gather3A_357 = tpu.vector_load_idx %arg7[%add3A_356] : memref<26588xi32, #tpu.memory_space<vmem>>[vector<16xi32>], vector<16xi32>,
      %bitcast3A_358 = vector.bitcast %gather3A_357 : vector<16xi32> to vector<32xbf16>
      %unpack3A_359 = tpu.unpack_subelements %bitcast3A_358, 0 {pack_format = #tpu.pack_format<interleaved>} : vector<32xbf16> -> vector<16xf32>
      %unpack3A_360 = tpu.unpack_subelements %bitcast3A_358, 1 {pack_format = #tpu.pack_format<interleaved>} : vector<32xbf16> -> vector<16xf32>
      %add3A_361 = arith.addf %add3A_277, %unpack3A_359 : vector<16xf32>
      %add3A_362 = arith.addf %add3A_278, %unpack3A_360 : vector<16xf32>
      %add3A_363 = arith.constant 5 : i32
      %add3A_364 = vector.broadcast %add3A_363 : i32 to vector<16xi32>
      %add3A_365 = arith.addi %add3A_317, %add3A_364 : vector<16xi32>
      %gather3A_366 = tpu.vector_load_idx %arg7[%add3A_365] : memref<26588xi32, #tpu.memory_space<vmem>>[vector<16xi32>], vector<16xi32>,
      %bitcast3A_367 = vector.bitcast %gather3A_366 : vector<16xi32> to vector<32xbf16>
      %unpack3A_368 = tpu.unpack_subelements %bitcast3A_367, 0 {pack_format = #tpu.pack_format<interleaved>} : vector<32xbf16> -> vector<16xf32>
      %unpack3A_369 = tpu.unpack_subelements %bitcast3A_367, 1 {pack_format = #tpu.pack_format<interleaved>} : vector<32xbf16> -> vector<16xf32>
      %add3A_370 = arith.addf %add3A_286, %unpack3A_368 : vector<16xf32>
      %add3A_371 = arith.addf %add3A_287, %unpack3A_369 : vector<16xf32>
      %add3A_372 = arith.constant 6 : i32
      %add3A_373 = vector.broadcast %add3A_372 : i32 to vector<16xi32>
      %add3A_374 = arith.addi %add3A_317, %add3A_373 : vector<16xi32>
      %gather3A_375 = tpu.vector_load_idx %arg7[%add3A_374] : memref<26588xi32, #tpu.memory_space<vmem>>[vector<16xi32>], vector<16xi32>,
      %bitcast3A_376 = vector.bitcast %gather3A_375 : vector<16xi32> to vector<32xbf16>
      %unpack3A_377 = tpu.unpack_subelements %bitcast3A_376, 0 {pack_format = #tpu.pack_format<interleaved>} : vector<32xbf16> -> vector<16xf32>
      %unpack3A_378 = tpu.unpack_subelements %bitcast3A_376, 1 {pack_format = #tpu.pack_format<interleaved>} : vector<32xbf16> -> vector<16xf32>
      %add3A_379 = arith.addf %add3A_295, %unpack3A_377 : vector<16xf32>
      %add3A_380 = arith.addf %add3A_296, %unpack3A_378 : vector<16xf32>
      %add3A_381 = arith.constant 7 : i32
      %add3A_382 = vector.broadcast %add3A_381 : i32 to vector<16xi32>
      %add3A_383 = arith.addi %add3A_317, %add3A_382 : vector<16xi32>
      %gather3A_384 = tpu.vector_load_idx %arg7[%add3A_383] : memref<26588xi32, #tpu.memory_space<vmem>>[vector<16xi32>], vector<16xi32>,
      %bitcast3A_385 = vector.bitcast %gather3A_384 : vector<16xi32> to vector<32xbf16>
      %unpack3A_386 = tpu.unpack_subelements %bitcast3A_385, 0 {pack_format = #tpu.pack_format<interleaved>} : vector<32xbf16> -> vector<16xf32>
      %unpack3A_387 = tpu.unpack_subelements %bitcast3A_385, 1 {pack_format = #tpu.pack_format<interleaved>} : vector<32xbf16> -> vector<16xf32>
      %add3A_388 = arith.addf %add3A_304, %unpack3A_386 : vector<16xf32>
      %add3A_389 = arith.addf %add3A_305, %unpack3A_387 : vector<16xf32>
      %mul3A_390 = arith.constant 16 : i32
      %mul3A_391 = arith.muli %scan3A_10, %mul3A_390 : i32
      %get3A_392 = arith.constant 4 : i32
      %get3A_393 = arith.index_cast %get3A_392 : i32 to index
      %get3A_394 = arith.index_cast %mul3A_391 : i32 to index
      %get3A_395 = tpu.vector_load %arg10[%get3A_393, %get3A_394] {strides = array<i32>} : memref<6x128xi32, #tpu.memory_space<vmem>>, vector<16xi32>,
      %mul3A_396 = arith.constant 17 : i32
      %mul3A_397 = vector.broadcast %mul3A_396 : i32 to vector<16xi32>
      %mul3A_398 = arith.muli %get3A_395, %mul3A_397 : vector<16xi32>
      %add3A_399 = arith.constant 26520 : i32
      %add3A_400 = vector.broadcast %add3A_399 : i32 to vector<16xi32>
      %add3A_401 = arith.addi %mul3A_398, %add3A_400 : vector<16xi32>
      %add3A_402 = arith.constant 0 : i32
      %add3A_403 = vector.broadcast %add3A_402 : i32 to vector<16xi32>
      %add3A_404 = arith.addi %add3A_401, %add3A_403 : vector<16xi32>
      %gather3A_405 = tpu.vector_load_idx %arg7[%add3A_404] : memref<26588xi32, #tpu.memory_space<vmem>>[vector<16xi32>], vector<16xi32>,
      %bitcast3A_406 = vector.bitcast %gather3A_405 : vector<16xi32> to vector<32xbf16>
      %unpack3A_407 = tpu.unpack_subelements %bitcast3A_406, 0 {pack_format = #tpu.pack_format<interleaved>} : vector<32xbf16> -> vector<16xf32>
      %unpack3A_408 = tpu.unpack_subelements %bitcast3A_406, 1 {pack_format = #tpu.pack_format<interleaved>} : vector<32xbf16> -> vector<16xf32>
      %add3A_409 = arith.addf %add3A_325, %unpack3A_407 : vector<16xf32>
      %add3A_410 = arith.addf %add3A_326, %unpack3A_408 : vector<16xf32>
      %add3A_411 = arith.constant 1 : i32
      %add3A_412 = vector.broadcast %add3A_411 : i32 to vector<16xi32>
      %add3A_413 = arith.addi %add3A_401, %add3A_412 : vector<16xi32>
      %gather3A_414 = tpu.vector_load_idx %arg7[%add3A_413] : memref<26588xi32, #tpu.memory_space<vmem>>[vector<16xi32>], vector<16xi32>,
      %bitcast3A_415 = vector.bitcast %gather3A_414 : vector<16xi32> to vector<32xbf16>
      %unpack3A_416 = tpu.unpack_subelements %bitcast3A_415, 0 {pack_format = #tpu.pack_format<interleaved>} : vector<32xbf16> -> vector<16xf32>
      %unpack3A_417 = tpu.unpack_subelements %bitcast3A_415, 1 {pack_format = #tpu.pack_format<interleaved>} : vector<32xbf16> -> vector<16xf32>
      %add3A_418 = arith.addf %add3A_334, %unpack3A_416 : vector<16xf32>
      %add3A_419 = arith.addf %add3A_335, %unpack3A_417 : vector<16xf32>
      %add3A_420 = arith.constant 2 : i32
      %add3A_421 = vector.broadcast %add3A_420 : i32 to vector<16xi32>
      %add3A_422 = arith.addi %add3A_401, %add3A_421 : vector<16xi32>
      %gather3A_423 = tpu.vector_load_idx %arg7[%add3A_422] : memref<26588xi32, #tpu.memory_space<vmem>>[vector<16xi32>], vector<16xi32>,
      %bitcast3A_424 = vector.bitcast %gather3A_423 : vector<16xi32> to vector<32xbf16>
      %unpack3A_425 = tpu.unpack_subelements %bitcast3A_424, 0 {pack_format = #tpu.pack_format<interleaved>} : vector<32xbf16> -> vector<16xf32>
      %unpack3A_426 = tpu.unpack_subelements %bitcast3A_424, 1 {pack_format = #tpu.pack_format<interleaved>} : vector<32xbf16> -> vector<16xf32>
      %add3A_427 = arith.addf %add3A_343, %unpack3A_425 : vector<16xf32>
      %add3A_428 = arith.addf %add3A_344, %unpack3A_426 : vector<16xf32>
      %add3A_429 = arith.constant 3 : i32
      %add3A_430 = vector.broadcast %add3A_429 : i32 to vector<16xi32>
      %add3A_431 = arith.addi %add3A_401, %add3A_430 : vector<16xi32>
      %gather3A_432 = tpu.vector_load_idx %arg7[%add3A_431] : memref<26588xi32, #tpu.memory_space<vmem>>[vector<16xi32>], vector<16xi32>,
      %bitcast3A_433 = vector.bitcast %gather3A_432 : vector<16xi32> to vector<32xbf16>
      %unpack3A_434 = tpu.unpack_subelements %bitcast3A_433, 0 {pack_format = #tpu.pack_format<interleaved>} : vector<32xbf16> -> vector<16xf32>
      %unpack3A_435 = tpu.unpack_subelements %bitcast3A_433, 1 {pack_format = #tpu.pack_format<interleaved>} : vector<32xbf16> -> vector<16xf32>
      %add3A_436 = arith.addf %add3A_352, %unpack3A_434 : vector<16xf32>
      %add3A_437 = arith.addf %add3A_353, %unpack3A_435 : vector<16xf32>
      %add3A_438 = arith.constant 4 : i32
      %add3A_439 = vector.broadcast %add3A_438 : i32 to vector<16xi32>
      %add3A_440 = arith.addi %add3A_401, %add3A_439 : vector<16xi32>
      %gather3A_441 = tpu.vector_load_idx %arg7[%add3A_440] : memref<26588xi32, #tpu.memory_space<vmem>>[vector<16xi32>], vector<16xi32>,
      %bitcast3A_442 = vector.bitcast %gather3A_441 : vector<16xi32> to vector<32xbf16>
      %unpack3A_443 = tpu.unpack_subelements %bitcast3A_442, 0 {pack_format = #tpu.pack_format<interleaved>} : vector<32xbf16> -> vector<16xf32>
      %unpack3A_444 = tpu.unpack_subelements %bitcast3A_442, 1 {pack_format = #tpu.pack_format<interleaved>} : vector<32xbf16> -> vector<16xf32>
      %add3A_445 = arith.addf %add3A_361, %unpack3A_443 : vector<16xf32>
      %add3A_446 = arith.addf %add3A_362, %unpack3A_444 : vector<16xf32>
      %add3A_447 = arith.constant 5 : i32
      %add3A_448 = vector.broadcast %add3A_447 : i32 to vector<16xi32>
      %add3A_449 = arith.addi %add3A_401, %add3A_448 : vector<16xi32>
      %gather3A_450 = tpu.vector_load_idx %arg7[%add3A_449] : memref<26588xi32, #tpu.memory_space<vmem>>[vector<16xi32>], vector<16xi32>,
      %bitcast3A_451 = vector.bitcast %gather3A_450 : vector<16xi32> to vector<32xbf16>
      %unpack3A_452 = tpu.unpack_subelements %bitcast3A_451, 0 {pack_format = #tpu.pack_format<interleaved>} : vector<32xbf16> -> vector<16xf32>
      %unpack3A_453 = tpu.unpack_subelements %bitcast3A_451, 1 {pack_format = #tpu.pack_format<interleaved>} : vector<32xbf16> -> vector<16xf32>
      %add3A_454 = arith.addf %add3A_370, %unpack3A_452 : vector<16xf32>
      %add3A_455 = arith.addf %add3A_371, %unpack3A_453 : vector<16xf32>
      %add3A_456 = arith.constant 6 : i32
      %add3A_457 = vector.broadcast %add3A_456 : i32 to vector<16xi32>
      %add3A_458 = arith.addi %add3A_401, %add3A_457 : vector<16xi32>
      %gather3A_459 = tpu.vector_load_idx %arg7[%add3A_458] : memref<26588xi32, #tpu.memory_space<vmem>>[vector<16xi32>], vector<16xi32>,
      %bitcast3A_460 = vector.bitcast %gather3A_459 : vector<16xi32> to vector<32xbf16>
      %unpack3A_461 = tpu.unpack_subelements %bitcast3A_460, 0 {pack_format = #tpu.pack_format<interleaved>} : vector<32xbf16> -> vector<16xf32>
      %unpack3A_462 = tpu.unpack_subelements %bitcast3A_460, 1 {pack_format = #tpu.pack_format<interleaved>} : vector<32xbf16> -> vector<16xf32>
      %add3A_463 = arith.addf %add3A_379, %unpack3A_461 : vector<16xf32>
      %add3A_464 = arith.addf %add3A_380, %unpack3A_462 : vector<16xf32>
      %add3A_465 = arith.constant 7 : i32
      %add3A_466 = vector.broadcast %add3A_465 : i32 to vector<16xi32>
      %add3A_467 = arith.addi %add3A_401, %add3A_466 : vector<16xi32>
      %gather3A_468 = tpu.vector_load_idx %arg7[%add3A_467] : memref<26588xi32, #tpu.memory_space<vmem>>[vector<16xi32>], vector<16xi32>,
      %bitcast3A_469 = vector.bitcast %gather3A_468 : vector<16xi32> to vector<32xbf16>
      %unpack3A_470 = tpu.unpack_subelements %bitcast3A_469, 0 {pack_format = #tpu.pack_format<interleaved>} : vector<32xbf16> -> vector<16xf32>
      %unpack3A_471 = tpu.unpack_subelements %bitcast3A_469, 1 {pack_format = #tpu.pack_format<interleaved>} : vector<32xbf16> -> vector<16xf32>
      %add3A_472 = arith.addf %add3A_388, %unpack3A_470 : vector<16xf32>
      %add3A_473 = arith.addf %add3A_389, %unpack3A_471 : vector<16xf32>
      %mul3A_474 = arith.constant 16 : i32
      %mul3A_475 = arith.muli %scan3A_10, %mul3A_474 : i32
      %get3A_476 = arith.constant 5 : i32
      %get3A_477 = arith.index_cast %get3A_476 : i32 to index
      %get3A_478 = arith.index_cast %mul3A_475 : i32 to index
      %get3A_479 = tpu.vector_load %arg10[%get3A_477, %get3A_478] {strides = array<i32>} : memref<6x128xi32, #tpu.memory_space<vmem>>, vector<16xi32>,
      %mul3A_480 = arith.constant 17 : i32
      %mul3A_481 = vector.broadcast %mul3A_480 : i32 to vector<16xi32>
      %mul3A_482 = arith.muli %get3A_479, %mul3A_481 : vector<16xi32>
      %add3A_483 = arith.constant 26554 : i32
      %add3A_484 = vector.broadcast %add3A_483 : i32 to vector<16xi32>
      %add3A_485 = arith.addi %mul3A_482, %add3A_484 : vector<16xi32>
      %add3A_486 = arith.constant 0 : i32
      %add3A_487 = vector.broadcast %add3A_486 : i32 to vector<16xi32>
      %add3A_488 = arith.addi %add3A_485, %add3A_487 : vector<16xi32>
      %gather3A_489 = tpu.vector_load_idx %arg7[%add3A_488] : memref<26588xi32, #tpu.memory_space<vmem>>[vector<16xi32>], vector<16xi32>,
      %bitcast3A_490 = vector.bitcast %gather3A_489 : vector<16xi32> to vector<32xbf16>
      %unpack3A_491 = tpu.unpack_subelements %bitcast3A_490, 0 {pack_format = #tpu.pack_format<interleaved>} : vector<32xbf16> -> vector<16xf32>
      %unpack3A_492 = tpu.unpack_subelements %bitcast3A_490, 1 {pack_format = #tpu.pack_format<interleaved>} : vector<32xbf16> -> vector<16xf32>
      %add3A_493 = arith.addf %add3A_409, %unpack3A_491 : vector<16xf32>
      %add3A_494 = arith.addf %add3A_410, %unpack3A_492 : vector<16xf32>
      %add3A_495 = arith.constant 1 : i32
      %add3A_496 = vector.broadcast %add3A_495 : i32 to vector<16xi32>
      %add3A_497 = arith.addi %add3A_485, %add3A_496 : vector<16xi32>
      %gather3A_498 = tpu.vector_load_idx %arg7[%add3A_497] : memref<26588xi32, #tpu.memory_space<vmem>>[vector<16xi32>], vector<16xi32>,
      %bitcast3A_499 = vector.bitcast %gather3A_498 : vector<16xi32> to vector<32xbf16>
      %unpack3A_500 = tpu.unpack_subelements %bitcast3A_499, 0 {pack_format = #tpu.pack_format<interleaved>} : vector<32xbf16> -> vector<16xf32>
      %unpack3A_501 = tpu.unpack_subelements %bitcast3A_499, 1 {pack_format = #tpu.pack_format<interleaved>} : vector<32xbf16> -> vector<16xf32>
      %add3A_502 = arith.addf %add3A_418, %unpack3A_500 : vector<16xf32>
      %add3A_503 = arith.addf %add3A_419, %unpack3A_501 : vector<16xf32>
      %add3A_504 = arith.constant 2 : i32
      %add3A_505 = vector.broadcast %add3A_504 : i32 to vector<16xi32>
      %add3A_506 = arith.addi %add3A_485, %add3A_505 : vector<16xi32>
      %gather3A_507 = tpu.vector_load_idx %arg7[%add3A_506] : memref<26588xi32, #tpu.memory_space<vmem>>[vector<16xi32>], vector<16xi32>,
      %bitcast3A_508 = vector.bitcast %gather3A_507 : vector<16xi32> to vector<32xbf16>
      %unpack3A_509 = tpu.unpack_subelements %bitcast3A_508, 0 {pack_format = #tpu.pack_format<interleaved>} : vector<32xbf16> -> vector<16xf32>
      %unpack3A_510 = tpu.unpack_subelements %bitcast3A_508, 1 {pack_format = #tpu.pack_format<interleaved>} : vector<32xbf16> -> vector<16xf32>
      %add3A_511 = arith.addf %add3A_427, %unpack3A_509 : vector<16xf32>
      %add3A_512 = arith.addf %add3A_428, %unpack3A_510 : vector<16xf32>
      %add3A_513 = arith.constant 3 : i32
      %add3A_514 = vector.broadcast %add3A_513 : i32 to vector<16xi32>
      %add3A_515 = arith.addi %add3A_485, %add3A_514 : vector<16xi32>
      %gather3A_516 = tpu.vector_load_idx %arg7[%add3A_515] : memref<26588xi32, #tpu.memory_space<vmem>>[vector<16xi32>], vector<16xi32>,
      %bitcast3A_517 = vector.bitcast %gather3A_516 : vector<16xi32> to vector<32xbf16>
      %unpack3A_518 = tpu.unpack_subelements %bitcast3A_517, 0 {pack_format = #tpu.pack_format<interleaved>} : vector<32xbf16> -> vector<16xf32>
      %unpack3A_519 = tpu.unpack_subelements %bitcast3A_517, 1 {pack_format = #tpu.pack_format<interleaved>} : vector<32xbf16> -> vector<16xf32>
      %add3A_520 = arith.addf %add3A_436, %unpack3A_518 : vector<16xf32>
      %add3A_521 = arith.addf %add3A_437, %unpack3A_519 : vector<16xf32>
      %add3A_522 = arith.constant 4 : i32
      %add3A_523 = vector.broadcast %add3A_522 : i32 to vector<16xi32>
      %add3A_524 = arith.addi %add3A_485, %add3A_523 : vector<16xi32>
      %gather3A_525 = tpu.vector_load_idx %arg7[%add3A_524] : memref<26588xi32, #tpu.memory_space<vmem>>[vector<16xi32>], vector<16xi32>,
      %bitcast3A_526 = vector.bitcast %gather3A_525 : vector<16xi32> to vector<32xbf16>
      %unpack3A_527 = tpu.unpack_subelements %bitcast3A_526, 0 {pack_format = #tpu.pack_format<interleaved>} : vector<32xbf16> -> vector<16xf32>
      %unpack3A_528 = tpu.unpack_subelements %bitcast3A_526, 1 {pack_format = #tpu.pack_format<interleaved>} : vector<32xbf16> -> vector<16xf32>
      %add3A_529 = arith.addf %add3A_445, %unpack3A_527 : vector<16xf32>
      %add3A_530 = arith.addf %add3A_446, %unpack3A_528 : vector<16xf32>
      %add3A_531 = arith.constant 5 : i32
      %add3A_532 = vector.broadcast %add3A_531 : i32 to vector<16xi32>
      %add3A_533 = arith.addi %add3A_485, %add3A_532 : vector<16xi32>
      %gather3A_534 = tpu.vector_load_idx %arg7[%add3A_533] : memref<26588xi32, #tpu.memory_space<vmem>>[vector<16xi32>], vector<16xi32>,
      %bitcast3A_535 = vector.bitcast %gather3A_534 : vector<16xi32> to vector<32xbf16>
      %unpack3A_536 = tpu.unpack_subelements %bitcast3A_535, 0 {pack_format = #tpu.pack_format<interleaved>} : vector<32xbf16> -> vector<16xf32>
      %unpack3A_537 = tpu.unpack_subelements %bitcast3A_535, 1 {pack_format = #tpu.pack_format<interleaved>} : vector<32xbf16> -> vector<16xf32>
      %add3A_538 = arith.addf %add3A_454, %unpack3A_536 : vector<16xf32>
      %add3A_539 = arith.addf %add3A_455, %unpack3A_537 : vector<16xf32>
      %add3A_540 = arith.constant 6 : i32
      %add3A_541 = vector.broadcast %add3A_540 : i32 to vector<16xi32>
      %add3A_542 = arith.addi %add3A_485, %add3A_541 : vector<16xi32>
      %gather3A_543 = tpu.vector_load_idx %arg7[%add3A_542] : memref<26588xi32, #tpu.memory_space<vmem>>[vector<16xi32>], vector<16xi32>,
      %bitcast3A_544 = vector.bitcast %gather3A_543 : vector<16xi32> to vector<32xbf16>
      %unpack3A_545 = tpu.unpack_subelements %bitcast3A_544, 0 {pack_format = #tpu.pack_format<interleaved>} : vector<32xbf16> -> vector<16xf32>
      %unpack3A_546 = tpu.unpack_subelements %bitcast3A_544, 1 {pack_format = #tpu.pack_format<interleaved>} : vector<32xbf16> -> vector<16xf32>
      %add3A_547 = arith.addf %add3A_463, %unpack3A_545 : vector<16xf32>
      %add3A_548 = arith.addf %add3A_464, %unpack3A_546 : vector<16xf32>
      %add3A_549 = arith.constant 7 : i32
      %add3A_550 = vector.broadcast %add3A_549 : i32 to vector<16xi32>
      %add3A_551 = arith.addi %add3A_485, %add3A_550 : vector<16xi32>
      %gather3A_552 = tpu.vector_load_idx %arg7[%add3A_551] : memref<26588xi32, #tpu.memory_space<vmem>>[vector<16xi32>], vector<16xi32>,
      %bitcast3A_553 = vector.bitcast %gather3A_552 : vector<16xi32> to vector<32xbf16>
      %unpack3A_554 = tpu.unpack_subelements %bitcast3A_553, 0 {pack_format = #tpu.pack_format<interleaved>} : vector<32xbf16> -> vector<16xf32>
      %unpack3A_555 = tpu.unpack_subelements %bitcast3A_553, 1 {pack_format = #tpu.pack_format<interleaved>} : vector<32xbf16> -> vector<16xf32>
      %add3A_556 = arith.addf %add3A_472, %unpack3A_554 : vector<16xf32>
      %add3A_557 = arith.addf %add3A_473, %unpack3A_555 : vector<16xf32>
      %mul3A_558 = arith.constant 32 : i32
      %mul3A_559 = vector.broadcast %mul3A_558 : i32 to vector<16xi32>
      %mul3A_560 = arith.muli %add3A_14, %mul3A_559 : vector<16xi32>
      %add3A_561 = arith.constant 0 : i32
      %add3A_562 = vector.broadcast %add3A_561 : i32 to vector<16xi32>
      %add3A_563 = arith.addi %mul3A_560, %add3A_562 : vector<16xi32>
      tpu.vector_store_idx %arg11[%add3A_563], %add3A_493 : memref<4096xf32, #tpu.memory_space<vmem>>[vector<16xi32>], vector<16xf32>,
      %mul3A_564 = arith.constant 32 : i32
      %mul3A_565 = vector.broadcast %mul3A_564 : i32 to vector<16xi32>
      %mul3A_566 = arith.muli %add3A_14, %mul3A_565 : vector<16xi32>
      %add3A_567 = arith.constant 1 : i32
      %add3A_568 = vector.broadcast %add3A_567 : i32 to vector<16xi32>
      %add3A_569 = arith.addi %mul3A_566, %add3A_568 : vector<16xi32>
      tpu.vector_store_idx %arg11[%add3A_569], %add3A_494 : memref<4096xf32, #tpu.memory_space<vmem>>[vector<16xi32>], vector<16xf32>,
      %mul3A_570 = arith.constant 32 : i32
      %mul3A_571 = vector.broadcast %mul3A_570 : i32 to vector<16xi32>
      %mul3A_572 = arith.muli %add3A_14, %mul3A_571 : vector<16xi32>
      %add3A_573 = arith.constant 2 : i32
      %add3A_574 = vector.broadcast %add3A_573 : i32 to vector<16xi32>
      %add3A_575 = arith.addi %mul3A_572, %add3A_574 : vector<16xi32>
      tpu.vector_store_idx %arg11[%add3A_575], %add3A_502 : memref<4096xf32, #tpu.memory_space<vmem>>[vector<16xi32>], vector<16xf32>,
      %mul3A_576 = arith.constant 32 : i32
      %mul3A_577 = vector.broadcast %mul3A_576 : i32 to vector<16xi32>
      %mul3A_578 = arith.muli %add3A_14, %mul3A_577 : vector<16xi32>
      %add3A_579 = arith.constant 3 : i32
      %add3A_580 = vector.broadcast %add3A_579 : i32 to vector<16xi32>
      %add3A_581 = arith.addi %mul3A_578, %add3A_580 : vector<16xi32>
      tpu.vector_store_idx %arg11[%add3A_581], %add3A_503 : memref<4096xf32, #tpu.memory_space<vmem>>[vector<16xi32>], vector<16xf32>,
      %mul3A_582 = arith.constant 32 : i32
      %mul3A_583 = vector.broadcast %mul3A_582 : i32 to vector<16xi32>
      %mul3A_584 = arith.muli %add3A_14, %mul3A_583 : vector<16xi32>
      %add3A_585 = arith.constant 4 : i32
      %add3A_586 = vector.broadcast %add3A_585 : i32 to vector<16xi32>
      %add3A_587 = arith.addi %mul3A_584, %add3A_586 : vector<16xi32>
      tpu.vector_store_idx %arg11[%add3A_587], %add3A_511 : memref<4096xf32, #tpu.memory_space<vmem>>[vector<16xi32>], vector<16xf32>,
      %mul3A_588 = arith.constant 32 : i32
      %mul3A_589 = vector.broadcast %mul3A_588 : i32 to vector<16xi32>
      %mul3A_590 = arith.muli %add3A_14, %mul3A_589 : vector<16xi32>
      %add3A_591 = arith.constant 5 : i32
      %add3A_592 = vector.broadcast %add3A_591 : i32 to vector<16xi32>
      %add3A_593 = arith.addi %mul3A_590, %add3A_592 : vector<16xi32>
      tpu.vector_store_idx %arg11[%add3A_593], %add3A_512 : memref<4096xf32, #tpu.memory_space<vmem>>[vector<16xi32>], vector<16xf32>,
      %mul3A_594 = arith.constant 32 : i32
      %mul3A_595 = vector.broadcast %mul3A_594 : i32 to vector<16xi32>
      %mul3A_596 = arith.muli %add3A_14, %mul3A_595 : vector<16xi32>
      %add3A_597 = arith.constant 6 : i32
      %add3A_598 = vector.broadcast %add3A_597 : i32 to vector<16xi32>
      %add3A_599 = arith.addi %mul3A_596, %add3A_598 : vector<16xi32>
      tpu.vector_store_idx %arg11[%add3A_599], %add3A_520 : memref<4096xf32, #tpu.memory_space<vmem>>[vector<16xi32>], vector<16xf32>,
      %mul3A_600 = arith.constant 32 : i32
      %mul3A_601 = vector.broadcast %mul3A_600 : i32 to vector<16xi32>
      %mul3A_602 = arith.muli %add3A_14, %mul3A_601 : vector<16xi32>
      %add3A_603 = arith.constant 7 : i32
      %add3A_604 = vector.broadcast %add3A_603 : i32 to vector<16xi32>
      %add3A_605 = arith.addi %mul3A_602, %add3A_604 : vector<16xi32>
      tpu.vector_store_idx %arg11[%add3A_605], %add3A_521 : memref<4096xf32, #tpu.memory_space<vmem>>[vector<16xi32>], vector<16xf32>,
      %mul3A_606 = arith.constant 32 : i32
      %mul3A_607 = vector.broadcast %mul3A_606 : i32 to vector<16xi32>
      %mul3A_608 = arith.muli %add3A_14, %mul3A_607 : vector<16xi32>
      %add3A_609 = arith.constant 8 : i32
      %add3A_610 = vector.broadcast %add3A_609 : i32 to vector<16xi32>
      %add3A_611 = arith.addi %mul3A_608, %add3A_610 : vector<16xi32>
      tpu.vector_store_idx %arg11[%add3A_611], %add3A_529 : memref<4096xf32, #tpu.memory_space<vmem>>[vector<16xi32>], vector<16xf32>,
      %mul3A_612 = arith.constant 32 : i32
      %mul3A_613 = vector.broadcast %mul3A_612 : i32 to vector<16xi32>
      %mul3A_614 = arith.muli %add3A_14, %mul3A_613 : vector<16xi32>
      %add3A_615 = arith.constant 9 : i32
      %add3A_616 = vector.broadcast %add3A_615 : i32 to vector<16xi32>
      %add3A_617 = arith.addi %mul3A_614, %add3A_616 : vector<16xi32>
      tpu.vector_store_idx %arg11[%add3A_617], %add3A_530 : memref<4096xf32, #tpu.memory_space<vmem>>[vector<16xi32>], vector<16xf32>,
      %mul3A_618 = arith.constant 32 : i32
      %mul3A_619 = vector.broadcast %mul3A_618 : i32 to vector<16xi32>
      %mul3A_620 = arith.muli %add3A_14, %mul3A_619 : vector<16xi32>
      %add3A_621 = arith.constant 10 : i32
      %add3A_622 = vector.broadcast %add3A_621 : i32 to vector<16xi32>
      %add3A_623 = arith.addi %mul3A_620, %add3A_622 : vector<16xi32>
      tpu.vector_store_idx %arg11[%add3A_623], %add3A_538 : memref<4096xf32, #tpu.memory_space<vmem>>[vector<16xi32>], vector<16xf32>,
      %mul3A_624 = arith.constant 32 : i32
      %mul3A_625 = vector.broadcast %mul3A_624 : i32 to vector<16xi32>
      %mul3A_626 = arith.muli %add3A_14, %mul3A_625 : vector<16xi32>
      %add3A_627 = arith.constant 11 : i32
      %add3A_628 = vector.broadcast %add3A_627 : i32 to vector<16xi32>
      %add3A_629 = arith.addi %mul3A_626, %add3A_628 : vector<16xi32>
      tpu.vector_store_idx %arg11[%add3A_629], %add3A_539 : memref<4096xf32, #tpu.memory_space<vmem>>[vector<16xi32>], vector<16xf32>,
      %mul3A_630 = arith.constant 32 : i32
      %mul3A_631 = vector.broadcast %mul3A_630 : i32 to vector<16xi32>
      %mul3A_632 = arith.muli %add3A_14, %mul3A_631 : vector<16xi32>
      %add3A_633 = arith.constant 12 : i32
      %add3A_634 = vector.broadcast %add3A_633 : i32 to vector<16xi32>
      %add3A_635 = arith.addi %mul3A_632, %add3A_634 : vector<16xi32>
      tpu.vector_store_idx %arg11[%add3A_635], %add3A_547 : memref<4096xf32, #tpu.memory_space<vmem>>[vector<16xi32>], vector<16xf32>,
      %mul3A_636 = arith.constant 32 : i32
      %mul3A_637 = vector.broadcast %mul3A_636 : i32 to vector<16xi32>
      %mul3A_638 = arith.muli %add3A_14, %mul3A_637 : vector<16xi32>
      %add3A_639 = arith.constant 13 : i32
      %add3A_640 = vector.broadcast %add3A_639 : i32 to vector<16xi32>
      %add3A_641 = arith.addi %mul3A_638, %add3A_640 : vector<16xi32>
      tpu.vector_store_idx %arg11[%add3A_641], %add3A_548 : memref<4096xf32, #tpu.memory_space<vmem>>[vector<16xi32>], vector<16xf32>,
      %mul3A_642 = arith.constant 32 : i32
      %mul3A_643 = vector.broadcast %mul3A_642 : i32 to vector<16xi32>
      %mul3A_644 = arith.muli %add3A_14, %mul3A_643 : vector<16xi32>
      %add3A_645 = arith.constant 14 : i32
      %add3A_646 = vector.broadcast %add3A_645 : i32 to vector<16xi32>
      %add3A_647 = arith.addi %mul3A_644, %add3A_646 : vector<16xi32>
      tpu.vector_store_idx %arg11[%add3A_647], %add3A_556 : memref<4096xf32, #tpu.memory_space<vmem>>[vector<16xi32>], vector<16xf32>,
      %mul3A_648 = arith.constant 32 : i32
      %mul3A_649 = vector.broadcast %mul3A_648 : i32 to vector<16xi32>
      %mul3A_650 = arith.muli %add3A_14, %mul3A_649 : vector<16xi32>
      %add3A_651 = arith.constant 15 : i32
      %add3A_652 = vector.broadcast %add3A_651 : i32 to vector<16xi32>
      %add3A_653 = arith.addi %mul3A_650, %add3A_652 : vector<16xi32>
      tpu.vector_store_idx %arg11[%add3A_653], %add3A_557 : memref<4096xf32, #tpu.memory_space<vmem>>[vector<16xi32>], vector<16xf32>,
      %broadcast_in_dim3A_654 = arith.constant 0.000000e+00 : f32
      %broadcast_in_dim3A_655 = vector.broadcast %broadcast_in_dim3A_654 : f32 to vector<16xf32>
      %broadcast_in_dim3A_656 = arith.constant 0.000000e+00 : f32
      %broadcast_in_dim3A_657 = vector.broadcast %broadcast_in_dim3A_656 : f32 to vector<16xf32>
      %broadcast_in_dim3A_658 = arith.constant 0.000000e+00 : f32
      %broadcast_in_dim3A_659 = vector.broadcast %broadcast_in_dim3A_658 : f32 to vector<16xf32>
      %broadcast_in_dim3A_660 = arith.constant 0.000000e+00 : f32
      %broadcast_in_dim3A_661 = vector.broadcast %broadcast_in_dim3A_660 : f32 to vector<16xf32>
      %broadcast_in_dim3A_662 = arith.constant 0.000000e+00 : f32
      %broadcast_in_dim3A_663 = vector.broadcast %broadcast_in_dim3A_662 : f32 to vector<16xf32>
      %broadcast_in_dim3A_664 = arith.constant 0.000000e+00 : f32
      %broadcast_in_dim3A_665 = vector.broadcast %broadcast_in_dim3A_664 : f32 to vector<16xf32>
      %broadcast_in_dim3A_666 = arith.constant 0.000000e+00 : f32
      %broadcast_in_dim3A_667 = vector.broadcast %broadcast_in_dim3A_666 : f32 to vector<16xf32>
      %broadcast_in_dim3A_668 = arith.constant 0.000000e+00 : f32
      %broadcast_in_dim3A_669 = vector.broadcast %broadcast_in_dim3A_668 : f32 to vector<16xf32>
      %broadcast_in_dim3A_670 = arith.constant 0.000000e+00 : f32
      %broadcast_in_dim3A_671 = vector.broadcast %broadcast_in_dim3A_670 : f32 to vector<16xf32>
      %broadcast_in_dim3A_672 = arith.constant 0.000000e+00 : f32
      %broadcast_in_dim3A_673 = vector.broadcast %broadcast_in_dim3A_672 : f32 to vector<16xf32>
      %broadcast_in_dim3A_674 = arith.constant 0.000000e+00 : f32
      %broadcast_in_dim3A_675 = vector.broadcast %broadcast_in_dim3A_674 : f32 to vector<16xf32>
      %broadcast_in_dim3A_676 = arith.constant 0.000000e+00 : f32
      %broadcast_in_dim3A_677 = vector.broadcast %broadcast_in_dim3A_676 : f32 to vector<16xf32>
      %broadcast_in_dim3A_678 = arith.constant 0.000000e+00 : f32
      %broadcast_in_dim3A_679 = vector.broadcast %broadcast_in_dim3A_678 : f32 to vector<16xf32>
      %broadcast_in_dim3A_680 = arith.constant 0.000000e+00 : f32
      %broadcast_in_dim3A_681 = vector.broadcast %broadcast_in_dim3A_680 : f32 to vector<16xf32>
      %broadcast_in_dim3A_682 = arith.constant 0.000000e+00 : f32
      %broadcast_in_dim3A_683 = vector.broadcast %broadcast_in_dim3A_682 : f32 to vector<16xf32>
      %broadcast_in_dim3A_684 = arith.constant 0.000000e+00 : f32
      %broadcast_in_dim3A_685 = vector.broadcast %broadcast_in_dim3A_684 : f32 to vector<16xf32>
      %scan3A_686 = arith.constant 0 : i32
      %scan3A_687 = arith.constant 64 : i32
      %scan3A_688 = arith.addi %scan3A_686, %scan3A_687 : i32
      %scan3A_689 = arith.constant 4 : i32
      %scan3A_690:16 = scf.for %scan3A_1298 = %scan3A_686 to %scan3A_688 step %scan3A_689 iter_args(%scan3A_1299 = %broadcast_in_dim3A_655, %scan3A_1300 = %broadcast_in_dim3A_657, %scan3A_1301 = %broadcast_in_dim3A_659, %scan3A_1302 = %broadcast_in_dim3A_661, %scan3A_1303 = %broadcast_in_dim3A_663, %scan3A_1304 = %broadcast_in_dim3A_665, %scan3A_1305 = %broadcast_in_dim3A_667, %scan3A_1306 = %broadcast_in_dim3A_669, %scan3A_1307 = %broadcast_in_dim3A_671, %scan3A_1308 = %broadcast_in_dim3A_673, %scan3A_1309 = %broadcast_in_dim3A_675, %scan3A_1310 = %broadcast_in_dim3A_677, %scan3A_1311 = %broadcast_in_dim3A_679, %scan3A_1312 = %broadcast_in_dim3A_681, %scan3A_1313 = %broadcast_in_dim3A_683, %scan3A_1314 = %broadcast_in_dim3A_685) -> (vector<16xf32>, vector<16xf32>, vector<16xf32>, vector<16xf32>, vector<16xf32>, vector<16xf32>, vector<16xf32>, vector<16xf32>, vector<16xf32>, vector<16xf32>, vector<16xf32>, vector<16xf32>, vector<16xf32>, vector<16xf32>, vector<16xf32>, vector<16xf32>)  : i32 {
        %mul3A_1315 = arith.constant 16 : i32
        %mul3A_1316 = arith.muli %scan3A_10, %mul3A_1315 : i32
        %get3A_1317 = arith.index_cast %scan3A_1298 : i32 to index
        %get3A_1318 = arith.index_cast %mul3A_1316 : i32 to index
        %get3A_1319 = tpu.vector_load %arg8[%get3A_1317, %get3A_1318] {strides = array<i32>} : memref<64x128xi32, #tpu.memory_space<vmem>>, vector<16xi32>,
        %mul3A_1320 = arith.constant 17 : i32
        %mul3A_1321 = vector.broadcast %mul3A_1320 : i32 to vector<16xi32>
        %mul3A_1322 = arith.muli %get3A_1319, %mul3A_1321 : vector<16xi32>
        %mul3A_1323 = arith.constant 204 : i32
        %mul3A_1324 = arith.muli %scan3A_1298, %mul3A_1323 : i32
        %add3A_1325 = arith.constant 0 : i32
        %add3A_1326 = arith.addi %mul3A_1324, %add3A_1325 : i32
        %add3A_1327 = vector.broadcast %add3A_1326 : i32 to vector<16xi32>
        %add3A_1328 = arith.addi %mul3A_1322, %add3A_1327 : vector<16xi32>
        %add3A_1329 = arith.constant 8 : i32
        %add3A_1330 = vector.broadcast %add3A_1329 : i32 to vector<16xi32>
        %add3A_1331 = arith.addi %add3A_1328, %add3A_1330 : vector<16xi32>
        %gather3A_1332 = tpu.vector_load_idx %arg7[%add3A_1331] : memref<26588xi32, #tpu.memory_space<vmem>>[vector<16xi32>], vector<16xi32>,
        %bitcast3A_1333 = vector.bitcast %gather3A_1332 : vector<16xi32> to vector<32xbf16>
        %unpack3A_1334 = tpu.unpack_subelements %bitcast3A_1333, 0 {pack_format = #tpu.pack_format<interleaved>} : vector<32xbf16> -> vector<16xf32>
        %unpack3A_1335 = tpu.unpack_subelements %bitcast3A_1333, 1 {pack_format = #tpu.pack_format<interleaved>} : vector<32xbf16> -> vector<16xf32>
        %add3A_1336 = arith.addf %scan3A_1299, %unpack3A_1334 : vector<16xf32>
        %add3A_1337 = arith.addf %scan3A_1300, %unpack3A_1335 : vector<16xf32>
        %add3A_1338 = arith.constant 9 : i32
        %add3A_1339 = vector.broadcast %add3A_1338 : i32 to vector<16xi32>
        %add3A_1340 = arith.addi %add3A_1328, %add3A_1339 : vector<16xi32>
        %gather3A_1341 = tpu.vector_load_idx %arg7[%add3A_1340] : memref<26588xi32, #tpu.memory_space<vmem>>[vector<16xi32>], vector<16xi32>,
        %bitcast3A_1342 = vector.bitcast %gather3A_1341 : vector<16xi32> to vector<32xbf16>
        %unpack3A_1343 = tpu.unpack_subelements %bitcast3A_1342, 0 {pack_format = #tpu.pack_format<interleaved>} : vector<32xbf16> -> vector<16xf32>
        %unpack3A_1344 = tpu.unpack_subelements %bitcast3A_1342, 1 {pack_format = #tpu.pack_format<interleaved>} : vector<32xbf16> -> vector<16xf32>
        %add3A_1345 = arith.addf %scan3A_1301, %unpack3A_1343 : vector<16xf32>
        %add3A_1346 = arith.addf %scan3A_1302, %unpack3A_1344 : vector<16xf32>
        %add3A_1347 = arith.constant 10 : i32
        %add3A_1348 = vector.broadcast %add3A_1347 : i32 to vector<16xi32>
        %add3A_1349 = arith.addi %add3A_1328, %add3A_1348 : vector<16xi32>
        %gather3A_1350 = tpu.vector_load_idx %arg7[%add3A_1349] : memref<26588xi32, #tpu.memory_space<vmem>>[vector<16xi32>], vector<16xi32>,
        %bitcast3A_1351 = vector.bitcast %gather3A_1350 : vector<16xi32> to vector<32xbf16>
        %unpack3A_1352 = tpu.unpack_subelements %bitcast3A_1351, 0 {pack_format = #tpu.pack_format<interleaved>} : vector<32xbf16> -> vector<16xf32>
        %unpack3A_1353 = tpu.unpack_subelements %bitcast3A_1351, 1 {pack_format = #tpu.pack_format<interleaved>} : vector<32xbf16> -> vector<16xf32>
        %add3A_1354 = arith.addf %scan3A_1303, %unpack3A_1352 : vector<16xf32>
        %add3A_1355 = arith.addf %scan3A_1304, %unpack3A_1353 : vector<16xf32>
        %add3A_1356 = arith.constant 11 : i32
        %add3A_1357 = vector.broadcast %add3A_1356 : i32 to vector<16xi32>
        %add3A_1358 = arith.addi %add3A_1328, %add3A_1357 : vector<16xi32>
        %gather3A_1359 = tpu.vector_load_idx %arg7[%add3A_1358] : memref<26588xi32, #tpu.memory_space<vmem>>[vector<16xi32>], vector<16xi32>,
        %bitcast3A_1360 = vector.bitcast %gather3A_1359 : vector<16xi32> to vector<32xbf16>
        %unpack3A_1361 = tpu.unpack_subelements %bitcast3A_1360, 0 {pack_format = #tpu.pack_format<interleaved>} : vector<32xbf16> -> vector<16xf32>
        %unpack3A_1362 = tpu.unpack_subelements %bitcast3A_1360, 1 {pack_format = #tpu.pack_format<interleaved>} : vector<32xbf16> -> vector<16xf32>
        %add3A_1363 = arith.addf %scan3A_1305, %unpack3A_1361 : vector<16xf32>
        %add3A_1364 = arith.addf %scan3A_1306, %unpack3A_1362 : vector<16xf32>
        %add3A_1365 = arith.constant 12 : i32
        %add3A_1366 = vector.broadcast %add3A_1365 : i32 to vector<16xi32>
        %add3A_1367 = arith.addi %add3A_1328, %add3A_1366 : vector<16xi32>
        %gather3A_1368 = tpu.vector_load_idx %arg7[%add3A_1367] : memref<26588xi32, #tpu.memory_space<vmem>>[vector<16xi32>], vector<16xi32>,
        %bitcast3A_1369 = vector.bitcast %gather3A_1368 : vector<16xi32> to vector<32xbf16>
        %unpack3A_1370 = tpu.unpack_subelements %bitcast3A_1369, 0 {pack_format = #tpu.pack_format<interleaved>} : vector<32xbf16> -> vector<16xf32>
        %unpack3A_1371 = tpu.unpack_subelements %bitcast3A_1369, 1 {pack_format = #tpu.pack_format<interleaved>} : vector<32xbf16> -> vector<16xf32>
        %add3A_1372 = arith.addf %scan3A_1307, %unpack3A_1370 : vector<16xf32>
        %add3A_1373 = arith.addf %scan3A_1308, %unpack3A_1371 : vector<16xf32>
        %add3A_1374 = arith.constant 13 : i32
        %add3A_1375 = vector.broadcast %add3A_1374 : i32 to vector<16xi32>
        %add3A_1376 = arith.addi %add3A_1328, %add3A_1375 : vector<16xi32>
        %gather3A_1377 = tpu.vector_load_idx %arg7[%add3A_1376] : memref<26588xi32, #tpu.memory_space<vmem>>[vector<16xi32>], vector<16xi32>,
        %bitcast3A_1378 = vector.bitcast %gather3A_1377 : vector<16xi32> to vector<32xbf16>
        %unpack3A_1379 = tpu.unpack_subelements %bitcast3A_1378, 0 {pack_format = #tpu.pack_format<interleaved>} : vector<32xbf16> -> vector<16xf32>
        %unpack3A_1380 = tpu.unpack_subelements %bitcast3A_1378, 1 {pack_format = #tpu.pack_format<interleaved>} : vector<32xbf16> -> vector<16xf32>
        %add3A_1381 = arith.addf %scan3A_1309, %unpack3A_1379 : vector<16xf32>
        %add3A_1382 = arith.addf %scan3A_1310, %unpack3A_1380 : vector<16xf32>
        %add3A_1383 = arith.constant 14 : i32
        %add3A_1384 = vector.broadcast %add3A_1383 : i32 to vector<16xi32>
        %add3A_1385 = arith.addi %add3A_1328, %add3A_1384 : vector<16xi32>
        %gather3A_1386 = tpu.vector_load_idx %arg7[%add3A_1385] : memref<26588xi32, #tpu.memory_space<vmem>>[vector<16xi32>], vector<16xi32>,
        %bitcast3A_1387 = vector.bitcast %gather3A_1386 : vector<16xi32> to vector<32xbf16>
        %unpack3A_1388 = tpu.unpack_subelements %bitcast3A_1387, 0 {pack_format = #tpu.pack_format<interleaved>} : vector<32xbf16> -> vector<16xf32>
        %unpack3A_1389 = tpu.unpack_subelements %bitcast3A_1387, 1 {pack_format = #tpu.pack_format<interleaved>} : vector<32xbf16> -> vector<16xf32>
        %add3A_1390 = arith.addf %scan3A_1311, %unpack3A_1388 : vector<16xf32>
        %add3A_1391 = arith.addf %scan3A_1312, %unpack3A_1389 : vector<16xf32>
        %add3A_1392 = arith.constant 15 : i32
        %add3A_1393 = vector.broadcast %add3A_1392 : i32 to vector<16xi32>
        %add3A_1394 = arith.addi %add3A_1328, %add3A_1393 : vector<16xi32>
        %gather3A_1395 = tpu.vector_load_idx %arg7[%add3A_1394] : memref<26588xi32, #tpu.memory_space<vmem>>[vector<16xi32>], vector<16xi32>,
        %bitcast3A_1396 = vector.bitcast %gather3A_1395 : vector<16xi32> to vector<32xbf16>
        %unpack3A_1397 = tpu.unpack_subelements %bitcast3A_1396, 0 {pack_format = #tpu.pack_format<interleaved>} : vector<32xbf16> -> vector<16xf32>
        %unpack3A_1398 = tpu.unpack_subelements %bitcast3A_1396, 1 {pack_format = #tpu.pack_format<interleaved>} : vector<32xbf16> -> vector<16xf32>
        %add3A_1399 = arith.addf %scan3A_1313, %unpack3A_1397 : vector<16xf32>
        %add3A_1400 = arith.addf %scan3A_1314, %unpack3A_1398 : vector<16xf32>
        %scan3A_1401 = arith.constant 1 : i32
        %scan3A_1402 = arith.addi %scan3A_1298, %scan3A_1401 : i32
        %mul3A_1403 = arith.constant 16 : i32
        %mul3A_1404 = arith.muli %scan3A_10, %mul3A_1403 : i32
        %get3A_1405 = arith.index_cast %scan3A_1402 : i32 to index
        %get3A_1406 = arith.index_cast %mul3A_1404 : i32 to index
        %get3A_1407 = tpu.vector_load %arg8[%get3A_1405, %get3A_1406] {strides = array<i32>} : memref<64x128xi32, #tpu.memory_space<vmem>>, vector<16xi32>,
        %mul3A_1408 = arith.constant 17 : i32
        %mul3A_1409 = vector.broadcast %mul3A_1408 : i32 to vector<16xi32>
        %mul3A_1410 = arith.muli %get3A_1407, %mul3A_1409 : vector<16xi32>
        %mul3A_1411 = arith.constant 204 : i32
        %mul3A_1412 = arith.muli %scan3A_1402, %mul3A_1411 : i32
        %add3A_1413 = arith.constant 0 : i32
        %add3A_1414 = arith.addi %mul3A_1412, %add3A_1413 : i32
        %add3A_1415 = vector.broadcast %add3A_1414 : i32 to vector<16xi32>
        %add3A_1416 = arith.addi %mul3A_1410, %add3A_1415 : vector<16xi32>
        %add3A_1417 = arith.constant 8 : i32
        %add3A_1418 = vector.broadcast %add3A_1417 : i32 to vector<16xi32>
        %add3A_1419 = arith.addi %add3A_1416, %add3A_1418 : vector<16xi32>
        %gather3A_1420 = tpu.vector_load_idx %arg7[%add3A_1419] : memref<26588xi32, #tpu.memory_space<vmem>>[vector<16xi32>], vector<16xi32>,
        %bitcast3A_1421 = vector.bitcast %gather3A_1420 : vector<16xi32> to vector<32xbf16>
        %unpack3A_1422 = tpu.unpack_subelements %bitcast3A_1421, 0 {pack_format = #tpu.pack_format<interleaved>} : vector<32xbf16> -> vector<16xf32>
        %unpack3A_1423 = tpu.unpack_subelements %bitcast3A_1421, 1 {pack_format = #tpu.pack_format<interleaved>} : vector<32xbf16> -> vector<16xf32>
        %add3A_1424 = arith.addf %add3A_1336, %unpack3A_1422 : vector<16xf32>
        %add3A_1425 = arith.addf %add3A_1337, %unpack3A_1423 : vector<16xf32>
        %add3A_1426 = arith.constant 9 : i32
        %add3A_1427 = vector.broadcast %add3A_1426 : i32 to vector<16xi32>
        %add3A_1428 = arith.addi %add3A_1416, %add3A_1427 : vector<16xi32>
        %gather3A_1429 = tpu.vector_load_idx %arg7[%add3A_1428] : memref<26588xi32, #tpu.memory_space<vmem>>[vector<16xi32>], vector<16xi32>,
        %bitcast3A_1430 = vector.bitcast %gather3A_1429 : vector<16xi32> to vector<32xbf16>
        %unpack3A_1431 = tpu.unpack_subelements %bitcast3A_1430, 0 {pack_format = #tpu.pack_format<interleaved>} : vector<32xbf16> -> vector<16xf32>
        %unpack3A_1432 = tpu.unpack_subelements %bitcast3A_1430, 1 {pack_format = #tpu.pack_format<interleaved>} : vector<32xbf16> -> vector<16xf32>
        %add3A_1433 = arith.addf %add3A_1345, %unpack3A_1431 : vector<16xf32>
        %add3A_1434 = arith.addf %add3A_1346, %unpack3A_1432 : vector<16xf32>
        %add3A_1435 = arith.constant 10 : i32
        %add3A_1436 = vector.broadcast %add3A_1435 : i32 to vector<16xi32>
        %add3A_1437 = arith.addi %add3A_1416, %add3A_1436 : vector<16xi32>
        %gather3A_1438 = tpu.vector_load_idx %arg7[%add3A_1437] : memref<26588xi32, #tpu.memory_space<vmem>>[vector<16xi32>], vector<16xi32>,
        %bitcast3A_1439 = vector.bitcast %gather3A_1438 : vector<16xi32> to vector<32xbf16>
        %unpack3A_1440 = tpu.unpack_subelements %bitcast3A_1439, 0 {pack_format = #tpu.pack_format<interleaved>} : vector<32xbf16> -> vector<16xf32>
        %unpack3A_1441 = tpu.unpack_subelements %bitcast3A_1439, 1 {pack_format = #tpu.pack_format<interleaved>} : vector<32xbf16> -> vector<16xf32>
        %add3A_1442 = arith.addf %add3A_1354, %unpack3A_1440 : vector<16xf32>
        %add3A_1443 = arith.addf %add3A_1355, %unpack3A_1441 : vector<16xf32>
        %add3A_1444 = arith.constant 11 : i32
        %add3A_1445 = vector.broadcast %add3A_1444 : i32 to vector<16xi32>
        %add3A_1446 = arith.addi %add3A_1416, %add3A_1445 : vector<16xi32>
        %gather3A_1447 = tpu.vector_load_idx %arg7[%add3A_1446] : memref<26588xi32, #tpu.memory_space<vmem>>[vector<16xi32>], vector<16xi32>,
        %bitcast3A_1448 = vector.bitcast %gather3A_1447 : vector<16xi32> to vector<32xbf16>
        %unpack3A_1449 = tpu.unpack_subelements %bitcast3A_1448, 0 {pack_format = #tpu.pack_format<interleaved>} : vector<32xbf16> -> vector<16xf32>
        %unpack3A_1450 = tpu.unpack_subelements %bitcast3A_1448, 1 {pack_format = #tpu.pack_format<interleaved>} : vector<32xbf16> -> vector<16xf32>
        %add3A_1451 = arith.addf %add3A_1363, %unpack3A_1449 : vector<16xf32>
        %add3A_1452 = arith.addf %add3A_1364, %unpack3A_1450 : vector<16xf32>
        %add3A_1453 = arith.constant 12 : i32
        %add3A_1454 = vector.broadcast %add3A_1453 : i32 to vector<16xi32>
        %add3A_1455 = arith.addi %add3A_1416, %add3A_1454 : vector<16xi32>
        %gather3A_1456 = tpu.vector_load_idx %arg7[%add3A_1455] : memref<26588xi32, #tpu.memory_space<vmem>>[vector<16xi32>], vector<16xi32>,
        %bitcast3A_1457 = vector.bitcast %gather3A_1456 : vector<16xi32> to vector<32xbf16>
        %unpack3A_1458 = tpu.unpack_subelements %bitcast3A_1457, 0 {pack_format = #tpu.pack_format<interleaved>} : vector<32xbf16> -> vector<16xf32>
        %unpack3A_1459 = tpu.unpack_subelements %bitcast3A_1457, 1 {pack_format = #tpu.pack_format<interleaved>} : vector<32xbf16> -> vector<16xf32>
        %add3A_1460 = arith.addf %add3A_1372, %unpack3A_1458 : vector<16xf32>
        %add3A_1461 = arith.addf %add3A_1373, %unpack3A_1459 : vector<16xf32>
        %add3A_1462 = arith.constant 13 : i32
        %add3A_1463 = vector.broadcast %add3A_1462 : i32 to vector<16xi32>
        %add3A_1464 = arith.addi %add3A_1416, %add3A_1463 : vector<16xi32>
        %gather3A_1465 = tpu.vector_load_idx %arg7[%add3A_1464] : memref<26588xi32, #tpu.memory_space<vmem>>[vector<16xi32>], vector<16xi32>,
        %bitcast3A_1466 = vector.bitcast %gather3A_1465 : vector<16xi32> to vector<32xbf16>
        %unpack3A_1467 = tpu.unpack_subelements %bitcast3A_1466, 0 {pack_format = #tpu.pack_format<interleaved>} : vector<32xbf16> -> vector<16xf32>
        %unpack3A_1468 = tpu.unpack_subelements %bitcast3A_1466, 1 {pack_format = #tpu.pack_format<interleaved>} : vector<32xbf16> -> vector<16xf32>
        %add3A_1469 = arith.addf %add3A_1381, %unpack3A_1467 : vector<16xf32>
        %add3A_1470 = arith.addf %add3A_1382, %unpack3A_1468 : vector<16xf32>
        %add3A_1471 = arith.constant 14 : i32
        %add3A_1472 = vector.broadcast %add3A_1471 : i32 to vector<16xi32>
        %add3A_1473 = arith.addi %add3A_1416, %add3A_1472 : vector<16xi32>
        %gather3A_1474 = tpu.vector_load_idx %arg7[%add3A_1473] : memref<26588xi32, #tpu.memory_space<vmem>>[vector<16xi32>], vector<16xi32>,
        %bitcast3A_1475 = vector.bitcast %gather3A_1474 : vector<16xi32> to vector<32xbf16>
        %unpack3A_1476 = tpu.unpack_subelements %bitcast3A_1475, 0 {pack_format = #tpu.pack_format<interleaved>} : vector<32xbf16> -> vector<16xf32>
        %unpack3A_1477 = tpu.unpack_subelements %bitcast3A_1475, 1 {pack_format = #tpu.pack_format<interleaved>} : vector<32xbf16> -> vector<16xf32>
        %add3A_1478 = arith.addf %add3A_1390, %unpack3A_1476 : vector<16xf32>
        %add3A_1479 = arith.addf %add3A_1391, %unpack3A_1477 : vector<16xf32>
        %add3A_1480 = arith.constant 15 : i32
        %add3A_1481 = vector.broadcast %add3A_1480 : i32 to vector<16xi32>
        %add3A_1482 = arith.addi %add3A_1416, %add3A_1481 : vector<16xi32>
        %gather3A_1483 = tpu.vector_load_idx %arg7[%add3A_1482] : memref<26588xi32, #tpu.memory_space<vmem>>[vector<16xi32>], vector<16xi32>,
        %bitcast3A_1484 = vector.bitcast %gather3A_1483 : vector<16xi32> to vector<32xbf16>
        %unpack3A_1485 = tpu.unpack_subelements %bitcast3A_1484, 0 {pack_format = #tpu.pack_format<interleaved>} : vector<32xbf16> -> vector<16xf32>
        %unpack3A_1486 = tpu.unpack_subelements %bitcast3A_1484, 1 {pack_format = #tpu.pack_format<interleaved>} : vector<32xbf16> -> vector<16xf32>
        %add3A_1487 = arith.addf %add3A_1399, %unpack3A_1485 : vector<16xf32>
        %add3A_1488 = arith.addf %add3A_1400, %unpack3A_1486 : vector<16xf32>
        %scan3A_1489 = arith.constant 2 : i32
        %scan3A_1490 = arith.addi %scan3A_1298, %scan3A_1489 : i32
        %mul3A_1491 = arith.constant 16 : i32
        %mul3A_1492 = arith.muli %scan3A_10, %mul3A_1491 : i32
        %get3A_1493 = arith.index_cast %scan3A_1490 : i32 to index
        %get3A_1494 = arith.index_cast %mul3A_1492 : i32 to index
        %get3A_1495 = tpu.vector_load %arg8[%get3A_1493, %get3A_1494] {strides = array<i32>} : memref<64x128xi32, #tpu.memory_space<vmem>>, vector<16xi32>,
        %mul3A_1496 = arith.constant 17 : i32
        %mul3A_1497 = vector.broadcast %mul3A_1496 : i32 to vector<16xi32>
        %mul3A_1498 = arith.muli %get3A_1495, %mul3A_1497 : vector<16xi32>
        %mul3A_1499 = arith.constant 204 : i32
        %mul3A_1500 = arith.muli %scan3A_1490, %mul3A_1499 : i32
        %add3A_1501 = arith.constant 0 : i32
        %add3A_1502 = arith.addi %mul3A_1500, %add3A_1501 : i32
        %add3A_1503 = vector.broadcast %add3A_1502 : i32 to vector<16xi32>
        %add3A_1504 = arith.addi %mul3A_1498, %add3A_1503 : vector<16xi32>
        %add3A_1505 = arith.constant 8 : i32
        %add3A_1506 = vector.broadcast %add3A_1505 : i32 to vector<16xi32>
        %add3A_1507 = arith.addi %add3A_1504, %add3A_1506 : vector<16xi32>
        %gather3A_1508 = tpu.vector_load_idx %arg7[%add3A_1507] : memref<26588xi32, #tpu.memory_space<vmem>>[vector<16xi32>], vector<16xi32>,
        %bitcast3A_1509 = vector.bitcast %gather3A_1508 : vector<16xi32> to vector<32xbf16>
        %unpack3A_1510 = tpu.unpack_subelements %bitcast3A_1509, 0 {pack_format = #tpu.pack_format<interleaved>} : vector<32xbf16> -> vector<16xf32>
        %unpack3A_1511 = tpu.unpack_subelements %bitcast3A_1509, 1 {pack_format = #tpu.pack_format<interleaved>} : vector<32xbf16> -> vector<16xf32>
        %add3A_1512 = arith.addf %add3A_1424, %unpack3A_1510 : vector<16xf32>
        %add3A_1513 = arith.addf %add3A_1425, %unpack3A_1511 : vector<16xf32>
        %add3A_1514 = arith.constant 9 : i32
        %add3A_1515 = vector.broadcast %add3A_1514 : i32 to vector<16xi32>
        %add3A_1516 = arith.addi %add3A_1504, %add3A_1515 : vector<16xi32>
        %gather3A_1517 = tpu.vector_load_idx %arg7[%add3A_1516] : memref<26588xi32, #tpu.memory_space<vmem>>[vector<16xi32>], vector<16xi32>,
        %bitcast3A_1518 = vector.bitcast %gather3A_1517 : vector<16xi32> to vector<32xbf16>
        %unpack3A_1519 = tpu.unpack_subelements %bitcast3A_1518, 0 {pack_format = #tpu.pack_format<interleaved>} : vector<32xbf16> -> vector<16xf32>
        %unpack3A_1520 = tpu.unpack_subelements %bitcast3A_1518, 1 {pack_format = #tpu.pack_format<interleaved>} : vector<32xbf16> -> vector<16xf32>
        %add3A_1521 = arith.addf %add3A_1433, %unpack3A_1519 : vector<16xf32>
        %add3A_1522 = arith.addf %add3A_1434, %unpack3A_1520 : vector<16xf32>
        %add3A_1523 = arith.constant 10 : i32
        %add3A_1524 = vector.broadcast %add3A_1523 : i32 to vector<16xi32>
        %add3A_1525 = arith.addi %add3A_1504, %add3A_1524 : vector<16xi32>
        %gather3A_1526 = tpu.vector_load_idx %arg7[%add3A_1525] : memref<26588xi32, #tpu.memory_space<vmem>>[vector<16xi32>], vector<16xi32>,
        %bitcast3A_1527 = vector.bitcast %gather3A_1526 : vector<16xi32> to vector<32xbf16>
        %unpack3A_1528 = tpu.unpack_subelements %bitcast3A_1527, 0 {pack_format = #tpu.pack_format<interleaved>} : vector<32xbf16> -> vector<16xf32>
        %unpack3A_1529 = tpu.unpack_subelements %bitcast3A_1527, 1 {pack_format = #tpu.pack_format<interleaved>} : vector<32xbf16> -> vector<16xf32>
        %add3A_1530 = arith.addf %add3A_1442, %unpack3A_1528 : vector<16xf32>
        %add3A_1531 = arith.addf %add3A_1443, %unpack3A_1529 : vector<16xf32>
        %add3A_1532 = arith.constant 11 : i32
        %add3A_1533 = vector.broadcast %add3A_1532 : i32 to vector<16xi32>
        %add3A_1534 = arith.addi %add3A_1504, %add3A_1533 : vector<16xi32>
        %gather3A_1535 = tpu.vector_load_idx %arg7[%add3A_1534] : memref<26588xi32, #tpu.memory_space<vmem>>[vector<16xi32>], vector<16xi32>,
        %bitcast3A_1536 = vector.bitcast %gather3A_1535 : vector<16xi32> to vector<32xbf16>
        %unpack3A_1537 = tpu.unpack_subelements %bitcast3A_1536, 0 {pack_format = #tpu.pack_format<interleaved>} : vector<32xbf16> -> vector<16xf32>
        %unpack3A_1538 = tpu.unpack_subelements %bitcast3A_1536, 1 {pack_format = #tpu.pack_format<interleaved>} : vector<32xbf16> -> vector<16xf32>
        %add3A_1539 = arith.addf %add3A_1451, %unpack3A_1537 : vector<16xf32>
        %add3A_1540 = arith.addf %add3A_1452, %unpack3A_1538 : vector<16xf32>
        %add3A_1541 = arith.constant 12 : i32
        %add3A_1542 = vector.broadcast %add3A_1541 : i32 to vector<16xi32>
        %add3A_1543 = arith.addi %add3A_1504, %add3A_1542 : vector<16xi32>
        %gather3A_1544 = tpu.vector_load_idx %arg7[%add3A_1543] : memref<26588xi32, #tpu.memory_space<vmem>>[vector<16xi32>], vector<16xi32>,
        %bitcast3A_1545 = vector.bitcast %gather3A_1544 : vector<16xi32> to vector<32xbf16>
        %unpack3A_1546 = tpu.unpack_subelements %bitcast3A_1545, 0 {pack_format = #tpu.pack_format<interleaved>} : vector<32xbf16> -> vector<16xf32>
        %unpack3A_1547 = tpu.unpack_subelements %bitcast3A_1545, 1 {pack_format = #tpu.pack_format<interleaved>} : vector<32xbf16> -> vector<16xf32>
        %add3A_1548 = arith.addf %add3A_1460, %unpack3A_1546 : vector<16xf32>
        %add3A_1549 = arith.addf %add3A_1461, %unpack3A_1547 : vector<16xf32>
        %add3A_1550 = arith.constant 13 : i32
        %add3A_1551 = vector.broadcast %add3A_1550 : i32 to vector<16xi32>
        %add3A_1552 = arith.addi %add3A_1504, %add3A_1551 : vector<16xi32>
        %gather3A_1553 = tpu.vector_load_idx %arg7[%add3A_1552] : memref<26588xi32, #tpu.memory_space<vmem>>[vector<16xi32>], vector<16xi32>,
        %bitcast3A_1554 = vector.bitcast %gather3A_1553 : vector<16xi32> to vector<32xbf16>
        %unpack3A_1555 = tpu.unpack_subelements %bitcast3A_1554, 0 {pack_format = #tpu.pack_format<interleaved>} : vector<32xbf16> -> vector<16xf32>
        %unpack3A_1556 = tpu.unpack_subelements %bitcast3A_1554, 1 {pack_format = #tpu.pack_format<interleaved>} : vector<32xbf16> -> vector<16xf32>
        %add3A_1557 = arith.addf %add3A_1469, %unpack3A_1555 : vector<16xf32>
        %add3A_1558 = arith.addf %add3A_1470, %unpack3A_1556 : vector<16xf32>
        %add3A_1559 = arith.constant 14 : i32
        %add3A_1560 = vector.broadcast %add3A_1559 : i32 to vector<16xi32>
        %add3A_1561 = arith.addi %add3A_1504, %add3A_1560 : vector<16xi32>
        %gather3A_1562 = tpu.vector_load_idx %arg7[%add3A_1561] : memref<26588xi32, #tpu.memory_space<vmem>>[vector<16xi32>], vector<16xi32>,
        %bitcast3A_1563 = vector.bitcast %gather3A_1562 : vector<16xi32> to vector<32xbf16>
        %unpack3A_1564 = tpu.unpack_subelements %bitcast3A_1563, 0 {pack_format = #tpu.pack_format<interleaved>} : vector<32xbf16> -> vector<16xf32>
        %unpack3A_1565 = tpu.unpack_subelements %bitcast3A_1563, 1 {pack_format = #tpu.pack_format<interleaved>} : vector<32xbf16> -> vector<16xf32>
        %add3A_1566 = arith.addf %add3A_1478, %unpack3A_1564 : vector<16xf32>
        %add3A_1567 = arith.addf %add3A_1479, %unpack3A_1565 : vector<16xf32>
        %add3A_1568 = arith.constant 15 : i32
        %add3A_1569 = vector.broadcast %add3A_1568 : i32 to vector<16xi32>
        %add3A_1570 = arith.addi %add3A_1504, %add3A_1569 : vector<16xi32>
        %gather3A_1571 = tpu.vector_load_idx %arg7[%add3A_1570] : memref<26588xi32, #tpu.memory_space<vmem>>[vector<16xi32>], vector<16xi32>,
        %bitcast3A_1572 = vector.bitcast %gather3A_1571 : vector<16xi32> to vector<32xbf16>
        %unpack3A_1573 = tpu.unpack_subelements %bitcast3A_1572, 0 {pack_format = #tpu.pack_format<interleaved>} : vector<32xbf16> -> vector<16xf32>
        %unpack3A_1574 = tpu.unpack_subelements %bitcast3A_1572, 1 {pack_format = #tpu.pack_format<interleaved>} : vector<32xbf16> -> vector<16xf32>
        %add3A_1575 = arith.addf %add3A_1487, %unpack3A_1573 : vector<16xf32>
        %add3A_1576 = arith.addf %add3A_1488, %unpack3A_1574 : vector<16xf32>
        %scan3A_1577 = arith.constant 3 : i32
        %scan3A_1578 = arith.addi %scan3A_1298, %scan3A_1577 : i32
        %mul3A_1579 = arith.constant 16 : i32
        %mul3A_1580 = arith.muli %scan3A_10, %mul3A_1579 : i32
        %get3A_1581 = arith.index_cast %scan3A_1578 : i32 to index
        %get3A_1582 = arith.index_cast %mul3A_1580 : i32 to index
        %get3A_1583 = tpu.vector_load %arg8[%get3A_1581, %get3A_1582] {strides = array<i32>} : memref<64x128xi32, #tpu.memory_space<vmem>>, vector<16xi32>,
        %mul3A_1584 = arith.constant 17 : i32
        %mul3A_1585 = vector.broadcast %mul3A_1584 : i32 to vector<16xi32>
        %mul3A_1586 = arith.muli %get3A_1583, %mul3A_1585 : vector<16xi32>
        %mul3A_1587 = arith.constant 204 : i32
        %mul3A_1588 = arith.muli %scan3A_1578, %mul3A_1587 : i32
        %add3A_1589 = arith.constant 0 : i32
        %add3A_1590 = arith.addi %mul3A_1588, %add3A_1589 : i32
        %add3A_1591 = vector.broadcast %add3A_1590 : i32 to vector<16xi32>
        %add3A_1592 = arith.addi %mul3A_1586, %add3A_1591 : vector<16xi32>
        %add3A_1593 = arith.constant 8 : i32
        %add3A_1594 = vector.broadcast %add3A_1593 : i32 to vector<16xi32>
        %add3A_1595 = arith.addi %add3A_1592, %add3A_1594 : vector<16xi32>
        %gather3A_1596 = tpu.vector_load_idx %arg7[%add3A_1595] : memref<26588xi32, #tpu.memory_space<vmem>>[vector<16xi32>], vector<16xi32>,
        %bitcast3A_1597 = vector.bitcast %gather3A_1596 : vector<16xi32> to vector<32xbf16>
        %unpack3A_1598 = tpu.unpack_subelements %bitcast3A_1597, 0 {pack_format = #tpu.pack_format<interleaved>} : vector<32xbf16> -> vector<16xf32>
        %unpack3A_1599 = tpu.unpack_subelements %bitcast3A_1597, 1 {pack_format = #tpu.pack_format<interleaved>} : vector<32xbf16> -> vector<16xf32>
        %add3A_1600 = arith.addf %add3A_1512, %unpack3A_1598 : vector<16xf32>
        %add3A_1601 = arith.addf %add3A_1513, %unpack3A_1599 : vector<16xf32>
        %add3A_1602 = arith.constant 9 : i32
        %add3A_1603 = vector.broadcast %add3A_1602 : i32 to vector<16xi32>
        %add3A_1604 = arith.addi %add3A_1592, %add3A_1603 : vector<16xi32>
        %gather3A_1605 = tpu.vector_load_idx %arg7[%add3A_1604] : memref<26588xi32, #tpu.memory_space<vmem>>[vector<16xi32>], vector<16xi32>,
        %bitcast3A_1606 = vector.bitcast %gather3A_1605 : vector<16xi32> to vector<32xbf16>
        %unpack3A_1607 = tpu.unpack_subelements %bitcast3A_1606, 0 {pack_format = #tpu.pack_format<interleaved>} : vector<32xbf16> -> vector<16xf32>
        %unpack3A_1608 = tpu.unpack_subelements %bitcast3A_1606, 1 {pack_format = #tpu.pack_format<interleaved>} : vector<32xbf16> -> vector<16xf32>
        %add3A_1609 = arith.addf %add3A_1521, %unpack3A_1607 : vector<16xf32>
        %add3A_1610 = arith.addf %add3A_1522, %unpack3A_1608 : vector<16xf32>
        %add3A_1611 = arith.constant 10 : i32
        %add3A_1612 = vector.broadcast %add3A_1611 : i32 to vector<16xi32>
        %add3A_1613 = arith.addi %add3A_1592, %add3A_1612 : vector<16xi32>
        %gather3A_1614 = tpu.vector_load_idx %arg7[%add3A_1613] : memref<26588xi32, #tpu.memory_space<vmem>>[vector<16xi32>], vector<16xi32>,
        %bitcast3A_1615 = vector.bitcast %gather3A_1614 : vector<16xi32> to vector<32xbf16>
        %unpack3A_1616 = tpu.unpack_subelements %bitcast3A_1615, 0 {pack_format = #tpu.pack_format<interleaved>} : vector<32xbf16> -> vector<16xf32>
        %unpack3A_1617 = tpu.unpack_subelements %bitcast3A_1615, 1 {pack_format = #tpu.pack_format<interleaved>} : vector<32xbf16> -> vector<16xf32>
        %add3A_1618 = arith.addf %add3A_1530, %unpack3A_1616 : vector<16xf32>
        %add3A_1619 = arith.addf %add3A_1531, %unpack3A_1617 : vector<16xf32>
        %add3A_1620 = arith.constant 11 : i32
        %add3A_1621 = vector.broadcast %add3A_1620 : i32 to vector<16xi32>
        %add3A_1622 = arith.addi %add3A_1592, %add3A_1621 : vector<16xi32>
        %gather3A_1623 = tpu.vector_load_idx %arg7[%add3A_1622] : memref<26588xi32, #tpu.memory_space<vmem>>[vector<16xi32>], vector<16xi32>,
        %bitcast3A_1624 = vector.bitcast %gather3A_1623 : vector<16xi32> to vector<32xbf16>
        %unpack3A_1625 = tpu.unpack_subelements %bitcast3A_1624, 0 {pack_format = #tpu.pack_format<interleaved>} : vector<32xbf16> -> vector<16xf32>
        %unpack3A_1626 = tpu.unpack_subelements %bitcast3A_1624, 1 {pack_format = #tpu.pack_format<interleaved>} : vector<32xbf16> -> vector<16xf32>
        %add3A_1627 = arith.addf %add3A_1539, %unpack3A_1625 : vector<16xf32>
        %add3A_1628 = arith.addf %add3A_1540, %unpack3A_1626 : vector<16xf32>
        %add3A_1629 = arith.constant 12 : i32
        %add3A_1630 = vector.broadcast %add3A_1629 : i32 to vector<16xi32>
        %add3A_1631 = arith.addi %add3A_1592, %add3A_1630 : vector<16xi32>
        %gather3A_1632 = tpu.vector_load_idx %arg7[%add3A_1631] : memref<26588xi32, #tpu.memory_space<vmem>>[vector<16xi32>], vector<16xi32>,
        %bitcast3A_1633 = vector.bitcast %gather3A_1632 : vector<16xi32> to vector<32xbf16>
        %unpack3A_1634 = tpu.unpack_subelements %bitcast3A_1633, 0 {pack_format = #tpu.pack_format<interleaved>} : vector<32xbf16> -> vector<16xf32>
        %unpack3A_1635 = tpu.unpack_subelements %bitcast3A_1633, 1 {pack_format = #tpu.pack_format<interleaved>} : vector<32xbf16> -> vector<16xf32>
        %add3A_1636 = arith.addf %add3A_1548, %unpack3A_1634 : vector<16xf32>
        %add3A_1637 = arith.addf %add3A_1549, %unpack3A_1635 : vector<16xf32>
        %add3A_1638 = arith.constant 13 : i32
        %add3A_1639 = vector.broadcast %add3A_1638 : i32 to vector<16xi32>
        %add3A_1640 = arith.addi %add3A_1592, %add3A_1639 : vector<16xi32>
        %gather3A_1641 = tpu.vector_load_idx %arg7[%add3A_1640] : memref<26588xi32, #tpu.memory_space<vmem>>[vector<16xi32>], vector<16xi32>,
        %bitcast3A_1642 = vector.bitcast %gather3A_1641 : vector<16xi32> to vector<32xbf16>
        %unpack3A_1643 = tpu.unpack_subelements %bitcast3A_1642, 0 {pack_format = #tpu.pack_format<interleaved>} : vector<32xbf16> -> vector<16xf32>
        %unpack3A_1644 = tpu.unpack_subelements %bitcast3A_1642, 1 {pack_format = #tpu.pack_format<interleaved>} : vector<32xbf16> -> vector<16xf32>
        %add3A_1645 = arith.addf %add3A_1557, %unpack3A_1643 : vector<16xf32>
        %add3A_1646 = arith.addf %add3A_1558, %unpack3A_1644 : vector<16xf32>
        %add3A_1647 = arith.constant 14 : i32
        %add3A_1648 = vector.broadcast %add3A_1647 : i32 to vector<16xi32>
        %add3A_1649 = arith.addi %add3A_1592, %add3A_1648 : vector<16xi32>
        %gather3A_1650 = tpu.vector_load_idx %arg7[%add3A_1649] : memref<26588xi32, #tpu.memory_space<vmem>>[vector<16xi32>], vector<16xi32>,
        %bitcast3A_1651 = vector.bitcast %gather3A_1650 : vector<16xi32> to vector<32xbf16>
        %unpack3A_1652 = tpu.unpack_subelements %bitcast3A_1651, 0 {pack_format = #tpu.pack_format<interleaved>} : vector<32xbf16> -> vector<16xf32>
        %unpack3A_1653 = tpu.unpack_subelements %bitcast3A_1651, 1 {pack_format = #tpu.pack_format<interleaved>} : vector<32xbf16> -> vector<16xf32>
        %add3A_1654 = arith.addf %add3A_1566, %unpack3A_1652 : vector<16xf32>
        %add3A_1655 = arith.addf %add3A_1567, %unpack3A_1653 : vector<16xf32>
        %add3A_1656 = arith.constant 15 : i32
        %add3A_1657 = vector.broadcast %add3A_1656 : i32 to vector<16xi32>
        %add3A_1658 = arith.addi %add3A_1592, %add3A_1657 : vector<16xi32>
        %gather3A_1659 = tpu.vector_load_idx %arg7[%add3A_1658] : memref<26588xi32, #tpu.memory_space<vmem>>[vector<16xi32>], vector<16xi32>,
        %bitcast3A_1660 = vector.bitcast %gather3A_1659 : vector<16xi32> to vector<32xbf16>
        %unpack3A_1661 = tpu.unpack_subelements %bitcast3A_1660, 0 {pack_format = #tpu.pack_format<interleaved>} : vector<32xbf16> -> vector<16xf32>
        %unpack3A_1662 = tpu.unpack_subelements %bitcast3A_1660, 1 {pack_format = #tpu.pack_format<interleaved>} : vector<32xbf16> -> vector<16xf32>
        %add3A_1663 = arith.addf %add3A_1575, %unpack3A_1661 : vector<16xf32>
        %add3A_1664 = arith.addf %add3A_1576, %unpack3A_1662 : vector<16xf32>
        scf.yield %add3A_1600, %add3A_1601, %add3A_1609, %add3A_1610, %add3A_1618, %add3A_1619, %add3A_1627, %add3A_1628, %add3A_1636, %add3A_1637, %add3A_1645, %add3A_1646, %add3A_1654, %add3A_1655, %add3A_1663, %add3A_1664 : vector<16xf32>, vector<16xf32>, vector<16xf32>, vector<16xf32>, vector<16xf32>, vector<16xf32>, vector<16xf32>, vector<16xf32>, vector<16xf32>, vector<16xf32>, vector<16xf32>, vector<16xf32>, vector<16xf32>, vector<16xf32>, vector<16xf32>, vector<16xf32>
      }
      %scan3A_691 = arith.constant 64 : i32
      %scan3A_692 = arith.constant 0 : i32
      %scan3A_693 = arith.constant 64 : i32
      %scan3A_694 = arith.addi %scan3A_692, %scan3A_693 : i32
      %scan3A_695 = arith.constant 4 : i32
      %scan3A_696:16 = scf.for %scan3A_1298 = %scan3A_692 to %scan3A_694 step %scan3A_695 iter_args(%scan3A_1299 = %scan3A_690#0, %scan3A_1300 = %scan3A_690#1, %scan3A_1301 = %scan3A_690#2, %scan3A_1302 = %scan3A_690#3, %scan3A_1303 = %scan3A_690#4, %scan3A_1304 = %scan3A_690#5, %scan3A_1305 = %scan3A_690#6, %scan3A_1306 = %scan3A_690#7, %scan3A_1307 = %scan3A_690#8, %scan3A_1308 = %scan3A_690#9, %scan3A_1309 = %scan3A_690#10, %scan3A_1310 = %scan3A_690#11, %scan3A_1311 = %scan3A_690#12, %scan3A_1312 = %scan3A_690#13, %scan3A_1313 = %scan3A_690#14, %scan3A_1314 = %scan3A_690#15) -> (vector<16xf32>, vector<16xf32>, vector<16xf32>, vector<16xf32>, vector<16xf32>, vector<16xf32>, vector<16xf32>, vector<16xf32>, vector<16xf32>, vector<16xf32>, vector<16xf32>, vector<16xf32>, vector<16xf32>, vector<16xf32>, vector<16xf32>, vector<16xf32>)  : i32 {
        %mul3A_1315 = arith.constant 16 : i32
        %mul3A_1316 = arith.muli %scan3A_10, %mul3A_1315 : i32
        %get3A_1317 = arith.index_cast %scan3A_1298 : i32 to index
        %get3A_1318 = arith.index_cast %mul3A_1316 : i32 to index
        %get3A_1319 = tpu.vector_load %arg9[%get3A_1317, %get3A_1318] {strides = array<i32>} : memref<64x128xi32, #tpu.memory_space<vmem>>, vector<16xi32>,
        %mul3A_1320 = arith.constant 17 : i32
        %mul3A_1321 = vector.broadcast %mul3A_1320 : i32 to vector<16xi32>
        %mul3A_1322 = arith.muli %get3A_1319, %mul3A_1321 : vector<16xi32>
        %mul3A_1323 = arith.constant 204 : i32
        %mul3A_1324 = arith.muli %scan3A_1298, %mul3A_1323 : i32
        %add3A_1325 = arith.constant 13056 : i32
        %add3A_1326 = arith.addi %mul3A_1324, %add3A_1325 : i32
        %add3A_1327 = vector.broadcast %add3A_1326 : i32 to vector<16xi32>
        %add3A_1328 = arith.addi %mul3A_1322, %add3A_1327 : vector<16xi32>
        %add3A_1329 = arith.constant 8 : i32
        %add3A_1330 = vector.broadcast %add3A_1329 : i32 to vector<16xi32>
        %add3A_1331 = arith.addi %add3A_1328, %add3A_1330 : vector<16xi32>
        %gather3A_1332 = tpu.vector_load_idx %arg7[%add3A_1331] : memref<26588xi32, #tpu.memory_space<vmem>>[vector<16xi32>], vector<16xi32>,
        %bitcast3A_1333 = vector.bitcast %gather3A_1332 : vector<16xi32> to vector<32xbf16>
        %unpack3A_1334 = tpu.unpack_subelements %bitcast3A_1333, 0 {pack_format = #tpu.pack_format<interleaved>} : vector<32xbf16> -> vector<16xf32>
        %unpack3A_1335 = tpu.unpack_subelements %bitcast3A_1333, 1 {pack_format = #tpu.pack_format<interleaved>} : vector<32xbf16> -> vector<16xf32>
        %add3A_1336 = arith.addf %scan3A_1299, %unpack3A_1334 : vector<16xf32>
        %add3A_1337 = arith.addf %scan3A_1300, %unpack3A_1335 : vector<16xf32>
        %add3A_1338 = arith.constant 9 : i32
        %add3A_1339 = vector.broadcast %add3A_1338 : i32 to vector<16xi32>
        %add3A_1340 = arith.addi %add3A_1328, %add3A_1339 : vector<16xi32>
        %gather3A_1341 = tpu.vector_load_idx %arg7[%add3A_1340] : memref<26588xi32, #tpu.memory_space<vmem>>[vector<16xi32>], vector<16xi32>,
        %bitcast3A_1342 = vector.bitcast %gather3A_1341 : vector<16xi32> to vector<32xbf16>
        %unpack3A_1343 = tpu.unpack_subelements %bitcast3A_1342, 0 {pack_format = #tpu.pack_format<interleaved>} : vector<32xbf16> -> vector<16xf32>
        %unpack3A_1344 = tpu.unpack_subelements %bitcast3A_1342, 1 {pack_format = #tpu.pack_format<interleaved>} : vector<32xbf16> -> vector<16xf32>
        %add3A_1345 = arith.addf %scan3A_1301, %unpack3A_1343 : vector<16xf32>
        %add3A_1346 = arith.addf %scan3A_1302, %unpack3A_1344 : vector<16xf32>
        %add3A_1347 = arith.constant 10 : i32
        %add3A_1348 = vector.broadcast %add3A_1347 : i32 to vector<16xi32>
        %add3A_1349 = arith.addi %add3A_1328, %add3A_1348 : vector<16xi32>
        %gather3A_1350 = tpu.vector_load_idx %arg7[%add3A_1349] : memref<26588xi32, #tpu.memory_space<vmem>>[vector<16xi32>], vector<16xi32>,
        %bitcast3A_1351 = vector.bitcast %gather3A_1350 : vector<16xi32> to vector<32xbf16>
        %unpack3A_1352 = tpu.unpack_subelements %bitcast3A_1351, 0 {pack_format = #tpu.pack_format<interleaved>} : vector<32xbf16> -> vector<16xf32>
        %unpack3A_1353 = tpu.unpack_subelements %bitcast3A_1351, 1 {pack_format = #tpu.pack_format<interleaved>} : vector<32xbf16> -> vector<16xf32>
        %add3A_1354 = arith.addf %scan3A_1303, %unpack3A_1352 : vector<16xf32>
        %add3A_1355 = arith.addf %scan3A_1304, %unpack3A_1353 : vector<16xf32>
        %add3A_1356 = arith.constant 11 : i32
        %add3A_1357 = vector.broadcast %add3A_1356 : i32 to vector<16xi32>
        %add3A_1358 = arith.addi %add3A_1328, %add3A_1357 : vector<16xi32>
        %gather3A_1359 = tpu.vector_load_idx %arg7[%add3A_1358] : memref<26588xi32, #tpu.memory_space<vmem>>[vector<16xi32>], vector<16xi32>,
        %bitcast3A_1360 = vector.bitcast %gather3A_1359 : vector<16xi32> to vector<32xbf16>
        %unpack3A_1361 = tpu.unpack_subelements %bitcast3A_1360, 0 {pack_format = #tpu.pack_format<interleaved>} : vector<32xbf16> -> vector<16xf32>
        %unpack3A_1362 = tpu.unpack_subelements %bitcast3A_1360, 1 {pack_format = #tpu.pack_format<interleaved>} : vector<32xbf16> -> vector<16xf32>
        %add3A_1363 = arith.addf %scan3A_1305, %unpack3A_1361 : vector<16xf32>
        %add3A_1364 = arith.addf %scan3A_1306, %unpack3A_1362 : vector<16xf32>
        %add3A_1365 = arith.constant 12 : i32
        %add3A_1366 = vector.broadcast %add3A_1365 : i32 to vector<16xi32>
        %add3A_1367 = arith.addi %add3A_1328, %add3A_1366 : vector<16xi32>
        %gather3A_1368 = tpu.vector_load_idx %arg7[%add3A_1367] : memref<26588xi32, #tpu.memory_space<vmem>>[vector<16xi32>], vector<16xi32>,
        %bitcast3A_1369 = vector.bitcast %gather3A_1368 : vector<16xi32> to vector<32xbf16>
        %unpack3A_1370 = tpu.unpack_subelements %bitcast3A_1369, 0 {pack_format = #tpu.pack_format<interleaved>} : vector<32xbf16> -> vector<16xf32>
        %unpack3A_1371 = tpu.unpack_subelements %bitcast3A_1369, 1 {pack_format = #tpu.pack_format<interleaved>} : vector<32xbf16> -> vector<16xf32>
        %add3A_1372 = arith.addf %scan3A_1307, %unpack3A_1370 : vector<16xf32>
        %add3A_1373 = arith.addf %scan3A_1308, %unpack3A_1371 : vector<16xf32>
        %add3A_1374 = arith.constant 13 : i32
        %add3A_1375 = vector.broadcast %add3A_1374 : i32 to vector<16xi32>
        %add3A_1376 = arith.addi %add3A_1328, %add3A_1375 : vector<16xi32>
        %gather3A_1377 = tpu.vector_load_idx %arg7[%add3A_1376] : memref<26588xi32, #tpu.memory_space<vmem>>[vector<16xi32>], vector<16xi32>,
        %bitcast3A_1378 = vector.bitcast %gather3A_1377 : vector<16xi32> to vector<32xbf16>
        %unpack3A_1379 = tpu.unpack_subelements %bitcast3A_1378, 0 {pack_format = #tpu.pack_format<interleaved>} : vector<32xbf16> -> vector<16xf32>
        %unpack3A_1380 = tpu.unpack_subelements %bitcast3A_1378, 1 {pack_format = #tpu.pack_format<interleaved>} : vector<32xbf16> -> vector<16xf32>
        %add3A_1381 = arith.addf %scan3A_1309, %unpack3A_1379 : vector<16xf32>
        %add3A_1382 = arith.addf %scan3A_1310, %unpack3A_1380 : vector<16xf32>
        %add3A_1383 = arith.constant 14 : i32
        %add3A_1384 = vector.broadcast %add3A_1383 : i32 to vector<16xi32>
        %add3A_1385 = arith.addi %add3A_1328, %add3A_1384 : vector<16xi32>
        %gather3A_1386 = tpu.vector_load_idx %arg7[%add3A_1385] : memref<26588xi32, #tpu.memory_space<vmem>>[vector<16xi32>], vector<16xi32>,
        %bitcast3A_1387 = vector.bitcast %gather3A_1386 : vector<16xi32> to vector<32xbf16>
        %unpack3A_1388 = tpu.unpack_subelements %bitcast3A_1387, 0 {pack_format = #tpu.pack_format<interleaved>} : vector<32xbf16> -> vector<16xf32>
        %unpack3A_1389 = tpu.unpack_subelements %bitcast3A_1387, 1 {pack_format = #tpu.pack_format<interleaved>} : vector<32xbf16> -> vector<16xf32>
        %add3A_1390 = arith.addf %scan3A_1311, %unpack3A_1388 : vector<16xf32>
        %add3A_1391 = arith.addf %scan3A_1312, %unpack3A_1389 : vector<16xf32>
        %add3A_1392 = arith.constant 15 : i32
        %add3A_1393 = vector.broadcast %add3A_1392 : i32 to vector<16xi32>
        %add3A_1394 = arith.addi %add3A_1328, %add3A_1393 : vector<16xi32>
        %gather3A_1395 = tpu.vector_load_idx %arg7[%add3A_1394] : memref<26588xi32, #tpu.memory_space<vmem>>[vector<16xi32>], vector<16xi32>,
        %bitcast3A_1396 = vector.bitcast %gather3A_1395 : vector<16xi32> to vector<32xbf16>
        %unpack3A_1397 = tpu.unpack_subelements %bitcast3A_1396, 0 {pack_format = #tpu.pack_format<interleaved>} : vector<32xbf16> -> vector<16xf32>
        %unpack3A_1398 = tpu.unpack_subelements %bitcast3A_1396, 1 {pack_format = #tpu.pack_format<interleaved>} : vector<32xbf16> -> vector<16xf32>
        %add3A_1399 = arith.addf %scan3A_1313, %unpack3A_1397 : vector<16xf32>
        %add3A_1400 = arith.addf %scan3A_1314, %unpack3A_1398 : vector<16xf32>
        %scan3A_1401 = arith.constant 1 : i32
        %scan3A_1402 = arith.addi %scan3A_1298, %scan3A_1401 : i32
        %mul3A_1403 = arith.constant 16 : i32
        %mul3A_1404 = arith.muli %scan3A_10, %mul3A_1403 : i32
        %get3A_1405 = arith.index_cast %scan3A_1402 : i32 to index
        %get3A_1406 = arith.index_cast %mul3A_1404 : i32 to index
        %get3A_1407 = tpu.vector_load %arg9[%get3A_1405, %get3A_1406] {strides = array<i32>} : memref<64x128xi32, #tpu.memory_space<vmem>>, vector<16xi32>,
        %mul3A_1408 = arith.constant 17 : i32
        %mul3A_1409 = vector.broadcast %mul3A_1408 : i32 to vector<16xi32>
        %mul3A_1410 = arith.muli %get3A_1407, %mul3A_1409 : vector<16xi32>
        %mul3A_1411 = arith.constant 204 : i32
        %mul3A_1412 = arith.muli %scan3A_1402, %mul3A_1411 : i32
        %add3A_1413 = arith.constant 13056 : i32
        %add3A_1414 = arith.addi %mul3A_1412, %add3A_1413 : i32
        %add3A_1415 = vector.broadcast %add3A_1414 : i32 to vector<16xi32>
        %add3A_1416 = arith.addi %mul3A_1410, %add3A_1415 : vector<16xi32>
        %add3A_1417 = arith.constant 8 : i32
        %add3A_1418 = vector.broadcast %add3A_1417 : i32 to vector<16xi32>
        %add3A_1419 = arith.addi %add3A_1416, %add3A_1418 : vector<16xi32>
        %gather3A_1420 = tpu.vector_load_idx %arg7[%add3A_1419] : memref<26588xi32, #tpu.memory_space<vmem>>[vector<16xi32>], vector<16xi32>,
        %bitcast3A_1421 = vector.bitcast %gather3A_1420 : vector<16xi32> to vector<32xbf16>
        %unpack3A_1422 = tpu.unpack_subelements %bitcast3A_1421, 0 {pack_format = #tpu.pack_format<interleaved>} : vector<32xbf16> -> vector<16xf32>
        %unpack3A_1423 = tpu.unpack_subelements %bitcast3A_1421, 1 {pack_format = #tpu.pack_format<interleaved>} : vector<32xbf16> -> vector<16xf32>
        %add3A_1424 = arith.addf %add3A_1336, %unpack3A_1422 : vector<16xf32>
        %add3A_1425 = arith.addf %add3A_1337, %unpack3A_1423 : vector<16xf32>
        %add3A_1426 = arith.constant 9 : i32
        %add3A_1427 = vector.broadcast %add3A_1426 : i32 to vector<16xi32>
        %add3A_1428 = arith.addi %add3A_1416, %add3A_1427 : vector<16xi32>
        %gather3A_1429 = tpu.vector_load_idx %arg7[%add3A_1428] : memref<26588xi32, #tpu.memory_space<vmem>>[vector<16xi32>], vector<16xi32>,
        %bitcast3A_1430 = vector.bitcast %gather3A_1429 : vector<16xi32> to vector<32xbf16>
        %unpack3A_1431 = tpu.unpack_subelements %bitcast3A_1430, 0 {pack_format = #tpu.pack_format<interleaved>} : vector<32xbf16> -> vector<16xf32>
        %unpack3A_1432 = tpu.unpack_subelements %bitcast3A_1430, 1 {pack_format = #tpu.pack_format<interleaved>} : vector<32xbf16> -> vector<16xf32>
        %add3A_1433 = arith.addf %add3A_1345, %unpack3A_1431 : vector<16xf32>
        %add3A_1434 = arith.addf %add3A_1346, %unpack3A_1432 : vector<16xf32>
        %add3A_1435 = arith.constant 10 : i32
        %add3A_1436 = vector.broadcast %add3A_1435 : i32 to vector<16xi32>
        %add3A_1437 = arith.addi %add3A_1416, %add3A_1436 : vector<16xi32>
        %gather3A_1438 = tpu.vector_load_idx %arg7[%add3A_1437] : memref<26588xi32, #tpu.memory_space<vmem>>[vector<16xi32>], vector<16xi32>,
        %bitcast3A_1439 = vector.bitcast %gather3A_1438 : vector<16xi32> to vector<32xbf16>
        %unpack3A_1440 = tpu.unpack_subelements %bitcast3A_1439, 0 {pack_format = #tpu.pack_format<interleaved>} : vector<32xbf16> -> vector<16xf32>
        %unpack3A_1441 = tpu.unpack_subelements %bitcast3A_1439, 1 {pack_format = #tpu.pack_format<interleaved>} : vector<32xbf16> -> vector<16xf32>
        %add3A_1442 = arith.addf %add3A_1354, %unpack3A_1440 : vector<16xf32>
        %add3A_1443 = arith.addf %add3A_1355, %unpack3A_1441 : vector<16xf32>
        %add3A_1444 = arith.constant 11 : i32
        %add3A_1445 = vector.broadcast %add3A_1444 : i32 to vector<16xi32>
        %add3A_1446 = arith.addi %add3A_1416, %add3A_1445 : vector<16xi32>
        %gather3A_1447 = tpu.vector_load_idx %arg7[%add3A_1446] : memref<26588xi32, #tpu.memory_space<vmem>>[vector<16xi32>], vector<16xi32>,
        %bitcast3A_1448 = vector.bitcast %gather3A_1447 : vector<16xi32> to vector<32xbf16>
        %unpack3A_1449 = tpu.unpack_subelements %bitcast3A_1448, 0 {pack_format = #tpu.pack_format<interleaved>} : vector<32xbf16> -> vector<16xf32>
        %unpack3A_1450 = tpu.unpack_subelements %bitcast3A_1448, 1 {pack_format = #tpu.pack_format<interleaved>} : vector<32xbf16> -> vector<16xf32>
        %add3A_1451 = arith.addf %add3A_1363, %unpack3A_1449 : vector<16xf32>
        %add3A_1452 = arith.addf %add3A_1364, %unpack3A_1450 : vector<16xf32>
        %add3A_1453 = arith.constant 12 : i32
        %add3A_1454 = vector.broadcast %add3A_1453 : i32 to vector<16xi32>
        %add3A_1455 = arith.addi %add3A_1416, %add3A_1454 : vector<16xi32>
        %gather3A_1456 = tpu.vector_load_idx %arg7[%add3A_1455] : memref<26588xi32, #tpu.memory_space<vmem>>[vector<16xi32>], vector<16xi32>,
        %bitcast3A_1457 = vector.bitcast %gather3A_1456 : vector<16xi32> to vector<32xbf16>
        %unpack3A_1458 = tpu.unpack_subelements %bitcast3A_1457, 0 {pack_format = #tpu.pack_format<interleaved>} : vector<32xbf16> -> vector<16xf32>
        %unpack3A_1459 = tpu.unpack_subelements %bitcast3A_1457, 1 {pack_format = #tpu.pack_format<interleaved>} : vector<32xbf16> -> vector<16xf32>
        %add3A_1460 = arith.addf %add3A_1372, %unpack3A_1458 : vector<16xf32>
        %add3A_1461 = arith.addf %add3A_1373, %unpack3A_1459 : vector<16xf32>
        %add3A_1462 = arith.constant 13 : i32
        %add3A_1463 = vector.broadcast %add3A_1462 : i32 to vector<16xi32>
        %add3A_1464 = arith.addi %add3A_1416, %add3A_1463 : vector<16xi32>
        %gather3A_1465 = tpu.vector_load_idx %arg7[%add3A_1464] : memref<26588xi32, #tpu.memory_space<vmem>>[vector<16xi32>], vector<16xi32>,
        %bitcast3A_1466 = vector.bitcast %gather3A_1465 : vector<16xi32> to vector<32xbf16>
        %unpack3A_1467 = tpu.unpack_subelements %bitcast3A_1466, 0 {pack_format = #tpu.pack_format<interleaved>} : vector<32xbf16> -> vector<16xf32>
        %unpack3A_1468 = tpu.unpack_subelements %bitcast3A_1466, 1 {pack_format = #tpu.pack_format<interleaved>} : vector<32xbf16> -> vector<16xf32>
        %add3A_1469 = arith.addf %add3A_1381, %unpack3A_1467 : vector<16xf32>
        %add3A_1470 = arith.addf %add3A_1382, %unpack3A_1468 : vector<16xf32>
        %add3A_1471 = arith.constant 14 : i32
        %add3A_1472 = vector.broadcast %add3A_1471 : i32 to vector<16xi32>
        %add3A_1473 = arith.addi %add3A_1416, %add3A_1472 : vector<16xi32>
        %gather3A_1474 = tpu.vector_load_idx %arg7[%add3A_1473] : memref<26588xi32, #tpu.memory_space<vmem>>[vector<16xi32>], vector<16xi32>,
        %bitcast3A_1475 = vector.bitcast %gather3A_1474 : vector<16xi32> to vector<32xbf16>
        %unpack3A_1476 = tpu.unpack_subelements %bitcast3A_1475, 0 {pack_format = #tpu.pack_format<interleaved>} : vector<32xbf16> -> vector<16xf32>
        %unpack3A_1477 = tpu.unpack_subelements %bitcast3A_1475, 1 {pack_format = #tpu.pack_format<interleaved>} : vector<32xbf16> -> vector<16xf32>
        %add3A_1478 = arith.addf %add3A_1390, %unpack3A_1476 : vector<16xf32>
        %add3A_1479 = arith.addf %add3A_1391, %unpack3A_1477 : vector<16xf32>
        %add3A_1480 = arith.constant 15 : i32
        %add3A_1481 = vector.broadcast %add3A_1480 : i32 to vector<16xi32>
        %add3A_1482 = arith.addi %add3A_1416, %add3A_1481 : vector<16xi32>
        %gather3A_1483 = tpu.vector_load_idx %arg7[%add3A_1482] : memref<26588xi32, #tpu.memory_space<vmem>>[vector<16xi32>], vector<16xi32>,
        %bitcast3A_1484 = vector.bitcast %gather3A_1483 : vector<16xi32> to vector<32xbf16>
        %unpack3A_1485 = tpu.unpack_subelements %bitcast3A_1484, 0 {pack_format = #tpu.pack_format<interleaved>} : vector<32xbf16> -> vector<16xf32>
        %unpack3A_1486 = tpu.unpack_subelements %bitcast3A_1484, 1 {pack_format = #tpu.pack_format<interleaved>} : vector<32xbf16> -> vector<16xf32>
        %add3A_1487 = arith.addf %add3A_1399, %unpack3A_1485 : vector<16xf32>
        %add3A_1488 = arith.addf %add3A_1400, %unpack3A_1486 : vector<16xf32>
        %scan3A_1489 = arith.constant 2 : i32
        %scan3A_1490 = arith.addi %scan3A_1298, %scan3A_1489 : i32
        %mul3A_1491 = arith.constant 16 : i32
        %mul3A_1492 = arith.muli %scan3A_10, %mul3A_1491 : i32
        %get3A_1493 = arith.index_cast %scan3A_1490 : i32 to index
        %get3A_1494 = arith.index_cast %mul3A_1492 : i32 to index
        %get3A_1495 = tpu.vector_load %arg9[%get3A_1493, %get3A_1494] {strides = array<i32>} : memref<64x128xi32, #tpu.memory_space<vmem>>, vector<16xi32>,
        %mul3A_1496 = arith.constant 17 : i32
        %mul3A_1497 = vector.broadcast %mul3A_1496 : i32 to vector<16xi32>
        %mul3A_1498 = arith.muli %get3A_1495, %mul3A_1497 : vector<16xi32>
        %mul3A_1499 = arith.constant 204 : i32
        %mul3A_1500 = arith.muli %scan3A_1490, %mul3A_1499 : i32
        %add3A_1501 = arith.constant 13056 : i32
        %add3A_1502 = arith.addi %mul3A_1500, %add3A_1501 : i32
        %add3A_1503 = vector.broadcast %add3A_1502 : i32 to vector<16xi32>
        %add3A_1504 = arith.addi %mul3A_1498, %add3A_1503 : vector<16xi32>
        %add3A_1505 = arith.constant 8 : i32
        %add3A_1506 = vector.broadcast %add3A_1505 : i32 to vector<16xi32>
        %add3A_1507 = arith.addi %add3A_1504, %add3A_1506 : vector<16xi32>
        %gather3A_1508 = tpu.vector_load_idx %arg7[%add3A_1507] : memref<26588xi32, #tpu.memory_space<vmem>>[vector<16xi32>], vector<16xi32>,
        %bitcast3A_1509 = vector.bitcast %gather3A_1508 : vector<16xi32> to vector<32xbf16>
        %unpack3A_1510 = tpu.unpack_subelements %bitcast3A_1509, 0 {pack_format = #tpu.pack_format<interleaved>} : vector<32xbf16> -> vector<16xf32>
        %unpack3A_1511 = tpu.unpack_subelements %bitcast3A_1509, 1 {pack_format = #tpu.pack_format<interleaved>} : vector<32xbf16> -> vector<16xf32>
        %add3A_1512 = arith.addf %add3A_1424, %unpack3A_1510 : vector<16xf32>
        %add3A_1513 = arith.addf %add3A_1425, %unpack3A_1511 : vector<16xf32>
        %add3A_1514 = arith.constant 9 : i32
        %add3A_1515 = vector.broadcast %add3A_1514 : i32 to vector<16xi32>
        %add3A_1516 = arith.addi %add3A_1504, %add3A_1515 : vector<16xi32>
        %gather3A_1517 = tpu.vector_load_idx %arg7[%add3A_1516] : memref<26588xi32, #tpu.memory_space<vmem>>[vector<16xi32>], vector<16xi32>,
        %bitcast3A_1518 = vector.bitcast %gather3A_1517 : vector<16xi32> to vector<32xbf16>
        %unpack3A_1519 = tpu.unpack_subelements %bitcast3A_1518, 0 {pack_format = #tpu.pack_format<interleaved>} : vector<32xbf16> -> vector<16xf32>
        %unpack3A_1520 = tpu.unpack_subelements %bitcast3A_1518, 1 {pack_format = #tpu.pack_format<interleaved>} : vector<32xbf16> -> vector<16xf32>
        %add3A_1521 = arith.addf %add3A_1433, %unpack3A_1519 : vector<16xf32>
        %add3A_1522 = arith.addf %add3A_1434, %unpack3A_1520 : vector<16xf32>
        %add3A_1523 = arith.constant 10 : i32
        %add3A_1524 = vector.broadcast %add3A_1523 : i32 to vector<16xi32>
        %add3A_1525 = arith.addi %add3A_1504, %add3A_1524 : vector<16xi32>
        %gather3A_1526 = tpu.vector_load_idx %arg7[%add3A_1525] : memref<26588xi32, #tpu.memory_space<vmem>>[vector<16xi32>], vector<16xi32>,
        %bitcast3A_1527 = vector.bitcast %gather3A_1526 : vector<16xi32> to vector<32xbf16>
        %unpack3A_1528 = tpu.unpack_subelements %bitcast3A_1527, 0 {pack_format = #tpu.pack_format<interleaved>} : vector<32xbf16> -> vector<16xf32>
        %unpack3A_1529 = tpu.unpack_subelements %bitcast3A_1527, 1 {pack_format = #tpu.pack_format<interleaved>} : vector<32xbf16> -> vector<16xf32>
        %add3A_1530 = arith.addf %add3A_1442, %unpack3A_1528 : vector<16xf32>
        %add3A_1531 = arith.addf %add3A_1443, %unpack3A_1529 : vector<16xf32>
        %add3A_1532 = arith.constant 11 : i32
        %add3A_1533 = vector.broadcast %add3A_1532 : i32 to vector<16xi32>
        %add3A_1534 = arith.addi %add3A_1504, %add3A_1533 : vector<16xi32>
        %gather3A_1535 = tpu.vector_load_idx %arg7[%add3A_1534] : memref<26588xi32, #tpu.memory_space<vmem>>[vector<16xi32>], vector<16xi32>,
        %bitcast3A_1536 = vector.bitcast %gather3A_1535 : vector<16xi32> to vector<32xbf16>
        %unpack3A_1537 = tpu.unpack_subelements %bitcast3A_1536, 0 {pack_format = #tpu.pack_format<interleaved>} : vector<32xbf16> -> vector<16xf32>
        %unpack3A_1538 = tpu.unpack_subelements %bitcast3A_1536, 1 {pack_format = #tpu.pack_format<interleaved>} : vector<32xbf16> -> vector<16xf32>
        %add3A_1539 = arith.addf %add3A_1451, %unpack3A_1537 : vector<16xf32>
        %add3A_1540 = arith.addf %add3A_1452, %unpack3A_1538 : vector<16xf32>
        %add3A_1541 = arith.constant 12 : i32
        %add3A_1542 = vector.broadcast %add3A_1541 : i32 to vector<16xi32>
        %add3A_1543 = arith.addi %add3A_1504, %add3A_1542 : vector<16xi32>
        %gather3A_1544 = tpu.vector_load_idx %arg7[%add3A_1543] : memref<26588xi32, #tpu.memory_space<vmem>>[vector<16xi32>], vector<16xi32>,
        %bitcast3A_1545 = vector.bitcast %gather3A_1544 : vector<16xi32> to vector<32xbf16>
        %unpack3A_1546 = tpu.unpack_subelements %bitcast3A_1545, 0 {pack_format = #tpu.pack_format<interleaved>} : vector<32xbf16> -> vector<16xf32>
        %unpack3A_1547 = tpu.unpack_subelements %bitcast3A_1545, 1 {pack_format = #tpu.pack_format<interleaved>} : vector<32xbf16> -> vector<16xf32>
        %add3A_1548 = arith.addf %add3A_1460, %unpack3A_1546 : vector<16xf32>
        %add3A_1549 = arith.addf %add3A_1461, %unpack3A_1547 : vector<16xf32>
        %add3A_1550 = arith.constant 13 : i32
        %add3A_1551 = vector.broadcast %add3A_1550 : i32 to vector<16xi32>
        %add3A_1552 = arith.addi %add3A_1504, %add3A_1551 : vector<16xi32>
        %gather3A_1553 = tpu.vector_load_idx %arg7[%add3A_1552] : memref<26588xi32, #tpu.memory_space<vmem>>[vector<16xi32>], vector<16xi32>,
        %bitcast3A_1554 = vector.bitcast %gather3A_1553 : vector<16xi32> to vector<32xbf16>
        %unpack3A_1555 = tpu.unpack_subelements %bitcast3A_1554, 0 {pack_format = #tpu.pack_format<interleaved>} : vector<32xbf16> -> vector<16xf32>
        %unpack3A_1556 = tpu.unpack_subelements %bitcast3A_1554, 1 {pack_format = #tpu.pack_format<interleaved>} : vector<32xbf16> -> vector<16xf32>
        %add3A_1557 = arith.addf %add3A_1469, %unpack3A_1555 : vector<16xf32>
        %add3A_1558 = arith.addf %add3A_1470, %unpack3A_1556 : vector<16xf32>
        %add3A_1559 = arith.constant 14 : i32
        %add3A_1560 = vector.broadcast %add3A_1559 : i32 to vector<16xi32>
        %add3A_1561 = arith.addi %add3A_1504, %add3A_1560 : vector<16xi32>
        %gather3A_1562 = tpu.vector_load_idx %arg7[%add3A_1561] : memref<26588xi32, #tpu.memory_space<vmem>>[vector<16xi32>], vector<16xi32>,
        %bitcast3A_1563 = vector.bitcast %gather3A_1562 : vector<16xi32> to vector<32xbf16>
        %unpack3A_1564 = tpu.unpack_subelements %bitcast3A_1563, 0 {pack_format = #tpu.pack_format<interleaved>} : vector<32xbf16> -> vector<16xf32>
        %unpack3A_1565 = tpu.unpack_subelements %bitcast3A_1563, 1 {pack_format = #tpu.pack_format<interleaved>} : vector<32xbf16> -> vector<16xf32>
        %add3A_1566 = arith.addf %add3A_1478, %unpack3A_1564 : vector<16xf32>
        %add3A_1567 = arith.addf %add3A_1479, %unpack3A_1565 : vector<16xf32>
        %add3A_1568 = arith.constant 15 : i32
        %add3A_1569 = vector.broadcast %add3A_1568 : i32 to vector<16xi32>
        %add3A_1570 = arith.addi %add3A_1504, %add3A_1569 : vector<16xi32>
        %gather3A_1571 = tpu.vector_load_idx %arg7[%add3A_1570] : memref<26588xi32, #tpu.memory_space<vmem>>[vector<16xi32>], vector<16xi32>,
        %bitcast3A_1572 = vector.bitcast %gather3A_1571 : vector<16xi32> to vector<32xbf16>
        %unpack3A_1573 = tpu.unpack_subelements %bitcast3A_1572, 0 {pack_format = #tpu.pack_format<interleaved>} : vector<32xbf16> -> vector<16xf32>
        %unpack3A_1574 = tpu.unpack_subelements %bitcast3A_1572, 1 {pack_format = #tpu.pack_format<interleaved>} : vector<32xbf16> -> vector<16xf32>
        %add3A_1575 = arith.addf %add3A_1487, %unpack3A_1573 : vector<16xf32>
        %add3A_1576 = arith.addf %add3A_1488, %unpack3A_1574 : vector<16xf32>
        %scan3A_1577 = arith.constant 3 : i32
        %scan3A_1578 = arith.addi %scan3A_1298, %scan3A_1577 : i32
        %mul3A_1579 = arith.constant 16 : i32
        %mul3A_1580 = arith.muli %scan3A_10, %mul3A_1579 : i32
        %get3A_1581 = arith.index_cast %scan3A_1578 : i32 to index
        %get3A_1582 = arith.index_cast %mul3A_1580 : i32 to index
        %get3A_1583 = tpu.vector_load %arg9[%get3A_1581, %get3A_1582] {strides = array<i32>} : memref<64x128xi32, #tpu.memory_space<vmem>>, vector<16xi32>,
        %mul3A_1584 = arith.constant 17 : i32
        %mul3A_1585 = vector.broadcast %mul3A_1584 : i32 to vector<16xi32>
        %mul3A_1586 = arith.muli %get3A_1583, %mul3A_1585 : vector<16xi32>
        %mul3A_1587 = arith.constant 204 : i32
        %mul3A_1588 = arith.muli %scan3A_1578, %mul3A_1587 : i32
        %add3A_1589 = arith.constant 13056 : i32
        %add3A_1590 = arith.addi %mul3A_1588, %add3A_1589 : i32
        %add3A_1591 = vector.broadcast %add3A_1590 : i32 to vector<16xi32>
        %add3A_1592 = arith.addi %mul3A_1586, %add3A_1591 : vector<16xi32>
        %add3A_1593 = arith.constant 8 : i32
        %add3A_1594 = vector.broadcast %add3A_1593 : i32 to vector<16xi32>
        %add3A_1595 = arith.addi %add3A_1592, %add3A_1594 : vector<16xi32>
        %gather3A_1596 = tpu.vector_load_idx %arg7[%add3A_1595] : memref<26588xi32, #tpu.memory_space<vmem>>[vector<16xi32>], vector<16xi32>,
        %bitcast3A_1597 = vector.bitcast %gather3A_1596 : vector<16xi32> to vector<32xbf16>
        %unpack3A_1598 = tpu.unpack_subelements %bitcast3A_1597, 0 {pack_format = #tpu.pack_format<interleaved>} : vector<32xbf16> -> vector<16xf32>
        %unpack3A_1599 = tpu.unpack_subelements %bitcast3A_1597, 1 {pack_format = #tpu.pack_format<interleaved>} : vector<32xbf16> -> vector<16xf32>
        %add3A_1600 = arith.addf %add3A_1512, %unpack3A_1598 : vector<16xf32>
        %add3A_1601 = arith.addf %add3A_1513, %unpack3A_1599 : vector<16xf32>
        %add3A_1602 = arith.constant 9 : i32
        %add3A_1603 = vector.broadcast %add3A_1602 : i32 to vector<16xi32>
        %add3A_1604 = arith.addi %add3A_1592, %add3A_1603 : vector<16xi32>
        %gather3A_1605 = tpu.vector_load_idx %arg7[%add3A_1604] : memref<26588xi32, #tpu.memory_space<vmem>>[vector<16xi32>], vector<16xi32>,
        %bitcast3A_1606 = vector.bitcast %gather3A_1605 : vector<16xi32> to vector<32xbf16>
        %unpack3A_1607 = tpu.unpack_subelements %bitcast3A_1606, 0 {pack_format = #tpu.pack_format<interleaved>} : vector<32xbf16> -> vector<16xf32>
        %unpack3A_1608 = tpu.unpack_subelements %bitcast3A_1606, 1 {pack_format = #tpu.pack_format<interleaved>} : vector<32xbf16> -> vector<16xf32>
        %add3A_1609 = arith.addf %add3A_1521, %unpack3A_1607 : vector<16xf32>
        %add3A_1610 = arith.addf %add3A_1522, %unpack3A_1608 : vector<16xf32>
        %add3A_1611 = arith.constant 10 : i32
        %add3A_1612 = vector.broadcast %add3A_1611 : i32 to vector<16xi32>
        %add3A_1613 = arith.addi %add3A_1592, %add3A_1612 : vector<16xi32>
        %gather3A_1614 = tpu.vector_load_idx %arg7[%add3A_1613] : memref<26588xi32, #tpu.memory_space<vmem>>[vector<16xi32>], vector<16xi32>,
        %bitcast3A_1615 = vector.bitcast %gather3A_1614 : vector<16xi32> to vector<32xbf16>
        %unpack3A_1616 = tpu.unpack_subelements %bitcast3A_1615, 0 {pack_format = #tpu.pack_format<interleaved>} : vector<32xbf16> -> vector<16xf32>
        %unpack3A_1617 = tpu.unpack_subelements %bitcast3A_1615, 1 {pack_format = #tpu.pack_format<interleaved>} : vector<32xbf16> -> vector<16xf32>
        %add3A_1618 = arith.addf %add3A_1530, %unpack3A_1616 : vector<16xf32>
        %add3A_1619 = arith.addf %add3A_1531, %unpack3A_1617 : vector<16xf32>
        %add3A_1620 = arith.constant 11 : i32
        %add3A_1621 = vector.broadcast %add3A_1620 : i32 to vector<16xi32>
        %add3A_1622 = arith.addi %add3A_1592, %add3A_1621 : vector<16xi32>
        %gather3A_1623 = tpu.vector_load_idx %arg7[%add3A_1622] : memref<26588xi32, #tpu.memory_space<vmem>>[vector<16xi32>], vector<16xi32>,
        %bitcast3A_1624 = vector.bitcast %gather3A_1623 : vector<16xi32> to vector<32xbf16>
        %unpack3A_1625 = tpu.unpack_subelements %bitcast3A_1624, 0 {pack_format = #tpu.pack_format<interleaved>} : vector<32xbf16> -> vector<16xf32>
        %unpack3A_1626 = tpu.unpack_subelements %bitcast3A_1624, 1 {pack_format = #tpu.pack_format<interleaved>} : vector<32xbf16> -> vector<16xf32>
        %add3A_1627 = arith.addf %add3A_1539, %unpack3A_1625 : vector<16xf32>
        %add3A_1628 = arith.addf %add3A_1540, %unpack3A_1626 : vector<16xf32>
        %add3A_1629 = arith.constant 12 : i32
        %add3A_1630 = vector.broadcast %add3A_1629 : i32 to vector<16xi32>
        %add3A_1631 = arith.addi %add3A_1592, %add3A_1630 : vector<16xi32>
        %gather3A_1632 = tpu.vector_load_idx %arg7[%add3A_1631] : memref<26588xi32, #tpu.memory_space<vmem>>[vector<16xi32>], vector<16xi32>,
        %bitcast3A_1633 = vector.bitcast %gather3A_1632 : vector<16xi32> to vector<32xbf16>
        %unpack3A_1634 = tpu.unpack_subelements %bitcast3A_1633, 0 {pack_format = #tpu.pack_format<interleaved>} : vector<32xbf16> -> vector<16xf32>
        %unpack3A_1635 = tpu.unpack_subelements %bitcast3A_1633, 1 {pack_format = #tpu.pack_format<interleaved>} : vector<32xbf16> -> vector<16xf32>
        %add3A_1636 = arith.addf %add3A_1548, %unpack3A_1634 : vector<16xf32>
        %add3A_1637 = arith.addf %add3A_1549, %unpack3A_1635 : vector<16xf32>
        %add3A_1638 = arith.constant 13 : i32
        %add3A_1639 = vector.broadcast %add3A_1638 : i32 to vector<16xi32>
        %add3A_1640 = arith.addi %add3A_1592, %add3A_1639 : vector<16xi32>
        %gather3A_1641 = tpu.vector_load_idx %arg7[%add3A_1640] : memref<26588xi32, #tpu.memory_space<vmem>>[vector<16xi32>], vector<16xi32>,
        %bitcast3A_1642 = vector.bitcast %gather3A_1641 : vector<16xi32> to vector<32xbf16>
        %unpack3A_1643 = tpu.unpack_subelements %bitcast3A_1642, 0 {pack_format = #tpu.pack_format<interleaved>} : vector<32xbf16> -> vector<16xf32>
        %unpack3A_1644 = tpu.unpack_subelements %bitcast3A_1642, 1 {pack_format = #tpu.pack_format<interleaved>} : vector<32xbf16> -> vector<16xf32>
        %add3A_1645 = arith.addf %add3A_1557, %unpack3A_1643 : vector<16xf32>
        %add3A_1646 = arith.addf %add3A_1558, %unpack3A_1644 : vector<16xf32>
        %add3A_1647 = arith.constant 14 : i32
        %add3A_1648 = vector.broadcast %add3A_1647 : i32 to vector<16xi32>
        %add3A_1649 = arith.addi %add3A_1592, %add3A_1648 : vector<16xi32>
        %gather3A_1650 = tpu.vector_load_idx %arg7[%add3A_1649] : memref<26588xi32, #tpu.memory_space<vmem>>[vector<16xi32>], vector<16xi32>,
        %bitcast3A_1651 = vector.bitcast %gather3A_1650 : vector<16xi32> to vector<32xbf16>
        %unpack3A_1652 = tpu.unpack_subelements %bitcast3A_1651, 0 {pack_format = #tpu.pack_format<interleaved>} : vector<32xbf16> -> vector<16xf32>
        %unpack3A_1653 = tpu.unpack_subelements %bitcast3A_1651, 1 {pack_format = #tpu.pack_format<interleaved>} : vector<32xbf16> -> vector<16xf32>
        %add3A_1654 = arith.addf %add3A_1566, %unpack3A_1652 : vector<16xf32>
        %add3A_1655 = arith.addf %add3A_1567, %unpack3A_1653 : vector<16xf32>
        %add3A_1656 = arith.constant 15 : i32
        %add3A_1657 = vector.broadcast %add3A_1656 : i32 to vector<16xi32>
        %add3A_1658 = arith.addi %add3A_1592, %add3A_1657 : vector<16xi32>
        %gather3A_1659 = tpu.vector_load_idx %arg7[%add3A_1658] : memref<26588xi32, #tpu.memory_space<vmem>>[vector<16xi32>], vector<16xi32>,
        %bitcast3A_1660 = vector.bitcast %gather3A_1659 : vector<16xi32> to vector<32xbf16>
        %unpack3A_1661 = tpu.unpack_subelements %bitcast3A_1660, 0 {pack_format = #tpu.pack_format<interleaved>} : vector<32xbf16> -> vector<16xf32>
        %unpack3A_1662 = tpu.unpack_subelements %bitcast3A_1660, 1 {pack_format = #tpu.pack_format<interleaved>} : vector<32xbf16> -> vector<16xf32>
        %add3A_1663 = arith.addf %add3A_1575, %unpack3A_1661 : vector<16xf32>
        %add3A_1664 = arith.addf %add3A_1576, %unpack3A_1662 : vector<16xf32>
        scf.yield %add3A_1600, %add3A_1601, %add3A_1609, %add3A_1610, %add3A_1618, %add3A_1619, %add3A_1627, %add3A_1628, %add3A_1636, %add3A_1637, %add3A_1645, %add3A_1646, %add3A_1654, %add3A_1655, %add3A_1663, %add3A_1664 : vector<16xf32>, vector<16xf32>, vector<16xf32>, vector<16xf32>, vector<16xf32>, vector<16xf32>, vector<16xf32>, vector<16xf32>, vector<16xf32>, vector<16xf32>, vector<16xf32>, vector<16xf32>, vector<16xf32>, vector<16xf32>, vector<16xf32>, vector<16xf32>
      }
      %scan3A_697 = arith.constant 64 : i32
      %mul3A_698 = arith.constant 16 : i32
      %mul3A_699 = arith.muli %scan3A_10, %mul3A_698 : i32
      %get3A_700 = arith.constant 0 : i32
      %get3A_701 = arith.index_cast %get3A_700 : i32 to index
      %get3A_702 = arith.index_cast %mul3A_699 : i32 to index
      %get3A_703 = tpu.vector_load %arg10[%get3A_701, %get3A_702] {strides = array<i32>} : memref<6x128xi32, #tpu.memory_space<vmem>>, vector<16xi32>,
      %mul3A_704 = arith.constant 17 : i32
      %mul3A_705 = vector.broadcast %mul3A_704 : i32 to vector<16xi32>
      %mul3A_706 = arith.muli %get3A_703, %mul3A_705 : vector<16xi32>
      %add3A_707 = arith.constant 26112 : i32
      %add3A_708 = vector.broadcast %add3A_707 : i32 to vector<16xi32>
      %add3A_709 = arith.addi %mul3A_706, %add3A_708 : vector<16xi32>
      %add3A_710 = arith.constant 8 : i32
      %add3A_711 = vector.broadcast %add3A_710 : i32 to vector<16xi32>
      %add3A_712 = arith.addi %add3A_709, %add3A_711 : vector<16xi32>
      %gather3A_713 = tpu.vector_load_idx %arg7[%add3A_712] : memref<26588xi32, #tpu.memory_space<vmem>>[vector<16xi32>], vector<16xi32>,
      %bitcast3A_714 = vector.bitcast %gather3A_713 : vector<16xi32> to vector<32xbf16>
      %unpack3A_715 = tpu.unpack_subelements %bitcast3A_714, 0 {pack_format = #tpu.pack_format<interleaved>} : vector<32xbf16> -> vector<16xf32>
      %unpack3A_716 = tpu.unpack_subelements %bitcast3A_714, 1 {pack_format = #tpu.pack_format<interleaved>} : vector<32xbf16> -> vector<16xf32>
      %add3A_717 = arith.addf %scan3A_696#0, %unpack3A_715 : vector<16xf32>
      %add3A_718 = arith.addf %scan3A_696#1, %unpack3A_716 : vector<16xf32>
      %add3A_719 = arith.constant 9 : i32
      %add3A_720 = vector.broadcast %add3A_719 : i32 to vector<16xi32>
      %add3A_721 = arith.addi %add3A_709, %add3A_720 : vector<16xi32>
      %gather3A_722 = tpu.vector_load_idx %arg7[%add3A_721] : memref<26588xi32, #tpu.memory_space<vmem>>[vector<16xi32>], vector<16xi32>,
      %bitcast3A_723 = vector.bitcast %gather3A_722 : vector<16xi32> to vector<32xbf16>
      %unpack3A_724 = tpu.unpack_subelements %bitcast3A_723, 0 {pack_format = #tpu.pack_format<interleaved>} : vector<32xbf16> -> vector<16xf32>
      %unpack3A_725 = tpu.unpack_subelements %bitcast3A_723, 1 {pack_format = #tpu.pack_format<interleaved>} : vector<32xbf16> -> vector<16xf32>
      %add3A_726 = arith.addf %scan3A_696#2, %unpack3A_724 : vector<16xf32>
      %add3A_727 = arith.addf %scan3A_696#3, %unpack3A_725 : vector<16xf32>
      %add3A_728 = arith.constant 10 : i32
      %add3A_729 = vector.broadcast %add3A_728 : i32 to vector<16xi32>
      %add3A_730 = arith.addi %add3A_709, %add3A_729 : vector<16xi32>
      %gather3A_731 = tpu.vector_load_idx %arg7[%add3A_730] : memref<26588xi32, #tpu.memory_space<vmem>>[vector<16xi32>], vector<16xi32>,
      %bitcast3A_732 = vector.bitcast %gather3A_731 : vector<16xi32> to vector<32xbf16>
      %unpack3A_733 = tpu.unpack_subelements %bitcast3A_732, 0 {pack_format = #tpu.pack_format<interleaved>} : vector<32xbf16> -> vector<16xf32>
      %unpack3A_734 = tpu.unpack_subelements %bitcast3A_732, 1 {pack_format = #tpu.pack_format<interleaved>} : vector<32xbf16> -> vector<16xf32>
      %add3A_735 = arith.addf %scan3A_696#4, %unpack3A_733 : vector<16xf32>
      %add3A_736 = arith.addf %scan3A_696#5, %unpack3A_734 : vector<16xf32>
      %add3A_737 = arith.constant 11 : i32
      %add3A_738 = vector.broadcast %add3A_737 : i32 to vector<16xi32>
      %add3A_739 = arith.addi %add3A_709, %add3A_738 : vector<16xi32>
      %gather3A_740 = tpu.vector_load_idx %arg7[%add3A_739] : memref<26588xi32, #tpu.memory_space<vmem>>[vector<16xi32>], vector<16xi32>,
      %bitcast3A_741 = vector.bitcast %gather3A_740 : vector<16xi32> to vector<32xbf16>
      %unpack3A_742 = tpu.unpack_subelements %bitcast3A_741, 0 {pack_format = #tpu.pack_format<interleaved>} : vector<32xbf16> -> vector<16xf32>
      %unpack3A_743 = tpu.unpack_subelements %bitcast3A_741, 1 {pack_format = #tpu.pack_format<interleaved>} : vector<32xbf16> -> vector<16xf32>
      %add3A_744 = arith.addf %scan3A_696#6, %unpack3A_742 : vector<16xf32>
      %add3A_745 = arith.addf %scan3A_696#7, %unpack3A_743 : vector<16xf32>
      %add3A_746 = arith.constant 12 : i32
      %add3A_747 = vector.broadcast %add3A_746 : i32 to vector<16xi32>
      %add3A_748 = arith.addi %add3A_709, %add3A_747 : vector<16xi32>
      %gather3A_749 = tpu.vector_load_idx %arg7[%add3A_748] : memref<26588xi32, #tpu.memory_space<vmem>>[vector<16xi32>], vector<16xi32>,
      %bitcast3A_750 = vector.bitcast %gather3A_749 : vector<16xi32> to vector<32xbf16>
      %unpack3A_751 = tpu.unpack_subelements %bitcast3A_750, 0 {pack_format = #tpu.pack_format<interleaved>} : vector<32xbf16> -> vector<16xf32>
      %unpack3A_752 = tpu.unpack_subelements %bitcast3A_750, 1 {pack_format = #tpu.pack_format<interleaved>} : vector<32xbf16> -> vector<16xf32>
      %add3A_753 = arith.addf %scan3A_696#8, %unpack3A_751 : vector<16xf32>
      %add3A_754 = arith.addf %scan3A_696#9, %unpack3A_752 : vector<16xf32>
      %add3A_755 = arith.constant 13 : i32
      %add3A_756 = vector.broadcast %add3A_755 : i32 to vector<16xi32>
      %add3A_757 = arith.addi %add3A_709, %add3A_756 : vector<16xi32>
      %gather3A_758 = tpu.vector_load_idx %arg7[%add3A_757] : memref<26588xi32, #tpu.memory_space<vmem>>[vector<16xi32>], vector<16xi32>,
      %bitcast3A_759 = vector.bitcast %gather3A_758 : vector<16xi32> to vector<32xbf16>
      %unpack3A_760 = tpu.unpack_subelements %bitcast3A_759, 0 {pack_format = #tpu.pack_format<interleaved>} : vector<32xbf16> -> vector<16xf32>
      %unpack3A_761 = tpu.unpack_subelements %bitcast3A_759, 1 {pack_format = #tpu.pack_format<interleaved>} : vector<32xbf16> -> vector<16xf32>
      %add3A_762 = arith.addf %scan3A_696#10, %unpack3A_760 : vector<16xf32>
      %add3A_763 = arith.addf %scan3A_696#11, %unpack3A_761 : vector<16xf32>
      %add3A_764 = arith.constant 14 : i32
      %add3A_765 = vector.broadcast %add3A_764 : i32 to vector<16xi32>
      %add3A_766 = arith.addi %add3A_709, %add3A_765 : vector<16xi32>
      %gather3A_767 = tpu.vector_load_idx %arg7[%add3A_766] : memref<26588xi32, #tpu.memory_space<vmem>>[vector<16xi32>], vector<16xi32>,
      %bitcast3A_768 = vector.bitcast %gather3A_767 : vector<16xi32> to vector<32xbf16>
      %unpack3A_769 = tpu.unpack_subelements %bitcast3A_768, 0 {pack_format = #tpu.pack_format<interleaved>} : vector<32xbf16> -> vector<16xf32>
      %unpack3A_770 = tpu.unpack_subelements %bitcast3A_768, 1 {pack_format = #tpu.pack_format<interleaved>} : vector<32xbf16> -> vector<16xf32>
      %add3A_771 = arith.addf %scan3A_696#12, %unpack3A_769 : vector<16xf32>
      %add3A_772 = arith.addf %scan3A_696#13, %unpack3A_770 : vector<16xf32>
      %add3A_773 = arith.constant 15 : i32
      %add3A_774 = vector.broadcast %add3A_773 : i32 to vector<16xi32>
      %add3A_775 = arith.addi %add3A_709, %add3A_774 : vector<16xi32>
      %gather3A_776 = tpu.vector_load_idx %arg7[%add3A_775] : memref<26588xi32, #tpu.memory_space<vmem>>[vector<16xi32>], vector<16xi32>,
      %bitcast3A_777 = vector.bitcast %gather3A_776 : vector<16xi32> to vector<32xbf16>
      %unpack3A_778 = tpu.unpack_subelements %bitcast3A_777, 0 {pack_format = #tpu.pack_format<interleaved>} : vector<32xbf16> -> vector<16xf32>
      %unpack3A_779 = tpu.unpack_subelements %bitcast3A_777, 1 {pack_format = #tpu.pack_format<interleaved>} : vector<32xbf16> -> vector<16xf32>
      %add3A_780 = arith.addf %scan3A_696#14, %unpack3A_778 : vector<16xf32>
      %add3A_781 = arith.addf %scan3A_696#15, %unpack3A_779 : vector<16xf32>
      %mul3A_782 = arith.constant 16 : i32
      %mul3A_783 = arith.muli %scan3A_10, %mul3A_782 : i32
      %get3A_784 = arith.constant 1 : i32
      %get3A_785 = arith.index_cast %get3A_784 : i32 to index
      %get3A_786 = arith.index_cast %mul3A_783 : i32 to index
      %get3A_787 = tpu.vector_load %arg10[%get3A_785, %get3A_786] {strides = array<i32>} : memref<6x128xi32, #tpu.memory_space<vmem>>, vector<16xi32>,
      %mul3A_788 = arith.constant 17 : i32
      %mul3A_789 = vector.broadcast %mul3A_788 : i32 to vector<16xi32>
      %mul3A_790 = arith.muli %get3A_787, %mul3A_789 : vector<16xi32>
      %add3A_791 = arith.constant 26180 : i32
      %add3A_792 = vector.broadcast %add3A_791 : i32 to vector<16xi32>
      %add3A_793 = arith.addi %mul3A_790, %add3A_792 : vector<16xi32>
      %add3A_794 = arith.constant 8 : i32
      %add3A_795 = vector.broadcast %add3A_794 : i32 to vector<16xi32>
      %add3A_796 = arith.addi %add3A_793, %add3A_795 : vector<16xi32>
      %gather3A_797 = tpu.vector_load_idx %arg7[%add3A_796] : memref<26588xi32, #tpu.memory_space<vmem>>[vector<16xi32>], vector<16xi32>,
      %bitcast3A_798 = vector.bitcast %gather3A_797 : vector<16xi32> to vector<32xbf16>
      %unpack3A_799 = tpu.unpack_subelements %bitcast3A_798, 0 {pack_format = #tpu.pack_format<interleaved>} : vector<32xbf16> -> vector<16xf32>
      %unpack3A_800 = tpu.unpack_subelements %bitcast3A_798, 1 {pack_format = #tpu.pack_format<interleaved>} : vector<32xbf16> -> vector<16xf32>
      %add3A_801 = arith.addf %add3A_717, %unpack3A_799 : vector<16xf32>
      %add3A_802 = arith.addf %add3A_718, %unpack3A_800 : vector<16xf32>
      %add3A_803 = arith.constant 9 : i32
      %add3A_804 = vector.broadcast %add3A_803 : i32 to vector<16xi32>
      %add3A_805 = arith.addi %add3A_793, %add3A_804 : vector<16xi32>
      %gather3A_806 = tpu.vector_load_idx %arg7[%add3A_805] : memref<26588xi32, #tpu.memory_space<vmem>>[vector<16xi32>], vector<16xi32>,
      %bitcast3A_807 = vector.bitcast %gather3A_806 : vector<16xi32> to vector<32xbf16>
      %unpack3A_808 = tpu.unpack_subelements %bitcast3A_807, 0 {pack_format = #tpu.pack_format<interleaved>} : vector<32xbf16> -> vector<16xf32>
      %unpack3A_809 = tpu.unpack_subelements %bitcast3A_807, 1 {pack_format = #tpu.pack_format<interleaved>} : vector<32xbf16> -> vector<16xf32>
      %add3A_810 = arith.addf %add3A_726, %unpack3A_808 : vector<16xf32>
      %add3A_811 = arith.addf %add3A_727, %unpack3A_809 : vector<16xf32>
      %add3A_812 = arith.constant 10 : i32
      %add3A_813 = vector.broadcast %add3A_812 : i32 to vector<16xi32>
      %add3A_814 = arith.addi %add3A_793, %add3A_813 : vector<16xi32>
      %gather3A_815 = tpu.vector_load_idx %arg7[%add3A_814] : memref<26588xi32, #tpu.memory_space<vmem>>[vector<16xi32>], vector<16xi32>,
      %bitcast3A_816 = vector.bitcast %gather3A_815 : vector<16xi32> to vector<32xbf16>
      %unpack3A_817 = tpu.unpack_subelements %bitcast3A_816, 0 {pack_format = #tpu.pack_format<interleaved>} : vector<32xbf16> -> vector<16xf32>
      %unpack3A_818 = tpu.unpack_subelements %bitcast3A_816, 1 {pack_format = #tpu.pack_format<interleaved>} : vector<32xbf16> -> vector<16xf32>
      %add3A_819 = arith.addf %add3A_735, %unpack3A_817 : vector<16xf32>
      %add3A_820 = arith.addf %add3A_736, %unpack3A_818 : vector<16xf32>
      %add3A_821 = arith.constant 11 : i32
      %add3A_822 = vector.broadcast %add3A_821 : i32 to vector<16xi32>
      %add3A_823 = arith.addi %add3A_793, %add3A_822 : vector<16xi32>
      %gather3A_824 = tpu.vector_load_idx %arg7[%add3A_823] : memref<26588xi32, #tpu.memory_space<vmem>>[vector<16xi32>], vector<16xi32>,
      %bitcast3A_825 = vector.bitcast %gather3A_824 : vector<16xi32> to vector<32xbf16>
      %unpack3A_826 = tpu.unpack_subelements %bitcast3A_825, 0 {pack_format = #tpu.pack_format<interleaved>} : vector<32xbf16> -> vector<16xf32>
      %unpack3A_827 = tpu.unpack_subelements %bitcast3A_825, 1 {pack_format = #tpu.pack_format<interleaved>} : vector<32xbf16> -> vector<16xf32>
      %add3A_828 = arith.addf %add3A_744, %unpack3A_826 : vector<16xf32>
      %add3A_829 = arith.addf %add3A_745, %unpack3A_827 : vector<16xf32>
      %add3A_830 = arith.constant 12 : i32
      %add3A_831 = vector.broadcast %add3A_830 : i32 to vector<16xi32>
      %add3A_832 = arith.addi %add3A_793, %add3A_831 : vector<16xi32>
      %gather3A_833 = tpu.vector_load_idx %arg7[%add3A_832] : memref<26588xi32, #tpu.memory_space<vmem>>[vector<16xi32>], vector<16xi32>,
      %bitcast3A_834 = vector.bitcast %gather3A_833 : vector<16xi32> to vector<32xbf16>
      %unpack3A_835 = tpu.unpack_subelements %bitcast3A_834, 0 {pack_format = #tpu.pack_format<interleaved>} : vector<32xbf16> -> vector<16xf32>
      %unpack3A_836 = tpu.unpack_subelements %bitcast3A_834, 1 {pack_format = #tpu.pack_format<interleaved>} : vector<32xbf16> -> vector<16xf32>
      %add3A_837 = arith.addf %add3A_753, %unpack3A_835 : vector<16xf32>
      %add3A_838 = arith.addf %add3A_754, %unpack3A_836 : vector<16xf32>
      %add3A_839 = arith.constant 13 : i32
      %add3A_840 = vector.broadcast %add3A_839 : i32 to vector<16xi32>
      %add3A_841 = arith.addi %add3A_793, %add3A_840 : vector<16xi32>
      %gather3A_842 = tpu.vector_load_idx %arg7[%add3A_841] : memref<26588xi32, #tpu.memory_space<vmem>>[vector<16xi32>], vector<16xi32>,
      %bitcast3A_843 = vector.bitcast %gather3A_842 : vector<16xi32> to vector<32xbf16>
      %unpack3A_844 = tpu.unpack_subelements %bitcast3A_843, 0 {pack_format = #tpu.pack_format<interleaved>} : vector<32xbf16> -> vector<16xf32>
      %unpack3A_845 = tpu.unpack_subelements %bitcast3A_843, 1 {pack_format = #tpu.pack_format<interleaved>} : vector<32xbf16> -> vector<16xf32>
      %add3A_846 = arith.addf %add3A_762, %unpack3A_844 : vector<16xf32>
      %add3A_847 = arith.addf %add3A_763, %unpack3A_845 : vector<16xf32>
      %add3A_848 = arith.constant 14 : i32
      %add3A_849 = vector.broadcast %add3A_848 : i32 to vector<16xi32>
      %add3A_850 = arith.addi %add3A_793, %add3A_849 : vector<16xi32>
      %gather3A_851 = tpu.vector_load_idx %arg7[%add3A_850] : memref<26588xi32, #tpu.memory_space<vmem>>[vector<16xi32>], vector<16xi32>,
      %bitcast3A_852 = vector.bitcast %gather3A_851 : vector<16xi32> to vector<32xbf16>
      %unpack3A_853 = tpu.unpack_subelements %bitcast3A_852, 0 {pack_format = #tpu.pack_format<interleaved>} : vector<32xbf16> -> vector<16xf32>
      %unpack3A_854 = tpu.unpack_subelements %bitcast3A_852, 1 {pack_format = #tpu.pack_format<interleaved>} : vector<32xbf16> -> vector<16xf32>
      %add3A_855 = arith.addf %add3A_771, %unpack3A_853 : vector<16xf32>
      %add3A_856 = arith.addf %add3A_772, %unpack3A_854 : vector<16xf32>
      %add3A_857 = arith.constant 15 : i32
      %add3A_858 = vector.broadcast %add3A_857 : i32 to vector<16xi32>
      %add3A_859 = arith.addi %add3A_793, %add3A_858 : vector<16xi32>
      %gather3A_860 = tpu.vector_load_idx %arg7[%add3A_859] : memref<26588xi32, #tpu.memory_space<vmem>>[vector<16xi32>], vector<16xi32>,
      %bitcast3A_861 = vector.bitcast %gather3A_860 : vector<16xi32> to vector<32xbf16>
      %unpack3A_862 = tpu.unpack_subelements %bitcast3A_861, 0 {pack_format = #tpu.pack_format<interleaved>} : vector<32xbf16> -> vector<16xf32>
      %unpack3A_863 = tpu.unpack_subelements %bitcast3A_861, 1 {pack_format = #tpu.pack_format<interleaved>} : vector<32xbf16> -> vector<16xf32>
      %add3A_864 = arith.addf %add3A_780, %unpack3A_862 : vector<16xf32>
      %add3A_865 = arith.addf %add3A_781, %unpack3A_863 : vector<16xf32>
      %mul3A_866 = arith.constant 16 : i32
      %mul3A_867 = arith.muli %scan3A_10, %mul3A_866 : i32
      %get3A_868 = arith.constant 2 : i32
      %get3A_869 = arith.index_cast %get3A_868 : i32 to index
      %get3A_870 = arith.index_cast %mul3A_867 : i32 to index
      %get3A_871 = tpu.vector_load %arg10[%get3A_869, %get3A_870] {strides = array<i32>} : memref<6x128xi32, #tpu.memory_space<vmem>>, vector<16xi32>,
      %mul3A_872 = arith.constant 17 : i32
      %mul3A_873 = vector.broadcast %mul3A_872 : i32 to vector<16xi32>
      %mul3A_874 = arith.muli %get3A_871, %mul3A_873 : vector<16xi32>
      %add3A_875 = arith.constant 26248 : i32
      %add3A_876 = vector.broadcast %add3A_875 : i32 to vector<16xi32>
      %add3A_877 = arith.addi %mul3A_874, %add3A_876 : vector<16xi32>
      %add3A_878 = arith.constant 8 : i32
      %add3A_879 = vector.broadcast %add3A_878 : i32 to vector<16xi32>
      %add3A_880 = arith.addi %add3A_877, %add3A_879 : vector<16xi32>
      %gather3A_881 = tpu.vector_load_idx %arg7[%add3A_880] : memref<26588xi32, #tpu.memory_space<vmem>>[vector<16xi32>], vector<16xi32>,
      %bitcast3A_882 = vector.bitcast %gather3A_881 : vector<16xi32> to vector<32xbf16>
      %unpack3A_883 = tpu.unpack_subelements %bitcast3A_882, 0 {pack_format = #tpu.pack_format<interleaved>} : vector<32xbf16> -> vector<16xf32>
      %unpack3A_884 = tpu.unpack_subelements %bitcast3A_882, 1 {pack_format = #tpu.pack_format<interleaved>} : vector<32xbf16> -> vector<16xf32>
      %add3A_885 = arith.addf %add3A_801, %unpack3A_883 : vector<16xf32>
      %add3A_886 = arith.addf %add3A_802, %unpack3A_884 : vector<16xf32>
      %add3A_887 = arith.constant 9 : i32
      %add3A_888 = vector.broadcast %add3A_887 : i32 to vector<16xi32>
      %add3A_889 = arith.addi %add3A_877, %add3A_888 : vector<16xi32>
      %gather3A_890 = tpu.vector_load_idx %arg7[%add3A_889] : memref<26588xi32, #tpu.memory_space<vmem>>[vector<16xi32>], vector<16xi32>,
      %bitcast3A_891 = vector.bitcast %gather3A_890 : vector<16xi32> to vector<32xbf16>
      %unpack3A_892 = tpu.unpack_subelements %bitcast3A_891, 0 {pack_format = #tpu.pack_format<interleaved>} : vector<32xbf16> -> vector<16xf32>
      %unpack3A_893 = tpu.unpack_subelements %bitcast3A_891, 1 {pack_format = #tpu.pack_format<interleaved>} : vector<32xbf16> -> vector<16xf32>
      %add3A_894 = arith.addf %add3A_810, %unpack3A_892 : vector<16xf32>
      %add3A_895 = arith.addf %add3A_811, %unpack3A_893 : vector<16xf32>
      %add3A_896 = arith.constant 10 : i32
      %add3A_897 = vector.broadcast %add3A_896 : i32 to vector<16xi32>
      %add3A_898 = arith.addi %add3A_877, %add3A_897 : vector<16xi32>
      %gather3A_899 = tpu.vector_load_idx %arg7[%add3A_898] : memref<26588xi32, #tpu.memory_space<vmem>>[vector<16xi32>], vector<16xi32>,
      %bitcast3A_900 = vector.bitcast %gather3A_899 : vector<16xi32> to vector<32xbf16>
      %unpack3A_901 = tpu.unpack_subelements %bitcast3A_900, 0 {pack_format = #tpu.pack_format<interleaved>} : vector<32xbf16> -> vector<16xf32>
      %unpack3A_902 = tpu.unpack_subelements %bitcast3A_900, 1 {pack_format = #tpu.pack_format<interleaved>} : vector<32xbf16> -> vector<16xf32>
      %add3A_903 = arith.addf %add3A_819, %unpack3A_901 : vector<16xf32>
      %add3A_904 = arith.addf %add3A_820, %unpack3A_902 : vector<16xf32>
      %add3A_905 = arith.constant 11 : i32
      %add3A_906 = vector.broadcast %add3A_905 : i32 to vector<16xi32>
      %add3A_907 = arith.addi %add3A_877, %add3A_906 : vector<16xi32>
      %gather3A_908 = tpu.vector_load_idx %arg7[%add3A_907] : memref<26588xi32, #tpu.memory_space<vmem>>[vector<16xi32>], vector<16xi32>,
      %bitcast3A_909 = vector.bitcast %gather3A_908 : vector<16xi32> to vector<32xbf16>
      %unpack3A_910 = tpu.unpack_subelements %bitcast3A_909, 0 {pack_format = #tpu.pack_format<interleaved>} : vector<32xbf16> -> vector<16xf32>
      %unpack3A_911 = tpu.unpack_subelements %bitcast3A_909, 1 {pack_format = #tpu.pack_format<interleaved>} : vector<32xbf16> -> vector<16xf32>
      %add3A_912 = arith.addf %add3A_828, %unpack3A_910 : vector<16xf32>
      %add3A_913 = arith.addf %add3A_829, %unpack3A_911 : vector<16xf32>
      %add3A_914 = arith.constant 12 : i32
      %add3A_915 = vector.broadcast %add3A_914 : i32 to vector<16xi32>
      %add3A_916 = arith.addi %add3A_877, %add3A_915 : vector<16xi32>
      %gather3A_917 = tpu.vector_load_idx %arg7[%add3A_916] : memref<26588xi32, #tpu.memory_space<vmem>>[vector<16xi32>], vector<16xi32>,
      %bitcast3A_918 = vector.bitcast %gather3A_917 : vector<16xi32> to vector<32xbf16>
      %unpack3A_919 = tpu.unpack_subelements %bitcast3A_918, 0 {pack_format = #tpu.pack_format<interleaved>} : vector<32xbf16> -> vector<16xf32>
      %unpack3A_920 = tpu.unpack_subelements %bitcast3A_918, 1 {pack_format = #tpu.pack_format<interleaved>} : vector<32xbf16> -> vector<16xf32>
      %add3A_921 = arith.addf %add3A_837, %unpack3A_919 : vector<16xf32>
      %add3A_922 = arith.addf %add3A_838, %unpack3A_920 : vector<16xf32>
      %add3A_923 = arith.constant 13 : i32
      %add3A_924 = vector.broadcast %add3A_923 : i32 to vector<16xi32>
      %add3A_925 = arith.addi %add3A_877, %add3A_924 : vector<16xi32>
      %gather3A_926 = tpu.vector_load_idx %arg7[%add3A_925] : memref<26588xi32, #tpu.memory_space<vmem>>[vector<16xi32>], vector<16xi32>,
      %bitcast3A_927 = vector.bitcast %gather3A_926 : vector<16xi32> to vector<32xbf16>
      %unpack3A_928 = tpu.unpack_subelements %bitcast3A_927, 0 {pack_format = #tpu.pack_format<interleaved>} : vector<32xbf16> -> vector<16xf32>
      %unpack3A_929 = tpu.unpack_subelements %bitcast3A_927, 1 {pack_format = #tpu.pack_format<interleaved>} : vector<32xbf16> -> vector<16xf32>
      %add3A_930 = arith.addf %add3A_846, %unpack3A_928 : vector<16xf32>
      %add3A_931 = arith.addf %add3A_847, %unpack3A_929 : vector<16xf32>
      %add3A_932 = arith.constant 14 : i32
      %add3A_933 = vector.broadcast %add3A_932 : i32 to vector<16xi32>
      %add3A_934 = arith.addi %add3A_877, %add3A_933 : vector<16xi32>
      %gather3A_935 = tpu.vector_load_idx %arg7[%add3A_934] : memref<26588xi32, #tpu.memory_space<vmem>>[vector<16xi32>], vector<16xi32>,
      %bitcast3A_936 = vector.bitcast %gather3A_935 : vector<16xi32> to vector<32xbf16>
      %unpack3A_937 = tpu.unpack_subelements %bitcast3A_936, 0 {pack_format = #tpu.pack_format<interleaved>} : vector<32xbf16> -> vector<16xf32>
      %unpack3A_938 = tpu.unpack_subelements %bitcast3A_936, 1 {pack_format = #tpu.pack_format<interleaved>} : vector<32xbf16> -> vector<16xf32>
      %add3A_939 = arith.addf %add3A_855, %unpack3A_937 : vector<16xf32>
      %add3A_940 = arith.addf %add3A_856, %unpack3A_938 : vector<16xf32>
      %add3A_941 = arith.constant 15 : i32
      %add3A_942 = vector.broadcast %add3A_941 : i32 to vector<16xi32>
      %add3A_943 = arith.addi %add3A_877, %add3A_942 : vector<16xi32>
      %gather3A_944 = tpu.vector_load_idx %arg7[%add3A_943] : memref<26588xi32, #tpu.memory_space<vmem>>[vector<16xi32>], vector<16xi32>,
      %bitcast3A_945 = vector.bitcast %gather3A_944 : vector<16xi32> to vector<32xbf16>
      %unpack3A_946 = tpu.unpack_subelements %bitcast3A_945, 0 {pack_format = #tpu.pack_format<interleaved>} : vector<32xbf16> -> vector<16xf32>
      %unpack3A_947 = tpu.unpack_subelements %bitcast3A_945, 1 {pack_format = #tpu.pack_format<interleaved>} : vector<32xbf16> -> vector<16xf32>
      %add3A_948 = arith.addf %add3A_864, %unpack3A_946 : vector<16xf32>
      %add3A_949 = arith.addf %add3A_865, %unpack3A_947 : vector<16xf32>
      %mul3A_950 = arith.constant 16 : i32
      %mul3A_951 = arith.muli %scan3A_10, %mul3A_950 : i32
      %get3A_952 = arith.constant 3 : i32
      %get3A_953 = arith.index_cast %get3A_952 : i32 to index
      %get3A_954 = arith.index_cast %mul3A_951 : i32 to index
      %get3A_955 = tpu.vector_load %arg10[%get3A_953, %get3A_954] {strides = array<i32>} : memref<6x128xi32, #tpu.memory_space<vmem>>, vector<16xi32>,
      %mul3A_956 = arith.constant 17 : i32
      %mul3A_957 = vector.broadcast %mul3A_956 : i32 to vector<16xi32>
      %mul3A_958 = arith.muli %get3A_955, %mul3A_957 : vector<16xi32>
      %add3A_959 = arith.constant 26384 : i32
      %add3A_960 = vector.broadcast %add3A_959 : i32 to vector<16xi32>
      %add3A_961 = arith.addi %mul3A_958, %add3A_960 : vector<16xi32>
      %add3A_962 = arith.constant 8 : i32
      %add3A_963 = vector.broadcast %add3A_962 : i32 to vector<16xi32>
      %add3A_964 = arith.addi %add3A_961, %add3A_963 : vector<16xi32>
      %gather3A_965 = tpu.vector_load_idx %arg7[%add3A_964] : memref<26588xi32, #tpu.memory_space<vmem>>[vector<16xi32>], vector<16xi32>,
      %bitcast3A_966 = vector.bitcast %gather3A_965 : vector<16xi32> to vector<32xbf16>
      %unpack3A_967 = tpu.unpack_subelements %bitcast3A_966, 0 {pack_format = #tpu.pack_format<interleaved>} : vector<32xbf16> -> vector<16xf32>
      %unpack3A_968 = tpu.unpack_subelements %bitcast3A_966, 1 {pack_format = #tpu.pack_format<interleaved>} : vector<32xbf16> -> vector<16xf32>
      %add3A_969 = arith.addf %add3A_885, %unpack3A_967 : vector<16xf32>
      %add3A_970 = arith.addf %add3A_886, %unpack3A_968 : vector<16xf32>
      %add3A_971 = arith.constant 9 : i32
      %add3A_972 = vector.broadcast %add3A_971 : i32 to vector<16xi32>
      %add3A_973 = arith.addi %add3A_961, %add3A_972 : vector<16xi32>
      %gather3A_974 = tpu.vector_load_idx %arg7[%add3A_973] : memref<26588xi32, #tpu.memory_space<vmem>>[vector<16xi32>], vector<16xi32>,
      %bitcast3A_975 = vector.bitcast %gather3A_974 : vector<16xi32> to vector<32xbf16>
      %unpack3A_976 = tpu.unpack_subelements %bitcast3A_975, 0 {pack_format = #tpu.pack_format<interleaved>} : vector<32xbf16> -> vector<16xf32>
      %unpack3A_977 = tpu.unpack_subelements %bitcast3A_975, 1 {pack_format = #tpu.pack_format<interleaved>} : vector<32xbf16> -> vector<16xf32>
      %add3A_978 = arith.addf %add3A_894, %unpack3A_976 : vector<16xf32>
      %add3A_979 = arith.addf %add3A_895, %unpack3A_977 : vector<16xf32>
      %add3A_980 = arith.constant 10 : i32
      %add3A_981 = vector.broadcast %add3A_980 : i32 to vector<16xi32>
      %add3A_982 = arith.addi %add3A_961, %add3A_981 : vector<16xi32>
      %gather3A_983 = tpu.vector_load_idx %arg7[%add3A_982] : memref<26588xi32, #tpu.memory_space<vmem>>[vector<16xi32>], vector<16xi32>,
      %bitcast3A_984 = vector.bitcast %gather3A_983 : vector<16xi32> to vector<32xbf16>
      %unpack3A_985 = tpu.unpack_subelements %bitcast3A_984, 0 {pack_format = #tpu.pack_format<interleaved>} : vector<32xbf16> -> vector<16xf32>
      %unpack3A_986 = tpu.unpack_subelements %bitcast3A_984, 1 {pack_format = #tpu.pack_format<interleaved>} : vector<32xbf16> -> vector<16xf32>
      %add3A_987 = arith.addf %add3A_903, %unpack3A_985 : vector<16xf32>
      %add3A_988 = arith.addf %add3A_904, %unpack3A_986 : vector<16xf32>
      %add3A_989 = arith.constant 11 : i32
      %add3A_990 = vector.broadcast %add3A_989 : i32 to vector<16xi32>
      %add3A_991 = arith.addi %add3A_961, %add3A_990 : vector<16xi32>
      %gather3A_992 = tpu.vector_load_idx %arg7[%add3A_991] : memref<26588xi32, #tpu.memory_space<vmem>>[vector<16xi32>], vector<16xi32>,
      %bitcast3A_993 = vector.bitcast %gather3A_992 : vector<16xi32> to vector<32xbf16>
      %unpack3A_994 = tpu.unpack_subelements %bitcast3A_993, 0 {pack_format = #tpu.pack_format<interleaved>} : vector<32xbf16> -> vector<16xf32>
      %unpack3A_995 = tpu.unpack_subelements %bitcast3A_993, 1 {pack_format = #tpu.pack_format<interleaved>} : vector<32xbf16> -> vector<16xf32>
      %add3A_996 = arith.addf %add3A_912, %unpack3A_994 : vector<16xf32>
      %add3A_997 = arith.addf %add3A_913, %unpack3A_995 : vector<16xf32>
      %add3A_998 = arith.constant 12 : i32
      %add3A_999 = vector.broadcast %add3A_998 : i32 to vector<16xi32>
      %add3A_1000 = arith.addi %add3A_961, %add3A_999 : vector<16xi32>
      %gather3A_1001 = tpu.vector_load_idx %arg7[%add3A_1000] : memref<26588xi32, #tpu.memory_space<vmem>>[vector<16xi32>], vector<16xi32>,
      %bitcast3A_1002 = vector.bitcast %gather3A_1001 : vector<16xi32> to vector<32xbf16>
      %unpack3A_1003 = tpu.unpack_subelements %bitcast3A_1002, 0 {pack_format = #tpu.pack_format<interleaved>} : vector<32xbf16> -> vector<16xf32>
      %unpack3A_1004 = tpu.unpack_subelements %bitcast3A_1002, 1 {pack_format = #tpu.pack_format<interleaved>} : vector<32xbf16> -> vector<16xf32>
      %add3A_1005 = arith.addf %add3A_921, %unpack3A_1003 : vector<16xf32>
      %add3A_1006 = arith.addf %add3A_922, %unpack3A_1004 : vector<16xf32>
      %add3A_1007 = arith.constant 13 : i32
      %add3A_1008 = vector.broadcast %add3A_1007 : i32 to vector<16xi32>
      %add3A_1009 = arith.addi %add3A_961, %add3A_1008 : vector<16xi32>
      %gather3A_1010 = tpu.vector_load_idx %arg7[%add3A_1009] : memref<26588xi32, #tpu.memory_space<vmem>>[vector<16xi32>], vector<16xi32>,
      %bitcast3A_1011 = vector.bitcast %gather3A_1010 : vector<16xi32> to vector<32xbf16>
      %unpack3A_1012 = tpu.unpack_subelements %bitcast3A_1011, 0 {pack_format = #tpu.pack_format<interleaved>} : vector<32xbf16> -> vector<16xf32>
      %unpack3A_1013 = tpu.unpack_subelements %bitcast3A_1011, 1 {pack_format = #tpu.pack_format<interleaved>} : vector<32xbf16> -> vector<16xf32>
      %add3A_1014 = arith.addf %add3A_930, %unpack3A_1012 : vector<16xf32>
      %add3A_1015 = arith.addf %add3A_931, %unpack3A_1013 : vector<16xf32>
      %add3A_1016 = arith.constant 14 : i32
      %add3A_1017 = vector.broadcast %add3A_1016 : i32 to vector<16xi32>
      %add3A_1018 = arith.addi %add3A_961, %add3A_1017 : vector<16xi32>
      %gather3A_1019 = tpu.vector_load_idx %arg7[%add3A_1018] : memref<26588xi32, #tpu.memory_space<vmem>>[vector<16xi32>], vector<16xi32>,
      %bitcast3A_1020 = vector.bitcast %gather3A_1019 : vector<16xi32> to vector<32xbf16>
      %unpack3A_1021 = tpu.unpack_subelements %bitcast3A_1020, 0 {pack_format = #tpu.pack_format<interleaved>} : vector<32xbf16> -> vector<16xf32>
      %unpack3A_1022 = tpu.unpack_subelements %bitcast3A_1020, 1 {pack_format = #tpu.pack_format<interleaved>} : vector<32xbf16> -> vector<16xf32>
      %add3A_1023 = arith.addf %add3A_939, %unpack3A_1021 : vector<16xf32>
      %add3A_1024 = arith.addf %add3A_940, %unpack3A_1022 : vector<16xf32>
      %add3A_1025 = arith.constant 15 : i32
      %add3A_1026 = vector.broadcast %add3A_1025 : i32 to vector<16xi32>
      %add3A_1027 = arith.addi %add3A_961, %add3A_1026 : vector<16xi32>
      %gather3A_1028 = tpu.vector_load_idx %arg7[%add3A_1027] : memref<26588xi32, #tpu.memory_space<vmem>>[vector<16xi32>], vector<16xi32>,
      %bitcast3A_1029 = vector.bitcast %gather3A_1028 : vector<16xi32> to vector<32xbf16>
      %unpack3A_1030 = tpu.unpack_subelements %bitcast3A_1029, 0 {pack_format = #tpu.pack_format<interleaved>} : vector<32xbf16> -> vector<16xf32>
      %unpack3A_1031 = tpu.unpack_subelements %bitcast3A_1029, 1 {pack_format = #tpu.pack_format<interleaved>} : vector<32xbf16> -> vector<16xf32>
      %add3A_1032 = arith.addf %add3A_948, %unpack3A_1030 : vector<16xf32>
      %add3A_1033 = arith.addf %add3A_949, %unpack3A_1031 : vector<16xf32>
      %mul3A_1034 = arith.constant 16 : i32
      %mul3A_1035 = arith.muli %scan3A_10, %mul3A_1034 : i32
      %get3A_1036 = arith.constant 4 : i32
      %get3A_1037 = arith.index_cast %get3A_1036 : i32 to index
      %get3A_1038 = arith.index_cast %mul3A_1035 : i32 to index
      %get3A_1039 = tpu.vector_load %arg10[%get3A_1037, %get3A_1038] {strides = array<i32>} : memref<6x128xi32, #tpu.memory_space<vmem>>, vector<16xi32>,
      %mul3A_1040 = arith.constant 17 : i32
      %mul3A_1041 = vector.broadcast %mul3A_1040 : i32 to vector<16xi32>
      %mul3A_1042 = arith.muli %get3A_1039, %mul3A_1041 : vector<16xi32>
      %add3A_1043 = arith.constant 26520 : i32
      %add3A_1044 = vector.broadcast %add3A_1043 : i32 to vector<16xi32>
      %add3A_1045 = arith.addi %mul3A_1042, %add3A_1044 : vector<16xi32>
      %add3A_1046 = arith.constant 8 : i32
      %add3A_1047 = vector.broadcast %add3A_1046 : i32 to vector<16xi32>
      %add3A_1048 = arith.addi %add3A_1045, %add3A_1047 : vector<16xi32>
      %gather3A_1049 = tpu.vector_load_idx %arg7[%add3A_1048] : memref<26588xi32, #tpu.memory_space<vmem>>[vector<16xi32>], vector<16xi32>,
      %bitcast3A_1050 = vector.bitcast %gather3A_1049 : vector<16xi32> to vector<32xbf16>
      %unpack3A_1051 = tpu.unpack_subelements %bitcast3A_1050, 0 {pack_format = #tpu.pack_format<interleaved>} : vector<32xbf16> -> vector<16xf32>
      %unpack3A_1052 = tpu.unpack_subelements %bitcast3A_1050, 1 {pack_format = #tpu.pack_format<interleaved>} : vector<32xbf16> -> vector<16xf32>
      %add3A_1053 = arith.addf %add3A_969, %unpack3A_1051 : vector<16xf32>
      %add3A_1054 = arith.addf %add3A_970, %unpack3A_1052 : vector<16xf32>
      %add3A_1055 = arith.constant 9 : i32
      %add3A_1056 = vector.broadcast %add3A_1055 : i32 to vector<16xi32>
      %add3A_1057 = arith.addi %add3A_1045, %add3A_1056 : vector<16xi32>
      %gather3A_1058 = tpu.vector_load_idx %arg7[%add3A_1057] : memref<26588xi32, #tpu.memory_space<vmem>>[vector<16xi32>], vector<16xi32>,
      %bitcast3A_1059 = vector.bitcast %gather3A_1058 : vector<16xi32> to vector<32xbf16>
      %unpack3A_1060 = tpu.unpack_subelements %bitcast3A_1059, 0 {pack_format = #tpu.pack_format<interleaved>} : vector<32xbf16> -> vector<16xf32>
      %unpack3A_1061 = tpu.unpack_subelements %bitcast3A_1059, 1 {pack_format = #tpu.pack_format<interleaved>} : vector<32xbf16> -> vector<16xf32>
      %add3A_1062 = arith.addf %add3A_978, %unpack3A_1060 : vector<16xf32>
      %add3A_1063 = arith.addf %add3A_979, %unpack3A_1061 : vector<16xf32>
      %add3A_1064 = arith.constant 10 : i32
      %add3A_1065 = vector.broadcast %add3A_1064 : i32 to vector<16xi32>
      %add3A_1066 = arith.addi %add3A_1045, %add3A_1065 : vector<16xi32>
      %gather3A_1067 = tpu.vector_load_idx %arg7[%add3A_1066] : memref<26588xi32, #tpu.memory_space<vmem>>[vector<16xi32>], vector<16xi32>,
      %bitcast3A_1068 = vector.bitcast %gather3A_1067 : vector<16xi32> to vector<32xbf16>
      %unpack3A_1069 = tpu.unpack_subelements %bitcast3A_1068, 0 {pack_format = #tpu.pack_format<interleaved>} : vector<32xbf16> -> vector<16xf32>
      %unpack3A_1070 = tpu.unpack_subelements %bitcast3A_1068, 1 {pack_format = #tpu.pack_format<interleaved>} : vector<32xbf16> -> vector<16xf32>
      %add3A_1071 = arith.addf %add3A_987, %unpack3A_1069 : vector<16xf32>
      %add3A_1072 = arith.addf %add3A_988, %unpack3A_1070 : vector<16xf32>
      %add3A_1073 = arith.constant 11 : i32
      %add3A_1074 = vector.broadcast %add3A_1073 : i32 to vector<16xi32>
      %add3A_1075 = arith.addi %add3A_1045, %add3A_1074 : vector<16xi32>
      %gather3A_1076 = tpu.vector_load_idx %arg7[%add3A_1075] : memref<26588xi32, #tpu.memory_space<vmem>>[vector<16xi32>], vector<16xi32>,
      %bitcast3A_1077 = vector.bitcast %gather3A_1076 : vector<16xi32> to vector<32xbf16>
      %unpack3A_1078 = tpu.unpack_subelements %bitcast3A_1077, 0 {pack_format = #tpu.pack_format<interleaved>} : vector<32xbf16> -> vector<16xf32>
      %unpack3A_1079 = tpu.unpack_subelements %bitcast3A_1077, 1 {pack_format = #tpu.pack_format<interleaved>} : vector<32xbf16> -> vector<16xf32>
      %add3A_1080 = arith.addf %add3A_996, %unpack3A_1078 : vector<16xf32>
      %add3A_1081 = arith.addf %add3A_997, %unpack3A_1079 : vector<16xf32>
      %add3A_1082 = arith.constant 12 : i32
      %add3A_1083 = vector.broadcast %add3A_1082 : i32 to vector<16xi32>
      %add3A_1084 = arith.addi %add3A_1045, %add3A_1083 : vector<16xi32>
      %gather3A_1085 = tpu.vector_load_idx %arg7[%add3A_1084] : memref<26588xi32, #tpu.memory_space<vmem>>[vector<16xi32>], vector<16xi32>,
      %bitcast3A_1086 = vector.bitcast %gather3A_1085 : vector<16xi32> to vector<32xbf16>
      %unpack3A_1087 = tpu.unpack_subelements %bitcast3A_1086, 0 {pack_format = #tpu.pack_format<interleaved>} : vector<32xbf16> -> vector<16xf32>
      %unpack3A_1088 = tpu.unpack_subelements %bitcast3A_1086, 1 {pack_format = #tpu.pack_format<interleaved>} : vector<32xbf16> -> vector<16xf32>
      %add3A_1089 = arith.addf %add3A_1005, %unpack3A_1087 : vector<16xf32>
      %add3A_1090 = arith.addf %add3A_1006, %unpack3A_1088 : vector<16xf32>
      %add3A_1091 = arith.constant 13 : i32
      %add3A_1092 = vector.broadcast %add3A_1091 : i32 to vector<16xi32>
      %add3A_1093 = arith.addi %add3A_1045, %add3A_1092 : vector<16xi32>
      %gather3A_1094 = tpu.vector_load_idx %arg7[%add3A_1093] : memref<26588xi32, #tpu.memory_space<vmem>>[vector<16xi32>], vector<16xi32>,
      %bitcast3A_1095 = vector.bitcast %gather3A_1094 : vector<16xi32> to vector<32xbf16>
      %unpack3A_1096 = tpu.unpack_subelements %bitcast3A_1095, 0 {pack_format = #tpu.pack_format<interleaved>} : vector<32xbf16> -> vector<16xf32>
      %unpack3A_1097 = tpu.unpack_subelements %bitcast3A_1095, 1 {pack_format = #tpu.pack_format<interleaved>} : vector<32xbf16> -> vector<16xf32>
      %add3A_1098 = arith.addf %add3A_1014, %unpack3A_1096 : vector<16xf32>
      %add3A_1099 = arith.addf %add3A_1015, %unpack3A_1097 : vector<16xf32>
      %add3A_1100 = arith.constant 14 : i32
      %add3A_1101 = vector.broadcast %add3A_1100 : i32 to vector<16xi32>
      %add3A_1102 = arith.addi %add3A_1045, %add3A_1101 : vector<16xi32>
      %gather3A_1103 = tpu.vector_load_idx %arg7[%add3A_1102] : memref<26588xi32, #tpu.memory_space<vmem>>[vector<16xi32>], vector<16xi32>,
      %bitcast3A_1104 = vector.bitcast %gather3A_1103 : vector<16xi32> to vector<32xbf16>
      %unpack3A_1105 = tpu.unpack_subelements %bitcast3A_1104, 0 {pack_format = #tpu.pack_format<interleaved>} : vector<32xbf16> -> vector<16xf32>
      %unpack3A_1106 = tpu.unpack_subelements %bitcast3A_1104, 1 {pack_format = #tpu.pack_format<interleaved>} : vector<32xbf16> -> vector<16xf32>
      %add3A_1107 = arith.addf %add3A_1023, %unpack3A_1105 : vector<16xf32>
      %add3A_1108 = arith.addf %add3A_1024, %unpack3A_1106 : vector<16xf32>
      %add3A_1109 = arith.constant 15 : i32
      %add3A_1110 = vector.broadcast %add3A_1109 : i32 to vector<16xi32>
      %add3A_1111 = arith.addi %add3A_1045, %add3A_1110 : vector<16xi32>
      %gather3A_1112 = tpu.vector_load_idx %arg7[%add3A_1111] : memref<26588xi32, #tpu.memory_space<vmem>>[vector<16xi32>], vector<16xi32>,
      %bitcast3A_1113 = vector.bitcast %gather3A_1112 : vector<16xi32> to vector<32xbf16>
      %unpack3A_1114 = tpu.unpack_subelements %bitcast3A_1113, 0 {pack_format = #tpu.pack_format<interleaved>} : vector<32xbf16> -> vector<16xf32>
      %unpack3A_1115 = tpu.unpack_subelements %bitcast3A_1113, 1 {pack_format = #tpu.pack_format<interleaved>} : vector<32xbf16> -> vector<16xf32>
      %add3A_1116 = arith.addf %add3A_1032, %unpack3A_1114 : vector<16xf32>
      %add3A_1117 = arith.addf %add3A_1033, %unpack3A_1115 : vector<16xf32>
      %mul3A_1118 = arith.constant 16 : i32
      %mul3A_1119 = arith.muli %scan3A_10, %mul3A_1118 : i32
      %get3A_1120 = arith.constant 5 : i32
      %get3A_1121 = arith.index_cast %get3A_1120 : i32 to index
      %get3A_1122 = arith.index_cast %mul3A_1119 : i32 to index
      %get3A_1123 = tpu.vector_load %arg10[%get3A_1121, %get3A_1122] {strides = array<i32>} : memref<6x128xi32, #tpu.memory_space<vmem>>, vector<16xi32>,
      %mul3A_1124 = arith.constant 17 : i32
      %mul3A_1125 = vector.broadcast %mul3A_1124 : i32 to vector<16xi32>
      %mul3A_1126 = arith.muli %get3A_1123, %mul3A_1125 : vector<16xi32>
      %add3A_1127 = arith.constant 26554 : i32
      %add3A_1128 = vector.broadcast %add3A_1127 : i32 to vector<16xi32>
      %add3A_1129 = arith.addi %mul3A_1126, %add3A_1128 : vector<16xi32>
      %add3A_1130 = arith.constant 8 : i32
      %add3A_1131 = vector.broadcast %add3A_1130 : i32 to vector<16xi32>
      %add3A_1132 = arith.addi %add3A_1129, %add3A_1131 : vector<16xi32>
      %gather3A_1133 = tpu.vector_load_idx %arg7[%add3A_1132] : memref<26588xi32, #tpu.memory_space<vmem>>[vector<16xi32>], vector<16xi32>,
      %bitcast3A_1134 = vector.bitcast %gather3A_1133 : vector<16xi32> to vector<32xbf16>
      %unpack3A_1135 = tpu.unpack_subelements %bitcast3A_1134, 0 {pack_format = #tpu.pack_format<interleaved>} : vector<32xbf16> -> vector<16xf32>
      %unpack3A_1136 = tpu.unpack_subelements %bitcast3A_1134, 1 {pack_format = #tpu.pack_format<interleaved>} : vector<32xbf16> -> vector<16xf32>
      %add3A_1137 = arith.addf %add3A_1053, %unpack3A_1135 : vector<16xf32>
      %add3A_1138 = arith.addf %add3A_1054, %unpack3A_1136 : vector<16xf32>
      %add3A_1139 = arith.constant 9 : i32
      %add3A_1140 = vector.broadcast %add3A_1139 : i32 to vector<16xi32>
      %add3A_1141 = arith.addi %add3A_1129, %add3A_1140 : vector<16xi32>
      %gather3A_1142 = tpu.vector_load_idx %arg7[%add3A_1141] : memref<26588xi32, #tpu.memory_space<vmem>>[vector<16xi32>], vector<16xi32>,
      %bitcast3A_1143 = vector.bitcast %gather3A_1142 : vector<16xi32> to vector<32xbf16>
      %unpack3A_1144 = tpu.unpack_subelements %bitcast3A_1143, 0 {pack_format = #tpu.pack_format<interleaved>} : vector<32xbf16> -> vector<16xf32>
      %unpack3A_1145 = tpu.unpack_subelements %bitcast3A_1143, 1 {pack_format = #tpu.pack_format<interleaved>} : vector<32xbf16> -> vector<16xf32>
      %add3A_1146 = arith.addf %add3A_1062, %unpack3A_1144 : vector<16xf32>
      %add3A_1147 = arith.addf %add3A_1063, %unpack3A_1145 : vector<16xf32>
      %add3A_1148 = arith.constant 10 : i32
      %add3A_1149 = vector.broadcast %add3A_1148 : i32 to vector<16xi32>
      %add3A_1150 = arith.addi %add3A_1129, %add3A_1149 : vector<16xi32>
      %gather3A_1151 = tpu.vector_load_idx %arg7[%add3A_1150] : memref<26588xi32, #tpu.memory_space<vmem>>[vector<16xi32>], vector<16xi32>,
      %bitcast3A_1152 = vector.bitcast %gather3A_1151 : vector<16xi32> to vector<32xbf16>
      %unpack3A_1153 = tpu.unpack_subelements %bitcast3A_1152, 0 {pack_format = #tpu.pack_format<interleaved>} : vector<32xbf16> -> vector<16xf32>
      %unpack3A_1154 = tpu.unpack_subelements %bitcast3A_1152, 1 {pack_format = #tpu.pack_format<interleaved>} : vector<32xbf16> -> vector<16xf32>
      %add3A_1155 = arith.addf %add3A_1071, %unpack3A_1153 : vector<16xf32>
      %add3A_1156 = arith.addf %add3A_1072, %unpack3A_1154 : vector<16xf32>
      %add3A_1157 = arith.constant 11 : i32
      %add3A_1158 = vector.broadcast %add3A_1157 : i32 to vector<16xi32>
      %add3A_1159 = arith.addi %add3A_1129, %add3A_1158 : vector<16xi32>
      %gather3A_1160 = tpu.vector_load_idx %arg7[%add3A_1159] : memref<26588xi32, #tpu.memory_space<vmem>>[vector<16xi32>], vector<16xi32>,
      %bitcast3A_1161 = vector.bitcast %gather3A_1160 : vector<16xi32> to vector<32xbf16>
      %unpack3A_1162 = tpu.unpack_subelements %bitcast3A_1161, 0 {pack_format = #tpu.pack_format<interleaved>} : vector<32xbf16> -> vector<16xf32>
      %unpack3A_1163 = tpu.unpack_subelements %bitcast3A_1161, 1 {pack_format = #tpu.pack_format<interleaved>} : vector<32xbf16> -> vector<16xf32>
      %add3A_1164 = arith.addf %add3A_1080, %unpack3A_1162 : vector<16xf32>
      %add3A_1165 = arith.addf %add3A_1081, %unpack3A_1163 : vector<16xf32>
      %add3A_1166 = arith.constant 12 : i32
      %add3A_1167 = vector.broadcast %add3A_1166 : i32 to vector<16xi32>
      %add3A_1168 = arith.addi %add3A_1129, %add3A_1167 : vector<16xi32>
      %gather3A_1169 = tpu.vector_load_idx %arg7[%add3A_1168] : memref<26588xi32, #tpu.memory_space<vmem>>[vector<16xi32>], vector<16xi32>,
      %bitcast3A_1170 = vector.bitcast %gather3A_1169 : vector<16xi32> to vector<32xbf16>
      %unpack3A_1171 = tpu.unpack_subelements %bitcast3A_1170, 0 {pack_format = #tpu.pack_format<interleaved>} : vector<32xbf16> -> vector<16xf32>
      %unpack3A_1172 = tpu.unpack_subelements %bitcast3A_1170, 1 {pack_format = #tpu.pack_format<interleaved>} : vector<32xbf16> -> vector<16xf32>
      %add3A_1173 = arith.addf %add3A_1089, %unpack3A_1171 : vector<16xf32>
      %add3A_1174 = arith.addf %add3A_1090, %unpack3A_1172 : vector<16xf32>
      %add3A_1175 = arith.constant 13 : i32
      %add3A_1176 = vector.broadcast %add3A_1175 : i32 to vector<16xi32>
      %add3A_1177 = arith.addi %add3A_1129, %add3A_1176 : vector<16xi32>
      %gather3A_1178 = tpu.vector_load_idx %arg7[%add3A_1177] : memref<26588xi32, #tpu.memory_space<vmem>>[vector<16xi32>], vector<16xi32>,
      %bitcast3A_1179 = vector.bitcast %gather3A_1178 : vector<16xi32> to vector<32xbf16>
      %unpack3A_1180 = tpu.unpack_subelements %bitcast3A_1179, 0 {pack_format = #tpu.pack_format<interleaved>} : vector<32xbf16> -> vector<16xf32>
      %unpack3A_1181 = tpu.unpack_subelements %bitcast3A_1179, 1 {pack_format = #tpu.pack_format<interleaved>} : vector<32xbf16> -> vector<16xf32>
      %add3A_1182 = arith.addf %add3A_1098, %unpack3A_1180 : vector<16xf32>
      %add3A_1183 = arith.addf %add3A_1099, %unpack3A_1181 : vector<16xf32>
      %add3A_1184 = arith.constant 14 : i32
      %add3A_1185 = vector.broadcast %add3A_1184 : i32 to vector<16xi32>
      %add3A_1186 = arith.addi %add3A_1129, %add3A_1185 : vector<16xi32>
      %gather3A_1187 = tpu.vector_load_idx %arg7[%add3A_1186] : memref<26588xi32, #tpu.memory_space<vmem>>[vector<16xi32>], vector<16xi32>,
      %bitcast3A_1188 = vector.bitcast %gather3A_1187 : vector<16xi32> to vector<32xbf16>
      %unpack3A_1189 = tpu.unpack_subelements %bitcast3A_1188, 0 {pack_format = #tpu.pack_format<interleaved>} : vector<32xbf16> -> vector<16xf32>
      %unpack3A_1190 = tpu.unpack_subelements %bitcast3A_1188, 1 {pack_format = #tpu.pack_format<interleaved>} : vector<32xbf16> -> vector<16xf32>
      %add3A_1191 = arith.addf %add3A_1107, %unpack3A_1189 : vector<16xf32>
      %add3A_1192 = arith.addf %add3A_1108, %unpack3A_1190 : vector<16xf32>
      %add3A_1193 = arith.constant 15 : i32
      %add3A_1194 = vector.broadcast %add3A_1193 : i32 to vector<16xi32>
      %add3A_1195 = arith.addi %add3A_1129, %add3A_1194 : vector<16xi32>
      %gather3A_1196 = tpu.vector_load_idx %arg7[%add3A_1195] : memref<26588xi32, #tpu.memory_space<vmem>>[vector<16xi32>], vector<16xi32>,
      %bitcast3A_1197 = vector.bitcast %gather3A_1196 : vector<16xi32> to vector<32xbf16>
      %unpack3A_1198 = tpu.unpack_subelements %bitcast3A_1197, 0 {pack_format = #tpu.pack_format<interleaved>} : vector<32xbf16> -> vector<16xf32>
      %unpack3A_1199 = tpu.unpack_subelements %bitcast3A_1197, 1 {pack_format = #tpu.pack_format<interleaved>} : vector<32xbf16> -> vector<16xf32>
      %add3A_1200 = arith.addf %add3A_1116, %unpack3A_1198 : vector<16xf32>
      %add3A_1201 = arith.addf %add3A_1117, %unpack3A_1199 : vector<16xf32>
      %mul3A_1202 = arith.constant 32 : i32
      %mul3A_1203 = vector.broadcast %mul3A_1202 : i32 to vector<16xi32>
      %mul3A_1204 = arith.muli %add3A_14, %mul3A_1203 : vector<16xi32>
      %add3A_1205 = arith.constant 16 : i32
      %add3A_1206 = vector.broadcast %add3A_1205 : i32 to vector<16xi32>
      %add3A_1207 = arith.addi %mul3A_1204, %add3A_1206 : vector<16xi32>
      tpu.vector_store_idx %arg11[%add3A_1207], %add3A_1137 : memref<4096xf32, #tpu.memory_space<vmem>>[vector<16xi32>], vector<16xf32>,
      %mul3A_1208 = arith.constant 32 : i32
      %mul3A_1209 = vector.broadcast %mul3A_1208 : i32 to vector<16xi32>
      %mul3A_1210 = arith.muli %add3A_14, %mul3A_1209 : vector<16xi32>
      %add3A_1211 = arith.constant 17 : i32
      %add3A_1212 = vector.broadcast %add3A_1211 : i32 to vector<16xi32>
      %add3A_1213 = arith.addi %mul3A_1210, %add3A_1212 : vector<16xi32>
      tpu.vector_store_idx %arg11[%add3A_1213], %add3A_1138 : memref<4096xf32, #tpu.memory_space<vmem>>[vector<16xi32>], vector<16xf32>,
      %mul3A_1214 = arith.constant 32 : i32
      %mul3A_1215 = vector.broadcast %mul3A_1214 : i32 to vector<16xi32>
      %mul3A_1216 = arith.muli %add3A_14, %mul3A_1215 : vector<16xi32>
      %add3A_1217 = arith.constant 18 : i32
      %add3A_1218 = vector.broadcast %add3A_1217 : i32 to vector<16xi32>
      %add3A_1219 = arith.addi %mul3A_1216, %add3A_1218 : vector<16xi32>
      tpu.vector_store_idx %arg11[%add3A_1219], %add3A_1146 : memref<4096xf32, #tpu.memory_space<vmem>>[vector<16xi32>], vector<16xf32>,
      %mul3A_1220 = arith.constant 32 : i32
      %mul3A_1221 = vector.broadcast %mul3A_1220 : i32 to vector<16xi32>
      %mul3A_1222 = arith.muli %add3A_14, %mul3A_1221 : vector<16xi32>
      %add3A_1223 = arith.constant 19 : i32
      %add3A_1224 = vector.broadcast %add3A_1223 : i32 to vector<16xi32>
      %add3A_1225 = arith.addi %mul3A_1222, %add3A_1224 : vector<16xi32>
      tpu.vector_store_idx %arg11[%add3A_1225], %add3A_1147 : memref<4096xf32, #tpu.memory_space<vmem>>[vector<16xi32>], vector<16xf32>,
      %mul3A_1226 = arith.constant 32 : i32
      %mul3A_1227 = vector.broadcast %mul3A_1226 : i32 to vector<16xi32>
      %mul3A_1228 = arith.muli %add3A_14, %mul3A_1227 : vector<16xi32>
      %add3A_1229 = arith.constant 20 : i32
      %add3A_1230 = vector.broadcast %add3A_1229 : i32 to vector<16xi32>
      %add3A_1231 = arith.addi %mul3A_1228, %add3A_1230 : vector<16xi32>
      tpu.vector_store_idx %arg11[%add3A_1231], %add3A_1155 : memref<4096xf32, #tpu.memory_space<vmem>>[vector<16xi32>], vector<16xf32>,
      %mul3A_1232 = arith.constant 32 : i32
      %mul3A_1233 = vector.broadcast %mul3A_1232 : i32 to vector<16xi32>
      %mul3A_1234 = arith.muli %add3A_14, %mul3A_1233 : vector<16xi32>
      %add3A_1235 = arith.constant 21 : i32
      %add3A_1236 = vector.broadcast %add3A_1235 : i32 to vector<16xi32>
      %add3A_1237 = arith.addi %mul3A_1234, %add3A_1236 : vector<16xi32>
      tpu.vector_store_idx %arg11[%add3A_1237], %add3A_1156 : memref<4096xf32, #tpu.memory_space<vmem>>[vector<16xi32>], vector<16xf32>,
      %mul3A_1238 = arith.constant 32 : i32
      %mul3A_1239 = vector.broadcast %mul3A_1238 : i32 to vector<16xi32>
      %mul3A_1240 = arith.muli %add3A_14, %mul3A_1239 : vector<16xi32>
      %add3A_1241 = arith.constant 22 : i32
      %add3A_1242 = vector.broadcast %add3A_1241 : i32 to vector<16xi32>
      %add3A_1243 = arith.addi %mul3A_1240, %add3A_1242 : vector<16xi32>
      tpu.vector_store_idx %arg11[%add3A_1243], %add3A_1164 : memref<4096xf32, #tpu.memory_space<vmem>>[vector<16xi32>], vector<16xf32>,
      %mul3A_1244 = arith.constant 32 : i32
      %mul3A_1245 = vector.broadcast %mul3A_1244 : i32 to vector<16xi32>
      %mul3A_1246 = arith.muli %add3A_14, %mul3A_1245 : vector<16xi32>
      %add3A_1247 = arith.constant 23 : i32
      %add3A_1248 = vector.broadcast %add3A_1247 : i32 to vector<16xi32>
      %add3A_1249 = arith.addi %mul3A_1246, %add3A_1248 : vector<16xi32>
      tpu.vector_store_idx %arg11[%add3A_1249], %add3A_1165 : memref<4096xf32, #tpu.memory_space<vmem>>[vector<16xi32>], vector<16xf32>,
      %mul3A_1250 = arith.constant 32 : i32
      %mul3A_1251 = vector.broadcast %mul3A_1250 : i32 to vector<16xi32>
      %mul3A_1252 = arith.muli %add3A_14, %mul3A_1251 : vector<16xi32>
      %add3A_1253 = arith.constant 24 : i32
      %add3A_1254 = vector.broadcast %add3A_1253 : i32 to vector<16xi32>
      %add3A_1255 = arith.addi %mul3A_1252, %add3A_1254 : vector<16xi32>
      tpu.vector_store_idx %arg11[%add3A_1255], %add3A_1173 : memref<4096xf32, #tpu.memory_space<vmem>>[vector<16xi32>], vector<16xf32>,
      %mul3A_1256 = arith.constant 32 : i32
      %mul3A_1257 = vector.broadcast %mul3A_1256 : i32 to vector<16xi32>
      %mul3A_1258 = arith.muli %add3A_14, %mul3A_1257 : vector<16xi32>
      %add3A_1259 = arith.constant 25 : i32
      %add3A_1260 = vector.broadcast %add3A_1259 : i32 to vector<16xi32>
      %add3A_1261 = arith.addi %mul3A_1258, %add3A_1260 : vector<16xi32>
      tpu.vector_store_idx %arg11[%add3A_1261], %add3A_1174 : memref<4096xf32, #tpu.memory_space<vmem>>[vector<16xi32>], vector<16xf32>,
      %mul3A_1262 = arith.constant 32 : i32
      %mul3A_1263 = vector.broadcast %mul3A_1262 : i32 to vector<16xi32>
      %mul3A_1264 = arith.muli %add3A_14, %mul3A_1263 : vector<16xi32>
      %add3A_1265 = arith.constant 26 : i32
      %add3A_1266 = vector.broadcast %add3A_1265 : i32 to vector<16xi32>
      %add3A_1267 = arith.addi %mul3A_1264, %add3A_1266 : vector<16xi32>
      tpu.vector_store_idx %arg11[%add3A_1267], %add3A_1182 : memref<4096xf32, #tpu.memory_space<vmem>>[vector<16xi32>], vector<16xf32>,
      %mul3A_1268 = arith.constant 32 : i32
      %mul3A_1269 = vector.broadcast %mul3A_1268 : i32 to vector<16xi32>
      %mul3A_1270 = arith.muli %add3A_14, %mul3A_1269 : vector<16xi32>
      %add3A_1271 = arith.constant 27 : i32
      %add3A_1272 = vector.broadcast %add3A_1271 : i32 to vector<16xi32>
      %add3A_1273 = arith.addi %mul3A_1270, %add3A_1272 : vector<16xi32>
      tpu.vector_store_idx %arg11[%add3A_1273], %add3A_1183 : memref<4096xf32, #tpu.memory_space<vmem>>[vector<16xi32>], vector<16xf32>,
      %mul3A_1274 = arith.constant 32 : i32
      %mul3A_1275 = vector.broadcast %mul3A_1274 : i32 to vector<16xi32>
      %mul3A_1276 = arith.muli %add3A_14, %mul3A_1275 : vector<16xi32>
      %add3A_1277 = arith.constant 28 : i32
      %add3A_1278 = vector.broadcast %add3A_1277 : i32 to vector<16xi32>
      %add3A_1279 = arith.addi %mul3A_1276, %add3A_1278 : vector<16xi32>
      tpu.vector_store_idx %arg11[%add3A_1279], %add3A_1191 : memref<4096xf32, #tpu.memory_space<vmem>>[vector<16xi32>], vector<16xf32>,
      %mul3A_1280 = arith.constant 32 : i32
      %mul3A_1281 = vector.broadcast %mul3A_1280 : i32 to vector<16xi32>
      %mul3A_1282 = arith.muli %add3A_14, %mul3A_1281 : vector<16xi32>
      %add3A_1283 = arith.constant 29 : i32
      %add3A_1284 = vector.broadcast %add3A_1283 : i32 to vector<16xi32>
      %add3A_1285 = arith.addi %mul3A_1282, %add3A_1284 : vector<16xi32>
      tpu.vector_store_idx %arg11[%add3A_1285], %add3A_1192 : memref<4096xf32, #tpu.memory_space<vmem>>[vector<16xi32>], vector<16xf32>,
      %mul3A_1286 = arith.constant 32 : i32
      %mul3A_1287 = vector.broadcast %mul3A_1286 : i32 to vector<16xi32>
      %mul3A_1288 = arith.muli %add3A_14, %mul3A_1287 : vector<16xi32>
      %add3A_1289 = arith.constant 30 : i32
      %add3A_1290 = vector.broadcast %add3A_1289 : i32 to vector<16xi32>
      %add3A_1291 = arith.addi %mul3A_1288, %add3A_1290 : vector<16xi32>
      tpu.vector_store_idx %arg11[%add3A_1291], %add3A_1200 : memref<4096xf32, #tpu.memory_space<vmem>>[vector<16xi32>], vector<16xf32>,
      %mul3A_1292 = arith.constant 32 : i32
      %mul3A_1293 = vector.broadcast %mul3A_1292 : i32 to vector<16xi32>
      %mul3A_1294 = arith.muli %add3A_14, %mul3A_1293 : vector<16xi32>
      %add3A_1295 = arith.constant 31 : i32
      %add3A_1296 = vector.broadcast %add3A_1295 : i32 to vector<16xi32>
      %add3A_1297 = arith.addi %mul3A_1294, %add3A_1296 : vector<16xi32>
      tpu.vector_store_idx %arg11[%add3A_1297], %add3A_1201 : memref<4096xf32, #tpu.memory_space<vmem>>[vector<16xi32>], vector<16xf32>,
    }
    %scan3A_7 = arith.constant 8 : i32
    %mul3A_8 = arith.constant 32 : i32
    %mul3A_9 = arith.muli %mul3A_2, %mul3A_8 : i32
    "tpu.region"() ({
      %run_scoped3A = tpu.sem_alloc : memref<!tpu.dma_semaphore, #tpu.memory_space<semaphore_mem>>
      %dma_start3A = tpu.memref_slice %arg6[%mul3A_9] : memref<131072xf32, #tpu.memory_space<hbm>> -> memref<4096xf32, #tpu.memory_space<hbm>>
      %dma_start3A_10 = tpu.memref_slice %arg6[%mul3A_9] : memref<131072xf32, #tpu.memory_space<hbm>> -> memref<4096xf32, #tpu.memory_space<hbm>>
      tpu.enqueue_dma source(%arg11 : memref<4096xf32, #tpu.memory_space<vmem>>) target(%dma_start3A_10 : memref<4096xf32, #tpu.memory_space<hbm>>) target_semaphore(%run_scoped3A : memref<!tpu.dma_semaphore, #tpu.memory_space<semaphore_mem>>)
      %dma_wait3A = tpu.memref_slice %arg6[%mul3A_9] : memref<131072xf32, #tpu.memory_space<hbm>> -> memref<4096xf32, #tpu.memory_space<hbm>>
      %dma_wait3A_11 = tpu.memref_slice %arg6[%mul3A_9] : memref<131072xf32, #tpu.memory_space<hbm>> -> memref<4096xf32, #tpu.memory_space<hbm>>
      tpu.wait_dma2 semaphore(%run_scoped3A : memref<!tpu.dma_semaphore, #tpu.memory_space<semaphore_mem>>) src(%arg11 : memref<4096xf32, #tpu.memory_space<vmem>>) dst(%dma_wait3A_11 : memref<4096xf32, #tpu.memory_space<hbm>>)
      tpu.yield
    }) : () -> ()
    return
  }
}

module attributes {stable_mosaic.version = 14 : i64} {
  func.func @_tc_body(%arg0: i32, %arg1: memref<1024x64xi32, #tpu.memory_space<vmem>>, %arg2: memref<1024x64xi32, #tpu.memory_space<vmem>>, %arg3: memref<1024x32xi32, #tpu.memory_space<vmem>>, %arg4: memref<1568x32xbf16, #tpu.memory_space<vmem>>, %arg5: memref<1024x32xf32, #tpu.memory_space<vmem>>) attributes {dimension_semantics = [#tpu.dimension_semantics<arbitrary>], iteration_bounds = array<i64: 12>, scalar_prefetch = 0 : i64, scratch_operands = 0 : i64, tpu.core_type = #tpu.core_type<tc>, window_params = [{transform_indices = @transform_0, window_bounds = array<i64: 1024, 64>}, {transform_indices = @transform_1, window_bounds = array<i64: 1024, 64>}, {transform_indices = @transform_2, window_bounds = array<i64: 1024, 32>}, {pipeline_mode = #tpu.pipeline_mode<synchronous>, transform_indices = @transform_3, window_bounds = array<i64: 1568, 32>}, {transform_indices = @transform_4, window_bounds = array<i64: 1024, 32>}]} {
    %get3A = arith.constant 0 : index
    %get3A_0 = arith.constant 0 : index
    %get3A_1 = vector.load %arg1[%get3A, %get3A_0] : memref<1024x64xi32, #tpu.memory_space<vmem>>, vector<1024x64xi32>
    %get3A_2 = arith.constant 0 : index
    %get3A_3 = arith.constant 0 : index
    %get3A_4 = vector.load %arg1[%get3A_2, %get3A_3] : memref<1024x64xi32, #tpu.memory_space<vmem>>, vector<1024x64xi32>
    %concatenate3A = tpu.concatenate %get3A_1, %get3A_4 in 1 : vector<1024x64xi32>, vector<1024x64xi32> -> vector<1024x128xi32>
    %get3A_5 = arith.constant 0 : index
    %get3A_6 = arith.constant 0 : index
    %get3A_7 = vector.load %arg2[%get3A_5, %get3A_6] : memref<1024x64xi32, #tpu.memory_space<vmem>>, vector<1024x64xi32>
    %get3A_8 = arith.constant 0 : index
    %get3A_9 = arith.constant 0 : index
    %get3A_10 = vector.load %arg2[%get3A_8, %get3A_9] : memref<1024x64xi32, #tpu.memory_space<vmem>>, vector<1024x64xi32>
    %concatenate3A_11 = tpu.concatenate %get3A_7, %get3A_10 in 1 : vector<1024x64xi32>, vector<1024x64xi32> -> vector<1024x128xi32>
    %iota3A = tpu.iota {dimensions = array<i32: 1>} : vector<1024x128xi32>
    %jit3A = arith.constant 64 : i32
    %div3A = vector.broadcast %jit3A : i32 to vector<1024x128xi32>
    %div3A_12 = arith.divsi %iota3A, %div3A : vector<1024x128xi32>
    %sign3A = arith.constant 0 : i32
    %sign3A_13 = vector.broadcast %sign3A : i32 to vector<1024x128xi32>
    %sign3A_14 = arith.cmpi sgt, %iota3A, %sign3A_13 : vector<1024x128xi32>
    %sign3A_15 = arith.extui %sign3A_14 : vector<1024x128xi1> to vector<1024x128xi32>
    %sign3A_16 = arith.constant 0 : i32
    %sign3A_17 = vector.broadcast %sign3A_16 : i32 to vector<1024x128xi32>
    %sign3A_18 = arith.cmpi slt, %iota3A, %sign3A_17 : vector<1024x128xi32>
    %sign3A_19 = arith.extui %sign3A_18 : vector<1024x128xi1> to vector<1024x128xi32>
    %sign3A_20 = arith.subi %sign3A_15, %sign3A_19 : vector<1024x128xi32>
    %sign3A_21 = arith.constant 0 : i32
    %sign3A_22 = arith.cmpi sgt, %jit3A, %sign3A_21 : i32
    %sign3A_23 = arith.extui %sign3A_22 : i1 to i32
    %sign3A_24 = arith.constant 0 : i32
    %sign3A_25 = arith.cmpi slt, %jit3A, %sign3A_24 : i32
    %sign3A_26 = arith.extui %sign3A_25 : i1 to i32
    %sign3A_27 = arith.subi %sign3A_23, %sign3A_26 : i32
    %ne3A = vector.broadcast %sign3A_27 : i32 to vector<1024x128xi32>
    %ne3A_28 = arith.cmpi ne, %sign3A_20, %ne3A : vector<1024x128xi32>
    %rem3A = vector.broadcast %jit3A : i32 to vector<1024x128xi32>
    %rem3A_29 = arith.remsi %iota3A, %rem3A : vector<1024x128xi32>
    %ne3A_30 = arith.constant 0 : i32
    %ne3A_31 = vector.broadcast %ne3A_30 : i32 to vector<1024x128xi32>
    %ne3A_32 = arith.cmpi ne, %rem3A_29, %ne3A_31 : vector<1024x128xi32>
    %and3A = arith.andi %ne3A_28, %ne3A_32 : vector<1024x128xi1>
    %sub3A = arith.constant 1 : i32
    %sub3A_33 = vector.broadcast %sub3A : i32 to vector<1024x128xi32>
    %sub3A_34 = arith.subi %div3A_12, %sub3A_33 : vector<1024x128xi32>
    %select_n3A = arith.select %and3A, %sub3A_34, %div3A_12 : vector<1024x128xi1>, vector<1024x128xi32>
    %add3A = arith.constant 0 : i32
    %add3A_35 = vector.broadcast %add3A : i32 to vector<1024x128xi32>
    %add3A_36 = arith.addi %add3A_35, %select_n3A : vector<1024x128xi32>
    %eq3A = arith.cmpi eq, %concatenate3A, %add3A_36 : vector<1024x128xi32>
    %convert_element_type3A = arith.extui %eq3A : vector<1024x128xi1> to vector<1024x128xi32>
    %convert_element_type3A_37 = arith.sitofp %convert_element_type3A : vector<1024x128xi32> to vector<1024x128xf32>
    %convert_element_type3A_38 = arith.truncf %convert_element_type3A_37 : vector<1024x128xf32> to vector<1024x128xbf16>
    %add3A_39 = arith.constant 2 : i32
    %add3A_40 = vector.broadcast %add3A_39 : i32 to vector<1024x128xi32>
    %add3A_41 = arith.addi %add3A_40, %select_n3A : vector<1024x128xi32>
    %eq3A_42 = arith.cmpi eq, %concatenate3A, %add3A_41 : vector<1024x128xi32>
    %convert_element_type3A_43 = arith.extui %eq3A_42 : vector<1024x128xi1> to vector<1024x128xi32>
    %convert_element_type3A_44 = arith.sitofp %convert_element_type3A_43 : vector<1024x128xi32> to vector<1024x128xf32>
    %convert_element_type3A_45 = arith.truncf %convert_element_type3A_44 : vector<1024x128xf32> to vector<1024x128xbf16>
    %add3A_46 = arith.constant 4 : i32
    %add3A_47 = vector.broadcast %add3A_46 : i32 to vector<1024x128xi32>
    %add3A_48 = arith.addi %add3A_47, %select_n3A : vector<1024x128xi32>
    %eq3A_49 = arith.cmpi eq, %concatenate3A, %add3A_48 : vector<1024x128xi32>
    %convert_element_type3A_50 = arith.extui %eq3A_49 : vector<1024x128xi1> to vector<1024x128xi32>
    %convert_element_type3A_51 = arith.sitofp %convert_element_type3A_50 : vector<1024x128xi32> to vector<1024x128xf32>
    %convert_element_type3A_52 = arith.truncf %convert_element_type3A_51 : vector<1024x128xf32> to vector<1024x128xbf16>
    %add3A_53 = arith.constant 6 : i32
    %add3A_54 = vector.broadcast %add3A_53 : i32 to vector<1024x128xi32>
    %add3A_55 = arith.addi %add3A_54, %select_n3A : vector<1024x128xi32>
    %eq3A_56 = arith.cmpi eq, %concatenate3A, %add3A_55 : vector<1024x128xi32>
    %convert_element_type3A_57 = arith.extui %eq3A_56 : vector<1024x128xi1> to vector<1024x128xi32>
    %convert_element_type3A_58 = arith.sitofp %convert_element_type3A_57 : vector<1024x128xi32> to vector<1024x128xf32>
    %convert_element_type3A_59 = arith.truncf %convert_element_type3A_58 : vector<1024x128xf32> to vector<1024x128xbf16>
    %add3A_60 = arith.constant 8 : i32
    %add3A_61 = vector.broadcast %add3A_60 : i32 to vector<1024x128xi32>
    %add3A_62 = arith.addi %add3A_61, %select_n3A : vector<1024x128xi32>
    %eq3A_63 = arith.cmpi eq, %concatenate3A, %add3A_62 : vector<1024x128xi32>
    %convert_element_type3A_64 = arith.extui %eq3A_63 : vector<1024x128xi1> to vector<1024x128xi32>
    %convert_element_type3A_65 = arith.sitofp %convert_element_type3A_64 : vector<1024x128xi32> to vector<1024x128xf32>
    %convert_element_type3A_66 = arith.truncf %convert_element_type3A_65 : vector<1024x128xf32> to vector<1024x128xbf16>
    %add3A_67 = arith.constant 10 : i32
    %add3A_68 = vector.broadcast %add3A_67 : i32 to vector<1024x128xi32>
    %add3A_69 = arith.addi %add3A_68, %select_n3A : vector<1024x128xi32>
    %eq3A_70 = arith.cmpi eq, %concatenate3A, %add3A_69 : vector<1024x128xi32>
    %convert_element_type3A_71 = arith.extui %eq3A_70 : vector<1024x128xi1> to vector<1024x128xi32>
    %convert_element_type3A_72 = arith.sitofp %convert_element_type3A_71 : vector<1024x128xi32> to vector<1024x128xf32>
    %convert_element_type3A_73 = arith.truncf %convert_element_type3A_72 : vector<1024x128xf32> to vector<1024x128xbf16>
    %add3A_74 = arith.constant 0 : i32
    %add3A_75 = vector.broadcast %add3A_74 : i32 to vector<1024x128xi32>
    %add3A_76 = arith.addi %add3A_75, %select_n3A : vector<1024x128xi32>
    %eq3A_77 = arith.cmpi eq, %concatenate3A_11, %add3A_76 : vector<1024x128xi32>
    %convert_element_type3A_78 = arith.extui %eq3A_77 : vector<1024x128xi1> to vector<1024x128xi32>
    %convert_element_type3A_79 = arith.sitofp %convert_element_type3A_78 : vector<1024x128xi32> to vector<1024x128xf32>
    %convert_element_type3A_80 = arith.truncf %convert_element_type3A_79 : vector<1024x128xf32> to vector<1024x128xbf16>
    %add3A_81 = arith.constant 2 : i32
    %add3A_82 = vector.broadcast %add3A_81 : i32 to vector<1024x128xi32>
    %add3A_83 = arith.addi %add3A_82, %select_n3A : vector<1024x128xi32>
    %eq3A_84 = arith.cmpi eq, %concatenate3A_11, %add3A_83 : vector<1024x128xi32>
    %convert_element_type3A_85 = arith.extui %eq3A_84 : vector<1024x128xi1> to vector<1024x128xi32>
    %convert_element_type3A_86 = arith.sitofp %convert_element_type3A_85 : vector<1024x128xi32> to vector<1024x128xf32>
    %convert_element_type3A_87 = arith.truncf %convert_element_type3A_86 : vector<1024x128xf32> to vector<1024x128xbf16>
    %add3A_88 = arith.constant 4 : i32
    %add3A_89 = vector.broadcast %add3A_88 : i32 to vector<1024x128xi32>
    %add3A_90 = arith.addi %add3A_89, %select_n3A : vector<1024x128xi32>
    %eq3A_91 = arith.cmpi eq, %concatenate3A_11, %add3A_90 : vector<1024x128xi32>
    %convert_element_type3A_92 = arith.extui %eq3A_91 : vector<1024x128xi1> to vector<1024x128xi32>
    %convert_element_type3A_93 = arith.sitofp %convert_element_type3A_92 : vector<1024x128xi32> to vector<1024x128xf32>
    %convert_element_type3A_94 = arith.truncf %convert_element_type3A_93 : vector<1024x128xf32> to vector<1024x128xbf16>
    %add3A_95 = arith.constant 6 : i32
    %add3A_96 = vector.broadcast %add3A_95 : i32 to vector<1024x128xi32>
    %add3A_97 = arith.addi %add3A_96, %select_n3A : vector<1024x128xi32>
    %eq3A_98 = arith.cmpi eq, %concatenate3A_11, %add3A_97 : vector<1024x128xi32>
    %convert_element_type3A_99 = arith.extui %eq3A_98 : vector<1024x128xi1> to vector<1024x128xi32>
    %convert_element_type3A_100 = arith.sitofp %convert_element_type3A_99 : vector<1024x128xi32> to vector<1024x128xf32>
    %convert_element_type3A_101 = arith.truncf %convert_element_type3A_100 : vector<1024x128xf32> to vector<1024x128xbf16>
    %add3A_102 = arith.constant 8 : i32
    %add3A_103 = vector.broadcast %add3A_102 : i32 to vector<1024x128xi32>
    %add3A_104 = arith.addi %add3A_103, %select_n3A : vector<1024x128xi32>
    %eq3A_105 = arith.cmpi eq, %concatenate3A_11, %add3A_104 : vector<1024x128xi32>
    %convert_element_type3A_106 = arith.extui %eq3A_105 : vector<1024x128xi1> to vector<1024x128xi32>
    %convert_element_type3A_107 = arith.sitofp %convert_element_type3A_106 : vector<1024x128xi32> to vector<1024x128xf32>
    %convert_element_type3A_108 = arith.truncf %convert_element_type3A_107 : vector<1024x128xf32> to vector<1024x128xbf16>
    %add3A_109 = arith.constant 10 : i32
    %add3A_110 = vector.broadcast %add3A_109 : i32 to vector<1024x128xi32>
    %add3A_111 = arith.addi %add3A_110, %select_n3A : vector<1024x128xi32>
    %eq3A_112 = arith.cmpi eq, %concatenate3A_11, %add3A_111 : vector<1024x128xi32>
    %convert_element_type3A_113 = arith.extui %eq3A_112 : vector<1024x128xi1> to vector<1024x128xi32>
    %convert_element_type3A_114 = arith.sitofp %convert_element_type3A_113 : vector<1024x128xi32> to vector<1024x128xf32>
    %convert_element_type3A_115 = arith.truncf %convert_element_type3A_114 : vector<1024x128xf32> to vector<1024x128xbf16>
    %iota3A_116 = tpu.iota {dimensions = array<i32: 1>} : vector<1024x32xi32>
    %lt3A = arith.constant 4 : i32
    %lt3A_117 = vector.broadcast %lt3A : i32 to vector<1024x32xi32>
    %lt3A_118 = arith.cmpi slt, %iota3A_116, %lt3A_117 : vector<1024x32xi32>
    %lt3A_119 = arith.constant 8 : i32
    %lt3A_120 = vector.broadcast %lt3A_119 : i32 to vector<1024x32xi32>
    %lt3A_121 = arith.cmpi slt, %iota3A_116, %lt3A_120 : vector<1024x32xi32>
    %lt3A_122 = arith.constant 16 : i32
    %lt3A_123 = vector.broadcast %lt3A_122 : i32 to vector<1024x32xi32>
    %lt3A_124 = arith.cmpi slt, %iota3A_116, %lt3A_123 : vector<1024x32xi32>
    %lt3A_125 = arith.constant 24 : i32
    %lt3A_126 = vector.broadcast %lt3A_125 : i32 to vector<1024x32xi32>
    %lt3A_127 = arith.cmpi slt, %iota3A_116, %lt3A_126 : vector<1024x32xi32>
    %lt3A_128 = arith.constant 26 : i32
    %lt3A_129 = vector.broadcast %lt3A_128 : i32 to vector<1024x32xi32>
    %lt3A_130 = arith.cmpi slt, %iota3A_116, %lt3A_129 : vector<1024x32xi32>
    %lt3A_131 = arith.constant 28 : i32
    %lt3A_132 = vector.broadcast %lt3A_131 : i32 to vector<1024x32xi32>
    %lt3A_133 = arith.cmpi slt, %iota3A_116, %lt3A_132 : vector<1024x32xi32>
    %jit3A_134 = arith.constant 26 : i32
    %jit3A_135 = arith.constant 100 : i32
    %broadcast_in_dim3A = vector.broadcast %jit3A_134 : i32 to vector<1024x32xi32>
    %broadcast_in_dim3A_136 = vector.broadcast %jit3A_135 : i32 to vector<1024x32xi32>
    %select_n3A_137 = arith.select %lt3A_133, %broadcast_in_dim3A, %broadcast_in_dim3A_136 : vector<1024x32xi1>, vector<1024x32xi32>
    %jit3A_138 = arith.constant 24 : i32
    %broadcast_in_dim3A_139 = vector.broadcast %jit3A_138 : i32 to vector<1024x32xi32>
    %select_n3A_140 = arith.select %lt3A_130, %broadcast_in_dim3A_139, %select_n3A_137 : vector<1024x32xi1>, vector<1024x32xi32>
    %jit3A_141 = arith.constant 16 : i32
    %broadcast_in_dim3A_142 = vector.broadcast %jit3A_141 : i32 to vector<1024x32xi32>
    %select_n3A_143 = arith.select %lt3A_127, %broadcast_in_dim3A_142, %select_n3A_140 : vector<1024x32xi1>, vector<1024x32xi32>
    %jit3A_144 = arith.constant 8 : i32
    %broadcast_in_dim3A_145 = vector.broadcast %jit3A_144 : i32 to vector<1024x32xi32>
    %select_n3A_146 = arith.select %lt3A_124, %broadcast_in_dim3A_145, %select_n3A_143 : vector<1024x32xi1>, vector<1024x32xi32>
    %jit3A_147 = arith.constant 4 : i32
    %broadcast_in_dim3A_148 = vector.broadcast %jit3A_147 : i32 to vector<1024x32xi32>
    %select_n3A_149 = arith.select %lt3A_121, %broadcast_in_dim3A_148, %select_n3A_146 : vector<1024x32xi1>, vector<1024x32xi32>
    %jit3A_150 = arith.constant 0 : i32
    %broadcast_in_dim3A_151 = vector.broadcast %jit3A_150 : i32 to vector<1024x32xi32>
    %select_n3A_152 = arith.select %lt3A_118, %broadcast_in_dim3A_151, %select_n3A_149 : vector<1024x32xi1>, vector<1024x32xi32>
    %get3A_153 = arith.constant 0 : index
    %get3A_154 = arith.constant 0 : index
    %get3A_155 = vector.load %arg3[%get3A_153, %get3A_154] : memref<1024x32xi32, #tpu.memory_space<vmem>>, vector<1024x32xi32>
    %sub3A_156 = arith.subi %iota3A_116, %select_n3A_152 : vector<1024x32xi32>
    %eq3A_157 = arith.cmpi eq, %get3A_155, %sub3A_156 : vector<1024x32xi32>
    %convert_element_type3A_158 = arith.extui %eq3A_157 : vector<1024x32xi1> to vector<1024x32xi32>
    %convert_element_type3A_159 = arith.sitofp %convert_element_type3A_158 : vector<1024x32xi32> to vector<1024x32xf32>
    %convert_element_type3A_160 = arith.truncf %convert_element_type3A_159 : vector<1024x32xf32> to vector<1024x32xbf16>
    %concatenate3A_161 = tpu.concatenate %convert_element_type3A_38, %convert_element_type3A_45, %convert_element_type3A_52, %convert_element_type3A_59, %convert_element_type3A_66, %convert_element_type3A_73, %convert_element_type3A_80, %convert_element_type3A_87, %convert_element_type3A_94, %convert_element_type3A_101, %convert_element_type3A_108, %convert_element_type3A_115, %convert_element_type3A_160 in 1 : vector<1024x128xbf16>, vector<1024x128xbf16>, vector<1024x128xbf16>, vector<1024x128xbf16>, vector<1024x128xbf16>, vector<1024x128xbf16>, vector<1024x128xbf16>, vector<1024x128xbf16>, vector<1024x128xbf16>, vector<1024x128xbf16>, vector<1024x128xbf16>, vector<1024x128xbf16>, vector<1024x32xbf16> -> vector<1024x1568xbf16>
    %get3A_162 = arith.constant 0 : index
    %get3A_163 = arith.constant 0 : index
    %get3A_164 = vector.load %arg4[%get3A_162, %get3A_163] : memref<1568x32xbf16, #tpu.memory_space<vmem>>, vector<1568x32xbf16>
    %dot_general3A = arith.constant dense<0.000000e+00> : vector<1024x32xf32>
    %dot_general3A_165 = tpu.matmul %concatenate3A_161, %get3A_164, %dot_general3A {dimension_numbers = #tpu.dot_dimension_numbers<[1], [0], [0], [1], [0, 0, 1, 1], [], []>, transpose_lhs_hint = false} : vector<1024x1568xbf16>, vector<1568x32xbf16>, vector<1024x32xf32> -> vector<1024x32xf32>
    %swap3A = arith.constant 0 : index
    %swap3A_166 = arith.constant 0 : index
    %swap3A_167 = vector.load %arg5[%swap3A, %swap3A_166] : memref<1024x32xf32, #tpu.memory_space<vmem>>, vector<1024x32xf32>
    tpu.vector_store %arg5[%swap3A, %swap3A_166], %dot_general3A_165 {strides = array<i32>} : memref<1024x32xf32, #tpu.memory_space<vmem>>, vector<1024x32xf32>,
    return
  }
  func.func @transform_0(%arg0: i32) -> (i32, i32) {
    %c0_i32 = arith.constant 0 : i32
    %c0_i32_0 = arith.constant 0 : i32
    return %arg0, %c0_i32 : i32, i32
  }
  func.func @transform_1(%arg0: i32) -> (i32, i32) {
    %c0_i32 = arith.constant 0 : i32
    %c0_i32_0 = arith.constant 0 : i32
    return %arg0, %c0_i32 : i32, i32
  }
  func.func @transform_2(%arg0: i32) -> (i32, i32) {
    %c0_i32 = arith.constant 0 : i32
    %c0_i32_0 = arith.constant 0 : i32
    return %arg0, %c0_i32 : i32, i32
  }
  func.func @transform_3(%arg0: i32) -> (i32, i32) {
    %c0_i32 = arith.constant 0 : i32
    %c0_i32_0 = arith.constant 0 : i32
    %c0_i32_1 = arith.constant 0 : i32
    return %c0_i32, %c0_i32_0 : i32, i32
  }
  func.func @transform_4(%arg0: i32) -> (i32, i32) {
    %c0_i32 = arith.constant 0 : i32
    %c0_i32_0 = arith.constant 0 : i32
    return %arg0, %c0_i32 : i32, i32
  }
}

</mosaic_0001>

<sc_bundles>
// kernel: kernel.4.cloned.1.call-start
scs
__scs_entry_jumppad:
0x0: {  	(pc) =	sbr.rel $0x88, $3  }
0x1: {  	(tag) =	ssettag $0x0;
	lr =	simm.s32 $0x1  }
0x2: {  	[smem:$0x3F91] =	sst lr;
	_ =	strace $0xD0000000  }
0x3: {  	_ = 	snop  }
0x4: {  	_ = 	snop  }
0x5: {  	_ = 	snop  }
0x6: {  	_ = 	snop  }
0x7: {  	_ = 	snop  }
__scs_overlays_trampoline_lowered:
0x8: {  	[smem:$0x3FA0] =	sst s0  }
0x9: {  	[smem:$0x3FA1] =	sst s1  }
0xa: {  	[smem:$0x3FA2] =	sst s2  }
0xb: {  	[smem:$0x3FA3] =	sst s3  }
0xc: {  	[smem:$0x3FA4] =	sst s4  }
0xd: {  	[smem:$0x3FA5] =	sst s5  }
0xe: {  	[smem:$0x3FA6] =	sst s6  }
0xf: {  	[smem:$0x3FA7] =	sst s7  }
0x10: {  	[smem:$0x3FA8] =	sst s8  }
0x11: {  	[smem:$0x3FA9] =	sst s9;
	s0 =	simm.s32 @!p0 $0x0  }
0x12: {  	s1 =	sld [smem:$0x3F8F];
	s0 =	simm.s32 @p0 $0x1  }
0x13: {  	[smem:$0x3FAA] =	sst s0;
	s0 =	simm.s32 @!p1 $0x0  }
0x14: {  	s2 =	sld [smem:$0x3F8E];
	s0 =	simm.s32 @p1 $0x1  }
0x15: {  	[smem:$0x3FAB] =	sst s0;
	s0 =	simm.s32 @!p2 $0x0  }
0x16: {  	s3 =	sld [smem:$0x3FDB];
	s0 =	simm.s32 @p2 $0x1  }
0x17: {  	s4 =	simm.s32 $0x1BF5;
	[smem:$0x3FAD] =	sst s0  }
0x18: {  	s0 =	sld [smem:$0x3F90];
	_ =	swait.ge [sflag:s4], $0x0  }
0x19: {  	s7 =	sld [smem:$0x3F91]  }
0x1a: {  	s8 =	sadd.s32 $0xFFFFE003, lr  }
0x1b: {  	s9 =	sadd.s32 $0xFFFFFEF7, lr;
	s5 =	simm.s32 $0xFFFFFFFF;
	p2 =	slt.u32 s8, $0xFFFFF086  }
0x1c: {  	p1 =	slt.u32 s9, $0xF7A;
	s5 =	simm.s32 @!p2 $0x0  }
0x1d: {  	s5 =	simm.s32 @p1 $0x1;
	p0 =	seq.s32 s7, s2  }
0x1e: {  	s7 =	smul.u32 @!p0 $0xF7A, s2;
	p2 =	seq.s32 @!p0 s5, $0x0  }
0x1f: {  	s9 =	smul.u32 $0xF7A, s1;
	s8 =	simm.s32 @!p0 $0x1BF5;
	p2 =	por !p2, p0  }
0x20: {  	[sflag:s8] =	ssyncset.s32 @!p0 $0xFFFFF086;
	s6 =	sadd.s32 @!p0 s3, s7;
	s7 =	simm.s32 @!p0 $0x108  }
0x21: {  	s3 =	sadd.s32 s3, s9;
	s6 =	sadd.s32 @!p0 $0x88, s6;
	s7 =	simm.s32 @p2 $0x1082  }
0x22: {  	[simem:s7], [sflag:s8] =	dma.local @!p0 [hbm:s6], $0xF7A  }
0x23: {  	s9 =	sor.u32 $0xD0000000, s2;
	s6 =	simm.s32 $0x108;
	_ =	swait.ge @!p0 [sflag:s8], $0x0  }
0x24: {  	s3 =	sadd.s32 $0x88, s3;
	s6 =	simm.s32 @!p1 $0x1082;
	[sflag:s4] =	ssyncset.s32 $0xFFFFF086  }
0x25: {  	[simem:s6], [sflag:s4] =	dma.local [hbm:s3], $0xF7A  }
0x26: {  	[smem:$0x3F91] =	sst s1;
	(tag) =	ssettag s2;
	_ =	strace s9  }
0x27: {  	s1 =	sld [smem:$0x3FA1]  }
0x28: {  	s2 =	sld [smem:$0x3FA2]  }
0x29: {  	s4 =	sld [smem:$0x3FA4]  }
0x2a: {  	p0 =	seq.s32 s5, $0x0;
	s5 =	sld [smem:$0x3FA5]  }
0x2b: {  	s6 =	sld [smem:$0x3FA6]  }
0x2c: {  	s7 =	sld [smem:$0x3FA7]  }
0x2d: {  	s3 =	simm.s32 $0x108;
	s8 =	sld [smem:$0x3FA8]  }
0x2e: {  	s3 =	simm.s32 @!p0 $0x1082;
	s9 =	sld [smem:$0x3FA9]  }
0x2f: {  	lr =	sadd.s32 s0, s3;
	s0 =	sld [smem:$0x3FA0]  }
0x30: {  	s3 =	sld [smem:$0x3FA3]  }
0x31: {  	[smem:$0x3FAC] =	sst s10  }
0x32: {  	s10 =	sld [smem:$0x3FAA];
	_ =	sdelay $0x3  }
0x33: {  	p0 =	seq.s32 s10, $0x1;
	s10 =	sld [smem:$0x3FAC];
	_ =	sdelay $0x3  }
0x34: {  	[smem:$0x3FAC] =	sst s10  }
0x35: {  	s10 =	sld [smem:$0x3FAB];
	_ =	sdelay $0x3  }
0x36: {  	p1 =	seq.s32 s10, $0x1;
	s10 =	sld [smem:$0x3FAC];
	_ =	sdelay $0x3  }
0x37: {  	[smem:$0x3FAC] =	sst s10  }
0x38: {  	s10 =	sld [smem:$0x3FAD]  }
0x39: {  	_ = 	snop;
	(pc) =	sbr.ind lr, $3  }
0x3a: {  	_ = 	snop  }
0x3b: {  	_ = 	snop  }
0x3c: {  	p2 =	seq.s32 s10, $0x1;
	s10 =	sld [smem:$0x3FAC]  }
0x3d: {  	_ =	shalt  }
0x3e: {  	_ =	shalt  }
0x3f: {  	_ =	shalt  }
0x40: {  	_ =	shalt  }
0x41: {  	_ =	shalt  }
0x42: {  	_ =	shalt  }
0x43: {  	_ =	shalt  }
0x44: {  	_ =	shalt  }
0x45: {  	_ =	shalt  }
0x46: {  	_ =	shalt  }
0x47: {  	_ =	shalt  }
0x48: {  	_ =	shalt  }
0x49: {  	_ =	shalt  }
0x4a: {  	_ =	shalt  }
0x4b: {  	_ =	shalt  }
0x4c: {  	_ =	shalt  }
0x4d: {  	_ =	shalt  }
0x4e: {  	_ =	shalt  }
0x4f: {  	_ =	shalt  }
0x50: {  	_ =	shalt  }
0x51: {  	_ =	shalt  }
0x52: {  	_ =	shalt  }
0x53: {  	_ =	shalt  }
0x54: {  	_ =	shalt  }
0x55: {  	_ =	shalt  }
0x56: {  	_ =	shalt  }
0x57: {  	_ =	shalt  }
0x58: {  	_ =	shalt  }
0x59: {  	_ =	shalt  }
0x5a: {  	_ =	shalt  }
0x5b: {  	_ =	shalt  }
0x5c: {  	_ =	shalt  }
0x5d: {  	_ =	shalt  }
0x5e: {  	_ =	shalt  }
0x5f: {  	_ =	shalt  }
0x60: {  	_ =	shalt  }
0x61: {  	_ =	shalt  }
0x62: {  	_ =	shalt  }
0x63: {  	_ =	shalt  }
0x64: {  	_ =	shalt  }
0x65: {  	_ =	shalt  }
0x66: {  	_ =	shalt  }
0x67: {  	_ =	shalt  }
0x68: {  	_ =	shalt  }
0x69: {  	_ =	shalt  }
0x6a: {  	_ =	shalt  }
0x6b: {  	_ =	shalt  }
0x6c: {  	_ =	shalt  }
0x6d: {  	_ =	shalt  }
0x6e: {  	_ =	shalt  }
0x6f: {  	_ =	shalt  }
0x70: {  	_ =	shalt  }
0x71: {  	_ =	shalt  }
0x72: {  	_ =	shalt  }
0x73: {  	_ =	shalt  }
0x74: {  	_ =	shalt  }
0x75: {  	_ =	shalt  }
0x76: {  	_ =	shalt  }
0x77: {  	_ =	shalt  }
0x78: {  	_ =	shalt  }
0x79: {  	_ =	shalt  }
0x7a: {  	_ =	shalt  }
0x7b: {  	_ =	shalt  }
0x7c: {  	_ =	shalt  }
0x7d: {  	_ =	shalt  }
0x7e: {  	_ =	shalt  }
0x7f: {  	_ =	shalt  }
0x80: {  	_ =	shalt  }
0x81: {  	_ =	shalt  }
0x82: {  	_ =	shalt  }
0x83: {  	_ =	shalt  }
0x84: {  	_ =	shalt  }
0x85: {  	_ =	shalt  }
0x86: {  	_ =	shalt  }
0x87: {  	_ =	shalt  }
.Lfunc_end0:
.L_simem_size_0:
called_computation_lowered:
.L_overlay_start_0:
0x88: {  	s2 =	sld [smem:$0x3FD9]  }
0x89: {  	s3 =	sld [smem:$0x3FFE];
	_ =	sdelay $0x1  }
0x8a: {  	s1 =	srdreg.scid  }
0x8b: {  	s0 =	sand.u32 $0x1, s1  }
0x8c: {  	s17 =	sshll.u32 s0, $0xA;
	s2 =	sadd.s32 s3, s2  }
0x8d: {  	s2 =	sadd.s32 s2, s17  }
0x8e: {  	[smem:$0x3FB8] =	sst s2  }
0x8f: {  	_ = 	snop  }
0x90: {  	s2 =	sld [smem:$0x3FD0];
	(tm) =	ssettm $0x1  }
0x91: {  	s18 =	sld [smem:$0x3FFB];
	_ =	sdelay $0x3  }
0x92: {  	_ =	strace s18  }
0x93: {  	s3 =	sld [smem:$0x3FFC];
	_ =	sdelay $0x3  }
0x94: {  	_ =	strace s3  }
0x95: {  	s3 =	sld [smem:$0x3FFD];
	_ =	sdelay $0x3  }
0x96: {  	_ =	strace s3  }
0x97: {  	_ =	strace $0x8FFFFFFF  }
0x98: {  	s19 =	sld [smem:$0x3FDB];
	_ =	sdelay $0x1  }
0x99: {  	s4 =	simm.s32 $_scs_section_size  }
0x9a: {  	s5 =	simm.s32 $_size__tile_overlayer_lowered;
	s6 =	simm.s32 $_tile_overlayer_lowered  }
0x9b: {  	s22 =	simm.s32 $0x1BFF;
	s21 =	sshll.u32 s6, $0x1;
	s3 =	sadd.s32 s4, s19  }
0x9c: {  	s7 =	simm.s32 $0x0;
	s20 =	sshll.u32 s5, $0x1;
	s5 =	sadd.s32 s21, s3  }
0x9d: {  	[timem:s7], [sflag:s22] =	dma.local [hbm:s5], s20  }
0x9e: {  	_ =	swait.ge [sflag:s22], s20  }
0x9f: {  	s4 =	ssub.s32 $0x0, s20;
	[sflag:s22] =	ssyncset.done $0x0  }
0xa0: {  	[sflag:s22] =	ssyncadd.s32 s4;
	_ =	sdelay $0x1  }
0xa1: {  	s23 =	simm.s32 $0x1B8B  }
0xa2: {  	_ =	swait.ge [sflag:s23], $0x1  }
0xa3: {  	[sflag:s23] =	ssyncset.done $0x0  }
0xa4: {  	s25 =	simm.s32 $0x1B8E;
	s24 =	sld [smem:$0x3FFE];
	[sflag:s23] =	ssyncadd.s32 $0xFFFFFFFF  }
0xa5: {  	s26 =	simm.s32 $execute0_lowered;
	[smem:$0x3FD2] =	sst s25  }
0xa6: {  	s5 =	sshll.u32 s26, $0x1;
	_ =	strace $0x80000046;
	[dreg:$0x1] =	wrdreg $0xFFFFFFFF  }
0xa7: {  	s28 =	simm.s32 $_size_execute0_lowered;
	s3 =	sadd.s32 s3, s5;
	[dreg:$0x0] =	wrdreg $0x0  }
0xa8: {  	s5 =	sshll.u32 s28, $0x1;
	[dreg:$0x2] =	wrdreg s3  }
0xa9: {  	[dreg:$0x3] =	wrdreg s5  }
0xaa: {  	[dreg:$0x4] =	wrdreg $0xC0  }
0xab: {  	_ =	task [dreg:s7], $0x5FFFF  }
0xac: {  	[dreg:$0x1] =	wrdreg $0xFFFFFFFF  }
0xad: {  	[dreg:$0x0] =	wrdreg $0x60  }
0xae: {  	[dreg:$0x2] =	wrdreg s24  }
0xaf: {  	[dreg:$0x3] =	wrdreg s2  }
0xb0: {  	[dreg:$0x4] =	wrdreg $0x9  }
0xb1: {  	_ =	task.clear_ibuf [dreg:s7], $0x5FFFF;
	_ =	strace $0x90000046  }
0xb2: {  	s29 =	simm.s32 $0x9;
	_ =	strace $0x80000048  }
0xb3: {  	_ =	swait.ge [sflag:s29], $0x1  }
0xb4: {  	[sflag:s29] =	ssyncadd.s32 $0xFFFFFFFF  }
0xb5: {  	_ =	strace $0x90000048  }
0xb6: {  	_ =	sfence  }
0xb7: {  	s30 =	sld [smem:$0x0];
	_ =	sdelay $0x2  }
0xb8: {  	s31 =	sshll.u32 s1, $0xD;
	s1 =	sshrl.u32 s1, $0x2  }
0xb9: {  	s3 =	sand.u32 $0x4000, s31;
	s1 =	sadd.s32 s1, s30  }
0xba: {  	s0 =	sor.u32 s3, s0;
	s1 =	sshll.u32 s1, $0x11  }
0xbb: {  	s0 =	sor.u32 s1, s0  }
0xbc: {  	s0 =	sadd.s32 $0x8F2B, s0  }
0xbd: {  	[sflag:s0] =	ssyncadd.remote.s32 $0x1  }
0xbe: {  	_ =	sfence.sel $0xFFFF  }
0xbf: {  	[dreg:$0x0] =	wrdreg $0xFFFFFFFF;
	(pc) =	sbr.abs _section_cstart, $3  }
0xc0: {  	[dreg:$0x1] =	wrdreg $0xFFFFFFFF  }
0xc1: {  	_ =	task.clear_ibuf [dreg:s7], $0x2FFFF;
	_ =	strace $0x9FFFFFFF  }
0xc2: {  	(tm) =	ssettm $0x7FFFFFFF  }
0xc3: {  	_ =	shalt  }
tec
execute0_lowered:
.L_overlay_start_1:
0x0: {  	(tag) =	ssettag $0x1  }
0x1: {  	s4 =	rddreg [dreg:$0x0];
	s1 =	srdreg.scid  }
0x2: {  	s0 =	stileid.u32;
	s5 =	rddreg [dreg:$0x1];
	s2 =	simm.s32 $0x0  }
0x3: {  	s12 =	simm.s32 $0x6800;
	s13 =	simm.s32 $0x8800;
	s14 =	simm.s32 $0xA800  }
0x4: {  	s15 =	simm.s32 $0xAC00;
	s3 =	sand.u32 $0x1, s1;
	s1 =	rddreg [dreg:$0x2]  }
0x5: {  	s16 =	simm.s32 $0x0;
	s6 =	sshll.u32 s0, $0x1;
	[smem:$0x7FF] =	sst s2  }
0x6: {  	s6 =	sor.u32 s3, s6;
	_ =	strace $0x80000047;
	s9 =	ssub.s32 $0x2, s3  }
0x7: {  	s3 =	sadd.s32 $0x1C00, s4;
	s7 =	sshll.u32 s6, $0x7;
	s6 =	sshll.u32 s6, $0x9  }
0x8: {  	s10 =	sshrl.u32 s9, $0x1;
	s8 =	sadd.s32 s7, s4;
	s11 =	sadd.s32 s6, s4  }
0x9: {  	s9 =	ssub.s32 s9, s10;
	s5 =	sadd.s32 s5, s7;
	s10 =	simm.s32 $0x400  }
0xa: {  	v0 =	vlaneseq.u32;
	s4 =	sadd.s32 $0x3A00, s8;
	s6 =	sadd.s32 $0x2A00, s8;
	s7 =	sadd.s32 $0xBA00, s11  }
0xb: {  	v0 =	vmul.u32 $0x20, v0;
	s8 =	smax.u32 s9, $0x1;
	s9 =	simm.s32 $0x1;
	s11 =	simm.s32 $0x8000  }
.LBB2_1:
0xc: {  	[tilespmem:s2], [sflag:$0x1] =	stream.linear.gather [hbm4b:s3+s2], $0x6800, $0x38;
	[tilespmem:$0xBC00] =	vst v63  }
0xd: {  	_ =	swait.ge [sflag:s9], $0x6800  }
0xe: {  	[sflag:s9] =	ssyncset.done $0x0  }
0xf: {  	[sflag:s9] =	ssyncadd.s32 $0xFFFF9800  }
0x10: {  	[tilespmem:s12], [sflag:$0x1] =	stream.strided.gather [hbm4b:s4+s10], $0x2000, s11, s10, $0x38;
	[tilespmem:$0xBC00] =	vst v63  }
0x11: {  	_ =	swait.ge [sflag:s9], $0x2000  }
0x12: {  	[sflag:s9] =	ssyncset.done $0x0  }
0x13: {  	[sflag:s9] =	ssyncadd.s32 $0xFFFFE000  }
0x14: {  	[tilespmem:s13], [sflag:$0x1] =	stream.strided.gather [hbm4b:s5+s10], $0x2000, s11, s10, $0x38;
	[tilespmem:$0xBC00] =	vst v63  }
0x15: {  	_ =	swait.ge [sflag:s9], $0x2000  }
0x16: {  	[sflag:s9] =	ssyncset.done $0x0  }
0x17: {  	[sflag:s9] =	ssyncadd.s32 $0xFFFFE000  }
0x18: {  	[tilespmem:s14], [sflag:$0x1] =	stream.strided.gather [hbm4b:s6+s10], $0x0, s11, s10, $0x38;
	[tilespmem:$0xBC00] =	vst v63  }
0x19: {  	_ = 	snop  }
0x1a: {  	[tilespmem:s14], [sflag:$0x1] =	stream.linear.gather [hbm4b:s6+s2], $0x300, $0x38;
	[tilespmem:$0xBC00] =	vst v63  }
0x1b: {  	_ =	swait.ge [sflag:s9], $0x300  }
0x1c: {  	s17 =	simm.s32 $0x6900;
	[sflag:s9] =	ssyncset.done $0x0  }
0x1d: {  	s18 =	simm.s32 $0x8900;
	s19 =	simm.s32 $0x0;
	[sflag:s9] =	ssyncadd.s32 $0xFFFFFD00  }
.LBB2_2:
0x1e: {  	v1 =	vld [tilespmem:s17+$0xFFFFFF00]  }
0x1f: {  	v3 =	vld [tilespmem:s17+$0x0]  }
0x20: {  	v4 =	vld [tilespmem:s17+$0xFFFFFF80];
	_ =	sdelay $0x2  }
0x21: {  	v1 =	vmul.u32 $0x11, v1  }
0x22: {  	v2 =	vld [tilespmem:s17+$0x80];
	s22 =	simm.s32 $0x0;
	v7 =	vmul.u32 $0x11, v3  }
0x23: {  	s21 =	simm.s32 $0x198;
	v4 =	vmul.u32 $0x11, v4;
	v1 =	vadd.s32 s22, v1  }
0x24: {  	s31 =	simm.s32 $0xCC;
	v7 =	vadd.s32 s21, v7  }
0x25: {  	v4 =	vadd.s32 s31, v4  }
0x26: {  	v5 =	vadd.s32 $0x1, v1  }
0x27: {  	v2 =	vmul.u32 $0x11, v2;
	v6 =	vadd.s32 $0x5, v1  }
0x28: {  	s20 =	simm.s32 $0x264;
	v8 =	vadd.s32 $0x2, v1;
	v9 =	vld.idx.msk [tilespmem:v1+s2+$0x0], $0xffff  }
0x29: {  	v14 =	vadd.s32 s20, v2;
	v2 =	vadd.s32 $0x4, v1;
	v23 =	vld.idx.msk [tilespmem:v7+s2+$0x0], $0xffff  }
0x2a: {  	v10 =	vadd.s32 $0x6, v1;
	v30 =	vld.idx.msk [tilespmem:v4+s2+$0x0], $0xffff  }
0x2b: {  	v19 =	vadd.s32 $0x2, v7;
	v5 =	vld.idx.msk [tilespmem:v5+s2+$0x0], $0xffff  }
0x2c: {  	v3 =	vimm.f32 $0.0e+00;
	v15 =	vadd.s32 $0x7, v1;
	v13 =	vadd.s32 $0x7, v7;
	v6 =	vld.idx.msk [tilespmem:v6+s2+$0x0], $0xffff  }
0x2d: {  	v12 =	vadd.s32 $0x3, v14;
	v11 =	vadd.s32 $0x5, v14;
	v17 =	vadd.s32 $0x1, v7;
	v8 =	vld.idx.msk [tilespmem:v8+s2+$0x0], $0xffff  }
0x2e: {  	v16 =	vadd.s32 $0x6, v7;
	v18 =	vadd.s32 $0x5, v7;
	v40 =	vadd.s32 $0x2, v4;
	v2 =	vld.idx.msk [tilespmem:v2+s2+$0x0], $0xffff  }
0x2f: {  	v20 =	vadd.s32 $0x4, v14;
	v22 =	vadd.s32 $0x3, v1;
	v24 =	vadd.s32 $0x3, v7;
	v29 =	vld.idx.msk [tilespmem:v10+s2+$0x0], $0xffff  }
0x30: {  	v26 =	vadd.s32 $0x4, v7;
	v27 =	vadd.s32 $0x2, v14;
	v31 =	vadd.s32 $0x1, v14;
	v32 =	vld.idx.msk [tilespmem:v19+s2+$0x0], $0xffff  }
0x31: {  	v34 =	vadd.s32 $0x5, v4;
	v36 =	vadd.s32 $0x6, v4;
	v1 =	vadd.s32 $0x6, v14;
	v39 =	vld.idx.msk [tilespmem:v13+s2+$0x0], $0xffff  }
0x32: {  	v41 =	vadd.s32 $0x4, v4;
	v62 =	vadd.s32 $0x7, v14;
	v44 =	vld.idx.msk [tilespmem:v17+s2+$0x0], $0xffff;
	v25 =	vunpack.i.u.bf16.f32 v9  }
0x33: {  	v40 =	vld.idx.msk [tilespmem:v40+s2+$0x0], $0xffff;
	v9 =	vunpack.i.l.bf16.f32 v9;
	v38 =	vunpack.i.u.bf16.f32 v23;
	v7 =	vunpack.i.u.bf16.f32 v5  }
0x34: {  	v22 =	vld.idx.msk [tilespmem:v22+s2+$0x0], $0xffff;
	v10 =	vunpack.i.l.bf16.f32 v5;
	v5 =	vadd.s32 $0x1, v4;
	v28 =	vadd.f32 v9, v3  }
0x35: {  	v46 =	vld.idx.msk [tilespmem:v15+s2+$0x0], $0xffff;
	v19 =	vadd.f32 v25, v3;
	v9 =	vunpack.i.u.bf16.f32 v6;
	v25 =	vadd.s32 $0x7, v4  }
0x36: {  	v35 =	vld.idx.msk [tilespmem:v1+s2+$0x0], $0xffff;
	v6 =	vunpack.i.l.bf16.f32 v6;
	v37 =	vunpack.i.u.bf16.f32 v2;
	v1 =	vunpack.i.l.bf16.f32 v2  }
0x37: {  	v21 =	vld.idx.msk [tilespmem:v14+s2+$0x0], $0xffff;
	v2 =	vunpack.i.u.bf16.f32 v30;
	v17 =	vunpack.i.u.bf16.f32 v8;
	v8 =	vunpack.i.l.bf16.f32 v8  }
0x38: {  	v33 =	vld.idx.msk [tilespmem:v11+s2+$0x0], $0xffff;
	v14 =	vunpack.i.l.bf16.f32 v39;
	v47 =	vunpack.i.l.bf16.f32 v44;
	v50 =	vunpack.i.u.bf16.f32 v44  }
0x39: {  	v44 =	vunpack.i.u.bf16.f32 v40;
	v40 =	vunpack.i.l.bf16.f32 v40;
	v63 =	vunpack.i.l.bf16.f32 v22  }
0x3a: {  	v11 =	vld.idx.msk [tilespmem:v16+s2+$0x0], $0xffff;
	v22 =	vunpack.i.u.bf16.f32 v22;
	v56 =	vunpack.i.u.bf16.f32 v46;
	v46 =	vunpack.i.l.bf16.f32 v46  }
0x3b: {  	v45 =	vld.idx.msk [tilespmem:v12+s2+$0x0], $0xffff;
	v55 =	vunpack.i.l.bf16.f32 v29;
	v42 =	vadd.f32 v9, v3;
	v43 =	vadd.f32 v7, v3  }
0x3c: {  	v52 =	vld.idx.msk [tilespmem:v26+s2+$0x0], $0xffff;
	v7 =	vunpack.i.l.bf16.f32 v21;
	v13 =	vadd.f32 v1, v3;
	v37 =	vadd.f32 v37, v3  }
0x3d: {  	v9 =	vld.idx.msk [tilespmem:v20+s2+$0x0], $0xffff;
	v1 =	vunpack.i.l.bf16.f32 v33;
	v26 =	vadd.f32 v22, v3;
	v2 =	vadd.f32 v2, v19  }
0x3e: {  	v20 =	vunpack.i.u.bf16.f32 v21;
	v21 =	vld.idx.msk [tilespmem:v31+s2+$0x0], $0xffff;
	v58 =	vadd.f32 v56, v3;
	v53 =	vadd.f32 v63, v3  }
0x3f: {  	v31 =	vadd.s32 $0x3, v4;
	v2 =	vadd.f32 v38, v2;
	v38 =	vld.idx.msk [tilespmem:v18+s2+$0x0], $0xffff;
	v18 =	vadd.f32 v46, v3  }
0x40: {  	v19 =	vld.idx.msk [tilespmem:v5+s2+$0x0], $0xffff;
	v5 =	vunpack.i.l.bf16.f32 v30;
	v30 =	vadd.f32 v17, v3;
	v17 =	vunpack.i.l.bf16.f32 v23  }
0x41: {  	v23 =	vadd.f32 v8, v3;
	v16 =	vadd.f32 v5, v28;
	v5 =	vunpack.i.u.bf16.f32 v35  }
0x42: {  	v12 =	vunpack.i.u.bf16.f32 v9;
	v2 =	vadd.f32 v20, v2;
	v20 =	vunpack.i.u.bf16.f32 v29  }
0x43: {  	v25 =	vld.idx.msk [tilespmem:v25+s2+$0x0], $0xffff;
	v29 =	vunpack.i.l.bf16.f32 v35;
	v40 =	vadd.f32 v40, v23;
	v8 =	vadd.f32 v17, v16  }
0x44: {  	v28 =	vld.idx.msk [tilespmem:v34+s2+$0x0], $0xffff;
	v35 =	vunpack.i.l.bf16.f32 v45;
	v17 =	vadd.f32 v10, v3;
	v10 =	vadd.f32 v6, v3  }
0x45: {  	v16 =	vunpack.i.l.bf16.f32 v11;
	v6 =	vunpack.i.l.bf16.f32 v21;
	v61 =	vunpack.i.u.bf16.f32 v19  }
0x46: {  	v19 =	vunpack.i.l.bf16.f32 v19;
	v4 =	vadd.f32 v7, v8;
	v7 =	vunpack.i.u.bf16.f32 v21;
	v21 =	vld.idx.msk [tilespmem:v24+s2+$0x0], $0xffff  }
0x47: {  	v8 =	vunpack.i.u.bf16.f32 v33;
	v24 =	vld.idx.msk [tilespmem:v31+s2+$0x0], $0xffff;
	v31 =	vunpack.i.l.bf16.f32 v32;
	v32 =	vunpack.i.u.bf16.f32 v32  }
0x48: {  	v57 =	vunpack.i.l.bf16.f32 v25;
	v25 =	vunpack.i.u.bf16.f32 v25;
	v33 =	vld.idx.msk [tilespmem:v62+s2+$0x0], $0xffff;
	v62 =	vunpack.i.u.bf16.f32 v52  }
0x49: {  	v48 =	vadd.f32 v19, v17;
	v49 =	vunpack.i.u.bf16.f32 v28;
	v51 =	vadd.f32 v61, v43  }
0x4a: {  	v15 =	vunpack.i.l.bf16.f32 v28;
	v28 =	vld.idx.msk [tilespmem:v41+s2+$0x0], $0xffff;
	v23 =	vadd.f32 v57, v18;
	v34 =	vadd.f32 v25, v58  }
0x4b: {  	v27 =	vld.idx.msk [tilespmem:v27+s2+$0x0], $0xffff;
	v17 =	vunpack.i.u.bf16.f32 v45;
	v43 =	vadd.f32 v31, v40;
	v40 =	vadd.f32 v55, v3  }
0x4c: {  	v19 =	vld.idx.msk [tilespmem:v36+s2+$0x0], $0xffff;
	v41 =	vadd.f32 v44, v30;
	v25 =	vunpack.i.l.bf16.f32 v38;
	v44 =	vadd.f32 v49, v42  }
0x4d: {  	v42 =	vunpack.i.l.bf16.f32 v52;
	v18 =	vadd.f32 v47, v48;
	v30 =	vadd.f32 v50, v51  }
0x4e: {  	v59 =	vunpack.i.u.bf16.f32 v24;
	v60 =	vunpack.i.l.bf16.f32 v24;
	v22 =	vunpack.i.u.bf16.f32 v21  }
0x4f: {  	v54 =	vunpack.i.l.bf16.f32 v21;
	v24 =	vadd.f32 v59, v26;
	v63 =	vunpack.i.u.bf16.f32 v28  }
0x50: {  	v21 =	vunpack.i.u.bf16.f32 v27;
	v61 =	vadd.f32 v60, v53;
	v37 =	vadd.f32 v63, v37  }
0x51: {  	v26 =	vunpack.i.u.bf16.f32 v39;
	v39 =	vunpack.i.l.bf16.f32 v27;
	v36 =	vunpack.i.l.bf16.f32 v19  }
0x52: {  	s23 =	simm.s32 $0x0;
	s24 =	sadd.s32 $0x200, s17;
	s20 =	sshll.u32 s19, $0x4;
	v27 =	vunpack.i.u.bf16.f32 v33;
	v31 =	vadd.f32 v54, v61;
	v37 =	vadd.f32 v62, v37  }
.LBB2_3:
0x53: {  	v45 =	vld [tilespmem:s24+$0xFFFFFF00];
	s23 =	sadd.s32 $0x4, s23;
	v46 =	vunpack.i.l.bf16.f32 v28;
	v38 =	vunpack.i.u.bf16.f32 v38;
	v28 =	vadd.f32 v39, v43;
	s22 =	sadd.s32 $0x330, s22;
	s21 =	simm.s32 $0x3300  }
0x54: {  	v32 =	vadd.f32 v32, v41;
	v33 =	vunpack.i.l.bf16.f32 v33;
	v39 =	vld [tilespmem:s24+$0x80];
	p0 =	slt.u32 s23, $0x3C;
	v13 =	vadd.f32 v46, v13  }
0x55: {  	v3 =	vadd.f32 v20, v3;
	v11 =	vunpack.i.u.bf16.f32 v11;
	v20 =	vadd.f32 v38, v44;
	v41 =	vld [tilespmem:s24+$0x0]  }
0x56: {  	v19 =	vunpack.i.u.bf16.f32 v19;
	v36 =	vadd.f32 v36, v40;
	v38 =	vld [tilespmem:s24+$0xFFFFFF80];
	v13 =	vadd.f32 v42, v13  }
0x57: {  	v9 =	vunpack.i.l.bf16.f32 v9;
	v3 =	vadd.f32 v19, v3;
	v19 =	vadd.f32 v21, v32  }
0x58: {  	v16 =	vadd.f32 v16, v36;
	v21 =	vmul.u32 $0x11, v45;
	v13 =	vadd.f32 v9, v13  }
0x59: {  	v22 =	vadd.f32 v22, v24;
	s25 =	sadd.s32 $0x198, s22;
	v3 =	vadd.f32 v11, v3;
	v9 =	vmul.u32 $0x11, v39  }
0x5a: {  	v24 =	vadd.f32 v12, v37;
	s26 =	sadd.s32 $0x264, s22;
	v11 =	vadd.s32 s22, v21;
	v32 =	vmul.u32 $0x11, v41  }
0x5b: {  	v22 =	vadd.f32 v17, v22;
	v12 =	vadd.s32 $0x1, v11;
	v36 =	vadd.s32 $0x2, v11  }
0x5c: {  	v21 =	vadd.f32 v35, v31;
	v17 =	vadd.s32 $0x4, v11;
	v37 =	vadd.s32 $0x5, v11  }
0x5d: {  	v14 =	vadd.f32 v14, v23;
	s28 =	sadd.s32 $0xCC, s22;
	v31 =	vadd.s32 $0x6, v11;
	v35 =	vadd.s32 $0x7, v11  }
0x5e: {  	v39 =	vadd.s32 s26, v9;
	v9 =	vadd.f32 v26, v34;
	v32 =	vadd.s32 s25, v32  }
0x5f: {  	v23 =	vadd.f32 v33, v14;
	v40 =	vadd.s32 $0x3, v39;
	v41 =	vadd.s32 $0x5, v39;
	v34 =	vld.idx.msk [tilespmem:v11+s2+$0x0], $0xffff  }
0x60: {  	v14 =	vadd.s32 $0x6, v32;
	v33 =	vadd.s32 $0x7, v32;
	v26 =	vadd.f32 v27, v9;
	v12 =	vld.idx.msk [tilespmem:v12+s2+$0x0], $0xffff  }
0x61: {  	v10 =	vadd.f32 v15, v10;
	v27 =	vadd.s32 $0x5, v32;
	v9 =	vld.idx.msk [tilespmem:v37+s2+$0x0], $0xffff;
	v37 =	vmul.u32 $0x11, v38  }
0x62: {  	v42 =	vadd.s32 $0x4, v39;
	v38 =	vadd.s32 $0x2, v32;
	v15 =	vld.idx.msk [tilespmem:v36+s2+$0x0], $0xffff;
	v36 =	vadd.s32 $0x1, v32  }
0x63: {  	v10 =	vadd.f32 v25, v10;
	v43 =	vadd.s32 $0x3, v11;
	v37 =	vadd.s32 s28, v37;
	v44 =	vld.idx.msk [tilespmem:v39+s2+$0x0], $0xffff  }
0x64: {  	v25 =	vadd.f32 v29, v16;
	v46 =	vadd.s32 $0x3, v32;
	v11 =	vadd.s32 $0x6, v39;
	v45 =	vld.idx.msk [tilespmem:v32+s2+$0x0], $0xffff  }
0x65: {  	v3 =	vadd.f32 v5, v3;
	v47 =	vadd.s32 $0x4, v32;
	v16 =	vunpack.i.u.bf16.f32 v34;
	v29 =	vld.idx.msk [tilespmem:v31+s2+$0x0], $0xffff  }
0x66: {  	v5 =	vunpack.i.u.bf16.f32 v12;
	v32 =	vunpack.i.l.bf16.f32 v12;
	v12 =	vld.idx.msk [tilespmem:v17+s2+$0x0], $0xffff;
	v17 =	vadd.s32 $0x1, v37  }
0x67: {  	v7 =	vadd.f32 v7, v30;
	v31 =	vunpack.i.l.bf16.f32 v34;
	v34 =	vld.idx.msk [tilespmem:v38+s2+$0x0], $0xffff;
	v38 =	vadd.s32 $0x2, v39  }
0x68: {  	v8 =	vadd.f32 v8, v20;
	v49 =	vadd.s32 $0x1, v39;
	v4 =	vadd.f32 v31, v4;
	v48 =	vld.idx.msk [tilespmem:v37+s2+$0x0], $0xffff  }
0x69: {  	v20 =	vadd.s32 $0x7, v37;
	v2 =	vadd.f32 v16, v2;
	v16 =	vunpack.i.u.bf16.f32 v9;
	v31 =	vld.idx.msk [tilespmem:v11+s2+$0x0], $0xffff  }
0x6a: {  	v6 =	vadd.f32 v6, v18;
	v50 =	vunpack.i.l.bf16.f32 v9;
	v30 =	vadd.f32 v16, v8;
	v8 =	vld.idx.msk [tilespmem:v41+s2+$0x0], $0xffff  }
0x6b: {  	v10 =	vadd.f32 v1, v10;
	v18 =	vadd.s32 $0x6, v37;
	v16 =	vadd.s32 $0x5, v37;
	v41 =	vld.idx.msk [tilespmem:v33+s2+$0x0], $0xffff  }
0x6c: {  	v51 =	vunpack.i.u.bf16.f32 v45;
	v33 =	vunpack.i.u.bf16.f32 v12;
	v36 =	vld.idx.msk [tilespmem:v36+s2+$0x0], $0xffff  }
0x6d: {  	v52 =	vadd.s32 $0x2, v37;
	v53 =	vadd.s32 $0x4, v37;
	v1 =	vunpack.i.l.bf16.f32 v12;
	v9 =	vld.idx.msk [tilespmem:v42+s2+$0x0], $0xffff  }
0x6e: {  	v42 =	vadd.f32 v5, v7;
	v5 =	vunpack.i.u.bf16.f32 v48;
	v7 =	vunpack.i.l.bf16.f32 v44;
	v54 =	vld.idx.msk [tilespmem:v20+s2+$0x0], $0xffff  }
0x6f: {  	v12 =	vunpack.i.u.bf16.f32 v15;
	v15 =	vunpack.i.l.bf16.f32 v15;
	v2 =	vadd.f32 v5, v2;
	v17 =	vld.idx.msk [tilespmem:v17+s2+$0x0], $0xffff  }
0x70: {  	v13 =	vadd.f32 v1, v13;
	v5 =	vunpack.i.l.bf16.f32 v48;
	v1 =	vunpack.i.l.bf16.f32 v8;
	v11 =	vld.idx.msk [tilespmem:v14+s2+$0x0], $0xffff  }
0x71: {  	v4 =	vadd.f32 v5, v4;
	v2 =	vadd.f32 v51, v2;
	v14 =	vunpack.i.u.bf16.f32 v44;
	v44 =	vld.idx.msk [tilespmem:v49+s2+$0x0], $0xffff  }
0x72: {  	v48 =	vadd.f32 v12, v19;
	v12 =	vunpack.i.l.bf16.f32 v45;
	v5 =	vunpack.i.u.bf16.f32 v31;
	v45 =	vld.idx.msk [tilespmem:v40+s2+$0x0], $0xffff  }
0x73: {  	v4 =	vadd.f32 v12, v4;
	v40 =	vadd.f32 v15, v28;
	v12 =	vunpack.i.u.bf16.f32 v9;
	v15 =	vld.idx.msk [tilespmem:v16+s2+$0x0], $0xffff  }
0x74: {  	v10 =	vadd.f32 v50, v10;
	v28 =	vadd.f32 v32, v6;
	v32 =	vadd.s32 $0x3, v37;
	v19 =	vld.idx.msk [tilespmem:v18+s2+$0x0], $0xffff  }
0x75: {  	v39 =	vadd.s32 $0x7, v39;
	v2 =	vadd.f32 v14, v2;
	v18 =	vunpack.i.u.bf16.f32 v17;
	v37 =	vld.idx.msk [tilespmem:v52+s2+$0x0], $0xffff  }
0x76: {  	v4 =	vadd.f32 v7, v4;
	v17 =	vunpack.i.l.bf16.f32 v17;
	v16 =	vunpack.i.l.bf16.f32 v11;
	v43 =	vld.idx.msk [tilespmem:v43+s2+$0x0], $0xffff  }
0x77: {  	v20 =	vunpack.i.u.bf16.f32 v29;
	v14 =	vunpack.i.l.bf16.f32 v41;
	v7 =	vunpack.i.u.bf16.f32 v44;
	v35 =	vld.idx.msk [tilespmem:v35+s2+$0x0], $0xffff  }
0x78: {  	v8 =	vunpack.i.u.bf16.f32 v8;
	v49 =	vunpack.i.l.bf16.f32 v36;
	v6 =	vunpack.i.l.bf16.f32 v44;
	v46 =	vld.idx.msk [tilespmem:v46+s2+$0x0], $0xffff  }
0x79: {  	v44 =	vadd.f32 v17, v28;
	v17 =	vunpack.i.u.bf16.f32 v45;
	v51 =	vunpack.i.u.bf16.f32 v15;
	v50 =	vld.idx.msk [tilespmem:v32+s2+$0x0], $0xffff  }
0x7a: {  	v52 =	vunpack.i.u.bf16.f32 v36;
	v15 =	vunpack.i.l.bf16.f32 v15;
	v28 =	vld.idx.msk [tilespmem:v53+s2+$0x0], $0xffff;
	v53 =	vunpack.i.l.bf16.f32 v34  }
0x7b: {  	v32 =	vunpack.i.u.bf16.f32 v34;
	v55 =	vunpack.i.u.bf16.f32 v37;
	v37 =	vunpack.i.l.bf16.f32 v37;
	v34 =	vld.idx.msk [tilespmem:v38+s2+$0x0], $0xffff  }
0x7c: {  	v56 =	vadd.f32 v33, v24;
	v42 =	vadd.f32 v18, v42;
	v36 =	vunpack.i.l.bf16.f32 v43  }
0x7d: {  	v18 =	vunpack.i.u.bf16.f32 v43;
	v43 =	vunpack.i.l.bf16.f32 v54;
	v24 =	vunpack.i.u.bf16.f32 v35;
	v47 =	vld.idx.msk [tilespmem:v47+s2+$0x0], $0xffff  }
0x7e: {  	v54 =	vunpack.i.u.bf16.f32 v54;
	v18 =	vadd.f32 v18, v22;
	v57 =	vadd.f32 v24, v26;
	v33 =	vld.idx.msk [tilespmem:v39+s2+$0x0], $0xffff  }
0x7f: {  	v22 =	vunpack.i.u.bf16.f32 v46;
	v24 =	vunpack.i.u.bf16.f32 v50;
	v50 =	vunpack.i.l.bf16.f32 v50  }
0x80: {  	v35 =	vunpack.i.l.bf16.f32 v35;
	v26 =	vunpack.i.u.bf16.f32 v41;
	v24 =	vadd.f32 v24, v18  }
0x81: {  	v46 =	vunpack.i.l.bf16.f32 v46;
	v18 =	vadd.f32 v36, v21;
	v39 =	vunpack.i.l.bf16.f32 v34;
	v38 =	vld.idx.msk [tilespmem:v27+s2+$0x0], $0xffff  }
0x82: {  	v23 =	vadd.f32 v35, v23;
	v36 =	vunpack.i.l.bf16.f32 v19;
	v21 =	vunpack.i.u.bf16.f32 v34  }
0x83: {  	v35 =	vadd.f32 v37, v40;
	v37 =	vadd.f32 v50, v18;
	v50 =	vunpack.i.u.bf16.f32 v47  }
0x84: {  	v23 =	vadd.f32 v43, v23;
	v18 =	vunpack.i.u.bf16.f32 v28;
	v27 =	vunpack.i.u.bf16.f32 v33  }
.Ltmp0:
0x85: {  	v40 =	vunpack.i.l.bf16.f32 v29;
	v34 =	vadd.f32 v54, v57;
	v56 =	vadd.f32 v18, v56;
	(pc) =	sbr.rel @p0 .LBB2_3-.Ltmp0, $4  }
0x86: {  	v29 =	vunpack.i.l.bf16.f32 v31;
	v43 =	vadd.f32 v53, v35;
	v18 =	vadd.f32 v49, v44  }
0x87: {  	v41 =	vadd.f32 v55, v48;
	v40 =	vadd.f32 v40, v25;
	v25 =	vunpack.i.l.bf16.f32 v38  }
0x88: {  	v35 =	vunpack.i.l.bf16.f32 v45;
	v31 =	vadd.f32 v46, v37;
	v37 =	vadd.f32 v50, v56  }
0x89: {  	s24 =	sadd.s32 $0x200, s24;
	v44 =	vadd.f32 v51, v30;
	v30 =	vadd.f32 v52, v42;
	v42 =	vunpack.i.l.bf16.f32 v47  }
0x8a: {  	v28 =	vunpack.i.l.bf16.f32 v28;
	v3 =	vadd.f32 v20, v3  }
0x8b: {  	v19 =	vunpack.i.u.bf16.f32 v19;
	v13 =	vadd.f32 v28, v13  }
0x8c: {  	v3 =	vadd.f32 v19, v3;
	v19 =	vld [tilespmem:s18+$0xFFFFFF00]  }
0x8d: {  	v28 =	vunpack.i.u.bf16.f32 v38;
	v13 =	vadd.f32 v42, v13  }
0x8e: {  	v9 =	vunpack.i.l.bf16.f32 v9;
	v20 =	vadd.f32 v28, v44;
	v28 =	vadd.f32 v36, v40  }
0x8f: {  	v13 =	vadd.f32 v9, v13;
	v9 =	vadd.f32 v22, v24  }
0x90: {  	v11 =	vunpack.i.u.bf16.f32 v11;
	v15 =	vadd.f32 v15, v10;
	v28 =	vadd.f32 v16, v28  }
0x91: {  	v16 =	vadd.f32 v17, v9;
	v9 =	vadd.f32 v14, v23;
	v14 =	vld [tilespmem:s18+$0x0];
	v19 =	vmul.u32 $0x11, v19  }
0x92: {  	v3 =	vadd.f32 v11, v3;
	v11 =	vadd.f32 v12, v37;
	v12 =	vunpack.i.l.bf16.f32 v33  }
0x93: {  	v9 =	vadd.f32 v12, v9;
	v12 =	vld [tilespmem:s18+$0xFFFFFF80];
	v19 =	vadd.s32 s21, v19  }
0x94: {  	v15 =	vadd.f32 v25, v15;
	v22 =	vld [tilespmem:s18+$0x80];
	v25 =	vadd.f32 v5, v3;
	v3 =	vadd.s32 $0x1, v19  }
0x95: {  	v5 =	vadd.f32 v7, v30;
	v7 =	vadd.f32 v8, v20;
	v24 =	vadd.s32 $0x4, v19  }
0x96: {  	v8 =	vadd.f32 v6, v18;
	v6 =	vadd.s32 $0x2, v19;
	v14 =	vmul.u32 $0x11, v14  }
0x97: {  	s22 =	simm.s32 $0x3498;
	v17 =	vadd.f32 v26, v34;
	v23 =	vadd.f32 v29, v28;
	v28 =	vadd.s32 $0x7, v19  }
0x98: {  	v26 =	vadd.f32 v1, v15;
	v1 =	vmul.u32 $0x11, v12;
	v12 =	vadd.s32 s22, v14;
	v18 =	vld.idx.msk [tilespmem:v19+s2+$0x0], $0xffff  }
0x99: {  	v14 =	vmul.u32 $0x11, v22;
	v22 =	vadd.s32 $0x7, v12;
	v3 =	vld.idx.msk [tilespmem:v3+s2+$0x0], $0xffff  }
0x9a: {  	v32 =	vadd.f32 v32, v41;
	s31 =	simm.s32 $0x33CC;
	v29 =	vadd.s32 $0x4, v12;
	v30 =	vld.idx.msk [tilespmem:v24+s2+$0x0], $0xffff  }
0x9b: {  	v39 =	vadd.f32 v39, v43;
	v10 =	vadd.f32 v35, v31;
	s23 =	simm.s32 $0x3564;
	v6 =	vld.idx.msk [tilespmem:v6+s2+$0x0], $0xffff;
	v1 =	vadd.s32 s31, v1  }
0x9c: {  	v21 =	vadd.f32 v21, v32;
	v17 =	vadd.f32 v27, v17;
	v28 =	vld.idx.msk [tilespmem:v28+s2+$0x0], $0xffff;
	v14 =	vadd.s32 s23, v14  }
0x9d: {  	v15 =	vadd.s32 $0x5, v19;
	v27 =	vadd.s32 $0x6, v19;
	v20 =	vadd.s32 $0x2, v14;
	v56 =	vld.idx.msk [tilespmem:v12+s2+$0x0], $0xffff  }
0x9e: {  	v54 =	vadd.s32 $0x7, v14;
	v55 =	vadd.s32 $0x1, v14;
	v57 =	vadd.s32 $0x3, v14;
	v22 =	vld.idx.msk [tilespmem:v22+s2+$0x0], $0xffff  }
0x9f: {  	v58 =	vadd.s32 $0x3, v1;
	v40 =	vadd.s32 $0x4, v14;
	v61 =	vadd.s32 $0x6, v14;
	v29 =	vld.idx.msk [tilespmem:v29+s2+$0x0], $0xffff  }
0xa0: {  	v45 =	vadd.s32 $0x5, v14;
	v59 =	vunpack.i.u.bf16.f32 v18;
	v18 =	vunpack.i.l.bf16.f32 v18;
	v60 =	vld.idx.msk [tilespmem:v1+s2+$0x0], $0xffff  }
0xa1: {  	v48 =	vadd.s32 $0x2, v1;
	v4 =	vadd.f32 v18, v4;
	v18 =	vunpack.i.u.bf16.f32 v3;
	v14 =	vld.idx.msk [tilespmem:v14+s2+$0x0], $0xffff  }
0xa2: {  	v34 =	vadd.s32 $0x1, v1;
	v24 =	vadd.s32 $0x7, v1;
	v51 =	vadd.f32 v18, v5;
	v5 =	vld.idx.msk [tilespmem:v27+s2+$0x0], $0xffff  }
0xa3: {  	v63 =	vadd.s32 $0x4, v1;
	v50 =	vadd.s32 $0x5, v1;
	v46 =	vunpack.i.u.bf16.f32 v6;
	v33 =	vld.idx.msk [tilespmem:v55+s2+$0x0], $0xffff  }
0xa4: {  	v47 =	vunpack.i.l.bf16.f32 v6;
	v6 =	vadd.s32 $0x6, v1;
	v1 =	vadd.s32 $0x6, v12;
	v36 =	vld.idx.msk [tilespmem:v57+s2+$0x0], $0xffff  }
0xa5: {  	v19 =	vadd.s32 $0x3, v19;
	v31 =	vadd.s32 $0x3, v12;
	v37 =	vadd.s32 $0x2, v12;
	v38 =	vld.idx.msk [tilespmem:v58+s2+$0x0], $0xffff  }
0xa6: {  	v49 =	vadd.s32 $0x5, v12;
	v62 =	vunpack.i.l.bf16.f32 v3;
	v2 =	vadd.f32 v59, v2;
	v57 =	vld.idx.msk [tilespmem:v48+s2+$0x0], $0xffff  }
0xa7: {  	v53 =	vunpack.i.u.bf16.f32 v28;
	v21 =	vadd.f32 v46, v21;
	v12 =	vadd.s32 $0x1, v12;
	v58 =	vld.idx.msk [tilespmem:v15+s2+$0x0], $0xffff  }
0xa8: {  	v32 =	vld.idx.msk [tilespmem:v50+s2+$0x0], $0xffff;
	v3 =	vunpack.i.u.bf16.f32 v22;
	v18 =	vunpack.i.u.bf16.f32 v60;
	v27 =	vunpack.i.l.bf16.f32 v60  }
0xa9: {  	v55 =	vld.idx.msk [tilespmem:v1+s2+$0x0], $0xffff;
	v1 =	vunpack.i.l.bf16.f32 v14;
	v60 =	vunpack.i.u.bf16.f32 v29;
	v4 =	vadd.f32 v27, v4  }
0xaa: {  	v27 =	vld.idx.msk [tilespmem:v54+s2+$0x0], $0xffff;
	v54 =	vunpack.i.l.bf16.f32 v56;
	v2 =	vadd.f32 v18, v2;
	v18 =	vunpack.i.l.bf16.f32 v28  }
0xab: {  	v28 =	vld.idx.msk [tilespmem:v6+s2+$0x0], $0xffff;
	v6 =	vunpack.i.u.bf16.f32 v56;
	v56 =	vunpack.i.u.bf16.f32 v14;
	v14 =	vunpack.i.l.bf16.f32 v5  }
0xac: {  	v42 =	vld.idx.msk [tilespmem:v61+s2+$0x0], $0xffff;
	v29 =	vunpack.i.l.bf16.f32 v29;
	v61 =	vunpack.i.l.bf16.f32 v38;
	v23 =	vadd.f32 v14, v23  }
0xad: {  	v41 =	vld.idx.msk [tilespmem:v63+s2+$0x0], $0xffff;
	v50 =	vunpack.i.u.bf16.f32 v32;
	v4 =	vadd.f32 v54, v4;
	v2 =	vadd.f32 v6, v2  }
0xae: {  	v6 =	vunpack.i.l.bf16.f32 v22;
	v22 =	vadd.f32 v47, v39;
	v39 =	vunpack.i.u.bf16.f32 v58  }
0xaf: {  	v9 =	vadd.f32 v18, v9;
	v14 =	vld.idx.msk [tilespmem:v12+s2+$0x0], $0xffff;
	v12 =	vunpack.i.l.bf16.f32 v57;
	v7 =	vadd.f32 v39, v7  }
0xb0: {  	v19 =	vld.idx.msk [tilespmem:v19+s2+$0x0], $0xffff;
	v1 =	vadd.f32 v1, v4;
	v4 =	vunpack.i.u.bf16.f32 v30;
	v30 =	vunpack.i.l.bf16.f32 v30  }
0xb1: {  	v2 =	vadd.f32 v56, v2;
	v15 =	vunpack.i.l.bf16.f32 v55;
	v44 =	vadd.f32 v12, v22  }
0xb2: {  	v12 =	vunpack.i.u.bf16.f32 v55;
	v56 =	vunpack.i.u.bf16.f32 v41;
	v4 =	vadd.f32 v4, v11  }
0xb3: {  	v11 =	vunpack.i.u.bf16.f32 v5;
	v5 =	vunpack.i.u.bf16.f32 v27;
	v59 =	vunpack.i.l.bf16.f32 v28  }
0xb4: {  	v18 =	vunpack.i.u.bf16.f32 v28;
	v28 =	vadd.f32 v62, v8;
	v30 =	vadd.f32 v30, v13  }
0xb5: {  	v34 =	vld.idx.msk [tilespmem:v34+s2+$0x0], $0xffff;
	v8 =	vunpack.i.l.bf16.f32 v27;
	v62 =	vunpack.i.u.bf16.f32 v19;
	v27 =	vunpack.i.u.bf16.f32 v36  }
0xb6: {  	v19 =	vunpack.i.l.bf16.f32 v19;
	v7 =	vadd.f32 v50, v7;
	v25 =	vadd.f32 v11, v25  }
0xb7: {  	v31 =	vld.idx.msk [tilespmem:v31+s2+$0x0], $0xffff;
	v11 =	vadd.f32 v53, v17;
	v22 =	vadd.f32 v59, v23;
	v63 =	vunpack.i.l.bf16.f32 v14  }
0xb8: {  	v13 =	vld.idx.msk [tilespmem:v49+s2+$0x0], $0xffff;
	v23 =	vunpack.i.l.bf16.f32 v42;
	v10 =	vadd.f32 v19, v10;
	v19 =	vadd.f32 v62, v16  }
0xb9: {  	v55 =	vld.idx.msk [tilespmem:v45+s2+$0x0], $0xffff;
	v4 =	vadd.f32 v56, v4;
	v17 =	vadd.f32 v18, v25;
	v18 =	vunpack.i.u.bf16.f32 v57  }
0xba: {  	v25 =	vunpack.i.l.bf16.f32 v34;
	v34 =	vunpack.i.u.bf16.f32 v34;
	v46 =	vadd.f32 v18, v21  }
0xbb: {  	v18 =	vunpack.i.l.bf16.f32 v33;
	v21 =	vunpack.i.l.bf16.f32 v36;
	v25 =	vadd.f32 v25, v28  }
0xbc: {  	v28 =	vunpack.i.u.bf16.f32 v38;
	v35 =	vadd.f32 v12, v17;
	v17 =	vunpack.i.l.bf16.f32 v31  }
0xbd: {  	v12 =	vunpack.i.l.bf16.f32 v58;
	v53 =	vunpack.i.u.bf16.f32 v13;
	v31 =	vunpack.i.u.bf16.f32 v31  }
0xbe: {  	v57 =	vld.idx.msk [tilespmem:v37+s2+$0x0], $0xffff;
	v59 =	vadd.f32 v28, v19;
	v19 =	vunpack.i.l.bf16.f32 v55;
	v28 =	vadd.f32 v61, v10  }
0xbf: {  	v52 =	vadd.f32 v12, v26;
	v12 =	vunpack.i.u.bf16.f32 v33;
	v26 =	vadd.f32 v34, v51  }
0xc0: {  	v58 =	vld.idx.msk [tilespmem:v40+s2+$0x0], $0xffff;
	v16 =	vadd.f32 v63, v25;
	v25 =	vadd.f32 v60, v4;
	v4 =	vunpack.i.u.bf16.f32 v55  }
0xc1: {  	v60 =	vunpack.i.l.bf16.f32 v41;
	v62 =	vadd.f32 v53, v7;
	v10 =	vadd.f32 v31, v59;
	v31 =	vld.idx.msk [tilespmem:v20+s2+$0x0], $0xffff  }
0xc2: {  	v7 =	vunpack.i.l.bf16.f32 v32;
	v63 =	vunpack.i.u.bf16.f32 v42;
	v33 =	vadd.f32 v60, v30  }
0xc3: {  	v61 =	vunpack.i.u.bf16.f32 v57;
	v20 =	vadd.f32 v7, v52;
	v7 =	vadd.f32 v63, v35  }
0xc4: {  	v24 =	vld.idx.msk [tilespmem:v24+s2+$0x0], $0xffff;
	v34 =	vunpack.i.l.bf16.f32 v57;
	v4 =	vadd.f32 v4, v62;
	v32 =	vadd.f32 v61, v46  }
0xc5: {  	s22 =	simm.s32 $0x0;
	s23 =	sadd.s32 $0x200, s18;
	v35 =	vadd.f32 v34, v44;
	v30 =	vunpack.i.u.bf16.f32 v58;
	v34 =	vunpack.i.l.bf16.f32 v58  }
.LBB2_5:
0xc6: {  	v36 =	vld [tilespmem:s23+$0xFFFFFF00];
	s22 =	sadd.s32 $0x4, s22;
	v29 =	vadd.f32 v29, v33;
	v15 =	vadd.f32 v15, v22;
	v22 =	vunpack.i.l.bf16.f32 v31;
	s21 =	sadd.s32 $0x330, s21  }
0xc7: {  	v37 =	vunpack.i.u.bf16.f32 v14;
	v10 =	vadd.f32 v27, v10;
	v33 =	vld [tilespmem:s23+$0x0];
	p0 =	slt.u32 s22, $0x3C;
	v14 =	vadd.f32 v22, v35  }
0xc8: {  	v31 =	vunpack.i.u.bf16.f32 v31;
	v27 =	vld [tilespmem:s23+$0x80];
	v22 =	vadd.f32 v34, v29;
	v15 =	vadd.f32 v23, v15  }
0xc9: {  	v31 =	vadd.f32 v31, v32;
	v34 =	vunpack.i.u.bf16.f32 v24;
	v23 =	vadd.f32 v30, v25;
	v29 =	vld [tilespmem:s23+$0xFFFFFF80]  }
0xca: {  	v17 =	vadd.f32 v17, v28;
	v24 =	vunpack.i.l.bf16.f32 v24;
	v25 =	vadd.f32 v37, v26  }
0xcb: {  	v9 =	vadd.f32 v24, v9;
	v24 =	vadd.f32 v34, v11;
	v26 =	vmul.u32 $0x11, v36  }
0xcc: {  	v13 =	vunpack.i.l.bf16.f32 v13;
	v11 =	vadd.f32 v18, v16;
	v28 =	vmul.u32 $0x11, v33  }
0xcd: {  	v6 =	vadd.f32 v6, v9;
	v18 =	vadd.s32 s21, v26;
	v26 =	vmul.u32 $0x11, v27  }
0xce: {  	s24 =	sadd.s32 $0xCC, s21;
	s25 =	sadd.s32 $0x198, s21;
	v3 =	vadd.f32 v3, v24;
	v9 =	vadd.s32 $0x1, v18;
	v27 =	vadd.s32 $0x2, v18  }
0xcf: {  	v16 =	vadd.f32 v21, v17;
	v24 =	vadd.s32 $0x4, v18;
	v30 =	vadd.s32 $0x5, v18  }
0xd0: {  	v13 =	vadd.f32 v13, v20;
	v17 =	vadd.s32 $0x6, v18;
	v32 =	vadd.s32 $0x7, v18  }
0xd1: {  	v8 =	vadd.f32 v8, v6;
	v20 =	vmul.u32 $0x11, v29;
	v28 =	vadd.s32 s25, v28  }
0xd2: {  	v21 =	vadd.f32 v19, v13;
	s25 =	sadd.s32 $0x264, s21;
	v29 =	vadd.s32 $0x4, v28;
	v33 =	vadd.s32 $0x7, v28;
	v6 =	vld.idx.msk [tilespmem:v18+s2+$0x0], $0xffff  }
0xd3: {  	v12 =	vadd.f32 v12, v25;
	v26 =	vadd.s32 s25, v26;
	v13 =	vadd.s32 s24, v20;
	v9 =	vld.idx.msk [tilespmem:v9+s2+$0x0], $0xffff  }
0xd4: {  	v35 =	vadd.s32 $0x3, v28;
	v19 =	vadd.s32 $0x2, v26;
	v36 =	vadd.s32 $0x7, v26;
	v34 =	vld.idx.msk [tilespmem:v24+s2+$0x0], $0xffff  }
0xd5: {  	v38 =	vadd.f32 v5, v3;
	v37 =	vadd.s32 $0x1, v26;
	v18 =	vadd.s32 $0x3, v18;
	v27 =	vld.idx.msk [tilespmem:v27+s2+$0x0], $0xffff  }
0xd6: {  	v3 =	vadd.s32 $0x3, v26;
	v5 =	vadd.s32 $0x1, v13;
	v24 =	vadd.s32 $0x2, v28;
	v39 =	vld.idx.msk [tilespmem:v28+s2+$0x0], $0xffff  }
0xd7: {  	v25 =	vadd.s32 $0x4, v26;
	v40 =	vadd.s32 $0x3, v13;
	v20 =	vadd.s32 $0x7, v13;
	v33 =	vld.idx.msk [tilespmem:v33+s2+$0x0], $0xffff  }
0xd8: {  	v43 =	vadd.s32 $0x6, v26;
	v41 =	vunpack.i.u.bf16.f32 v6;
	v6 =	vunpack.i.l.bf16.f32 v6;
	v42 =	vld.idx.msk [tilespmem:v13+s2+$0x0], $0xffff  }
0xd9: {  	v1 =	vadd.f32 v6, v1;
	v6 =	vunpack.i.u.bf16.f32 v9;
	v44 =	vunpack.i.l.bf16.f32 v9;
	v9 =	vld.idx.msk [tilespmem:v32+s2+$0x0], $0xffff  }
0xda: {  	v2 =	vadd.f32 v41, v2;
	v41 =	vadd.s32 $0x5, v26;
	v32 =	vadd.s32 $0x4, v13;
	v37 =	vld.idx.msk [tilespmem:v37+s2+$0x0], $0xffff  }
0xdb: {  	v46 =	vadd.s32 $0x6, v13;
	v45 =	vunpack.i.u.bf16.f32 v27;
	v27 =	vunpack.i.l.bf16.f32 v27;
	v47 =	vld.idx.msk [tilespmem:v3+s2+$0x0], $0xffff  }
0xdc: {  	v49 =	vadd.s32 $0x5, v28;
	v48 =	vadd.s32 $0x2, v13;
	v26 =	vld.idx.msk [tilespmem:v26+s2+$0x0], $0xffff  }
0xdd: {  	v50 =	vadd.s32 $0x6, v28;
	v13 =	vadd.s32 $0x5, v13;
	v3 =	vunpack.i.u.bf16.f32 v33;
	v40 =	vld.idx.msk [tilespmem:v40+s2+$0x0], $0xffff  }
0xde: {  	v51 =	vadd.f32 v6, v12;
	v6 =	vunpack.i.u.bf16.f32 v42;
	v12 =	vld.idx.msk [tilespmem:v17+s2+$0x0], $0xffff;
	v17 =	vunpack.i.l.bf16.f32 v42  }
0xdf: {  	v31 =	vadd.f32 v45, v31;
	v1 =	vadd.f32 v17, v1;
	v17 =	vadd.s32 $0x1, v28;
	v28 =	vld.idx.msk [tilespmem:v36+s2+$0x0], $0xffff  }
0xe0: {  	v42 =	vunpack.i.l.bf16.f32 v39;
	v36 =	vunpack.i.u.bf16.f32 v9;
	v9 =	vunpack.i.l.bf16.f32 v9;
	v35 =	vld.idx.msk [tilespmem:v35+s2+$0x0], $0xffff  }
0xe1: {  	v2 =	vadd.f32 v6, v2;
	v45 =	vld.idx.msk [tilespmem:v46+s2+$0x0], $0xffff;
	v1 =	vadd.f32 v42, v1  }
0xe2: {  	v6 =	vunpack.i.u.bf16.f32 v39;
	v42 =	vunpack.i.u.bf16.f32 v26;
	v26 =	vunpack.i.l.bf16.f32 v26;
	v39 =	vld.idx.msk [tilespmem:v50+s2+$0x0], $0xffff  }
0xe3: {  	v2 =	vadd.f32 v6, v2;
	v46 =	vld.idx.msk [tilespmem:v48+s2+$0x0], $0xffff;
	v1 =	vadd.f32 v26, v1  }
0xe4: {  	v6 =	vunpack.i.u.bf16.f32 v34;
	v26 =	vunpack.i.l.bf16.f32 v34;
	v34 =	vunpack.i.l.bf16.f32 v12;
	v48 =	vld.idx.msk [tilespmem:v5+s2+$0x0], $0xffff  }
0xe5: {  	v50 =	vadd.f32 v6, v23;
	v6 =	vunpack.i.l.bf16.f32 v33;
	v2 =	vadd.f32 v42, v2;
	v42 =	vld.idx.msk [tilespmem:v43+s2+$0x0], $0xffff  }
0xe6: {  	v23 =	vadd.f32 v27, v14;
	v12 =	vunpack.i.u.bf16.f32 v12;
	v5 =	vunpack.i.u.bf16.f32 v28;
	v27 =	vld.idx.msk [tilespmem:v30+s2+$0x0], $0xffff  }
0xe7: {  	v7 =	vadd.f32 v12, v7;
	v30 =	vadd.f32 v34, v15;
	v12 =	vunpack.i.l.bf16.f32 v45;
	v29 =	vld.idx.msk [tilespmem:v29+s2+$0x0], $0xffff  }
0xe8: {  	v9 =	vadd.f32 v9, v8;
	v8 =	vunpack.i.u.bf16.f32 v45;
	v15 =	vunpack.i.l.bf16.f32 v39;
	v14 =	vld.idx.msk [tilespmem:v17+s2+$0x0], $0xffff  }
0xe9: {  	v33 =	vadd.f32 v44, v11;
	v43 =	vadd.f32 v26, v22;
	v17 =	vunpack.i.l.bf16.f32 v46;
	v34 =	vld.idx.msk [tilespmem:v18+s2+$0x0], $0xffff  }
0xea: {  	v11 =	vadd.f32 v36, v38;
	v7 =	vadd.f32 v8, v7;
	v8 =	vunpack.i.l.bf16.f32 v28;
	v36 =	vld.idx.msk [tilespmem:v13+s2+$0x0], $0xffff  }
0xeb: {  	v22 =	vadd.f32 v12, v30;
	v12 =	vunpack.i.u.bf16.f32 v39;
	v38 =	vadd.f32 v17, v23;
	v13 =	vld.idx.msk [tilespmem:v49+s2+$0x0], $0xffff  }
0xec: {  	v18 =	vunpack.i.u.bf16.f32 v46;
	v7 =	vadd.f32 v12, v7;
	v28 =	vld.idx.msk [tilespmem:v32+s2+$0x0], $0xffff  }
0xed: {  	v30 =	vunpack.i.l.bf16.f32 v48;
	v17 =	vunpack.i.l.bf16.f32 v35;
	v32 =	vunpack.i.u.bf16.f32 v29  }
0xee: {  	v44 =	vunpack.i.l.bf16.f32 v40;
	v26 =	vunpack.i.u.bf16.f32 v48;
	v39 =	vadd.f32 v18, v31  }
0xef: {  	v12 =	vunpack.i.l.bf16.f32 v27;
	v45 =	vunpack.i.l.bf16.f32 v14;
	v31 =	vunpack.i.u.bf16.f32 v34  }
0xf0: {  	v18 =	vunpack.i.l.bf16.f32 v37;
	v23 =	vunpack.i.l.bf16.f32 v42;
	v46 =	vunpack.i.u.bf16.f32 v36  }
0xf1: {  	v48 =	vadd.f32 v12, v21;
	v12 =	vunpack.i.u.bf16.f32 v37;
	v49 =	vunpack.i.u.bf16.f32 v13;
	v37 =	vld.idx.msk [tilespmem:v41+s2+$0x0], $0xffff  }
0xf2: {  	v41 =	vunpack.i.u.bf16.f32 v27;
	v52 =	vunpack.i.u.bf16.f32 v28;
	v27 =	vunpack.i.u.bf16.f32 v47  }
0xf3: {  	v26 =	vadd.f32 v26, v51;
	v21 =	vunpack.i.l.bf16.f32 v47;
	v34 =	vunpack.i.l.bf16.f32 v34;
	v51 =	vld.idx.msk [tilespmem:v24+s2+$0x0], $0xffff  }
0xf4: {  	v29 =	vunpack.i.l.bf16.f32 v29;
	v24 =	vadd.f32 v30, v33;
	v30 =	vadd.f32 v52, v50;
	v47 =	vld.idx.msk [tilespmem:v25+s2+$0x0], $0xffff  }
0xf5: {  	v10 =	vadd.f32 v31, v10;
	v33 =	vadd.f32 v34, v16;
	v25 =	vunpack.i.u.bf16.f32 v40  }
0xf6: {  	v4 =	vadd.f32 v41, v4;
	v16 =	vadd.f32 v45, v24;
	v24 =	vunpack.i.u.bf16.f32 v35  }
0xf7: {  	v10 =	vadd.f32 v25, v10;
	v25 =	vadd.f32 v32, v30;
	v40 =	vunpack.i.u.bf16.f32 v37  }
0xf8: {  	v4 =	vadd.f32 v46, v4;
	v30 =	vunpack.i.l.bf16.f32 v28;
	v31 =	vld.idx.msk [tilespmem:v19+s2+$0x0], $0xffff;
	v19 =	vunpack.i.l.bf16.f32 v37  }
.Ltmp1:
0xf9: {  	v28 =	vadd.f32 v44, v33;
	v10 =	vadd.f32 v24, v10;
	v32 =	vunpack.i.u.bf16.f32 v51;
	(pc) =	sbr.rel @p0 .LBB2_5-.Ltmp1, $4  }
0xfa: {  	v33 =	vadd.f32 v30, v43;
	v4 =	vadd.f32 v49, v4;
	v30 =	vunpack.i.u.bf16.f32 v47  }
0xfb: {  	v34 =	vunpack.i.l.bf16.f32 v36;
	v35 =	vunpack.i.u.bf16.f32 v42;
	v32 =	vadd.f32 v32, v39;
	v24 =	vld.idx.msk [tilespmem:v20+s2+$0x0], $0xffff  }
0xfc: {  	v7 =	vadd.f32 v35, v7;
	v20 =	vadd.f32 v34, v48;
	v34 =	vunpack.i.l.bf16.f32 v51  }
0xfd: {  	s23 =	sadd.s32 $0x200, s23;
	v4 =	vadd.f32 v40, v4;
	v35 =	vadd.f32 v34, v38;
	v34 =	vunpack.i.l.bf16.f32 v47  }
0xfe: {  	v36 =	vld [tilespmem:s20+$0xA800];
	_ =	sdelay $0x4  }
0xff: {  	v36 =	vmul.u32 $0x11, v36  }
0x100: {  	v29 =	vadd.f32 v29, v33  }
0x101: {  	v15 =	vadd.f32 v15, v22;
	v22 =	vunpack.i.l.bf16.f32 v31;
	v58 =	vadd.s32 $0x6600, v36  }
0x102: {  	v14 =	vunpack.i.u.bf16.f32 v14;
	v10 =	vadd.f32 v27, v10;
	v27 =	vunpack.i.u.bf16.f32 v31  }
0x103: {  	v25 =	vadd.f32 v30, v25;
	v17 =	vadd.f32 v17, v28;
	v13 =	vunpack.i.l.bf16.f32 v13  }
0x104: {  	v16 =	vadd.f32 v18, v16;
	v15 =	vadd.f32 v23, v15;
	v23 =	vadd.s32 $0x6601, v36  }
0x105: {  	s21 =	simm.s32 $0x0;
	v22 =	vadd.f32 v22, v35;
	v31 =	vunpack.i.u.bf16.f32 v24;
	v24 =	vunpack.i.l.bf16.f32 v24  }
0x106: {  	v14 =	vadd.f32 v14, v26;
	v9 =	vadd.f32 v24, v9;
	v26 =	vadd.s32 $0x6602, v36;
	v24 =	vld.idx.msk [tilespmem:v58+s21+$0x0], $0xffff  }
0x107: {  	v27 =	vadd.f32 v27, v32;
	v11 =	vadd.f32 v31, v11;
	v18 =	vadd.s32 $0x6603, v36  }
0x108: {  	v6 =	vadd.f32 v6, v9;
	v9 =	vadd.f32 v13, v20;
	v20 =	vld [tilespmem:s20+$0xA880]  }
0x109: {  	v3 =	vadd.f32 v3, v11;
	v11 =	vadd.f32 v21, v17;
	v17 =	vadd.s32 $0x6604, v36;
	v13 =	vld.idx.msk [tilespmem:v23+s21+$0x0], $0xffff  }
0x10a: {  	v6 =	vadd.f32 v8, v6;
	v8 =	vadd.f32 v19, v9;
	v19 =	vadd.s32 $0x6605, v36  }
0x10b: {  	v29 =	vadd.f32 v34, v29;
	v9 =	vadd.f32 v12, v14;
	v14 =	vld.idx.msk [tilespmem:v26+s21+$0x0], $0xffff;
	v12 =	vunpack.i.l.bf16.f32 v24  }
0x10c: {  	v3 =	vadd.f32 v5, v3;
	v21 =	vadd.s32 $0x6607, v36;
	v1 =	vadd.f32 v12, v1;
	v12 =	vld.idx.msk [tilespmem:v18+s21+$0x0], $0xffff  }
0x10d: {  	v20 =	vmul.u32 $0x11, v20;
	v5 =	vunpack.i.u.bf16.f32 v24;
	v18 =	vadd.s32 $0x6606, v36  }
0x10e: {  	v17 =	vld.idx.msk [tilespmem:v17+s21+$0x0], $0xffff;
	v2 =	vadd.f32 v5, v2;
	v5 =	vunpack.i.u.bf16.f32 v13;
	v13 =	vunpack.i.l.bf16.f32 v13  }
0x10f: {  	v13 =	vadd.f32 v13, v16;
	v5 =	vadd.f32 v5, v9;
	v16 =	vld.idx.msk [tilespmem:v19+s21+$0x0], $0xffff  }
0x110: {  	v9 =	vunpack.i.u.bf16.f32 v14;
	v14 =	vunpack.i.l.bf16.f32 v14;
	v19 =	vadd.s32 $0x6644, v20  }
0x111: {  	v23 =	vadd.s32 $0x6645, v20;
	v14 =	vadd.f32 v14, v22;
	v22 =	vunpack.i.l.bf16.f32 v12  }
0x112: {  	v9 =	vadd.f32 v9, v27;
	v12 =	vunpack.i.u.bf16.f32 v12;
	v18 =	vld.idx.msk [tilespmem:v18+s21+$0x0], $0xffff;
	v11 =	vadd.f32 v22, v11  }
0x113: {  	v21 =	vld.idx.msk [tilespmem:v21+s21+$0x0], $0xffff;
	v10 =	vadd.f32 v12, v10;
	v12 =	vunpack.i.u.bf16.f32 v17;
	v17 =	vunpack.i.l.bf16.f32 v17  }
0x114: {  	v22 =	vadd.s32 $0x6646, v20;
	v24 =	vunpack.i.u.bf16.f32 v16;
	v16 =	vunpack.i.l.bf16.f32 v16  }
0x115: {  	v19 =	vld.idx.msk [tilespmem:v19+s21+$0x0], $0xffff;
	v17 =	vadd.f32 v17, v29;
	v12 =	vadd.f32 v12, v25;
	v25 =	vadd.s32 $0x6647, v20  }
0x116: {  	v26 =	vld [tilespmem:s20+$0xA900];
	v8 =	vadd.f32 v16, v8;
	v4 =	vadd.f32 v24, v4  }
0x117: {  	v16 =	vld.idx.msk [tilespmem:v23+s21+$0x0], $0xffff;
	v24 =	vadd.s32 $0x6648, v20;
	v23 =	vunpack.i.u.bf16.f32 v18;
	v18 =	vunpack.i.l.bf16.f32 v18  }
0x118: {  	v15 =	vadd.f32 v18, v15;
	v7 =	vadd.f32 v23, v7;
	v18 =	vunpack.i.l.bf16.f32 v21  }
0x119: {  	v21 =	vunpack.i.u.bf16.f32 v21;
	v6 =	vadd.f32 v18, v6;
	v18 =	vld.idx.msk [tilespmem:v22+s21+$0x0], $0xffff;
	v22 =	vadd.s32 $0x6649, v20  }
0x11a: {  	v3 =	vadd.f32 v21, v3;
	v21 =	vunpack.i.u.bf16.f32 v19;
	v19 =	vunpack.i.l.bf16.f32 v19;
	v23 =	vld.idx.msk [tilespmem:v25+s21+$0x0], $0xffff  }
0x11b: {  	v25 =	vmul.u32 $0x11, v26;
	v1 =	vadd.f32 v19, v1;
	v19 =	vadd.s32 $0x664A, v20  }
0x11c: {  	v24 =	vld.idx.msk [tilespmem:v24+s21+$0x0], $0xffff;
	v2 =	vadd.f32 v21, v2;
	v21 =	vunpack.i.u.bf16.f32 v16;
	v16 =	vunpack.i.l.bf16.f32 v16  }
0x11d: {  	v13 =	vadd.f32 v16, v13;
	v5 =	vadd.f32 v21, v5;
	v16 =	vadd.s32 $0x664B, v20  }
0x11e: {  	v20 =	vunpack.i.u.bf16.f32 v18;
	v18 =	vunpack.i.l.bf16.f32 v18;
	v21 =	vld.idx.msk [tilespmem:v22+s21+$0x0], $0xffff;
	v22 =	vadd.s32 $0x6688, v25  }
0x11f: {  	v14 =	vadd.f32 v18, v14;
	v9 =	vadd.f32 v20, v9;
	v18 =	vunpack.i.l.bf16.f32 v23  }
0x120: {  	v20 =	vunpack.i.u.bf16.f32 v23;
	v11 =	vadd.f32 v18, v11;
	v18 =	vld.idx.msk [tilespmem:v19+s21+$0x0], $0xffff;
	v19 =	vadd.s32 $0x6689, v25  }
0x121: {  	v23 =	vunpack.i.l.bf16.f32 v24;
	v10 =	vadd.f32 v20, v10;
	v20 =	vunpack.i.u.bf16.f32 v24  }
0x122: {  	v17 =	vadd.f32 v23, v17;
	v16 =	vld.idx.msk [tilespmem:v16+s21+$0x0], $0xffff;
	v12 =	vadd.f32 v20, v12;
	v20 =	vadd.s32 $0x668A, v25  }
0x123: {  	v24 =	vadd.s32 $0x668B, v25;
	v23 =	vunpack.i.u.bf16.f32 v21;
	v21 =	vunpack.i.l.bf16.f32 v21;
	v22 =	vld.idx.msk [tilespmem:v22+s21+$0x0], $0xffff  }
0x124: {  	v8 =	vadd.f32 v21, v8;
	v4 =	vadd.f32 v23, v4  }
0x125: {  	v23 =	vadd.s32 $0x668C, v25;
	v21 =	vunpack.i.u.bf16.f32 v18;
	v18 =	vunpack.i.l.bf16.f32 v18;
	v19 =	vld.idx.msk [tilespmem:v19+s21+$0x0], $0xffff  }
0x126: {  	v26 =	vadd.s32 $0x668D, v25;
	v15 =	vadd.f32 v18, v15;
	v18 =	vld [tilespmem:s20+$0xA980]  }
0x127: {  	v7 =	vadd.f32 v21, v7;
	v21 =	vunpack.i.u.bf16.f32 v16;
	v16 =	vunpack.i.l.bf16.f32 v16;
	v20 =	vld.idx.msk [tilespmem:v20+s21+$0x0], $0xffff  }
0x128: {  	v6 =	vadd.f32 v16, v6;
	v3 =	vadd.f32 v21, v3;
	v21 =	vld.idx.msk [tilespmem:v24+s21+$0x0], $0xffff;
	v16 =	vunpack.i.l.bf16.f32 v22  }
0x129: {  	v22 =	vunpack.i.u.bf16.f32 v22;
	v1 =	vadd.f32 v16, v1;
	v16 =	vadd.s32 $0x668E, v25  }
0x12a: {  	v2 =	vadd.f32 v22, v2;
	v23 =	vld.idx.msk [tilespmem:v23+s21+$0x0], $0xffff;
	v22 =	vunpack.i.u.bf16.f32 v19;
	v19 =	vunpack.i.l.bf16.f32 v19  }
0x12b: {  	v13 =	vadd.f32 v19, v13;
	v19 =	vadd.s32 $0x668F, v25;
	v18 =	vmul.u32 $0x11, v18  }
0x12c: {  	v24 =	vld.idx.msk [tilespmem:v26+s21+$0x0], $0xffff;
	v5 =	vadd.f32 v22, v5;
	v22 =	vunpack.i.u.bf16.f32 v20;
	v20 =	vunpack.i.l.bf16.f32 v20  }
0x12d: {  	v14 =	vadd.f32 v20, v14;
	v20 =	vunpack.i.l.bf16.f32 v21;
	v25 =	vadd.s32 $0x6710, v18  }
0x12e: {  	v9 =	vadd.f32 v22, v9;
	v21 =	vunpack.i.u.bf16.f32 v21;
	v11 =	vadd.f32 v20, v11;
	v16 =	vld.idx.msk [tilespmem:v16+s21+$0x0], $0xffff  }
0x12f: {  	v10 =	vadd.f32 v21, v10;
	v21 =	vadd.s32 $0x6711, v18;
	v20 =	vunpack.i.l.bf16.f32 v23  }
0x130: {  	v22 =	vunpack.i.u.bf16.f32 v23;
	v17 =	vadd.f32 v20, v17;
	v20 =	vadd.s32 $0x6712, v18;
	v19 =	vld.idx.msk [tilespmem:v19+s21+$0x0], $0xffff  }
0x131: {  	v23 =	vunpack.i.l.bf16.f32 v24;
	v12 =	vadd.f32 v22, v12;
	v22 =	vunpack.i.u.bf16.f32 v24  }
0x132: {  	v8 =	vadd.f32 v23, v8;
	v4 =	vadd.f32 v22, v4;
	v22 =	vld.idx.msk [tilespmem:v25+s21+$0x0], $0xffff  }
0x133: {  	v24 =	vadd.s32 $0x6713, v18;
	v23 =	vunpack.i.u.bf16.f32 v16;
	v16 =	vunpack.i.l.bf16.f32 v16  }
0x134: {  	v15 =	vadd.f32 v16, v15;
	v7 =	vadd.f32 v23, v7;
	v16 =	vld.idx.msk [tilespmem:v21+s21+$0x0], $0xffff  }
0x135: {  	v20 =	vld.idx.msk [tilespmem:v20+s21+$0x0], $0xffff;
	v23 =	vadd.s32 $0x6714, v18;
	v21 =	vunpack.i.u.bf16.f32 v19;
	v19 =	vunpack.i.l.bf16.f32 v19  }
0x136: {  	v25 =	vadd.s32 $0x6715, v18;
	v6 =	vadd.f32 v19, v6;
	v19 =	vld [tilespmem:s20+$0xAA00]  }
0x137: {  	v3 =	vadd.f32 v21, v3;
	v21 =	vunpack.i.u.bf16.f32 v22;
	v22 =	vunpack.i.l.bf16.f32 v22  }
0x138: {  	v1 =	vadd.f32 v22, v1;
	v2 =	vadd.f32 v21, v2;
	v21 =	vld.idx.msk [tilespmem:v24+s21+$0x0], $0xffff  }
0x139: {  	v24 =	vadd.s32 $0x6716, v18;
	v22 =	vunpack.i.u.bf16.f32 v16;
	v16 =	vunpack.i.l.bf16.f32 v16  }
0x13a: {  	v18 =	vadd.s32 $0x6717, v18;
	v13 =	vadd.f32 v16, v13;
	v5 =	vadd.f32 v22, v5;
	v22 =	vld.idx.msk [tilespmem:v23+s21+$0x0], $0xffff  }
0x13b: {  	v16 =	vunpack.i.u.bf16.f32 v20;
	v20 =	vunpack.i.l.bf16.f32 v20;
	v19 =	vmul.u32 $0x11, v19  }
0x13c: {  	v14 =	vadd.f32 v20, v14;
	v9 =	vadd.f32 v16, v9;
	v16 =	vld.idx.msk [tilespmem:v25+s21+$0x0], $0xffff  }
0x13d: {  	v20 =	vunpack.i.u.bf16.f32 v21;
	v21 =	vunpack.i.l.bf16.f32 v21;
	v23 =	vadd.s32 $0x6798, v19  }
0x13e: {  	v11 =	vadd.f32 v21, v11;
	v10 =	vadd.f32 v20, v10;
	v20 =	vld.idx.msk [tilespmem:v24+s21+$0x0], $0xffff  }
0x13f: {  	v24 =	vadd.s32 $0x6799, v19;
	v21 =	vunpack.i.u.bf16.f32 v22;
	v22 =	vunpack.i.l.bf16.f32 v22  }
0x140: {  	v18 =	vld.idx.msk [tilespmem:v18+s21+$0x0], $0xffff;
	v17 =	vadd.f32 v22, v17;
	v12 =	vadd.f32 v21, v12  }
0x141: {  	v21 =	vunpack.i.u.bf16.f32 v16;
	v16 =	vunpack.i.l.bf16.f32 v16;
	v22 =	vadd.s32 $0x679A, v19  }
0x142: {  	v8 =	vadd.f32 v16, v8;
	v4 =	vadd.f32 v21, v4;
	v16 =	vld.idx.msk [tilespmem:v23+s21+$0x0], $0xffff  }
0x143: {  	v23 =	vadd.s32 $0x679B, v19;
	v21 =	vunpack.i.u.bf16.f32 v20;
	v20 =	vunpack.i.l.bf16.f32 v20  }
0x144: {  	v15 =	vadd.f32 v20, v15;
	v7 =	vadd.f32 v21, v7;
	v20 =	vld.idx.msk [tilespmem:v24+s21+$0x0], $0xffff  }
0x145: {  	v25 =	vld [tilespmem:s20+$0xAA80];
	v21 =	vunpack.i.u.bf16.f32 v18;
	v18 =	vunpack.i.l.bf16.f32 v18;
	v24 =	vadd.s32 $0x679C, v19  }
0x146: {  	v26 =	vmov s20;
	v6 =	vadd.f32 v18, v6;
	v3 =	vadd.f32 v21, v3;
	v18 =	vld.idx.msk [tilespmem:v22+s21+$0x0], $0xffff  }
0x147: {  	v22 =	vadd.s32 $0x679D, v19;
	v21 =	vunpack.i.u.bf16.f32 v16;
	v16 =	vunpack.i.l.bf16.f32 v16  }
0x148: {  	v26 =	vshll.u32 v26, $0x5;
	v16 =	vadd.f32 v16, v1;
	v2 =	vadd.f32 v21, v2;
	v1 =	vld.idx.msk [tilespmem:v23+s21+$0x0], $0xffff  }
0x149: {  	v23 =	vadd.s32 $0x679E, v19;
	v21 =	vunpack.i.u.bf16.f32 v20;
	v20 =	vunpack.i.l.bf16.f32 v20  }
0x14a: {  	v13 =	vadd.f32 v20, v13;
	v5 =	vadd.f32 v21, v5;
	v20 =	vld.idx.msk [tilespmem:v24+s21+$0x0], $0xffff;
	v21 =	vmul.u32 $0x11, v25  }
0x14b: {  	v19 =	vadd.s32 $0x679F, v19;
	v24 =	vunpack.i.u.bf16.f32 v18;
	v18 =	vunpack.i.l.bf16.f32 v18  }
0x14c: {  	v14 =	vadd.f32 v18, v14;
	v9 =	vadd.f32 v24, v9;
	v18 =	vld.idx.msk [tilespmem:v22+s21+$0x0], $0xffff;
	v22 =	vadd.s32 $0x67BA, v21  }
0x14d: {  	v25 =	vadd.s32 $0x67BB, v21;
	v24 =	vunpack.i.u.bf16.f32 v1;
	v1 =	vunpack.i.l.bf16.f32 v1  }
0x14e: {  	v27 =	vadd.s32 $0x67BD, v21;
	v11 =	vadd.f32 v1, v11;
	v10 =	vadd.f32 v24, v10;
	v1 =	vld.idx.msk [tilespmem:v23+s21+$0x0], $0xffff  }
0x14f: {  	v23 =	vadd.s32 $0x67BC, v21;
	v24 =	vunpack.i.u.bf16.f32 v20;
	v20 =	vunpack.i.l.bf16.f32 v20  }
0x150: {  	v28 =	vadd.s32 $0x67BF, v21;
	v19 =	vld.idx.msk [tilespmem:v19+s21+$0x0], $0xffff;
	v17 =	vadd.f32 v20, v17;
	v12 =	vadd.f32 v24, v12  }
0x151: {  	v20 =	vadd.s32 $0x67BE, v21;
	v24 =	vunpack.i.u.bf16.f32 v18;
	v18 =	vunpack.i.l.bf16.f32 v18;
	v22 =	vld.idx.msk [tilespmem:v22+s21+$0x0], $0xffff  }
0x152: {  	v8 =	vadd.f32 v18, v8;
	v4 =	vadd.f32 v24, v4;
	v24 =	vadd.s32 $0x67C0, v21  }
0x153: {  	v18 =	vld.idx.msk [tilespmem:v25+s21+$0x0], $0xffff;
	v21 =	vadd.s32 $0x67C1, v21;
	v25 =	vunpack.i.u.bf16.f32 v1;
	v1 =	vunpack.i.l.bf16.f32 v1  }
0x154: {  	v23 =	vld.idx.msk [tilespmem:v23+s21+$0x0], $0xffff;
	v15 =	vadd.f32 v1, v15;
	v7 =	vadd.f32 v25, v7;
	v1 =	vor.u32 v0, v26  }
0x155: {  	v25 =	vld.idx.msk [tilespmem:v27+s21+$0x0], $0xffff;
	v26 =	vunpack.i.u.bf16.f32 v19;
	v19 =	vunpack.i.l.bf16.f32 v19;
	v27 =	vor.u32 $0x1, v1  }
0x156: {  	v28 =	vld.idx.msk [tilespmem:v28+s21+$0x0], $0xffff;
	v6 =	vadd.f32 v19, v6;
	v29 =	vor.u32 $0x2, v1;
	v19 =	vunpack.i.l.bf16.f32 v22  }
0x157: {  	v22 =	vunpack.i.u.bf16.f32 v22;
	v16 =	vadd.f32 v19, v16;
	v19 =	vld.idx.msk [tilespmem:v24+s21+$0x0], $0xffff;
	v24 =	vor.u32 $0x3, v1  }
0x158: {  	v20 =	vld.idx.msk [tilespmem:v20+s21+$0x0], $0xffff;
	v30 =	vor.u32 $0x4, v1;
	v2 =	vadd.f32 v22, v2;
	v22 =	vunpack.i.l.bf16.f32 v18  }
0x159: {  	v21 =	vld.idx.msk [tilespmem:v21+s21+$0x0], $0xffff;
	v18 =	vunpack.i.u.bf16.f32 v18;
	v13 =	vadd.f32 v22, v13;
	[tilespmem:v1+s15+$0x0] =	vst.idx.msk $0xffff, v16;
	v16 =	vor.u32 $0x5, v1  }
0x15a: {  	v5 =	vadd.f32 v18, v5;
	v18 =	vunpack.i.l.bf16.f32 v23;
	[tilespmem:v27+s15+$0x0] =	vst.idx.msk $0xffff, v2;
	v2 =	vor.u32 $0x6, v1  }
0x15b: {  	v22 =	vunpack.i.u.bf16.f32 v23;
	v14 =	vadd.f32 v18, v14;
	[tilespmem:v29+s15+$0x0] =	vst.idx.msk $0xffff, v13;
	v13 =	vor.u32 $0x7, v1  }
0x15c: {  	v9 =	vadd.f32 v22, v9;
	v18 =	vunpack.i.l.bf16.f32 v25;
	[tilespmem:v24+s15+$0x0] =	vst.idx.msk $0xffff, v5;
	v5 =	vor.u32 $0x8, v1  }
0x15d: {  	v22 =	vunpack.i.u.bf16.f32 v25;
	v11 =	vadd.f32 v18, v11;
	[tilespmem:v30+s15+$0x0] =	vst.idx.msk $0xffff, v14;
	v14 =	vor.u32 $0x9, v1  }
0x15e: {  	v10 =	vadd.f32 v22, v10;
	v18 =	vunpack.i.l.bf16.f32 v20;
	[tilespmem:v16+s15+$0x0] =	vst.idx.msk $0xffff, v9;
	v9 =	vor.u32 $0xA, v1  }
0x15f: {  	v17 =	vadd.f32 v18, v17;
	v16 =	vunpack.i.u.bf16.f32 v20;
	[tilespmem:v2+s15+$0x0] =	vst.idx.msk $0xffff, v11;
	v2 =	vor.u32 $0xB, v1  }
0x160: {  	v11 =	vadd.f32 v16, v12;
	v12 =	vunpack.i.l.bf16.f32 v28;
	[tilespmem:v13+s15+$0x0] =	vst.idx.msk $0xffff, v10;
	v10 =	vor.u32 $0xC, v1  }
0x161: {  	v13 =	vunpack.i.u.bf16.f32 v28;
	v8 =	vadd.f32 v12, v8;
	[tilespmem:v5+s15+$0x0] =	vst.idx.msk $0xffff, v17;
	v5 =	vor.u32 $0xD, v1  }
0x162: {  	v12 =	vunpack.i.l.bf16.f32 v19;
	v4 =	vadd.f32 v13, v4;
	[tilespmem:v14+s15+$0x0] =	vst.idx.msk $0xffff, v11;
	v11 =	vor.u32 $0xE, v1  }
0x163: {  	v13 =	vunpack.i.u.bf16.f32 v19;
	v12 =	vadd.f32 v12, v15;
	[tilespmem:v9+s15+$0x0] =	vst.idx.msk $0xffff, v8;
	v8 =	vor.u32 $0xF, v1  }
0x164: {  	v3 =	vadd.f32 v26, v3;
	v7 =	vadd.f32 v13, v7;
	v9 =	vunpack.i.l.bf16.f32 v21;
	[tilespmem:v2+s15+$0x0] =	vst.idx.msk $0xffff, v4  }
0x165: {  	v2 =	vunpack.i.u.bf16.f32 v21;
	v4 =	vadd.f32 v9, v6;
	[tilespmem:v10+s15+$0x0] =	vst.idx.msk $0xffff, v12  }
0x166: {  	v2 =	vadd.f32 v2, v3;
	[tilespmem:v5+s15+$0x0] =	vst.idx.msk $0xffff, v7  }
0x167: {  	[tilespmem:v11+s15+$0x0] =	vst.idx.msk $0xffff, v4  }
0x168: {  	[tilespmem:v8+s15+$0x0] =	vst.idx.msk $0xffff, v2  }
0x169: {  	v2 =	vld [tilespmem:s17+$0xFFFFFF80]  }
0x16a: {  	v3 =	vld [tilespmem:s17+$0x80];
	_ =	sdelay $0x1  }
0x16b: {  	v4 =	vld [tilespmem:s17+$0xFFFFFF00];
	_ =	sdelay $0x1  }
0x16c: {  	v2 =	vmul.u32 $0x11, v2  }
0x16d: {  	s22 =	simm.s32 $0xCC;
	v3 =	vmul.u32 $0x11, v3  }
0x16e: {  	s30 =	simm.s32 $0x264;
	v2 =	vadd.s32 s22, v2  }
0x16f: {  	v7 =	vld [tilespmem:s17+$0x0];
	v4 =	vmul.u32 $0x11, v4;
	v3 =	vadd.s32 s30, v3;
	v5 =	vadd.s32 $0xF, v2  }
0x170: {  	v6 =	vadd.s32 $0xE, v3  }
0x171: {  	v8 =	vadd.s32 s21, v4;
	v9 =	vadd.s32 $0xE, v2  }
0x172: {  	v10 =	vadd.s32 $0xF, v8  }
0x173: {  	v11 =	vadd.s32 $0x8, v3  }
0x174: {  	v7 =	vmul.u32 $0x11, v7;
	v12 =	vadd.s32 $0xA, v8;
	v5 =	vld.idx.msk [tilespmem:v5+s2+$0x0], $0xffff  }
0x175: {  	s31 =	simm.s32 $0x198;
	v14 =	vadd.s32 $0xB, v3;
	v18 =	vld.idx.msk [tilespmem:v6+s2+$0x0], $0xffff  }
0x176: {  	v7 =	vadd.s32 s31, v7;
	v21 =	vadd.s32 $0xA, v3;
	v9 =	vld.idx.msk [tilespmem:v9+s2+$0x0], $0xffff  }
0x177: {  	v26 =	vadd.s32 $0xF, v7;
	v10 =	vld.idx.msk [tilespmem:v10+s2+$0x0], $0xffff  }
0x178: {  	v31 =	vadd.s32 $0xE, v7;
	v11 =	vld.idx.msk [tilespmem:v11+s2+$0x0], $0xffff  }
0x179: {  	v13 =	vadd.s32 $0x9, v8;
	v12 =	vld.idx.msk [tilespmem:v12+s2+$0x0], $0xffff  }
0x17a: {  	v22 =	vadd.s32 $0xD, v2;
	v59 =	vld.idx.msk [tilespmem:v14+s2+$0x0], $0xffff  }
0x17b: {  	v19 =	vadd.s32 $0xC, v8;
	v20 =	vadd.s32 $0xB, v2;
	v28 =	vadd.s32 $0xC, v2;
	v35 =	vld.idx.msk [tilespmem:v21+s2+$0x0], $0xffff  }
0x17c: {  	v29 =	vadd.s32 $0xA, v7;
	v30 =	vadd.s32 $0xB, v7;
	v60 =	vadd.s32 $0xD, v7;
	v26 =	vld.idx.msk [tilespmem:v26+s2+$0x0], $0xffff  }
0x17d: {  	v34 =	vadd.s32 $0x9, v7;
	v61 =	vadd.s32 $0xC, v7;
	v14 =	vadd.s32 $0x8, v7;
	v7 =	vld.idx.msk [tilespmem:v31+s2+$0x0], $0xffff  }
0x17e: {  	v4 =	vimm.f32 $0.0e+00;
	v17 =	vadd.s32 $0xB, v8;
	v13 =	vld.idx.msk [tilespmem:v13+s2+$0x0], $0xffff  }
0x17f: {  	v15 =	vadd.s32 $0xE, v8;
	v23 =	vadd.s32 $0x8, v8;
	v24 =	vadd.s32 $0xD, v3;
	v22 =	vld.idx.msk [tilespmem:v22+s2+$0x0], $0xffff  }
0x180: {  	v25 =	vadd.s32 $0xA, v2;
	v27 =	vadd.s32 $0xC, v3;
	v16 =	vadd.s32 $0x9, v3;
	v28 =	vld.idx.msk [tilespmem:v28+s2+$0x0], $0xffff  }
0x181: {  	v3 =	vadd.s32 $0xF, v3;
	v6 =	vadd.s32 $0x8, v2;
	v21 =	vadd.s32 $0xD, v8;
	v44 =	vld.idx.msk [tilespmem:v19+s2+$0x0], $0xffff  }
0x182: {  	v2 =	vadd.s32 $0x9, v2;
	v48 =	vld.idx.msk [tilespmem:v20+s2+$0x0], $0xffff;
	v8 =	vunpack.i.l.bf16.f32 v10;
	v10 =	vunpack.i.u.bf16.f32 v10  }
0x183: {  	v53 =	vld.idx.msk [tilespmem:v30+s2+$0x0], $0xffff;
	v38 =	vunpack.i.u.bf16.f32 v12;
	v39 =	vunpack.i.l.bf16.f32 v12;
	v12 =	vunpack.i.l.bf16.f32 v5  }
0x184: {  	v54 =	vld.idx.msk [tilespmem:v61+s2+$0x0], $0xffff;
	v31 =	vunpack.i.l.bf16.f32 v11;
	v40 =	vunpack.i.l.bf16.f32 v26;
	v42 =	vunpack.i.u.bf16.f32 v13  }
0x185: {  	v55 =	vld.idx.msk [tilespmem:v27+s2+$0x0], $0xffff;
	v43 =	vunpack.i.l.bf16.f32 v59;
	v45 =	vunpack.i.l.bf16.f32 v9;
	v47 =	vunpack.i.l.bf16.f32 v28  }
0x186: {  	v23 =	vld.idx.msk [tilespmem:v23+s2+$0x0], $0xffff;
	v26 =	vunpack.i.u.bf16.f32 v26;
	v49 =	vunpack.i.u.bf16.f32 v44;
	v51 =	vunpack.i.l.bf16.f32 v22  }
0x187: {  	v17 =	vld.idx.msk [tilespmem:v17+s2+$0x0], $0xffff;
	v22 =	vunpack.i.u.bf16.f32 v22;
	v20 =	vunpack.i.u.bf16.f32 v9;
	v52 =	vunpack.i.u.bf16.f32 v28  }
0x188: {  	v9 =	vld.idx.msk [tilespmem:v25+s2+$0x0], $0xffff;
	v25 =	vunpack.i.l.bf16.f32 v48;
	v57 =	vunpack.i.l.bf16.f32 v53;
	v37 =	vadd.f32 v8, v4  }
0x189: {  	v6 =	vld.idx.msk [tilespmem:v6+s2+$0x0], $0xffff;
	v58 =	vunpack.i.u.bf16.f32 v54;
	v10 =	vadd.f32 v10, v4;
	v39 =	vadd.f32 v39, v4  }
0x18a: {  	v21 =	vld.idx.msk [tilespmem:v21+s2+$0x0], $0xffff;
	v33 =	vunpack.i.u.bf16.f32 v55;
	v38 =	vadd.f32 v38, v4;
	v62 =	vadd.f32 v42, v4  }
0x18b: {  	v8 =	vld.idx.msk [tilespmem:v29+s2+$0x0], $0xffff;
	v29 =	vunpack.i.u.bf16.f32 v5;
	v49 =	vadd.f32 v49, v4;
	v12 =	vadd.f32 v12, v37  }
0x18c: {  	v37 =	vunpack.i.u.bf16.f32 v11;
	v11 =	vunpack.i.u.bf16.f32 v23;
	v23 =	vunpack.i.l.bf16.f32 v23  }
0x18d: {  	v5 =	vunpack.i.l.bf16.f32 v18;
	v29 =	vadd.f32 v29, v10;
	v23 =	vadd.f32 v23, v4  }
0x18e: {  	v24 =	vld.idx.msk [tilespmem:v24+s2+$0x0], $0xffff;
	v11 =	vadd.f32 v11, v4;
	v12 =	vadd.f32 v40, v12;
	v41 =	vunpack.i.u.bf16.f32 v6  }
0x18f: {  	v40 =	vld.idx.msk [tilespmem:v15+s2+$0x0], $0xffff;
	v6 =	vunpack.i.l.bf16.f32 v6;
	v15 =	vunpack.i.l.bf16.f32 v7;
	v63 =	vunpack.i.l.bf16.f32 v21  }
0x190: {  	v50 =	vunpack.i.u.bf16.f32 v21;
	v21 =	vunpack.i.u.bf16.f32 v17;
	v36 =	vadd.f32 v26, v29  }
0x191: {  	v10 =	vld.idx.msk [tilespmem:v14+s2+$0x0], $0xffff;
	v29 =	vunpack.i.u.bf16.f32 v48;
	v17 =	vunpack.i.l.bf16.f32 v17;
	v30 =	vunpack.i.u.bf16.f32 v9  }
0x192: {  	v9 =	vunpack.i.l.bf16.f32 v9;
	v14 =	vunpack.i.u.bf16.f32 v8;
	v41 =	vadd.f32 v41, v11  }
0x193: {  	v11 =	vunpack.i.l.bf16.f32 v13;
	v6 =	vadd.f32 v6, v23;
	v28 =	vadd.f32 v21, v4  }
0x194: {  	v2 =	vld.idx.msk [tilespmem:v2+s2+$0x0], $0xffff;
	v21 =	vunpack.i.u.bf16.f32 v24;
	v27 =	vadd.f32 v63, v4;
	v30 =	vadd.f32 v30, v38  }
0x195: {  	v26 =	vld.idx.msk [tilespmem:v60+s2+$0x0], $0xffff;
	v17 =	vadd.f32 v17, v4;
	v46 =	vadd.f32 v11, v4;
	v11 =	vunpack.i.u.bf16.f32 v35  }
0x196: {  	v60 =	vld.idx.msk [tilespmem:v3+s2+$0x0], $0xffff;
	v13 =	vunpack.i.u.bf16.f32 v10;
	v23 =	vunpack.i.l.bf16.f32 v10;
	v10 =	vunpack.i.u.bf16.f32 v59  }
0x197: {  	v29 =	vadd.f32 v29, v28;
	v3 =	vadd.f32 v25, v17;
	v25 =	vld.idx.msk [tilespmem:v34+s2+$0x0], $0xffff;
	v34 =	vunpack.i.l.bf16.f32 v54  }
0x198: {  	v6 =	vadd.f32 v23, v6;
	v41 =	vadd.f32 v13, v41;
	v23 =	vunpack.i.l.bf16.f32 v24  }
0x199: {  	v13 =	vunpack.i.u.bf16.f32 v18;
	v18 =	vunpack.i.l.bf16.f32 v44;
	v24 =	vadd.f32 v50, v4  }
0x19a: {  	v19 =	vunpack.i.u.bf16.f32 v40;
	v56 =	vadd.f32 v18, v4;
	v59 =	vunpack.i.u.bf16.f32 v26  }
0x19b: {  	v18 =	vadd.f32 v9, v39;
	v61 =	vunpack.i.l.bf16.f32 v26;
	v3 =	vadd.f32 v57, v3  }
0x19c: {  	v6 =	vadd.f32 v31, v6;
	v31 =	vunpack.i.u.bf16.f32 v2;
	v17 =	vadd.f32 v22, v24  }
0x19d: {  	v9 =	vadd.f32 v37, v41;
	v2 =	vunpack.i.l.bf16.f32 v2;
	v24 =	vunpack.i.l.bf16.f32 v40  }
0x19e: {  	v63 =	vadd.f32 v24, v4;
	v24 =	vadd.f32 v2, v46;
	v2 =	vunpack.i.u.bf16.f32 v60  }
0x19f: {  	v26 =	vunpack.i.l.bf16.f32 v55;
	v22 =	vadd.f32 v52, v49;
	v2 =	vadd.f32 v2, v36;
	v36 =	vld.idx.msk [tilespmem:v16+s2+$0x0], $0xffff  }
0x1a0: {  	v38 =	vunpack.i.l.bf16.f32 v60;
	v31 =	vadd.f32 v31, v62;
	v28 =	vadd.f32 v47, v56  }
0x1a1: {  	v62 =	vadd.f32 v51, v27;
	v27 =	vunpack.i.l.bf16.f32 v35;
	v3 =	vadd.f32 v43, v3  }
0x1a2: {  	v35 =	vunpack.i.u.bf16.f32 v53;
	v17 =	vadd.f32 v59, v17;
	v37 =	vadd.f32 v58, v22  }
0x1a3: {  	s23 =	sadd.s32 $0x200, s17;
	s22 =	simm.s32 $0x0;
	v32 =	vunpack.i.l.bf16.f32 v25;
	v39 =	vadd.f32 v45, v63;
	v16 =	vadd.f32 v61, v62  }
.LBB2_7:
0x1a4: {  	v22 =	vld [tilespmem:s23+$0xFFFFFF80];
	s22 =	sadd.s32 $0x4, s22;
	v4 =	vadd.f32 v19, v4;
	v19 =	vunpack.i.l.bf16.f32 v36;
	v17 =	vadd.f32 v21, v17;
	s21 =	sadd.s32 $0x330, s21  }
0x1a5: {  	v21 =	vunpack.i.u.bf16.f32 v25;
	v14 =	vadd.f32 v14, v30;
	v40 =	vld [tilespmem:s23+$0x80];
	p0 =	slt.u32 s22, $0x3C;
	v15 =	vadd.f32 v15, v39  }
0x1a6: {  	v8 =	vunpack.i.l.bf16.f32 v8;
	v12 =	vadd.f32 v38, v12;
	v30 =	vadd.f32 v21, v31;
	v25 =	vld [tilespmem:s23+$0xFFFFFF00]  }
0x1a7: {  	v21 =	vadd.f32 v33, v37;
	v4 =	vadd.f32 v20, v4;
	v20 =	vunpack.i.u.bf16.f32 v36;
	v31 =	vld [tilespmem:s23+$0x0]  }
0x1a8: {  	v7 =	vunpack.i.u.bf16.f32 v7;
	v8 =	vadd.f32 v8, v18;
	v18 =	vadd.f32 v23, v16  }
0x1a9: {  	v23 =	vadd.f32 v35, v29;
	v16 =	vadd.f32 v5, v15;
	v22 =	vmul.u32 $0x11, v22  }
0x1aa: {  	s24 =	sadd.s32 $0xCC, s21;
	s25 =	sadd.s32 $0x198, s21;
	v15 =	vadd.f32 v34, v28;
	v4 =	vadd.f32 v7, v4;
	v5 =	vmul.u32 $0x11, v40  }
0x1ab: {  	v24 =	vadd.f32 v32, v24;
	v7 =	vmul.u32 $0x11, v25;
	v33 =	vadd.s32 s24, v22;
	s24 =	sadd.s32 $0x264, s21  }
0x1ac: {  	v32 =	vadd.f32 v11, v14;
	v25 =	vadd.s32 $0xF, v33;
	v5 =	vadd.s32 s24, v5  }
0x1ad: {  	v22 =	vadd.f32 v26, v15;
	v7 =	vadd.s32 s21, v7;
	v11 =	vadd.s32 $0xE, v5  }
0x1ae: {  	v34 =	vadd.f32 v27, v8;
	v15 =	vadd.s32 $0xE, v33;
	v14 =	vadd.s32 $0xF, v7  }
0x1af: {  	v20 =	vadd.f32 v20, v30;
	v35 =	vadd.s32 $0x9, v7;
	v8 =	vadd.s32 $0xA, v7  }
0x1b0: {  	v23 =	vadd.f32 v10, v23;
	v30 =	vadd.s32 $0xB, v7;
	v36 =	vadd.s32 $0xC, v7  }
0x1b1: {  	v27 =	vadd.s32 $0x8, v5;
	v10 =	vadd.s32 $0xE, v7;
	v37 =	vld.idx.msk [tilespmem:v25+s2+$0x0], $0xffff;
	v25 =	vmul.u32 $0x11, v31  }
0x1b2: {  	v38 =	vadd.s32 $0xB, v5;
	v31 =	vadd.s32 $0xB, v33;
	v26 =	vld.idx.msk [tilespmem:v11+s2+$0x0], $0xffff;
	v11 =	vadd.f32 v19, v24  }
0x1b3: {  	v39 =	vadd.s32 $0xD, v33;
	v41 =	vadd.s32 $0xD, v5;
	v19 =	vadd.s32 $0x8, v33;
	v40 =	vld.idx.msk [tilespmem:v15+s2+$0x0], $0xffff  }
0x1b4: {  	v42 =	vadd.s32 $0xA, v33;
	v15 =	vadd.s32 $0x8, v7;
	v43 =	vadd.s32 s25, v25;
	v14 =	vld.idx.msk [tilespmem:v14+s2+$0x0], $0xffff  }
0x1b5: {  	v4 =	vadd.f32 v13, v4;
	v44 =	vadd.s32 $0xA, v5;
	v29 =	vadd.s32 $0xC, v5  }
0x1b6: {  	v13 =	vadd.s32 $0xC, v33;
	v24 =	vadd.s32 $0x9, v5;
	v45 =	vadd.s32 $0xB, v43;
	v46 =	vld.idx.msk [tilespmem:v27+s2+$0x0], $0xffff  }
0x1b7: {  	v28 =	vadd.s32 $0xF, v5;
	v47 =	vadd.s32 $0xD, v43;
	v48 =	vadd.s32 $0xF, v43;
	v8 =	vld.idx.msk [tilespmem:v8+s2+$0x0], $0xffff  }
0x1b8: {  	v25 =	vadd.s32 $0x9, v43;
	v5 =	vadd.s32 $0xA, v43;
	v49 =	vadd.s32 $0xE, v43;
	v19 =	vld.idx.msk [tilespmem:v19+s2+$0x0], $0xffff  }
0x1b9: {  	v50 =	vadd.s32 $0xD, v7;
	v51 =	vadd.s32 $0x8, v43;
	v43 =	vadd.s32 $0xC, v43;
	v38 =	vld.idx.msk [tilespmem:v38+s2+$0x0], $0xffff  }
0x1ba: {  	v27 =	vld.idx.msk [tilespmem:v44+s2+$0x0], $0xffff  }
0x1bb: {  	v15 =	vld.idx.msk [tilespmem:v15+s2+$0x0], $0xffff  }
0x1bc: {  	v7 =	vunpack.i.l.bf16.f32 v14;
	v44 =	vunpack.i.u.bf16.f32 v14;
	v48 =	vld.idx.msk [tilespmem:v48+s2+$0x0], $0xffff  }
0x1bd: {  	v12 =	vadd.f32 v7, v12;
	v52 =	vunpack.i.u.bf16.f32 v8;
	v53 =	vunpack.i.l.bf16.f32 v8;
	v8 =	vld.idx.msk [tilespmem:v5+s2+$0x0], $0xffff  }
0x1be: {  	v14 =	vunpack.i.u.bf16.f32 v37;
	v5 =	vunpack.i.l.bf16.f32 v37;
	v7 =	vld.idx.msk [tilespmem:v49+s2+$0x0], $0xffff  }
0x1bf: {  	v2 =	vadd.f32 v44, v2;
	v12 =	vadd.f32 v5, v12;
	v5 =	vunpack.i.l.bf16.f32 v26;
	v35 =	vld.idx.msk [tilespmem:v35+s2+$0x0], $0xffff  }
0x1c0: {  	v44 =	vunpack.i.l.bf16.f32 v46;
	v37 =	vld.idx.msk [tilespmem:v39+s2+$0x0], $0xffff;
	v39 =	vunpack.i.u.bf16.f32 v46  }
0x1c1: {  	v2 =	vadd.f32 v14, v2;
	v46 =	vunpack.i.u.bf16.f32 v15;
	v15 =	vunpack.i.l.bf16.f32 v15;
	v49 =	vld.idx.msk [tilespmem:v51+s2+$0x0], $0xffff  }
0x1c2: {  	v6 =	vadd.f32 v15, v6;
	v9 =	vadd.f32 v46, v9;
	v15 =	vunpack.i.l.bf16.f32 v48;
	v13 =	vld.idx.msk [tilespmem:v13+s2+$0x0], $0xffff  }
0x1c3: {  	v33 =	vadd.s32 $0x9, v33;
	v14 =	vunpack.i.u.bf16.f32 v8;
	v12 =	vadd.f32 v15, v12;
	v46 =	vld.idx.msk [tilespmem:v10+s2+$0x0], $0xffff  }
0x1c4: {  	v10 =	vunpack.i.u.bf16.f32 v19;
	v19 =	vunpack.i.l.bf16.f32 v19;
	v15 =	vunpack.i.l.bf16.f32 v7;
	v50 =	vld.idx.msk [tilespmem:v50+s2+$0x0], $0xffff  }
0x1c5: {  	v54 =	vunpack.i.l.bf16.f32 v38;
	v51 =	vunpack.i.u.bf16.f32 v35;
	v9 =	vadd.f32 v10, v9;
	v36 =	vld.idx.msk [tilespmem:v36+s2+$0x0], $0xffff  }
0x1c6: {  	v34 =	vadd.f32 v53, v34;
	v53 =	vunpack.i.l.bf16.f32 v40;
	v10 =	vunpack.i.l.bf16.f32 v35;
	v30 =	vld.idx.msk [tilespmem:v30+s2+$0x0], $0xffff  }
0x1c7: {  	v6 =	vadd.f32 v19, v6;
	v35 =	vadd.f32 v10, v11;
	v11 =	vunpack.i.u.bf16.f32 v27;
	v31 =	vld.idx.msk [tilespmem:v31+s2+$0x0], $0xffff  }
0x1c8: {  	v32 =	vadd.f32 v52, v32;
	v55 =	vunpack.i.u.bf16.f32 v49;
	v52 =	vunpack.i.l.bf16.f32 v13  }
0x1c9: {  	v10 =	vunpack.i.u.bf16.f32 v38;
	v49 =	vunpack.i.l.bf16.f32 v49;
	v19 =	vunpack.i.u.bf16.f32 v46;
	v38 =	vld.idx.msk [tilespmem:v41+s2+$0x0], $0xffff  }
0x1ca: {  	v48 =	vunpack.i.u.bf16.f32 v48;
	v41 =	vadd.f32 v51, v20;
	v51 =	vunpack.i.l.bf16.f32 v50  }
0x1cb: {  	v57 =	vunpack.i.l.bf16.f32 v37;
	v50 =	vunpack.i.u.bf16.f32 v50;
	v56 =	vunpack.i.u.bf16.f32 v36;
	v33 =	vld.idx.msk [tilespmem:v33+s2+$0x0], $0xffff  }
0x1cc: {  	v37 =	vunpack.i.u.bf16.f32 v37;
	v6 =	vadd.f32 v49, v6;
	v20 =	vunpack.i.u.bf16.f32 v40;
	v42 =	vld.idx.msk [tilespmem:v42+s2+$0x0], $0xffff  }
0x1cd: {  	v49 =	vunpack.i.u.bf16.f32 v13;
	v9 =	vadd.f32 v55, v9;
	v40 =	vunpack.i.u.bf16.f32 v30;
	v45 =	vld.idx.msk [tilespmem:v45+s2+$0x0], $0xffff  }
0x1ce: {  	v6 =	vadd.f32 v44, v6;
	v55 =	vadd.f32 v56, v21;
	v56 =	vunpack.i.l.bf16.f32 v31;
	v43 =	vld.idx.msk [tilespmem:v43+s2+$0x0], $0xffff  }
0x1cf: {  	v2 =	vadd.f32 v48, v2;
	v40 =	vadd.f32 v40, v23;
	v23 =	vunpack.i.l.bf16.f32 v38;
	v44 =	vld.idx.msk [tilespmem:v47+s2+$0x0], $0xffff  }
0x1d0: {  	v13 =	vunpack.i.u.bf16.f32 v26;
	v21 =	vunpack.i.u.bf16.f32 v38;
	v47 =	vunpack.i.u.bf16.f32 v31  }
0x1d1: {  	v26 =	vunpack.i.l.bf16.f32 v36;
	v17 =	vadd.f32 v50, v17;
	v31 =	vunpack.i.u.bf16.f32 v33;
	v38 =	vld.idx.msk [tilespmem:v29+s2+$0x0], $0xffff  }
0x1d2: {  	v36 =	vadd.f32 v51, v18;
	v29 =	vunpack.i.l.bf16.f32 v30;
	v18 =	vunpack.i.u.bf16.f32 v42  }
0x1d3: {  	v22 =	vadd.f32 v26, v22;
	v26 =	vunpack.i.l.bf16.f32 v42;
	v30 =	vadd.f32 v18, v32  }
0x1d4: {  	v3 =	vadd.f32 v29, v3;
	v32 =	vunpack.i.l.bf16.f32 v45;
	v42 =	vunpack.i.u.bf16.f32 v43  }
0x1d5: {  	v31 =	vadd.f32 v31, v41;
	v29 =	vadd.f32 v47, v40;
	v40 =	vunpack.i.u.bf16.f32 v44;
	v41 =	vld.idx.msk [tilespmem:v28+s2+$0x0], $0xffff  }
0x1d6: {  	v18 =	vadd.f32 v26, v34;
	v28 =	vadd.f32 v52, v22;
	v22 =	vunpack.i.l.bf16.f32 v44  }
0x1d7: {  	v3 =	vadd.f32 v56, v3;
	v44 =	vadd.f32 v57, v36;
	v26 =	vunpack.i.l.bf16.f32 v38;
	v25 =	vld.idx.msk [tilespmem:v25+s2+$0x0], $0xffff  }
0x1d8: {  	v27 =	vunpack.i.l.bf16.f32 v27;
	v9 =	vadd.f32 v39, v9;
	v17 =	vadd.f32 v37, v17  }
0x1d9: {  	v37 =	vadd.f32 v49, v55;
	v34 =	vunpack.i.l.bf16.f32 v33;
	v3 =	vadd.f32 v32, v3;
	v36 =	vld.idx.msk [tilespmem:v24+s2+$0x0], $0xffff  }
.Ltmp2:
0x1da: {  	v17 =	vadd.f32 v40, v17;
	v33 =	vunpack.i.u.bf16.f32 v38;
	v24 =	vunpack.i.l.bf16.f32 v46;
	(pc) =	sbr.rel @p0 .LBB2_7-.Ltmp2, $4  }
0x1db: {  	v3 =	vadd.f32 v54, v3;
	v16 =	vadd.f32 v24, v16;
	v38 =	vunpack.i.l.bf16.f32 v41  }
0x1dc: {  	v37 =	vadd.f32 v42, v37;
	v24 =	vadd.f32 v34, v35;
	v34 =	vunpack.i.u.bf16.f32 v41  }
0x1dd: {  	v35 =	vunpack.i.u.bf16.f32 v45;
	v2 =	vadd.f32 v34, v2;
	v32 =	vunpack.i.l.bf16.f32 v25  }
0x1de: {  	s23 =	sadd.s32 $0x200, s23;
	v34 =	vunpack.i.l.bf16.f32 v43;
	v39 =	vadd.f32 v53, v16;
	v16 =	vadd.f32 v22, v44  }
0x1df: {  	v40 =	vld [tilespmem:s18+$0x80]  }
0x1e0: {  	v22 =	vadd.f32 v21, v17;
	v17 =	vld [tilespmem:s18+$0xFFFFFF00]  }
0x1e1: {  	v4 =	vadd.f32 v19, v4;
	v19 =	vunpack.i.l.bf16.f32 v36;
	v21 =	vunpack.i.u.bf16.f32 v25;
	v60 =	vld [tilespmem:s18+$0xFFFFFF80]  }
0x1e2: {  	v30 =	vadd.f32 v14, v30;
	v8 =	vunpack.i.l.bf16.f32 v8;
	v25 =	vadd.f32 v38, v12  }
0x1e3: {  	v12 =	vunpack.i.u.bf16.f32 v36;
	v7 =	vunpack.i.u.bf16.f32 v7;
	v15 =	vadd.f32 v15, v39  }
0x1e4: {  	v21 =	vadd.f32 v21, v31;
	v8 =	vadd.f32 v8, v18;
	v18 =	vmul.u32 $0x11, v40  }
0x1e5: {  	s22 =	simm.s32 $0x3564;
	v14 =	vadd.f32 v23, v16;
	v23 =	vadd.f32 v34, v28;
	v17 =	vmul.u32 $0x11, v17  }
0x1e6: {  	s21 =	simm.s32 $0x3300;
	v5 =	vadd.f32 v5, v15;
	v15 =	vmul.u32 $0x11, v60;
	v18 =	vadd.s32 s22, v18  }
0x1e7: {  	s30 =	simm.s32 $0x33CC;
	v4 =	vadd.f32 v20, v4;
	v17 =	vadd.s32 s21, v17;
	v28 =	vadd.s32 $0xE, v18  }
0x1e8: {  	v16 =	vadd.f32 v35, v29;
	v15 =	vadd.s32 s30, v15;
	v29 =	vadd.s32 $0x9, v17  }
0x1e9: {  	v4 =	vadd.f32 v7, v4;
	v7 =	vadd.f32 v32, v24;
	v24 =	vadd.s32 $0xE, v15  }
0x1ea: {  	v20 =	vld [tilespmem:s18+$0x0];
	v12 =	vadd.f32 v12, v21;
	v21 =	vadd.f32 v10, v16;
	v10 =	vadd.s32 $0x8, v17  }
0x1eb: {  	v16 =	vadd.f32 v19, v7;
	v19 =	vadd.f32 v13, v4;
	v4 =	vadd.s32 $0xF, v17  }
0x1ec: {  	v23 =	vadd.f32 v26, v23;
	v13 =	vadd.s32 $0xC, v17;
	v26 =	vld.idx.msk [tilespmem:v28+s2+$0x0], $0xffff  }
0x1ed: {  	v32 =	vadd.f32 v27, v8;
	v7 =	vadd.s32 $0xB, v17;
	v27 =	vld.idx.msk [tilespmem:v29+s2+$0x0], $0xffff  }
0x1ee: {  	v31 =	vadd.f32 v33, v37;
	v61 =	vadd.s32 $0xB, v15;
	v24 =	vld.idx.msk [tilespmem:v24+s2+$0x0], $0xffff  }
0x1ef: {  	v30 =	vadd.f32 v11, v30;
	v20 =	vmul.u32 $0x11, v20;
	v47 =	vadd.s32 $0xA, v18;
	v10 =	vld.idx.msk [tilespmem:v10+s2+$0x0], $0xffff  }
0x1f0: {  	v62 =	vadd.s32 $0x8, v15;
	v63 =	vadd.s32 $0xA, v17;
	v57 =	vadd.s32 $0xF, v18;
	v44 =	vld.idx.msk [tilespmem:v4+s2+$0x0], $0xffff  }
0x1f1: {  	s31 =	simm.s32 $0x3498;
	v41 =	vadd.s32 $0xF, v15;
	v42 =	vadd.s32 $0xB, v18;
	v45 =	vadd.s32 $0x9, v15;
	v48 =	vld.idx.msk [tilespmem:v13+s2+$0x0], $0xffff  }
0x1f2: {  	v46 =	vadd.s32 $0xC, v18;
	v11 =	vadd.s32 s31, v20;
	v20 =	vadd.s32 $0x8, v18;
	v59 =	vld.idx.msk [tilespmem:v7+s2+$0x0], $0xffff  }
0x1f3: {  	v50 =	vadd.s32 $0xD, v18;
	v51 =	vadd.s32 $0xD, v15;
	v18 =	vadd.s32 $0x9, v18;
	v33 =	vld.idx.msk [tilespmem:v61+s2+$0x0], $0xffff  }
0x1f4: {  	v52 =	vadd.s32 $0xC, v15;
	v54 =	vadd.s32 $0xA, v15;
	v8 =	vadd.s32 $0xD, v11;
	v15 =	vld.idx.msk [tilespmem:v47+s2+$0x0], $0xffff  }
0x1f5: {  	v36 =	vld.idx.msk [tilespmem:v63+s2+$0x0], $0xffff  }
0x1f6: {  	v58 =	vadd.s32 $0x8, v11;
	v37 =	vld.idx.msk [tilespmem:v57+s2+$0x0], $0xffff  }
0x1f7: {  	v28 =	vadd.s32 $0xE, v17;
	v20 =	vld.idx.msk [tilespmem:v20+s2+$0x0], $0xffff  }
0x1f8: {  	v53 =	vadd.s32 $0xD, v17;
	v35 =	vadd.s32 $0xF, v11;
	v43 =	vadd.s32 $0xE, v11;
	v61 =	vld.idx.msk [tilespmem:v18+s2+$0x0], $0xffff  }
0x1f9: {  	v39 =	vadd.s32 $0xA, v11;
	v49 =	vadd.s32 $0xC, v11;
	v29 =	vadd.s32 $0xB, v11;
	v38 =	vld.idx.msk [tilespmem:v8+s2+$0x0], $0xffff  }
0x1fa: {  	v8 =	vadd.s32 $0x9, v11;
	v11 =	vld.idx.msk [tilespmem:v62+s2+$0x0], $0xffff;
	v4 =	vunpack.i.u.bf16.f32 v26;
	v7 =	vunpack.i.u.bf16.f32 v24  }
0x1fb: {  	v40 =	vld.idx.msk [tilespmem:v58+s2+$0x0], $0xffff;
	v13 =	vunpack.i.l.bf16.f32 v10;
	v10 =	vunpack.i.u.bf16.f32 v10;
	v18 =	vunpack.i.l.bf16.f32 v27  }
0x1fc: {  	v62 =	vld.idx.msk [tilespmem:v28+s2+$0x0], $0xffff;
	v34 =	vunpack.i.l.bf16.f32 v59;
	v28 =	vunpack.i.u.bf16.f32 v33;
	v63 =	vunpack.i.u.bf16.f32 v36  }
0x1fd: {  	v43 =	vld.idx.msk [tilespmem:v43+s2+$0x0], $0xffff;
	v36 =	vunpack.i.l.bf16.f32 v36;
	v6 =	vadd.f32 v13, v6;
	v9 =	vadd.f32 v10, v9  }
0x1fe: {  	v49 =	vld.idx.msk [tilespmem:v49+s2+$0x0], $0xffff;
	v10 =	vunpack.i.u.bf16.f32 v27;
	v13 =	vunpack.i.u.bf16.f32 v44;
	v55 =	vunpack.i.u.bf16.f32 v20  }
0x1ff: {  	v27 =	vld.idx.msk [tilespmem:v52+s2+$0x0], $0xffff;
	v52 =	vadd.f32 v18, v16;
	v16 =	vunpack.i.u.bf16.f32 v15;
	v18 =	vunpack.i.u.bf16.f32 v59  }
0x200: {  	v39 =	vld.idx.msk [tilespmem:v39+s2+$0x0], $0xffff;
	v44 =	vunpack.i.l.bf16.f32 v44;
	v58 =	vadd.f32 v63, v30;
	v3 =	vadd.f32 v34, v3  }
0x201: {  	v30 =	vld.idx.msk [tilespmem:v46+s2+$0x0], $0xffff;
	v46 =	vunpack.i.l.bf16.f32 v37;
	v32 =	vadd.f32 v36, v32;
	v60 =	vadd.f32 v10, v12  }
0x202: {  	v10 =	vunpack.i.u.bf16.f32 v11;
	v11 =	vunpack.i.l.bf16.f32 v11;
	v17 =	vld.idx.msk [tilespmem:v8+s2+$0x0], $0xffff;
	v8 =	vunpack.i.u.bf16.f32 v40  }
0x203: {  	v45 =	vld.idx.msk [tilespmem:v45+s2+$0x0], $0xffff;
	v12 =	vunpack.i.u.bf16.f32 v43;
	v21 =	vadd.f32 v18, v21;
	v18 =	vunpack.i.u.bf16.f32 v48  }
0x204: {  	v47 =	vunpack.i.l.bf16.f32 v49;
	v49 =	vunpack.i.u.bf16.f32 v49;
	v44 =	vadd.f32 v44, v25  }
0x205: {  	v25 =	vld.idx.msk [tilespmem:v42+s2+$0x0], $0xffff;
	v34 =	vunpack.i.l.bf16.f32 v38;
	v42 =	vunpack.i.l.bf16.f32 v39;
	v6 =	vadd.f32 v11, v6  }
0x206: {  	v11 =	vunpack.i.l.bf16.f32 v24;
	v9 =	vadd.f32 v10, v9;
	v10 =	vunpack.i.l.bf16.f32 v40  }
0x207: {  	v24 =	vunpack.i.l.bf16.f32 v20;
	v6 =	vadd.f32 v10, v6;
	v10 =	vunpack.i.l.bf16.f32 v43  }
0x208: {  	v9 =	vadd.f32 v8, v9;
	v8 =	vunpack.i.l.bf16.f32 v26;
	v26 =	vunpack.i.u.bf16.f32 v45;
	v43 =	vld.idx.msk [tilespmem:v53+s2+$0x0], $0xffff  }
0x209: {  	v45 =	vunpack.i.l.bf16.f32 v45;
	v53 =	vld.idx.msk [tilespmem:v29+s2+$0x0], $0xffff;
	v29 =	vunpack.i.u.bf16.f32 v62;
	v26 =	vadd.f32 v26, v60  }
0x20a: {  	v20 =	vld.idx.msk [tilespmem:v41+s2+$0x0], $0xffff;
	v40 =	vunpack.i.u.bf16.f32 v27;
	v41 =	vunpack.i.l.bf16.f32 v27;
	v27 =	vadd.f32 v29, v19  }
0x20b: {  	v29 =	vunpack.i.u.bf16.f32 v38;
	v19 =	vunpack.i.u.bf16.f32 v37;
	v6 =	vadd.f32 v24, v6  }
0x20c: {  	v24 =	vunpack.i.l.bf16.f32 v48;
	v9 =	vadd.f32 v55, v9;
	v48 =	vunpack.i.l.bf16.f32 v33  }
0x20d: {  	v55 =	vadd.f32 v18, v31;
	v18 =	vunpack.i.l.bf16.f32 v61;
	v33 =	vld.idx.msk [tilespmem:v51+s2+$0x0], $0xffff;
	v51 =	vadd.f32 v28, v21  }
0x20e: {  	v54 =	vld.idx.msk [tilespmem:v54+s2+$0x0], $0xffff;
	v21 =	vunpack.i.u.bf16.f32 v61;
	v31 =	vunpack.i.l.bf16.f32 v62;
	v62 =	vunpack.i.l.bf16.f32 v30  }
0x20f: {  	v38 =	vunpack.i.l.bf16.f32 v25;
	v23 =	vadd.f32 v24, v23;
	v24 =	vunpack.i.l.bf16.f32 v17  }
0x210: {  	v56 =	vunpack.i.l.bf16.f32 v20;
	v3 =	vadd.f32 v48, v3;
	v55 =	vadd.f32 v40, v55  }
0x211: {  	v28 =	vld.idx.msk [tilespmem:v35+s2+$0x0], $0xffff;
	v57 =	vunpack.i.l.bf16.f32 v53;
	v59 =	vunpack.i.u.bf16.f32 v43;
	v43 =	vunpack.i.l.bf16.f32 v43  }
0x212: {  	v23 =	vadd.f32 v41, v23;
	v37 =	vunpack.i.u.bf16.f32 v53;
	v36 =	vadd.f32 v59, v22  }
0x213: {  	v50 =	vld.idx.msk [tilespmem:v50+s2+$0x0], $0xffff;
	v53 =	vunpack.i.l.bf16.f32 v54;
	v14 =	vadd.f32 v43, v14;
	v59 =	vadd.f32 v56, v44  }
0x214: {  	v22 =	vunpack.i.u.bf16.f32 v39;
	v43 =	vadd.f32 v53, v32;
	v39 =	vadd.f32 v45, v52  }
0x215: {  	v41 =	vadd.f32 v49, v55;
	v60 =	vunpack.i.l.bf16.f32 v33;
	v35 =	vunpack.i.u.bf16.f32 v33  }
0x216: {  	v63 =	vunpack.i.l.bf16.f32 v28;
	v61 =	vadd.f32 v47, v23;
	v33 =	vadd.f32 v37, v51  }
0x217: {  	v37 =	vadd.f32 v57, v3;
	v3 =	vunpack.i.u.bf16.f32 v54;
	v63 =	vadd.f32 v63, v59  }
0x218: {  	v32 =	vunpack.i.u.bf16.f32 v50;
	v40 =	vadd.f32 v60, v14;
	v44 =	vadd.f32 v3, v58  }
0x219: {  	s23 =	sadd.s32 $0x200, s18;
	s22 =	simm.s32 $0x0;
	v23 =	vunpack.i.l.bf16.f32 v50;
	v14 =	vadd.f32 v62, v61;
	v3 =	vadd.f32 v46, v63  }
.LBB2_9:
0x21a: {  	v45 =	vld [tilespmem:s23+$0x80];
	s22 =	sadd.s32 $0x4, s22;
	v35 =	vadd.f32 v35, v36;
	v36 =	vadd.f32 v42, v43;
	v30 =	vunpack.i.u.bf16.f32 v30;
	s21 =	sadd.s32 $0x330, s21  }
0x21b: {  	v34 =	vadd.f32 v34, v40;
	v15 =	vunpack.i.l.bf16.f32 v15;
	v42 =	vld [tilespmem:s23+$0x0];
	p0 =	slt.u32 s22, $0x3C;
	v43 =	vadd.f32 v22, v44  }
0x21c: {  	v5 =	vadd.f32 v31, v5;
	v20 =	vunpack.i.u.bf16.f32 v20;
	v17 =	vunpack.i.u.bf16.f32 v17;
	v40 =	vld [tilespmem:s23+$0xFFFFFF80]  }
0x21d: {  	v31 =	vadd.f32 v30, v41;
	v22 =	vadd.f32 v15, v36;
	v15 =	vunpack.i.u.bf16.f32 v25;
	v44 =	vld [tilespmem:s23+$0xFFFFFF00]  }
0x21e: {  	v17 =	vadd.f32 v17, v26;
	v26 =	vunpack.i.u.bf16.f32 v28;
	v25 =	vadd.f32 v38, v37  }
0x21f: {  	v36 =	vadd.f32 v24, v39;
	v24 =	vadd.f32 v15, v33;
	v28 =	vmul.u32 $0x11, v45  }
0x220: {  	v2 =	vadd.f32 v13, v2;
	s24 =	sadd.s32 $0x264, s21;
	v23 =	vadd.f32 v23, v34;
	v15 =	vmul.u32 $0x11, v42  }
0x221: {  	v29 =	vadd.f32 v29, v35;
	v13 =	vmul.u32 $0x11, v40;
	v28 =	vadd.s32 s24, v28  }
0x222: {  	s25 =	sadd.s32 $0x198, s21;
	v30 =	vadd.f32 v16, v43;
	s24 =	sadd.s32 $0xCC, s21;
	v33 =	vmul.u32 $0x11, v44;
	v34 =	vadd.s32 $0xE, v28  }
0x223: {  	v16 =	vadd.f32 v21, v17;
	v15 =	vadd.s32 s25, v15;
	v13 =	vadd.s32 s24, v13  }
0x224: {  	v7 =	vadd.f32 v7, v27;
	v17 =	vadd.s32 s21, v33;
	v21 =	vadd.s32 $0xE, v13  }
0x225: {  	v5 =	vadd.f32 v11, v5;
	v35 =	vadd.s32 $0x8, v17;
	v33 =	vadd.s32 $0x9, v17  }
0x226: {  	v2 =	vadd.f32 v20, v2;
	v11 =	vadd.s32 $0xB, v17;
	v37 =	vadd.s32 $0xC, v17  }
0x227: {  	v39 =	vadd.s32 $0x8, v28;
	v38 =	vadd.s32 $0xE, v17;
	v20 =	vadd.s32 $0xF, v17;
	v40 =	vld.idx.msk [tilespmem:v34+s2+$0x0], $0xffff  }
0x228: {  	v18 =	vadd.f32 v18, v36;
	v41 =	vadd.s32 $0xB, v15;
	v34 =	vadd.s32 $0xD, v15  }
0x229: {  	v5 =	vadd.f32 v10, v5;
	v27 =	vadd.s32 $0xF, v15;
	v36 =	vadd.s32 $0xB, v13  }
0x22a: {  	v7 =	vadd.f32 v12, v7;
	v44 =	vadd.s32 $0xF, v28;
	v43 =	vadd.s32 $0xA, v17;
	v42 =	vld.idx.msk [tilespmem:v33+s2+$0x0], $0xffff  }
0x22b: {  	v2 =	vadd.f32 v26, v2;
	v12 =	vadd.s32 $0x9, v15;
	v45 =	vadd.s32 $0xA, v15;
	v10 =	vld.idx.msk [tilespmem:v21+s2+$0x0], $0xffff  }
0x22c: {  	v33 =	vadd.s32 $0xB, v28;
	v21 =	vadd.s32 $0xF, v13;
	v26 =	vld.idx.msk [tilespmem:v39+s2+$0x0], $0xffff;
	v39 =	vadd.f32 v4, v7  }
0x22d: {  	v47 =	vadd.s32 $0xC, v28;
	v46 =	vadd.s32 $0x9, v13;
	v7 =	vadd.s32 $0x8, v13;
	v34 =	vld.idx.msk [tilespmem:v34+s2+$0x0], $0xffff  }
0x22e: {  	v50 =	vadd.s32 $0xA, v28;
	v48 =	vadd.s32 $0x8, v15;
	v49 =	vadd.s32 $0xE, v15;
	v35 =	vld.idx.msk [tilespmem:v35+s2+$0x0], $0xffff  }
0x22f: {  	v2 =	vadd.f32 v19, v2;
	v52 =	vadd.s32 $0xD, v28;
	v15 =	vadd.s32 $0xC, v15;
	v51 =	vld.idx.msk [tilespmem:v20+s2+$0x0], $0xffff  }
0x230: {  	v32 =	vadd.f32 v32, v29;
	v4 =	vunpack.i.u.bf16.f32 v40;
	v19 =	vld.idx.msk [tilespmem:v37+s2+$0x0], $0xffff;
	v37 =	vadd.s32 $0xD, v13  }
0x231: {  	v5 =	vadd.f32 v8, v5;
	v20 =	vadd.s32 $0xC, v13;
	v29 =	vld.idx.msk [tilespmem:v11+s2+$0x0], $0xffff  }
0x232: {  	v28 =	vadd.s32 $0x9, v28;
	v8 =	vld.idx.msk [tilespmem:v7+s2+$0x0], $0xffff;
	v7 =	vunpack.i.u.bf16.f32 v10  }
0x233: {  	v53 =	vadd.s32 $0xD, v17;
	v48 =	vld.idx.msk [tilespmem:v48+s2+$0x0], $0xffff  }
0x234: {  	v11 =	vunpack.i.u.bf16.f32 v35;
	v17 =	vunpack.i.l.bf16.f32 v35;
	v35 =	vadd.s32 $0xA, v13;
	v36 =	vld.idx.msk [tilespmem:v36+s2+$0x0], $0xffff  }
0x235: {  	v6 =	vadd.f32 v17, v6;
	v9 =	vadd.f32 v11, v9;
	v49 =	vld.idx.msk [tilespmem:v49+s2+$0x0], $0xffff  }
0x236: {  	v54 =	vld.idx.msk [tilespmem:v15+s2+$0x0], $0xffff  }
0x237: {  	v11 =	vunpack.i.u.bf16.f32 v42;
	v13 =	vunpack.i.u.bf16.f32 v51;
	v15 =	vld.idx.msk [tilespmem:v50+s2+$0x0], $0xffff  }
0x238: {  	v50 =	vadd.f32 v11, v16;
	v16 =	vunpack.i.u.bf16.f32 v8;
	v8 =	vunpack.i.l.bf16.f32 v8;
	v46 =	vld.idx.msk [tilespmem:v46+s2+$0x0], $0xffff  }
0x239: {  	v55 =	vunpack.i.l.bf16.f32 v26;
	v11 =	vunpack.i.l.bf16.f32 v10;
	v6 =	vadd.f32 v8, v6;
	v17 =	vld.idx.msk [tilespmem:v12+s2+$0x0], $0xffff  }
0x23a: {  	v26 =	vunpack.i.u.bf16.f32 v26;
	v8 =	vadd.f32 v16, v9;
	v9 =	vunpack.i.l.bf16.f32 v48;
	v28 =	vld.idx.msk [tilespmem:v28+s2+$0x0], $0xffff  }
0x23b: {  	v12 =	vunpack.i.u.bf16.f32 v48;
	v6 =	vadd.f32 v9, v6;
	v10 =	vunpack.i.l.bf16.f32 v49;
	v56 =	vld.idx.msk [tilespmem:v20+s2+$0x0], $0xffff  }
0x23c: {  	v9 =	vunpack.i.l.bf16.f32 v42;
	v20 =	vld.idx.msk [tilespmem:v21+s2+$0x0], $0xffff;
	v21 =	vadd.f32 v12, v8;
	v12 =	vunpack.i.u.bf16.f32 v49  }
0x23d: {  	v48 =	vadd.f32 v9, v18;
	v16 =	vunpack.i.u.bf16.f32 v15;
	v8 =	vunpack.i.l.bf16.f32 v40;
	v38 =	vld.idx.msk [tilespmem:v38+s2+$0x0], $0xffff  }
0x23e: {  	v9 =	vunpack.i.u.bf16.f32 v29;
	v6 =	vadd.f32 v55, v6;
	v18 =	vunpack.i.u.bf16.f32 v46;
	v37 =	vld.idx.msk [tilespmem:v37+s2+$0x0], $0xffff  }
0x23f: {  	v40 =	vunpack.i.l.bf16.f32 v29;
	v29 =	vadd.f32 v9, v24;
	v46 =	vunpack.i.l.bf16.f32 v46;
	v42 =	vld.idx.msk [tilespmem:v53+s2+$0x0], $0xffff  }
0x240: {  	v49 =	vunpack.i.u.bf16.f32 v19;
	v19 =	vunpack.i.l.bf16.f32 v19;
	v9 =	vadd.f32 v26, v21;
	v43 =	vld.idx.msk [tilespmem:v43+s2+$0x0], $0xffff  }
0x241: {  	v14 =	vadd.f32 v19, v14;
	v24 =	vunpack.i.l.bf16.f32 v17;
	v53 =	vunpack.i.l.bf16.f32 v36;
	v41 =	vld.idx.msk [tilespmem:v41+s2+$0x0], $0xffff  }
0x242: {  	v49 =	vadd.f32 v49, v31;
	v26 =	vadd.f32 v18, v50;
	v50 =	vunpack.i.l.bf16.f32 v54;
	v44 =	vld.idx.msk [tilespmem:v44+s2+$0x0], $0xffff  }
0x243: {  	v51 =	vunpack.i.l.bf16.f32 v51;
	v19 =	vunpack.i.u.bf16.f32 v36;
	v18 =	vunpack.i.l.bf16.f32 v28  }
0x244: {  	v55 =	vadd.f32 v19, v29;
	v54 =	vunpack.i.u.bf16.f32 v54;
	v21 =	vunpack.i.u.bf16.f32 v28  }
0x245: {  	v57 =	vunpack.i.u.bf16.f32 v56;
	v58 =	vunpack.i.l.bf16.f32 v20;
	v31 =	vunpack.i.l.bf16.f32 v38;
	v28 =	vld.idx.msk [tilespmem:v27+s2+$0x0], $0xffff  }
0x246: {  	v19 =	vunpack.i.u.bf16.f32 v43;
	v27 =	vunpack.i.u.bf16.f32 v38;
	v38 =	vunpack.i.l.bf16.f32 v56;
	v45 =	vld.idx.msk [tilespmem:v45+s2+$0x0], $0xffff  }
0x247: {  	v29 =	vunpack.i.u.bf16.f32 v34;
	v27 =	vadd.f32 v27, v39;
	v39 =	vunpack.i.l.bf16.f32 v41  }
0x248: {  	v36 =	vunpack.i.u.bf16.f32 v42;
	v56 =	vadd.f32 v19, v30;
	v19 =	vunpack.i.u.bf16.f32 v44;
	v59 =	vld.idx.msk [tilespmem:v35+s2+$0x0], $0xffff  }
0x249: {  	v40 =	vadd.f32 v40, v25;
	v35 =	vunpack.i.l.bf16.f32 v43;
	v43 =	vunpack.i.l.bf16.f32 v37;
	v30 =	vld.idx.msk [tilespmem:v47+s2+$0x0], $0xffff  }
0x24a: {  	v3 =	vadd.f32 v51, v3;
	v42 =	vunpack.i.l.bf16.f32 v42;
	v47 =	vunpack.i.l.bf16.f32 v44  }
0x24b: {  	v44 =	vadd.f32 v35, v22;
	v35 =	vunpack.i.u.bf16.f32 v37;
	v37 =	vunpack.i.l.bf16.f32 v28;
	v51 =	vld.idx.msk [tilespmem:v52+s2+$0x0], $0xffff  }
0x24c: {  	v36 =	vadd.f32 v36, v32;
	v32 =	vadd.f32 v57, v49;
	v22 =	vunpack.i.u.bf16.f32 v45;
	v25 =	vld.idx.msk [tilespmem:v33+s2+$0x0], $0xffff  }
0x24d: {  	v34 =	vunpack.i.l.bf16.f32 v34;
	v14 =	vadd.f32 v38, v14;
	v33 =	vunpack.i.u.bf16.f32 v41  }
0x24e: {  	v3 =	vadd.f32 v58, v3;
	v23 =	vadd.f32 v42, v23;
	v38 =	vunpack.i.l.bf16.f32 v59  }
0x24f: {  	v14 =	vadd.f32 v50, v14;
	v41 =	vadd.f32 v53, v40;
	v49 =	vunpack.i.l.bf16.f32 v30  }
.Ltmp3:
0x250: {  	v42 =	vunpack.i.l.bf16.f32 v45;
	v3 =	vadd.f32 v37, v3;
	v40 =	vadd.f32 v43, v23;
	(pc) =	sbr.rel @p0 .LBB2_9-.Ltmp3, $4  }
0x251: {  	v33 =	vadd.f32 v33, v55;
	v43 =	vadd.f32 v38, v44;
	v23 =	vunpack.i.l.bf16.f32 v51  }
0x252: {  	v37 =	vadd.f32 v39, v41;
	v14 =	vadd.f32 v49, v14;
	v38 =	vunpack.i.l.bf16.f32 v25  }
0x253: {  	v39 =	vadd.f32 v46, v48;
	v44 =	vunpack.i.u.bf16.f32 v59;
	v41 =	vadd.f32 v54, v32  }
0x254: {  	s23 =	sadd.s32 $0x200, s23;
	v3 =	vadd.f32 v47, v3;
	v44 =	vadd.f32 v44, v56;
	v32 =	vunpack.i.u.bf16.f32 v51  }
0x255: {  	v45 =	vld [tilespmem:s20+$0xA800];
	_ =	sdelay $0x2  }
0x256: {  	v35 =	vadd.f32 v35, v36;
	v47 =	vadd.f32 v42, v43;
	v30 =	vunpack.i.u.bf16.f32 v30  }
0x257: {  	v34 =	vadd.f32 v34, v40;
	v15 =	vunpack.i.l.bf16.f32 v15;
	v5 =	vadd.f32 v31, v5  }
0x258: {  	v17 =	vunpack.i.u.bf16.f32 v17;
	v25 =	vunpack.i.u.bf16.f32 v25;
	v48 =	vmul.u32 $0x11, v45  }
0x259: {  	v50 =	vadd.f32 v38, v37;
	v24 =	vadd.f32 v24, v39;
	v20 =	vunpack.i.u.bf16.f32 v20  }
0x25a: {  	v2 =	vadd.f32 v13, v2;
	v53 =	vunpack.i.u.bf16.f32 v28;
	v49 =	vadd.s32 $0x6608, v48  }
0x25b: {  	v7 =	vadd.f32 v7, v27;
	v60 =	vld [tilespmem:s20+$0xA880];
	v22 =	vadd.f32 v22, v44;
	v51 =	vadd.s32 $0x6609, v48  }
0x25c: {  	v30 =	vadd.f32 v30, v41;
	v17 =	vadd.f32 v17, v26;
	v56 =	vadd.s32 $0x660A, v48  }
0x25d: {  	v25 =	vadd.f32 v25, v33;
	v15 =	vadd.f32 v15, v47;
	v57 =	vadd.s32 $0x660B, v48  }
0x25e: {  	v52 =	vadd.f32 v23, v34;
	v54 =	vadd.f32 v29, v35;
	v59 =	vadd.s32 $0x660C, v48  }
0x25f: {  	v2 =	vadd.f32 v20, v2;
	v5 =	vadd.f32 v11, v5;
	v63 =	vadd.s32 $0x660D, v48;
	v55 =	vld.idx.msk [tilespmem:v49+s2+$0x0], $0xffff  }
0x260: {  	v17 =	vadd.f32 v21, v17;
	v21 =	vmul.u32 $0x11, v60;
	v28 =	vadd.s32 $0x660E, v48;
	v58 =	vld.idx.msk [tilespmem:v51+s2+$0x0], $0xffff  }
0x261: {  	v7 =	vadd.f32 v12, v7;
	v16 =	vadd.f32 v16, v22;
	v29 =	vadd.s32 $0x660F, v48;
	v22 =	vld.idx.msk [tilespmem:v56+s2+$0x0], $0xffff  }
0x262: {  	v18 =	vadd.f32 v18, v24;
	v2 =	vadd.f32 v53, v2;
	v34 =	vadd.s32 $0x664C, v21;
	v11 =	vld.idx.msk [tilespmem:v57+s2+$0x0], $0xffff  }
0x263: {  	v5 =	vadd.f32 v10, v5;
	v4 =	vadd.f32 v4, v7;
	v10 =	vld.idx.msk [tilespmem:v59+s2+$0x0], $0xffff  }
0x264: {  	v61 =	vadd.f32 v32, v54;
	v2 =	vadd.f32 v19, v2;
	v36 =	vadd.s32 $0x664D, v21;
	v33 =	vld.idx.msk [tilespmem:v63+s2+$0x0], $0xffff  }
0x265: {  	v5 =	vadd.f32 v8, v5;
	v41 =	vadd.s32 $0x664E, v21;
	v43 =	vadd.s32 $0x664F, v21;
	v38 =	vld.idx.msk [tilespmem:v28+s2+$0x0], $0xffff  }
0x266: {  	v46 =	vadd.s32 $0x6650, v21;
	v53 =	vadd.s32 $0x6652, v21;
	v20 =	vld.idx.msk [tilespmem:v29+s2+$0x0], $0xffff;
	v62 =	vunpack.i.l.bf16.f32 v55  }
0x267: {  	v23 =	vld.idx.msk [tilespmem:v34+s2+$0x0], $0xffff;
	v24 =	vunpack.i.u.bf16.f32 v55;
	v27 =	vunpack.i.u.bf16.f32 v58;
	v12 =	vunpack.i.l.bf16.f32 v58  }
0x268: {  	v31 =	vunpack.i.u.bf16.f32 v22;
	v32 =	vunpack.i.l.bf16.f32 v22;
	v35 =	vunpack.i.l.bf16.f32 v11  }
0x269: {  	v44 =	vld.idx.msk [tilespmem:v36+s2+$0x0], $0xffff;
	v11 =	vunpack.i.u.bf16.f32 v11;
	v39 =	vunpack.i.u.bf16.f32 v10;
	v10 =	vunpack.i.l.bf16.f32 v10  }
0x26a: {  	v47 =	vld [tilespmem:s20+$0xA900];
	v42 =	vunpack.i.u.bf16.f32 v33;
	v22 =	vunpack.i.l.bf16.f32 v33;
	v45 =	vunpack.i.u.bf16.f32 v38  }
0x26b: {  	v49 =	vld.idx.msk [tilespmem:v41+s2+$0x0], $0xffff;
	v48 =	vunpack.i.l.bf16.f32 v20;
	v20 =	vunpack.i.u.bf16.f32 v20;
	v6 =	vadd.f32 v62, v6  }
0x26c: {  	v51 =	vunpack.i.u.bf16.f32 v23;
	v8 =	vadd.f32 v24, v9;
	v12 =	vadd.f32 v12, v18  }
0x26d: {  	v23 =	vunpack.i.l.bf16.f32 v23;
	v9 =	vadd.f32 v27, v17;
	v15 =	vadd.f32 v32, v15  }
0x26e: {  	v60 =	vld.idx.msk [tilespmem:v53+s2+$0x0], $0xffff;
	v54 =	vunpack.i.u.bf16.f32 v44;
	v16 =	vadd.f32 v31, v16;
	v37 =	vadd.f32 v35, v50  }
0x26f: {  	v55 =	vmul.u32 $0x11, v47;
	v11 =	vadd.f32 v11, v25;
	v10 =	vadd.f32 v10, v14  }
0x270: {  	v56 =	vunpack.i.u.bf16.f32 v49;
	v40 =	vadd.f32 v39, v30;
	v13 =	vadd.f32 v22, v52  }
0x271: {  	v7 =	vadd.f32 v42, v61;
	v18 =	vunpack.i.l.bf16.f32 v38;
	v4 =	vadd.f32 v45, v4  }
0x272: {  	v3 =	vadd.f32 v48, v3;
	v50 =	vadd.s32 $0x6651, v21;
	v2 =	vadd.f32 v20, v2  }
0x273: {  	v22 =	vunpack.i.l.bf16.f32 v44;
	v21 =	vadd.s32 $0x6653, v21;
	v31 =	vunpack.i.u.bf16.f32 v60  }
0x274: {  	v33 =	vld [tilespmem:s20+$0xA980];
	v5 =	vadd.f32 v18, v5;
	v18 =	vunpack.i.l.bf16.f32 v49;
	v57 =	vadd.s32 $0x6690, v55  }
0x275: {  	v52 =	vld.idx.msk [tilespmem:v43+s2+$0x0], $0xffff;
	v61 =	vadd.s32 $0x6691, v55;
	v28 =	vadd.s32 $0x6692, v55;
	v30 =	vadd.s32 $0x6693, v55  }
0x276: {  	v25 =	vld.idx.msk [tilespmem:v46+s2+$0x0], $0xffff;
	v32 =	vadd.s32 $0x6694, v55;
	v6 =	vadd.f32 v23, v6;
	v8 =	vadd.f32 v51, v8  }
0x277: {  	v27 =	vadd.s32 $0x6695, v55;
	v12 =	vadd.f32 v22, v12;
	v9 =	vadd.f32 v54, v9  }
0x278: {  	v15 =	vadd.f32 v18, v15;
	v16 =	vadd.f32 v56, v16;
	v18 =	vunpack.i.l.bf16.f32 v60  }
0x279: {  	v39 =	vadd.s32 $0x6697, v55;
	v4 =	vadd.f32 v31, v4;
	v5 =	vadd.f32 v18, v5;
	v19 =	vld.idx.msk [tilespmem:v50+s2+$0x0], $0xffff  }
0x27a: {  	v18 =	vmul.u32 $0x11, v33;
	v58 =	vunpack.i.l.bf16.f32 v52;
	v59 =	vunpack.i.u.bf16.f32 v52;
	v21 =	vld.idx.msk [tilespmem:v21+s2+$0x0], $0xffff  }
0x27b: {  	v62 =	vunpack.i.u.bf16.f32 v25;
	v63 =	vunpack.i.l.bf16.f32 v25;
	v17 =	vadd.f32 v58, v37;
	v23 =	vld.idx.msk [tilespmem:v57+s2+$0x0], $0xffff  }
0x27c: {  	v11 =	vadd.f32 v59, v11;
	v10 =	vadd.f32 v63, v10;
	v20 =	vld.idx.msk [tilespmem:v61+s2+$0x0], $0xffff;
	v37 =	vadd.s32 $0x6696, v55  }
0x27d: {  	v14 =	vadd.f32 v62, v40;
	v22 =	vld.idx.msk [tilespmem:v28+s2+$0x0], $0xffff;
	v43 =	vadd.s32 $0x6718, v18;
	v45 =	vadd.s32 $0x6719, v18  }
0x27e: {  	v36 =	vld.idx.msk [tilespmem:v30+s2+$0x0], $0xffff;
	v47 =	vadd.s32 $0x671A, v18;
	v52 =	vadd.s32 $0x671B, v18;
	v55 =	vadd.s32 $0x671C, v18  }
0x27f: {  	v24 =	vld.idx.msk [tilespmem:v32+s2+$0x0], $0xffff;
	v58 =	vadd.s32 $0x671D, v18;
	v61 =	vadd.s32 $0x671E, v18;
	v18 =	vadd.s32 $0x671F, v18  }
0x280: {  	v41 =	vld.idx.msk [tilespmem:v27+s2+$0x0], $0xffff;
	v29 =	vunpack.i.u.bf16.f32 v19;
	v19 =	vunpack.i.l.bf16.f32 v19;
	v34 =	vunpack.i.u.bf16.f32 v21  }
0x281: {  	v21 =	vunpack.i.l.bf16.f32 v21;
	v13 =	vadd.f32 v19, v13;
	v7 =	vadd.f32 v29, v7;
	v19 =	vld.idx.msk [tilespmem:v37+s2+$0x0], $0xffff  }
0x282: {  	v3 =	vadd.f32 v21, v3;
	v2 =	vadd.f32 v34, v2;
	v35 =	vunpack.i.l.bf16.f32 v23;
	v50 =	vld.idx.msk [tilespmem:v43+s2+$0x0], $0xffff  }
0x283: {  	v23 =	vunpack.i.u.bf16.f32 v23;
	v38 =	vunpack.i.u.bf16.f32 v20;
	v20 =	vunpack.i.l.bf16.f32 v20;
	v53 =	vld.idx.msk [tilespmem:v45+s2+$0x0], $0xffff  }
0x284: {  	v40 =	vunpack.i.u.bf16.f32 v22;
	v22 =	vunpack.i.l.bf16.f32 v22;
	v42 =	vunpack.i.l.bf16.f32 v36;
	v59 =	vld.idx.msk [tilespmem:v52+s2+$0x0], $0xffff  }
0x285: {  	v21 =	vunpack.i.u.bf16.f32 v36;
	v63 =	vld.idx.msk [tilespmem:v55+s2+$0x0], $0xffff;
	v6 =	vadd.f32 v35, v6;
	v8 =	vadd.f32 v23, v8  }
0x286: {  	v44 =	vunpack.i.l.bf16.f32 v24;
	v28 =	vld.idx.msk [tilespmem:v58+s2+$0x0], $0xffff;
	v12 =	vadd.f32 v20, v12;
	v9 =	vadd.f32 v38, v9  }
0x287: {  	v46 =	vunpack.i.u.bf16.f32 v24;
	v31 =	vld.idx.msk [tilespmem:v61+s2+$0x0], $0xffff;
	v15 =	vadd.f32 v22, v15;
	v16 =	vadd.f32 v40, v16  }
0x288: {  	v48 =	vunpack.i.u.bf16.f32 v41;
	v18 =	vld.idx.msk [tilespmem:v18+s2+$0x0], $0xffff;
	v17 =	vadd.f32 v42, v17;
	v11 =	vadd.f32 v21, v11  }
0x289: {  	v49 =	vunpack.i.l.bf16.f32 v41;
	v10 =	vadd.f32 v44, v10;
	v14 =	vadd.f32 v46, v14;
	v42 =	vld [tilespmem:s20+$0xAA80]  }
0x28a: {  	v20 =	vld.idx.msk [tilespmem:v39+s2+$0x0], $0xffff;
	v13 =	vadd.f32 v49, v13;
	v7 =	vadd.f32 v48, v7  }
0x28b: {  	v51 =	vunpack.i.u.bf16.f32 v19;
	v19 =	vunpack.i.l.bf16.f32 v19;
	v57 =	vunpack.i.u.bf16.f32 v50  }
0x28c: {  	v56 =	vld [tilespmem:s20+$0xAA00];
	v23 =	vunpack.i.l.bf16.f32 v50;
	v60 =	vunpack.i.u.bf16.f32 v53;
	v29 =	vunpack.i.u.bf16.f32 v59  }
0x28d: {  	v22 =	vunpack.i.l.bf16.f32 v59;
	v32 =	vunpack.i.u.bf16.f32 v63;
	v34 =	vunpack.i.u.bf16.f32 v28  }
0x28e: {  	v37 =	vunpack.i.u.bf16.f32 v31;
	v40 =	vunpack.i.u.bf16.f32 v18;
	v50 =	vmul.u32 $0x11, v42  }
0x28f: {  	v21 =	vld.idx.msk [tilespmem:v47+s2+$0x0], $0xffff;
	v18 =	vunpack.i.l.bf16.f32 v18;
	v5 =	vadd.f32 v19, v5;
	v54 =	vunpack.i.u.bf16.f32 v20  }
0x290: {  	v20 =	vunpack.i.l.bf16.f32 v20;
	v19 =	vunpack.i.l.bf16.f32 v53;
	v53 =	vadd.s32 $0x67C2, v50  }
0x291: {  	v3 =	vadd.f32 v20, v3;
	v20 =	vmul.u32 $0x11, v56;
	v26 =	vadd.s32 $0x67C3, v50  }
0x292: {  	v4 =	vadd.f32 v51, v4;
	v6 =	vadd.f32 v23, v6;
	v56 =	vadd.s32 $0x67C4, v50  }
0x293: {  	v8 =	vadd.f32 v57, v8;
	v9 =	vadd.f32 v60, v9;
	v30 =	vadd.s32 $0x67A0, v20  }
0x294: {  	v62 =	vunpack.i.u.bf16.f32 v21;
	v23 =	vunpack.i.l.bf16.f32 v63;
	v33 =	vadd.s32 $0x67A1, v20  }
0x295: {  	v21 =	vunpack.i.l.bf16.f32 v21;
	v10 =	vadd.f32 v23, v10;
	v35 =	vadd.s32 $0x67A2, v20;
	v23 =	vld.idx.msk [tilespmem:v53+s2+$0x0], $0xffff  }
0x296: {  	v17 =	vadd.f32 v22, v17;
	v16 =	vadd.f32 v62, v16;
	v38 =	vadd.s32 $0x67A3, v20;
	v62 =	vld.idx.msk [tilespmem:v26+s2+$0x0], $0xffff  }
0x297: {  	v11 =	vadd.f32 v29, v11;
	v14 =	vadd.f32 v32, v14;
	v41 =	vadd.s32 $0x67A4, v20;
	v24 =	vld.idx.msk [tilespmem:v56+s2+$0x0], $0xffff  }
0x298: {  	v7 =	vadd.f32 v34, v7;
	v34 =	vor.u32 $0x10, v1;
	v45 =	vadd.s32 $0x67A5, v20;
	v36 =	vld.idx.msk [tilespmem:v30+s2+$0x0], $0xffff  }
0x299: {  	v2 =	vadd.f32 v54, v2;
	v12 =	vadd.f32 v19, v12;
	v48 =	vadd.s32 $0x67A6, v20;
	v39 =	vld.idx.msk [tilespmem:v33+s2+$0x0], $0xffff  }
0x29a: {  	v15 =	vadd.f32 v21, v15;
	v19 =	vunpack.i.l.bf16.f32 v28;
	v20 =	vadd.s32 $0x67A7, v20;
	v43 =	vld.idx.msk [tilespmem:v35+s2+$0x0], $0xffff  }
0x29b: {  	v21 =	vunpack.i.l.bf16.f32 v31;
	v13 =	vadd.f32 v19, v13;
	v58 =	vadd.s32 $0x67C5, v50;
	v46 =	vld.idx.msk [tilespmem:v38+s2+$0x0], $0xffff  }
0x29c: {  	v42 =	vor.u32 $0x14, v1;
	v5 =	vadd.f32 v21, v5;
	v4 =	vadd.f32 v37, v4;
	v49 =	vld.idx.msk [tilespmem:v41+s2+$0x0], $0xffff  }
0x29d: {  	v59 =	vadd.s32 $0x67C6, v50;
	v61 =	vadd.s32 $0x67C7, v50;
	v63 =	vadd.s32 $0x67C8, v50;
	v52 =	vld.idx.msk [tilespmem:v45+s2+$0x0], $0xffff  }
0x29e: {  	v22 =	vadd.s32 $0x67C9, v50;
	v50 =	vor.u32 $0x19, v1;
	v3 =	vadd.f32 v18, v3;
	v55 =	vld.idx.msk [tilespmem:v48+s2+$0x0], $0xffff  }
0x29f: {  	v2 =	vadd.f32 v40, v2;
	v40 =	vor.u32 $0x13, v1;
	v56 =	vor.u32 $0x1C, v1;
	v20 =	vld.idx.msk [tilespmem:v20+s2+$0x0], $0xffff  }
0x2a0: {  	v33 =	vld.idx.msk [tilespmem:v58+s2+$0x0], $0xffff;
	v38 =	vor.u32 $0x12, v1;
	v45 =	vor.u32 $0x16, v1;
	v58 =	vor.u32 $0x1D, v1  }
0x2a1: {  	v37 =	vunpack.i.l.bf16.f32 v23;
	v23 =	vunpack.i.u.bf16.f32 v23;
	v41 =	vunpack.i.l.bf16.f32 v62  }
0x2a2: {  	v44 =	vunpack.i.u.bf16.f32 v36;
	v19 =	vunpack.i.l.bf16.f32 v36;
	v47 =	vunpack.i.u.bf16.f32 v39  }
0x2a3: {  	v21 =	vunpack.i.l.bf16.f32 v39;
	v51 =	vunpack.i.u.bf16.f32 v43;
	v18 =	vunpack.i.l.bf16.f32 v43  }
0x2a4: {  	v54 =	vunpack.i.u.bf16.f32 v46;
	v57 =	vunpack.i.u.bf16.f32 v49;
	v60 =	vunpack.i.u.bf16.f32 v52  }
0x2a5: {  	v32 =	vunpack.i.u.bf16.f32 v55;
	v35 =	vunpack.i.u.bf16.f32 v20;
	v6 =	vadd.f32 v19, v6  }
0x2a6: {  	v20 =	vunpack.i.l.bf16.f32 v20;
	v8 =	vadd.f32 v44, v8;
	v12 =	vadd.f32 v21, v12  }
0x2a7: {  	v36 =	vor.u32 $0x11, v1;
	v9 =	vadd.f32 v47, v9;
	v15 =	vadd.f32 v18, v15  }
0x2a8: {  	v43 =	vor.u32 $0x15, v1;
	v16 =	vadd.f32 v51, v16;
	v11 =	vadd.f32 v54, v11  }
0x2a9: {  	v28 =	vld.idx.msk [tilespmem:v61+s2+$0x0], $0xffff;
	v21 =	vunpack.i.l.bf16.f32 v49;
	v14 =	vadd.f32 v57, v14;
	v7 =	vadd.f32 v60, v7  }
0x2aa: {  	v22 =	vld.idx.msk [tilespmem:v22+s2+$0x0], $0xffff;
	v18 =	vunpack.i.l.bf16.f32 v52;
	v10 =	vadd.f32 v21, v10;
	v6 =	vadd.f32 v37, v6  }
0x2ab: {  	v39 =	vld.idx.msk [tilespmem:v63+s2+$0x0], $0xffff;
	v48 =	vunpack.i.l.bf16.f32 v33;
	v13 =	vadd.f32 v18, v13;
	v8 =	vadd.f32 v23, v8  }
0x2ac: {  	v19 =	vunpack.i.l.bf16.f32 v46;
	v21 =	vld.idx.msk [tilespmem:v59+s2+$0x0], $0xffff;
	v18 =	vunpack.i.u.bf16.f32 v62;
	v12 =	vadd.f32 v41, v12;
	[tilespmem:v34+s15+$0x0] =	vst.idx.msk $0xffff, v6  }
0x2ad: {  	v44 =	vunpack.i.l.bf16.f32 v24;
	v46 =	vunpack.i.u.bf16.f32 v24;
	v9 =	vadd.f32 v18, v9;
	[tilespmem:v36+s15+$0x0] =	vst.idx.msk $0xffff, v8  }
0x2ae: {  	v47 =	vor.u32 $0x17, v1;
	v17 =	vadd.f32 v19, v17;
	v15 =	vadd.f32 v44, v15;
	[tilespmem:v38+s15+$0x0] =	vst.idx.msk $0xffff, v12  }
0x2af: {  	v49 =	vor.u32 $0x18, v1;
	v19 =	vunpack.i.l.bf16.f32 v55;
	v16 =	vadd.f32 v46, v16;
	[tilespmem:v40+s15+$0x0] =	vst.idx.msk $0xffff, v9  }
0x2b0: {  	v5 =	vadd.f32 v19, v5;
	v19 =	vunpack.i.u.bf16.f32 v33;
	v17 =	vadd.f32 v48, v17;
	[tilespmem:v42+s15+$0x0] =	vst.idx.msk $0xffff, v15  }
0x2b1: {  	v52 =	vor.u32 $0x1A, v1;
	v11 =	vadd.f32 v19, v11;
	v51 =	vunpack.i.l.bf16.f32 v21;
	[tilespmem:v43+s15+$0x0] =	vst.idx.msk $0xffff, v16  }
0x2b2: {  	v54 =	vor.u32 $0x1B, v1;
	v53 =	vunpack.i.u.bf16.f32 v21;
	v10 =	vadd.f32 v51, v10;
	[tilespmem:v45+s15+$0x0] =	vst.idx.msk $0xffff, v17  }
0x2b3: {  	v4 =	vadd.f32 v32, v4;
	v55 =	vunpack.i.l.bf16.f32 v28;
	v14 =	vadd.f32 v53, v14;
	[tilespmem:v47+s15+$0x0] =	vst.idx.msk $0xffff, v11  }
0x2b4: {  	v3 =	vadd.f32 v20, v3;
	v57 =	vunpack.i.u.bf16.f32 v28;
	v13 =	vadd.f32 v55, v13;
	[tilespmem:v49+s15+$0x0] =	vst.idx.msk $0xffff, v10  }
0x2b5: {  	s19 =	sadd.s32 $0x1, s19;
	v60 =	vor.u32 $0x1E, v1;
	v7 =	vadd.f32 v57, v7;
	v59 =	vunpack.i.l.bf16.f32 v39;
	[tilespmem:v50+s15+$0x0] =	vst.idx.msk $0xffff, v14  }
0x2b6: {  	p0 =	sne.s32 s19, $0x8;
	v1 =	vor.u32 $0x1F, v1;
	v61 =	vunpack.i.u.bf16.f32 v39;
	v5 =	vadd.f32 v59, v5;
	[tilespmem:v52+s15+$0x0] =	vst.idx.msk $0xffff, v13  }
.Ltmp4:
0x2b7: {  	v2 =	vadd.f32 v35, v2;
	v62 =	vunpack.i.l.bf16.f32 v22;
	v4 =	vadd.f32 v61, v4;
	[tilespmem:v54+s15+$0x0] =	vst.idx.msk $0xffff, v7;
	(pc) =	sbr.rel @p0 .LBB2_2-.Ltmp4, $4  }
0x2b8: {  	v63 =	vunpack.i.u.bf16.f32 v22;
	v3 =	vadd.f32 v62, v3;
	[tilespmem:v56+s15+$0x0] =	vst.idx.msk $0xffff, v5  }
0x2b9: {  	v2 =	vadd.f32 v63, v2;
	[tilespmem:v58+s15+$0x0] =	vst.idx.msk $0xffff, v4  }
0x2ba: {  	[tilespmem:v60+s15+$0x0] =	vst.idx.msk $0xffff, v3  }
0x2bb: {  	s17 =	sadd.s32 $0x10, s17;
	s18 =	sadd.s32 $0x10, s18;
	[tilespmem:v1+s15+$0x0] =	vst.idx.msk $0xffff, v2  }
0x2bc: {  	s16 =	sadd.s32 $0x1, s16  }
0x2bd: {  	p0 =	sne.s32 s16, s8  }
.Ltmp5:
0x2be: {  	_ = 	snop;
	(pc) =	sbr.rel @p0 .LBB2_1-.Ltmp5, $4  }
0x2bf: {  	[hbm4b:s7+s2] =	stream.linear.scatter [tilespmem:s15], [sflag:$0x1], $0x1000, $0x38;
	[tilespmem:$0xBC00] =	vst v63  }
0x2c0: {  	_ =	swait.ge [sflag:s9], $0x1000  }
0x2c1: {  	[sflag:s9] =	ssyncset.done $0x0  }
0x2c2: {  	[sflag:s9] =	ssyncadd.s32 $0xFFFFF000  }
0x2c3: {  	_ =	sfence.sel $0x180000  }
0x2c4: {  	[bflag:$0x0] =	sbarrier.arrive $0xFFFF  }
0x2c5: {  	p0 =	sne.s32 s0, $0x0;
	_ =	strace $0x90000047  }
0x2c6: {  	s0 =	sadd.s32 @!p0 $0x100000, s1;
	[bflag:$0x2] =	sbarrier.arrive $0xFFFF  }
0x2c7: {  	[sflag:s0] =	ssyncadd.tile.s32 @!p0 $0x1;
	_ =	shalt  }
.Lfunc_end2:
_tile_overlayer_lowered:
.L_overlay_start_2:
0x2c8: {  	(tag) =	ssettag $0x2  }
0x2c9: {  	s0 =	rddreg [dreg:$0x0];
	s2 =	stileid.u32  }
0x2ca: {  	s1 =	rddreg [dreg:$0x1];
	p0 =	sne.s32 s2, $0x0  }
0x2cb: {  	s3 =	rddreg [dreg:$0x2];
	[bflag:$0x3] =	sbarrier.arrive $0xFFFF;
	s2 =	simm.s32 @!p0 $0x1C01  }
0x2cc: {  	[timem:s3], [sflag:s2] =	dma.local @!p0 [hbm:s0], s1  }
0x2cd: {  	s0 =	simm.s32 @!p0 $0x1  }
0x2ce: {  	_ =	swait.ge @!p0 [sflag:s0], s1  }
0x2cf: {  	s1 =	ssub.s32 @!p0 $0x0, s1;
	[sflag:s0] =	ssyncset.done @!p0 $0x0  }
0x2d0: {  	[sflag:s0] =	ssyncadd.s32 @!p0 s1  }
0x2d1: {  	[bflag:$0x3] =	sbarrier.arrive $0xFFFF  }
0x2d2: {  	_ =	shalt  }

</sc_bundles>
